<compile_context>
chip_gen: v7x
topology: tpu7x:2x2x1
jax: 0.10.2.dev20260603
libtpu: 0.0.44.dev20260713+nightly
codegen_flags: <defaults>
</compile_context>

<pallas_src>
import jax
import jax.numpy as jnp
from jax import lax
from jax.experimental import pallas as pl
from jax.experimental.pallas import tpu as pltpu
from jax.experimental.pallas import tpu_sc as plsc

NROW, NCOL = 32768, 128
NSEL = NROW // 2
L = 16
NC, NS = 2, 16
CGL = 4
RGN = 4
ROWS_PER_TILE = NROW // RGN
CH = 512
NCHUNK = ROWS_PER_TILE // CH
NB = 1024
SHIFT = 21
MW = (NB // RGN) * L


def _sc_body(x_hbm, y_hbm, out_hbm, xbuf, ybuf, cnt, summ, accb,
             semx0, semy0, semx1, semy1, sh_cnt, sh_sum,
             sh_tc, sh_ts, sh_res):
    c = lax.axis_index("c")
    s = lax.axis_index("s")
    cgl = lax.rem(s, CGL)
    rg = lax.div(s, CGL)
    g = c * CGL + cgl
    col0 = g * L
    row0 = rg * ROWS_PER_TILE
    lane = lax.iota(jnp.int32, L)
    onesi = jnp.ones((L,), jnp.int32)
    zi = jnp.zeros((L,), jnp.int32)
    zf = jnp.zeros((L,), jnp.float32)
    sems = ((semx0, semy0), (semx1, semy1))

    @pl.loop(0, NB)
    def _(b):
        cnt[pl.ds(b * L, L)] = zi
        summ[pl.ds(b * L, L)] = zf

    def issue(ch, slot):
        r0 = row0 + ch * CH
        hx = pltpu.async_copy(
            x_hbm.at[pl.ds(r0, CH), pl.ds(col0, L)],
            xbuf.at[pl.ds(slot * CH, CH), :], sems[slot][0])
        hy = pltpu.async_copy(
            y_hbm.at[pl.ds(r0, CH), pl.ds(col0, L)],
            ybuf.at[pl.ds(slot * CH, CH), :], sems[slot][1])
        return hx, hy

    pending = {0: issue(0, 0)}
    for ch in range(NCHUNK):
        slot = ch % 2
        if ch + 1 < NCHUNK:
            pending[(ch + 1) % 2] = issue(ch + 1, (ch + 1) % 2)
        hx, hy = pending[slot]
        hx.wait()
        hy.wait()
        base = slot * CH

        @plsc.parallel_loop(0, CH, unroll=8)
        def _(i):
            xv = xbuf[base + i]
            yv = ybuf[base + i]
            d = xv - yv
            v = plsc.bitcast(d, jnp.int32)
            idx = (lax.shift_right_logical(v, SHIFT - 4)
                   & jnp.int32((NB - 1) * L)) | lane
            plsc.addupdate_scatter(cnt, [idx], onesi)
            plsc.addupdate_scatter(summ, [idx], d * d)

    pltpu.sync_copy(cnt, sh_cnt.at[s])
    pltpu.sync_copy(summ, sh_sum.at[s])
    plsc.subcore_barrier()

    off = rg * MW
    pltpu.sync_copy(sh_cnt.at[cgl, pl.ds(off, MW)], cnt.at[pl.ds(0, MW)])
    pltpu.sync_copy(sh_sum.at[cgl, pl.ds(off, MW)], summ.at[pl.ds(0, MW)])
    for r in range(1, RGN - 1):
        sid = r * CGL + cgl
        pltpu.sync_copy(sh_cnt.at[sid, pl.ds(off, MW)],
                        cnt.at[pl.ds(MW, MW)])
        pltpu.sync_copy(sh_sum.at[sid, pl.ds(off, MW)],
                        summ.at[pl.ds(MW, MW)])

        @pl.loop(0, MW // L)
        def _(b):
            cnt[pl.ds(b * L, L)] = (cnt[pl.ds(b * L, L)]
                                    + cnt[pl.ds(MW + b * L, L)])
            summ[pl.ds(b * L, L)] = (summ[pl.ds(b * L, L)]
                                     + summ[pl.ds(MW + b * L, L)])

    sid = (RGN - 1) * CGL + cgl
    pltpu.sync_copy(sh_cnt.at[sid, pl.ds(off, MW)], cnt.at[pl.ds(MW, MW)])
    pltpu.sync_copy(sh_sum.at[sid, pl.ds(off, MW)], summ.at[pl.ds(MW, MW)])

    def merge_tot(b, carry):
        rc0, rs0 = carry
        cv = cnt[pl.ds(b * L, L)] + cnt[pl.ds(MW + b * L, L)]
        sv = summ[pl.ds(b * L, L)] + summ[pl.ds(MW + b * L, L)]
        cnt[pl.ds(b * L, L)] = cv
        summ[pl.ds(b * L, L)] = sv
        return rc0 + cv, rs0 + sv

    rc, rs = pl.loop(0, MW // L, init_carry=(zi, zf))(merge_tot)

    cnt[pl.ds(3 * MW, L)] = rc
    summ[pl.ds(3 * MW, L)] = rs
    pltpu.sync_copy(cnt.at[pl.ds(3 * MW, L)],
                    sh_tc.at[cgl, pl.ds(rg * L, L)])
    pltpu.sync_copy(summ.at[pl.ds(3 * MW, L)],
                    sh_ts.at[cgl, pl.ds(rg * L, L)])
    plsc.subcore_barrier()

    pltpu.sync_copy(sh_tc.at[cgl], cnt.at[pl.ds(2 * MW, RGN * L)])
    pltpu.sync_copy(sh_ts.at[cgl], summ.at[pl.ds(2 * MW, RGN * L)])
    pref_c = zi
    pref_s = zf
    for r in range(RGN - 1):
        m = (onesi * r) < (onesi * rg)
        pref_c = pref_c + jnp.where(m, cnt[pl.ds(2 * MW + r * L, L)], zi)
        pref_s = pref_s + jnp.where(m, summ[pl.ds(2 * MW + r * L, L)], zf)

    base = rg * (MW // L)

    def scan_body(b, carry):
        cum, cums, bidx, cbx, sbx, cumx, cumsx, found = carry
        cb = cnt[pl.ds(b * L, L)]
        sb = summ[pl.ds(b * L, L)]
        cum2 = cum + cb
        newly = jnp.logical_and(jnp.logical_not(found), cum2 >= NSEL)
        bidx = jnp.where(newly, onesi * (base + b), bidx)
        cbx = jnp.where(newly, cb, cbx)
        sbx = jnp.where(newly, sb, sbx)
        cumx = jnp.where(newly, cum, cumx)
        cumsx = jnp.where(newly, cums, cumsx)
        found = jnp.logical_or(found, newly)
        return cum2, cums + sb, bidx, cbx, sbx, cumx, cumsx, found

    _, _, bidx, cbx, sbx, cumx, cumsx, _ = pl.loop(
        0, MW // L,
        init_carry=(pref_c, pref_s, zi, zi, zf, zi, zf,
                    pref_c >= NSEL))(scan_body)

    edge = plsc.bitcast(lax.shift_left(bidx, SHIFT), jnp.float32)
    s2 = edge * edge
    rvf = (NSEL - cumx).astype(jnp.float32)
    cf = jnp.maximum(cbx, 1).astype(jnp.float32)
    est = rvf * s2 + rvf * rvf / cf * (sbx / cf - s2)
    valid = jnp.logical_and(pref_c < NSEL, (pref_c + rc) >= NSEL)
    accb[...] = jnp.where(valid, cumsx + est, zf)
    pltpu.sync_copy(accb, sh_res.at[cgl, pl.ds(rg * L, L)])
    plsc.subcore_barrier()

    @pl.when(rg == 0)
    def _():
        pltpu.sync_copy(sh_res.at[cgl], summ.at[pl.ds(0, RGN * L)])
        fin = zf
        for r in range(RGN):
            fin = fin + summ[pl.ds(r * L, L)]
        accb[...] = fin
        pltpu.sync_copy(accb, out_hbm.at[pl.ds(g * L, L)])


def _make_sc_kernel():
    mesh = plsc.VectorSubcoreMesh(
        core_axis_name="c", subcore_axis_name="s", num_cores=NC,
        num_subcores=NS)
    scratch = [
        pltpu.VMEM((2 * CH, L), jnp.float32),
        pltpu.VMEM((2 * CH, L), jnp.float32),
        pltpu.VMEM((NB * L,), jnp.int32),
        pltpu.VMEM((NB * L,), jnp.float32),
        pltpu.VMEM((L,), jnp.float32),
        pltpu.SemaphoreType.DMA,
        pltpu.SemaphoreType.DMA,
        pltpu.SemaphoreType.DMA,
        pltpu.SemaphoreType.DMA,
        pltpu.VMEM_SHARED((NS, NB * L), jnp.int32),
        pltpu.VMEM_SHARED((NS, NB * L), jnp.float32),
        pltpu.VMEM_SHARED((CGL, RGN * L), jnp.int32),
        pltpu.VMEM_SHARED((CGL, RGN * L), jnp.float32),
        pltpu.VMEM_SHARED((CGL, RGN * L), jnp.float32),
    ]

    return pl.kernel(
        _sc_body,
        out_type=jax.ShapeDtypeStruct((NCOL,), jnp.float32),
        mesh=mesh,
        scratch_types=scratch,
        compiler_params=pltpu.CompilerParams(
            needs_layout_passes=False, use_tc_tiling_on_sc=False),
    )


_sc_call = _make_sc_kernel()


@jax.jit
def kernel(inputs, targets):
    colsums = _sc_call(inputs, targets)
    return jnp.sum(colsums) / jnp.float32(NSEL * NCOL)

# --- scband reference (transcript-rebuilt; emitter-appended) ---
"""Pipeline reference for scband-msetop-n-88536455839861 (READ-ONLY COPY).

The authoritative reference and input builder live on the scoring server;
editing this copy changes nothing except your own understanding.
"""

import jax, jax.numpy as jnp
import numpy as np

FRAC = 0.5

def setup_inputs(seed: int = 0) -> dict:
    key = jax.random.key(seed)
    k1, k2 = jax.random.split(key)
    inputs = jax.random.normal(k1, (32768, 128), dtype=jnp.float32)
    targets = jax.random.normal(k2, (32768, 128), dtype=jnp.float32)
    return {"inputs": inputs, "targets": targets}

def reference(inputs, targets):
    diff = jnp.abs(inputs - targets)
    n = int(FRAC * targets.shape[0])
    idx = jnp.argsort(diff, axis=0)
    targets_sorted = jnp.take_along_axis(targets, idx, axis=0)[:n]
    inputs_sorted = jnp.take_along_axis(inputs, idx, axis=0)[:n]
    loss = jnp.mean((inputs_sorted - targets_sorted) ** 2)
    return loss

if __name__ == "__main__":
    import jax
    _d = setup_inputs()
    print(jax.jit(kernel)(*tuple(_d.values())))

</pallas_src>

<mosaic_0001>
#map = affine_map<(d0, d1) -> (0, 0)>
#map1 = affine_map<(d0, d1) -> (0)>
module attributes {stable_mosaic.version = 14 : i64} {
  func.func @_sc_body(%arg0: i32, %arg1: i32, %arg2: memref<32768x128xf32, #tpu.memory_space<hbm>>, %arg3: memref<32768x128xf32, #tpu.memory_space<hbm>>, %arg4: memref<128xf32, #tpu.memory_space<hbm>>, %arg5: memref<1024x16xf32, #tpu.memory_space<vmem>>, %arg6: memref<1024x16xf32, #tpu.memory_space<vmem>>, %arg7: memref<16384xi32, #tpu.memory_space<vmem>>, %arg8: memref<16384xf32, #tpu.memory_space<vmem>>, %arg9: memref<16xf32, #tpu.memory_space<vmem>>, %arg10: memref<!tpu.dma_semaphore, #tpu.memory_space<semaphore_mem>>, %arg11: memref<!tpu.dma_semaphore, #tpu.memory_space<semaphore_mem>>, %arg12: memref<!tpu.dma_semaphore, #tpu.memory_space<semaphore_mem>>, %arg13: memref<!tpu.dma_semaphore, #tpu.memory_space<semaphore_mem>>, %arg14: memref<16x16384xi32, #tpu.memory_space<vmem_shared>>, %arg15: memref<16x16384xf32, #tpu.memory_space<vmem_shared>>, %arg16: memref<4x64xi32, #tpu.memory_space<vmem_shared>>, %arg17: memref<4x64xf32, #tpu.memory_space<vmem_shared>>, %arg18: memref<4x64xf32, #tpu.memory_space<vmem_shared>>) attributes {dimension_semantics = [#tpu.dimension_semantics<core_parallel>, #tpu.dimension_semantics<subcore_parallel>], iteration_bounds = array<i64: 2, 16>, scalar_prefetch = 0 : i64, scratch_operands = 14 : i64, tpu.core_type = #tpu.core_type<sc_vector_subcore>, window_params = [{transform_indices = #map}, {transform_indices = #map}, {transform_indices = #map1}]} {
    %rem3A = arith.constant 4 : i32
    %rem3A_0 = arith.remsi %arg1, %rem3A : i32
    %div3A = arith.constant 4 : i32
    %div3A_1 = arith.divsi %arg1, %div3A : i32
    %mul3A = arith.constant 4 : i32
    %mul3A_2 = arith.muli %arg0, %mul3A : i32
    %add3A = arith.addi %mul3A_2, %rem3A_0 : i32
    %mul3A_3 = arith.constant 16 : i32
    %mul3A_4 = arith.muli %add3A, %mul3A_3 : i32
    %mul3A_5 = arith.constant 8192 : i32
    %mul3A_6 = arith.muli %div3A_1, %mul3A_5 : i32
    %iota3A = tpu.iota {dimensions = array<i32: 0>} : vector<16xi32>
    %broadcast_in_dim3A = arith.constant 1 : i32
    %broadcast_in_dim3A_7 = vector.broadcast %broadcast_in_dim3A : i32 to vector<16xi32>
    %broadcast_in_dim3A_8 = arith.constant 0 : i32
    %broadcast_in_dim3A_9 = vector.broadcast %broadcast_in_dim3A_8 : i32 to vector<16xi32>
    %broadcast_in_dim3A_10 = arith.constant 0.000000e+00 : f32
    %broadcast_in_dim3A_11 = vector.broadcast %broadcast_in_dim3A_10 : f32 to vector<16xf32>
    %scan3A = arith.constant 0 : i32
    %scan3A_12 = arith.constant 1024 : i32
    %scan3A_13 = arith.addi %scan3A, %scan3A_12 : i32
    %scan3A_14 = arith.constant 1 : i32
    scf.for %scan3A_718 = %scan3A to %scan3A_13 step %scan3A_14  : i32 {
      %mul3A_719 = arith.constant 1 : i32
      %mul3A_720 = arith.muli %scan3A_718, %mul3A_719 : i32
      %add3A_721 = arith.constant 0 : i32
      %add3A_722 = arith.addi %add3A_721, %mul3A_720 : i32
      %mul3A_723 = arith.constant 16 : i32
      %mul3A_724 = arith.muli %add3A_722, %mul3A_723 : i32
      %swap3A_725 = arith.index_cast %mul3A_724 : i32 to index
      %swap3A_726 = tpu.vector_load %arg7[%swap3A_725] {strides = array<i32>} : memref<16384xi32, #tpu.memory_space<vmem>>, vector<16xi32>,
      tpu.vector_store %arg7[%swap3A_725], %broadcast_in_dim3A_9 {strides = array<i32>} : memref<16384xi32, #tpu.memory_space<vmem>>, vector<16xi32>,
      %mul3A_727 = arith.constant 16 : i32
      %mul3A_728 = arith.muli %add3A_722, %mul3A_727 : i32
      %swap3A_729 = arith.index_cast %mul3A_728 : i32 to index
      %swap3A_730 = tpu.vector_load %arg8[%swap3A_729] {strides = array<i32>} : memref<16384xf32, #tpu.memory_space<vmem>>, vector<16xf32>,
      tpu.vector_store %arg8[%swap3A_729], %broadcast_in_dim3A_11 {strides = array<i32>} : memref<16384xf32, #tpu.memory_space<vmem>>, vector<16xf32>,
    }
    %scan3A_15 = arith.constant 1024 : i32
    %add3A_16 = arith.constant 0 : i32
    %add3A_17 = arith.addi %mul3A_6, %add3A_16 : i32
    %dma_start3A = arith.constant 0 : i32
    %dma_start3A_18 = arith.constant 0 : i32
    %dma_start3A_19 = tpu.memref_slice %arg5[%dma_start3A, %dma_start3A_18] : memref<1024x16xf32, #tpu.memory_space<vmem>> -> memref<512x16xf32, #tpu.memory_space<vmem>>
    %dma_start3A_20 = tpu.memref_slice %arg2[%add3A_17, %mul3A_4] : memref<32768x128xf32, #tpu.memory_space<hbm>> -> memref<512x16xf32, #tpu.memory_space<hbm>>
    %dma_start3A_21 = arith.constant 0 : i32
    %dma_start3A_22 = arith.constant 0 : i32
    %dma_start3A_23 = tpu.memref_slice %arg5[%dma_start3A_21, %dma_start3A_22] : memref<1024x16xf32, #tpu.memory_space<vmem>> -> memref<512x16xf32, #tpu.memory_space<vmem>>
    %dma_start3A_24 = tpu.memref_slice %arg2[%add3A_17, %mul3A_4] : memref<32768x128xf32, #tpu.memory_space<hbm>> -> memref<512x16xf32, #tpu.memory_space<hbm>>
    tpu.enqueue_dma source(%dma_start3A_24 : memref<512x16xf32, #tpu.memory_space<hbm>>) target(%dma_start3A_23 : memref<512x16xf32, #tpu.memory_space<vmem>>) target_semaphore(%arg10 : memref<!tpu.dma_semaphore, #tpu.memory_space<semaphore_mem>>)
    %dma_start3A_25 = arith.constant 0 : i32
    %dma_start3A_26 = arith.constant 0 : i32
    %dma_start3A_27 = tpu.memref_slice %arg6[%dma_start3A_25, %dma_start3A_26] : memref<1024x16xf32, #tpu.memory_space<vmem>> -> memref<512x16xf32, #tpu.memory_space<vmem>>
    %dma_start3A_28 = tpu.memref_slice %arg3[%add3A_17, %mul3A_4] : memref<32768x128xf32, #tpu.memory_space<hbm>> -> memref<512x16xf32, #tpu.memory_space<hbm>>
    %dma_start3A_29 = arith.constant 0 : i32
    %dma_start3A_30 = arith.constant 0 : i32
    %dma_start3A_31 = tpu.memref_slice %arg6[%dma_start3A_29, %dma_start3A_30] : memref<1024x16xf32, #tpu.memory_space<vmem>> -> memref<512x16xf32, #tpu.memory_space<vmem>>
    %dma_start3A_32 = tpu.memref_slice %arg3[%add3A_17, %mul3A_4] : memref<32768x128xf32, #tpu.memory_space<hbm>> -> memref<512x16xf32, #tpu.memory_space<hbm>>
    tpu.enqueue_dma source(%dma_start3A_32 : memref<512x16xf32, #tpu.memory_space<hbm>>) target(%dma_start3A_31 : memref<512x16xf32, #tpu.memory_space<vmem>>) target_semaphore(%arg11 : memref<!tpu.dma_semaphore, #tpu.memory_space<semaphore_mem>>)
    %add3A_33 = arith.constant 512 : i32
    %add3A_34 = arith.addi %mul3A_6, %add3A_33 : i32
    %dma_start3A_35 = arith.constant 512 : i32
    %dma_start3A_36 = arith.constant 0 : i32
    %dma_start3A_37 = tpu.memref_slice %arg5[%dma_start3A_35, %dma_start3A_36] : memref<1024x16xf32, #tpu.memory_space<vmem>> -> memref<512x16xf32, #tpu.memory_space<vmem>>
    %dma_start3A_38 = tpu.memref_slice %arg2[%add3A_34, %mul3A_4] : memref<32768x128xf32, #tpu.memory_space<hbm>> -> memref<512x16xf32, #tpu.memory_space<hbm>>
    %dma_start3A_39 = arith.constant 512 : i32
    %dma_start3A_40 = arith.constant 0 : i32
    %dma_start3A_41 = tpu.memref_slice %arg5[%dma_start3A_39, %dma_start3A_40] : memref<1024x16xf32, #tpu.memory_space<vmem>> -> memref<512x16xf32, #tpu.memory_space<vmem>>
    %dma_start3A_42 = tpu.memref_slice %arg2[%add3A_34, %mul3A_4] : memref<32768x128xf32, #tpu.memory_space<hbm>> -> memref<512x16xf32, #tpu.memory_space<hbm>>
    tpu.enqueue_dma source(%dma_start3A_42 : memref<512x16xf32, #tpu.memory_space<hbm>>) target(%dma_start3A_41 : memref<512x16xf32, #tpu.memory_space<vmem>>) target_semaphore(%arg12 : memref<!tpu.dma_semaphore, #tpu.memory_space<semaphore_mem>>)
    %dma_start3A_43 = arith.constant 512 : i32
    %dma_start3A_44 = arith.constant 0 : i32
    %dma_start3A_45 = tpu.memref_slice %arg6[%dma_start3A_43, %dma_start3A_44] : memref<1024x16xf32, #tpu.memory_space<vmem>> -> memref<512x16xf32, #tpu.memory_space<vmem>>
    %dma_start3A_46 = tpu.memref_slice %arg3[%add3A_34, %mul3A_4] : memref<32768x128xf32, #tpu.memory_space<hbm>> -> memref<512x16xf32, #tpu.memory_space<hbm>>
    %dma_start3A_47 = arith.constant 512 : i32
    %dma_start3A_48 = arith.constant 0 : i32
    %dma_start3A_49 = tpu.memref_slice %arg6[%dma_start3A_47, %dma_start3A_48] : memref<1024x16xf32, #tpu.memory_space<vmem>> -> memref<512x16xf32, #tpu.memory_space<vmem>>
    %dma_start3A_50 = tpu.memref_slice %arg3[%add3A_34, %mul3A_4] : memref<32768x128xf32, #tpu.memory_space<hbm>> -> memref<512x16xf32, #tpu.memory_space<hbm>>
    tpu.enqueue_dma source(%dma_start3A_50 : memref<512x16xf32, #tpu.memory_space<hbm>>) target(%dma_start3A_49 : memref<512x16xf32, #tpu.memory_space<vmem>>) target_semaphore(%arg13 : memref<!tpu.dma_semaphore, #tpu.memory_space<semaphore_mem>>)
    %dma_wait3A = arith.constant 0 : i32
    %dma_wait3A_51 = arith.constant 0 : i32
    %dma_wait3A_52 = tpu.memref_slice %arg5[%dma_wait3A, %dma_wait3A_51] : memref<1024x16xf32, #tpu.memory_space<vmem>> -> memref<512x16xf32, #tpu.memory_space<vmem>>
    %dma_wait3A_53 = tpu.memref_slice %arg2[%add3A_17, %mul3A_4] : memref<32768x128xf32, #tpu.memory_space<hbm>> -> memref<512x16xf32, #tpu.memory_space<hbm>>
    %dma_wait3A_54 = arith.constant 0 : i32
    %dma_wait3A_55 = arith.constant 0 : i32
    %dma_wait3A_56 = tpu.memref_slice %arg5[%dma_wait3A_54, %dma_wait3A_55] : memref<1024x16xf32, #tpu.memory_space<vmem>> -> memref<512x16xf32, #tpu.memory_space<vmem>>
    %dma_wait3A_57 = tpu.memref_slice %arg2[%add3A_17, %mul3A_4] : memref<32768x128xf32, #tpu.memory_space<hbm>> -> memref<512x16xf32, #tpu.memory_space<hbm>>
    tpu.wait_dma2 semaphore(%arg10 : memref<!tpu.dma_semaphore, #tpu.memory_space<semaphore_mem>>) src(%dma_wait3A_57 : memref<512x16xf32, #tpu.memory_space<hbm>>) dst(%dma_wait3A_56 : memref<512x16xf32, #tpu.memory_space<vmem>>)
    %dma_wait3A_58 = arith.constant 0 : i32
    %dma_wait3A_59 = arith.constant 0 : i32
    %dma_wait3A_60 = tpu.memref_slice %arg6[%dma_wait3A_58, %dma_wait3A_59] : memref<1024x16xf32, #tpu.memory_space<vmem>> -> memref<512x16xf32, #tpu.memory_space<vmem>>
    %dma_wait3A_61 = tpu.memref_slice %arg3[%add3A_17, %mul3A_4] : memref<32768x128xf32, #tpu.memory_space<hbm>> -> memref<512x16xf32, #tpu.memory_space<hbm>>
    %dma_wait3A_62 = arith.constant 0 : i32
    %dma_wait3A_63 = arith.constant 0 : i32
    %dma_wait3A_64 = tpu.memref_slice %arg6[%dma_wait3A_62, %dma_wait3A_63] : memref<1024x16xf32, #tpu.memory_space<vmem>> -> memref<512x16xf32, #tpu.memory_space<vmem>>
    %dma_wait3A_65 = tpu.memref_slice %arg3[%add3A_17, %mul3A_4] : memref<32768x128xf32, #tpu.memory_space<hbm>> -> memref<512x16xf32, #tpu.memory_space<hbm>>
    tpu.wait_dma2 semaphore(%arg11 : memref<!tpu.dma_semaphore, #tpu.memory_space<semaphore_mem>>) src(%dma_wait3A_65 : memref<512x16xf32, #tpu.memory_space<hbm>>) dst(%dma_wait3A_64 : memref<512x16xf32, #tpu.memory_space<vmem>>)
    %parallel_loop3A = arith.constant 0 : i32
    %parallel_loop3A_66 = arith.constant 512 : i32
    %parallel_loop3A_67 = arith.constant 1 : i32
    scf.for %parallel_loop3A_718 = %parallel_loop3A to %parallel_loop3A_66 step %parallel_loop3A_67  : i32 {
      %parallel_loop3A_719 = arith.constant 0 : i32
      %parallel_loop3A_720 = arith.addi %parallel_loop3A_719, %parallel_loop3A_718 : i32
      %parallel_loop3A_721 = arith.index_cast %parallel_loop3A_720 : i32 to index
      %parallel_loop3A_722 = arith.constant 0 : index
      %parallel_loop3A_723 = tpu.vector_load %arg5[%parallel_loop3A_721, %parallel_loop3A_722] {strides = array<i32>} : memref<1024x16xf32, #tpu.memory_space<vmem>>, vector<16xf32>,
      %parallel_loop3A_724 = arith.constant 0 : i32
      %parallel_loop3A_725 = arith.addi %parallel_loop3A_724, %parallel_loop3A_718 : i32
      %parallel_loop3A_726 = arith.index_cast %parallel_loop3A_725 : i32 to index
      %parallel_loop3A_727 = arith.constant 0 : index
      %parallel_loop3A_728 = tpu.vector_load %arg6[%parallel_loop3A_726, %parallel_loop3A_727] {strides = array<i32>} : memref<1024x16xf32, #tpu.memory_space<vmem>>, vector<16xf32>,
      %parallel_loop3A_729 = arith.subf %parallel_loop3A_723, %parallel_loop3A_728 : vector<16xf32>
      %parallel_loop3A_730 = vector.bitcast %parallel_loop3A_729 : vector<16xf32> to vector<16xi32>
      %parallel_loop3A_731 = arith.constant 17 : i32
      %parallel_loop3A_732 = vector.broadcast %parallel_loop3A_731 : i32 to vector<16xi32>
      %parallel_loop3A_733 = arith.shrui %parallel_loop3A_730, %parallel_loop3A_732 : vector<16xi32>
      %parallel_loop3A_734 = arith.constant 16368 : i32
      %parallel_loop3A_735 = vector.broadcast %parallel_loop3A_734 : i32 to vector<16xi32>
      %parallel_loop3A_736 = arith.andi %parallel_loop3A_733, %parallel_loop3A_735 : vector<16xi32>
      %parallel_loop3A_737 = arith.ori %parallel_loop3A_736, %iota3A : vector<16xi32>
      tpu.vector_store_idx %arg7[%parallel_loop3A_737], %broadcast_in_dim3A_7 {add = true} : memref<16384xi32, #tpu.memory_space<vmem>>[vector<16xi32>], vector<16xi32>,
      %parallel_loop3A_738 = arith.mulf %parallel_loop3A_729, %parallel_loop3A_729 : vector<16xf32>
      tpu.vector_store_idx %arg8[%parallel_loop3A_737], %parallel_loop3A_738 {add = true} : memref<16384xf32, #tpu.memory_space<vmem>>[vector<16xi32>], vector<16xf32>,
    } {sc.loop_unroll_factor = 8 : i64, sc.parallel_access}
    %add3A_68 = arith.constant 1024 : i32
    %add3A_69 = arith.addi %mul3A_6, %add3A_68 : i32
    %dma_start3A_70 = arith.constant 0 : i32
    %dma_start3A_71 = arith.constant 0 : i32
    %dma_start3A_72 = tpu.memref_slice %arg5[%dma_start3A_70, %dma_start3A_71] : memref<1024x16xf32, #tpu.memory_space<vmem>> -> memref<512x16xf32, #tpu.memory_space<vmem>>
    %dma_start3A_73 = tpu.memref_slice %arg2[%add3A_69, %mul3A_4] : memref<32768x128xf32, #tpu.memory_space<hbm>> -> memref<512x16xf32, #tpu.memory_space<hbm>>
    %dma_start3A_74 = arith.constant 0 : i32
    %dma_start3A_75 = arith.constant 0 : i32
    %dma_start3A_76 = tpu.memref_slice %arg5[%dma_start3A_74, %dma_start3A_75] : memref<1024x16xf32, #tpu.memory_space<vmem>> -> memref<512x16xf32, #tpu.memory_space<vmem>>
    %dma_start3A_77 = tpu.memref_slice %arg2[%add3A_69, %mul3A_4] : memref<32768x128xf32, #tpu.memory_space<hbm>> -> memref<512x16xf32, #tpu.memory_space<hbm>>
    tpu.enqueue_dma source(%dma_start3A_77 : memref<512x16xf32, #tpu.memory_space<hbm>>) target(%dma_start3A_76 : memref<512x16xf32, #tpu.memory_space<vmem>>) target_semaphore(%arg10 : memref<!tpu.dma_semaphore, #tpu.memory_space<semaphore_mem>>)
    %dma_start3A_78 = arith.constant 0 : i32
    %dma_start3A_79 = arith.constant 0 : i32
    %dma_start3A_80 = tpu.memref_slice %arg6[%dma_start3A_78, %dma_start3A_79] : memref<1024x16xf32, #tpu.memory_space<vmem>> -> memref<512x16xf32, #tpu.memory_space<vmem>>
    %dma_start3A_81 = tpu.memref_slice %arg3[%add3A_69, %mul3A_4] : memref<32768x128xf32, #tpu.memory_space<hbm>> -> memref<512x16xf32, #tpu.memory_space<hbm>>
    %dma_start3A_82 = arith.constant 0 : i32
    %dma_start3A_83 = arith.constant 0 : i32
    %dma_start3A_84 = tpu.memref_slice %arg6[%dma_start3A_82, %dma_start3A_83] : memref<1024x16xf32, #tpu.memory_space<vmem>> -> memref<512x16xf32, #tpu.memory_space<vmem>>
    %dma_start3A_85 = tpu.memref_slice %arg3[%add3A_69, %mul3A_4] : memref<32768x128xf32, #tpu.memory_space<hbm>> -> memref<512x16xf32, #tpu.memory_space<hbm>>
    tpu.enqueue_dma source(%dma_start3A_85 : memref<512x16xf32, #tpu.memory_space<hbm>>) target(%dma_start3A_84 : memref<512x16xf32, #tpu.memory_space<vmem>>) target_semaphore(%arg11 : memref<!tpu.dma_semaphore, #tpu.memory_space<semaphore_mem>>)
    %dma_wait3A_86 = arith.constant 512 : i32
    %dma_wait3A_87 = arith.constant 0 : i32
    %dma_wait3A_88 = tpu.memref_slice %arg5[%dma_wait3A_86, %dma_wait3A_87] : memref<1024x16xf32, #tpu.memory_space<vmem>> -> memref<512x16xf32, #tpu.memory_space<vmem>>
    %dma_wait3A_89 = tpu.memref_slice %arg2[%add3A_34, %mul3A_4] : memref<32768x128xf32, #tpu.memory_space<hbm>> -> memref<512x16xf32, #tpu.memory_space<hbm>>
    %dma_wait3A_90 = arith.constant 512 : i32
    %dma_wait3A_91 = arith.constant 0 : i32
    %dma_wait3A_92 = tpu.memref_slice %arg5[%dma_wait3A_90, %dma_wait3A_91] : memref<1024x16xf32, #tpu.memory_space<vmem>> -> memref<512x16xf32, #tpu.memory_space<vmem>>
    %dma_wait3A_93 = tpu.memref_slice %arg2[%add3A_34, %mul3A_4] : memref<32768x128xf32, #tpu.memory_space<hbm>> -> memref<512x16xf32, #tpu.memory_space<hbm>>
    tpu.wait_dma2 semaphore(%arg12 : memref<!tpu.dma_semaphore, #tpu.memory_space<semaphore_mem>>) src(%dma_wait3A_93 : memref<512x16xf32, #tpu.memory_space<hbm>>) dst(%dma_wait3A_92 : memref<512x16xf32, #tpu.memory_space<vmem>>)
    %dma_wait3A_94 = arith.constant 512 : i32
    %dma_wait3A_95 = arith.constant 0 : i32
    %dma_wait3A_96 = tpu.memref_slice %arg6[%dma_wait3A_94, %dma_wait3A_95] : memref<1024x16xf32, #tpu.memory_space<vmem>> -> memref<512x16xf32, #tpu.memory_space<vmem>>
    %dma_wait3A_97 = tpu.memref_slice %arg3[%add3A_34, %mul3A_4] : memref<32768x128xf32, #tpu.memory_space<hbm>> -> memref<512x16xf32, #tpu.memory_space<hbm>>
    %dma_wait3A_98 = arith.constant 512 : i32
    %dma_wait3A_99 = arith.constant 0 : i32
    %dma_wait3A_100 = tpu.memref_slice %arg6[%dma_wait3A_98, %dma_wait3A_99] : memref<1024x16xf32, #tpu.memory_space<vmem>> -> memref<512x16xf32, #tpu.memory_space<vmem>>
    %dma_wait3A_101 = tpu.memref_slice %arg3[%add3A_34, %mul3A_4] : memref<32768x128xf32, #tpu.memory_space<hbm>> -> memref<512x16xf32, #tpu.memory_space<hbm>>
    tpu.wait_dma2 semaphore(%arg13 : memref<!tpu.dma_semaphore, #tpu.memory_space<semaphore_mem>>) src(%dma_wait3A_101 : memref<512x16xf32, #tpu.memory_space<hbm>>) dst(%dma_wait3A_100 : memref<512x16xf32, #tpu.memory_space<vmem>>)
    %parallel_loop3A_102 = arith.constant 0 : i32
    %parallel_loop3A_103 = arith.constant 512 : i32
    %parallel_loop3A_104 = arith.constant 1 : i32
    scf.for %parallel_loop3A_718 = %parallel_loop3A_102 to %parallel_loop3A_103 step %parallel_loop3A_104  : i32 {
      %parallel_loop3A_719 = arith.constant 512 : i32
      %parallel_loop3A_720 = arith.addi %parallel_loop3A_719, %parallel_loop3A_718 : i32
      %parallel_loop3A_721 = arith.index_cast %parallel_loop3A_720 : i32 to index
      %parallel_loop3A_722 = arith.constant 0 : index
      %parallel_loop3A_723 = tpu.vector_load %arg5[%parallel_loop3A_721, %parallel_loop3A_722] {strides = array<i32>} : memref<1024x16xf32, #tpu.memory_space<vmem>>, vector<16xf32>,
      %parallel_loop3A_724 = arith.constant 512 : i32
      %parallel_loop3A_725 = arith.addi %parallel_loop3A_724, %parallel_loop3A_718 : i32
      %parallel_loop3A_726 = arith.index_cast %parallel_loop3A_725 : i32 to index
      %parallel_loop3A_727 = arith.constant 0 : index
      %parallel_loop3A_728 = tpu.vector_load %arg6[%parallel_loop3A_726, %parallel_loop3A_727] {strides = array<i32>} : memref<1024x16xf32, #tpu.memory_space<vmem>>, vector<16xf32>,
      %parallel_loop3A_729 = arith.subf %parallel_loop3A_723, %parallel_loop3A_728 : vector<16xf32>
      %parallel_loop3A_730 = vector.bitcast %parallel_loop3A_729 : vector<16xf32> to vector<16xi32>
      %parallel_loop3A_731 = arith.constant 17 : i32
      %parallel_loop3A_732 = vector.broadcast %parallel_loop3A_731 : i32 to vector<16xi32>
      %parallel_loop3A_733 = arith.shrui %parallel_loop3A_730, %parallel_loop3A_732 : vector<16xi32>
      %parallel_loop3A_734 = arith.constant 16368 : i32
      %parallel_loop3A_735 = vector.broadcast %parallel_loop3A_734 : i32 to vector<16xi32>
      %parallel_loop3A_736 = arith.andi %parallel_loop3A_733, %parallel_loop3A_735 : vector<16xi32>
      %parallel_loop3A_737 = arith.ori %parallel_loop3A_736, %iota3A : vector<16xi32>
      tpu.vector_store_idx %arg7[%parallel_loop3A_737], %broadcast_in_dim3A_7 {add = true} : memref<16384xi32, #tpu.memory_space<vmem>>[vector<16xi32>], vector<16xi32>,
      %parallel_loop3A_738 = arith.mulf %parallel_loop3A_729, %parallel_loop3A_729 : vector<16xf32>
      tpu.vector_store_idx %arg8[%parallel_loop3A_737], %parallel_loop3A_738 {add = true} : memref<16384xf32, #tpu.memory_space<vmem>>[vector<16xi32>], vector<16xf32>,
    } {sc.loop_unroll_factor = 8 : i64, sc.parallel_access}
    %add3A_105 = arith.constant 1536 : i32
    %add3A_106 = arith.addi %mul3A_6, %add3A_105 : i32
    %dma_start3A_107 = arith.constant 512 : i32
    %dma_start3A_108 = arith.constant 0 : i32
    %dma_start3A_109 = tpu.memref_slice %arg5[%dma_start3A_107, %dma_start3A_108] : memref<1024x16xf32, #tpu.memory_space<vmem>> -> memref<512x16xf32, #tpu.memory_space<vmem>>
    %dma_start3A_110 = tpu.memref_slice %arg2[%add3A_106, %mul3A_4] : memref<32768x128xf32, #tpu.memory_space<hbm>> -> memref<512x16xf32, #tpu.memory_space<hbm>>
    %dma_start3A_111 = arith.constant 512 : i32
    %dma_start3A_112 = arith.constant 0 : i32
    %dma_start3A_113 = tpu.memref_slice %arg5[%dma_start3A_111, %dma_start3A_112] : memref<1024x16xf32, #tpu.memory_space<vmem>> -> memref<512x16xf32, #tpu.memory_space<vmem>>
    %dma_start3A_114 = tpu.memref_slice %arg2[%add3A_106, %mul3A_4] : memref<32768x128xf32, #tpu.memory_space<hbm>> -> memref<512x16xf32, #tpu.memory_space<hbm>>
    tpu.enqueue_dma source(%dma_start3A_114 : memref<512x16xf32, #tpu.memory_space<hbm>>) target(%dma_start3A_113 : memref<512x16xf32, #tpu.memory_space<vmem>>) target_semaphore(%arg12 : memref<!tpu.dma_semaphore, #tpu.memory_space<semaphore_mem>>)
    %dma_start3A_115 = arith.constant 512 : i32
    %dma_start3A_116 = arith.constant 0 : i32
    %dma_start3A_117 = tpu.memref_slice %arg6[%dma_start3A_115, %dma_start3A_116] : memref<1024x16xf32, #tpu.memory_space<vmem>> -> memref<512x16xf32, #tpu.memory_space<vmem>>
    %dma_start3A_118 = tpu.memref_slice %arg3[%add3A_106, %mul3A_4] : memref<32768x128xf32, #tpu.memory_space<hbm>> -> memref<512x16xf32, #tpu.memory_space<hbm>>
    %dma_start3A_119 = arith.constant 512 : i32
    %dma_start3A_120 = arith.constant 0 : i32
    %dma_start3A_121 = tpu.memref_slice %arg6[%dma_start3A_119, %dma_start3A_120] : memref<1024x16xf32, #tpu.memory_space<vmem>> -> memref<512x16xf32, #tpu.memory_space<vmem>>
    %dma_start3A_122 = tpu.memref_slice %arg3[%add3A_106, %mul3A_4] : memref<32768x128xf32, #tpu.memory_space<hbm>> -> memref<512x16xf32, #tpu.memory_space<hbm>>
    tpu.enqueue_dma source(%dma_start3A_122 : memref<512x16xf32, #tpu.memory_space<hbm>>) target(%dma_start3A_121 : memref<512x16xf32, #tpu.memory_space<vmem>>) target_semaphore(%arg13 : memref<!tpu.dma_semaphore, #tpu.memory_space<semaphore_mem>>)
    %dma_wait3A_123 = arith.constant 0 : i32
    %dma_wait3A_124 = arith.constant 0 : i32
    %dma_wait3A_125 = tpu.memref_slice %arg5[%dma_wait3A_123, %dma_wait3A_124] : memref<1024x16xf32, #tpu.memory_space<vmem>> -> memref<512x16xf32, #tpu.memory_space<vmem>>
    %dma_wait3A_126 = tpu.memref_slice %arg2[%add3A_69, %mul3A_4] : memref<32768x128xf32, #tpu.memory_space<hbm>> -> memref<512x16xf32, #tpu.memory_space<hbm>>
    %dma_wait3A_127 = arith.constant 0 : i32
    %dma_wait3A_128 = arith.constant 0 : i32
    %dma_wait3A_129 = tpu.memref_slice %arg5[%dma_wait3A_127, %dma_wait3A_128] : memref<1024x16xf32, #tpu.memory_space<vmem>> -> memref<512x16xf32, #tpu.memory_space<vmem>>
    %dma_wait3A_130 = tpu.memref_slice %arg2[%add3A_69, %mul3A_4] : memref<32768x128xf32, #tpu.memory_space<hbm>> -> memref<512x16xf32, #tpu.memory_space<hbm>>
    tpu.wait_dma2 semaphore(%arg10 : memref<!tpu.dma_semaphore, #tpu.memory_space<semaphore_mem>>) src(%dma_wait3A_130 : memref<512x16xf32, #tpu.memory_space<hbm>>) dst(%dma_wait3A_129 : memref<512x16xf32, #tpu.memory_space<vmem>>)
    %dma_wait3A_131 = arith.constant 0 : i32
    %dma_wait3A_132 = arith.constant 0 : i32
    %dma_wait3A_133 = tpu.memref_slice %arg6[%dma_wait3A_131, %dma_wait3A_132] : memref<1024x16xf32, #tpu.memory_space<vmem>> -> memref<512x16xf32, #tpu.memory_space<vmem>>
    %dma_wait3A_134 = tpu.memref_slice %arg3[%add3A_69, %mul3A_4] : memref<32768x128xf32, #tpu.memory_space<hbm>> -> memref<512x16xf32, #tpu.memory_space<hbm>>
    %dma_wait3A_135 = arith.constant 0 : i32
    %dma_wait3A_136 = arith.constant 0 : i32
    %dma_wait3A_137 = tpu.memref_slice %arg6[%dma_wait3A_135, %dma_wait3A_136] : memref<1024x16xf32, #tpu.memory_space<vmem>> -> memref<512x16xf32, #tpu.memory_space<vmem>>
    %dma_wait3A_138 = tpu.memref_slice %arg3[%add3A_69, %mul3A_4] : memref<32768x128xf32, #tpu.memory_space<hbm>> -> memref<512x16xf32, #tpu.memory_space<hbm>>
    tpu.wait_dma2 semaphore(%arg11 : memref<!tpu.dma_semaphore, #tpu.memory_space<semaphore_mem>>) src(%dma_wait3A_138 : memref<512x16xf32, #tpu.memory_space<hbm>>) dst(%dma_wait3A_137 : memref<512x16xf32, #tpu.memory_space<vmem>>)
    %parallel_loop3A_139 = arith.constant 0 : i32
    %parallel_loop3A_140 = arith.constant 512 : i32
    %parallel_loop3A_141 = arith.constant 1 : i32
    scf.for %parallel_loop3A_718 = %parallel_loop3A_139 to %parallel_loop3A_140 step %parallel_loop3A_141  : i32 {
      %parallel_loop3A_719 = arith.constant 0 : i32
      %parallel_loop3A_720 = arith.addi %parallel_loop3A_719, %parallel_loop3A_718 : i32
      %parallel_loop3A_721 = arith.index_cast %parallel_loop3A_720 : i32 to index
      %parallel_loop3A_722 = arith.constant 0 : index
      %parallel_loop3A_723 = tpu.vector_load %arg5[%parallel_loop3A_721, %parallel_loop3A_722] {strides = array<i32>} : memref<1024x16xf32, #tpu.memory_space<vmem>>, vector<16xf32>,
      %parallel_loop3A_724 = arith.constant 0 : i32
      %parallel_loop3A_725 = arith.addi %parallel_loop3A_724, %parallel_loop3A_718 : i32
      %parallel_loop3A_726 = arith.index_cast %parallel_loop3A_725 : i32 to index
      %parallel_loop3A_727 = arith.constant 0 : index
      %parallel_loop3A_728 = tpu.vector_load %arg6[%parallel_loop3A_726, %parallel_loop3A_727] {strides = array<i32>} : memref<1024x16xf32, #tpu.memory_space<vmem>>, vector<16xf32>,
      %parallel_loop3A_729 = arith.subf %parallel_loop3A_723, %parallel_loop3A_728 : vector<16xf32>
      %parallel_loop3A_730 = vector.bitcast %parallel_loop3A_729 : vector<16xf32> to vector<16xi32>
      %parallel_loop3A_731 = arith.constant 17 : i32
      %parallel_loop3A_732 = vector.broadcast %parallel_loop3A_731 : i32 to vector<16xi32>
      %parallel_loop3A_733 = arith.shrui %parallel_loop3A_730, %parallel_loop3A_732 : vector<16xi32>
      %parallel_loop3A_734 = arith.constant 16368 : i32
      %parallel_loop3A_735 = vector.broadcast %parallel_loop3A_734 : i32 to vector<16xi32>
      %parallel_loop3A_736 = arith.andi %parallel_loop3A_733, %parallel_loop3A_735 : vector<16xi32>
      %parallel_loop3A_737 = arith.ori %parallel_loop3A_736, %iota3A : vector<16xi32>
      tpu.vector_store_idx %arg7[%parallel_loop3A_737], %broadcast_in_dim3A_7 {add = true} : memref<16384xi32, #tpu.memory_space<vmem>>[vector<16xi32>], vector<16xi32>,
      %parallel_loop3A_738 = arith.mulf %parallel_loop3A_729, %parallel_loop3A_729 : vector<16xf32>
      tpu.vector_store_idx %arg8[%parallel_loop3A_737], %parallel_loop3A_738 {add = true} : memref<16384xf32, #tpu.memory_space<vmem>>[vector<16xi32>], vector<16xf32>,
    } {sc.loop_unroll_factor = 8 : i64, sc.parallel_access}
    %add3A_142 = arith.constant 2048 : i32
    %add3A_143 = arith.addi %mul3A_6, %add3A_142 : i32
    %dma_start3A_144 = arith.constant 0 : i32
    %dma_start3A_145 = arith.constant 0 : i32
    %dma_start3A_146 = tpu.memref_slice %arg5[%dma_start3A_144, %dma_start3A_145] : memref<1024x16xf32, #tpu.memory_space<vmem>> -> memref<512x16xf32, #tpu.memory_space<vmem>>
    %dma_start3A_147 = tpu.memref_slice %arg2[%add3A_143, %mul3A_4] : memref<32768x128xf32, #tpu.memory_space<hbm>> -> memref<512x16xf32, #tpu.memory_space<hbm>>
    %dma_start3A_148 = arith.constant 0 : i32
    %dma_start3A_149 = arith.constant 0 : i32
    %dma_start3A_150 = tpu.memref_slice %arg5[%dma_start3A_148, %dma_start3A_149] : memref<1024x16xf32, #tpu.memory_space<vmem>> -> memref<512x16xf32, #tpu.memory_space<vmem>>
    %dma_start3A_151 = tpu.memref_slice %arg2[%add3A_143, %mul3A_4] : memref<32768x128xf32, #tpu.memory_space<hbm>> -> memref<512x16xf32, #tpu.memory_space<hbm>>
    tpu.enqueue_dma source(%dma_start3A_151 : memref<512x16xf32, #tpu.memory_space<hbm>>) target(%dma_start3A_150 : memref<512x16xf32, #tpu.memory_space<vmem>>) target_semaphore(%arg10 : memref<!tpu.dma_semaphore, #tpu.memory_space<semaphore_mem>>)
    %dma_start3A_152 = arith.constant 0 : i32
    %dma_start3A_153 = arith.constant 0 : i32
    %dma_start3A_154 = tpu.memref_slice %arg6[%dma_start3A_152, %dma_start3A_153] : memref<1024x16xf32, #tpu.memory_space<vmem>> -> memref<512x16xf32, #tpu.memory_space<vmem>>
    %dma_start3A_155 = tpu.memref_slice %arg3[%add3A_143, %mul3A_4] : memref<32768x128xf32, #tpu.memory_space<hbm>> -> memref<512x16xf32, #tpu.memory_space<hbm>>
    %dma_start3A_156 = arith.constant 0 : i32
    %dma_start3A_157 = arith.constant 0 : i32
    %dma_start3A_158 = tpu.memref_slice %arg6[%dma_start3A_156, %dma_start3A_157] : memref<1024x16xf32, #tpu.memory_space<vmem>> -> memref<512x16xf32, #tpu.memory_space<vmem>>
    %dma_start3A_159 = tpu.memref_slice %arg3[%add3A_143, %mul3A_4] : memref<32768x128xf32, #tpu.memory_space<hbm>> -> memref<512x16xf32, #tpu.memory_space<hbm>>
    tpu.enqueue_dma source(%dma_start3A_159 : memref<512x16xf32, #tpu.memory_space<hbm>>) target(%dma_start3A_158 : memref<512x16xf32, #tpu.memory_space<vmem>>) target_semaphore(%arg11 : memref<!tpu.dma_semaphore, #tpu.memory_space<semaphore_mem>>)
    %dma_wait3A_160 = arith.constant 512 : i32
    %dma_wait3A_161 = arith.constant 0 : i32
    %dma_wait3A_162 = tpu.memref_slice %arg5[%dma_wait3A_160, %dma_wait3A_161] : memref<1024x16xf32, #tpu.memory_space<vmem>> -> memref<512x16xf32, #tpu.memory_space<vmem>>
    %dma_wait3A_163 = tpu.memref_slice %arg2[%add3A_106, %mul3A_4] : memref<32768x128xf32, #tpu.memory_space<hbm>> -> memref<512x16xf32, #tpu.memory_space<hbm>>
    %dma_wait3A_164 = arith.constant 512 : i32
    %dma_wait3A_165 = arith.constant 0 : i32
    %dma_wait3A_166 = tpu.memref_slice %arg5[%dma_wait3A_164, %dma_wait3A_165] : memref<1024x16xf32, #tpu.memory_space<vmem>> -> memref<512x16xf32, #tpu.memory_space<vmem>>
    %dma_wait3A_167 = tpu.memref_slice %arg2[%add3A_106, %mul3A_4] : memref<32768x128xf32, #tpu.memory_space<hbm>> -> memref<512x16xf32, #tpu.memory_space<hbm>>
    tpu.wait_dma2 semaphore(%arg12 : memref<!tpu.dma_semaphore, #tpu.memory_space<semaphore_mem>>) src(%dma_wait3A_167 : memref<512x16xf32, #tpu.memory_space<hbm>>) dst(%dma_wait3A_166 : memref<512x16xf32, #tpu.memory_space<vmem>>)
    %dma_wait3A_168 = arith.constant 512 : i32
    %dma_wait3A_169 = arith.constant 0 : i32
    %dma_wait3A_170 = tpu.memref_slice %arg6[%dma_wait3A_168, %dma_wait3A_169] : memref<1024x16xf32, #tpu.memory_space<vmem>> -> memref<512x16xf32, #tpu.memory_space<vmem>>
    %dma_wait3A_171 = tpu.memref_slice %arg3[%add3A_106, %mul3A_4] : memref<32768x128xf32, #tpu.memory_space<hbm>> -> memref<512x16xf32, #tpu.memory_space<hbm>>
    %dma_wait3A_172 = arith.constant 512 : i32
    %dma_wait3A_173 = arith.constant 0 : i32
    %dma_wait3A_174 = tpu.memref_slice %arg6[%dma_wait3A_172, %dma_wait3A_173] : memref<1024x16xf32, #tpu.memory_space<vmem>> -> memref<512x16xf32, #tpu.memory_space<vmem>>
    %dma_wait3A_175 = tpu.memref_slice %arg3[%add3A_106, %mul3A_4] : memref<32768x128xf32, #tpu.memory_space<hbm>> -> memref<512x16xf32, #tpu.memory_space<hbm>>
    tpu.wait_dma2 semaphore(%arg13 : memref<!tpu.dma_semaphore, #tpu.memory_space<semaphore_mem>>) src(%dma_wait3A_175 : memref<512x16xf32, #tpu.memory_space<hbm>>) dst(%dma_wait3A_174 : memref<512x16xf32, #tpu.memory_space<vmem>>)
    %parallel_loop3A_176 = arith.constant 0 : i32
    %parallel_loop3A_177 = arith.constant 512 : i32
    %parallel_loop3A_178 = arith.constant 1 : i32
    scf.for %parallel_loop3A_718 = %parallel_loop3A_176 to %parallel_loop3A_177 step %parallel_loop3A_178  : i32 {
      %parallel_loop3A_719 = arith.constant 512 : i32
      %parallel_loop3A_720 = arith.addi %parallel_loop3A_719, %parallel_loop3A_718 : i32
      %parallel_loop3A_721 = arith.index_cast %parallel_loop3A_720 : i32 to index
      %parallel_loop3A_722 = arith.constant 0 : index
      %parallel_loop3A_723 = tpu.vector_load %arg5[%parallel_loop3A_721, %parallel_loop3A_722] {strides = array<i32>} : memref<1024x16xf32, #tpu.memory_space<vmem>>, vector<16xf32>,
      %parallel_loop3A_724 = arith.constant 512 : i32
      %parallel_loop3A_725 = arith.addi %parallel_loop3A_724, %parallel_loop3A_718 : i32
      %parallel_loop3A_726 = arith.index_cast %parallel_loop3A_725 : i32 to index
      %parallel_loop3A_727 = arith.constant 0 : index
      %parallel_loop3A_728 = tpu.vector_load %arg6[%parallel_loop3A_726, %parallel_loop3A_727] {strides = array<i32>} : memref<1024x16xf32, #tpu.memory_space<vmem>>, vector<16xf32>,
      %parallel_loop3A_729 = arith.subf %parallel_loop3A_723, %parallel_loop3A_728 : vector<16xf32>
      %parallel_loop3A_730 = vector.bitcast %parallel_loop3A_729 : vector<16xf32> to vector<16xi32>
      %parallel_loop3A_731 = arith.constant 17 : i32
      %parallel_loop3A_732 = vector.broadcast %parallel_loop3A_731 : i32 to vector<16xi32>
      %parallel_loop3A_733 = arith.shrui %parallel_loop3A_730, %parallel_loop3A_732 : vector<16xi32>
      %parallel_loop3A_734 = arith.constant 16368 : i32
      %parallel_loop3A_735 = vector.broadcast %parallel_loop3A_734 : i32 to vector<16xi32>
      %parallel_loop3A_736 = arith.andi %parallel_loop3A_733, %parallel_loop3A_735 : vector<16xi32>
      %parallel_loop3A_737 = arith.ori %parallel_loop3A_736, %iota3A : vector<16xi32>
      tpu.vector_store_idx %arg7[%parallel_loop3A_737], %broadcast_in_dim3A_7 {add = true} : memref<16384xi32, #tpu.memory_space<vmem>>[vector<16xi32>], vector<16xi32>,
      %parallel_loop3A_738 = arith.mulf %parallel_loop3A_729, %parallel_loop3A_729 : vector<16xf32>
      tpu.vector_store_idx %arg8[%parallel_loop3A_737], %parallel_loop3A_738 {add = true} : memref<16384xf32, #tpu.memory_space<vmem>>[vector<16xi32>], vector<16xf32>,
    } {sc.loop_unroll_factor = 8 : i64, sc.parallel_access}
    %add3A_179 = arith.constant 2560 : i32
    %add3A_180 = arith.addi %mul3A_6, %add3A_179 : i32
    %dma_start3A_181 = arith.constant 512 : i32
    %dma_start3A_182 = arith.constant 0 : i32
    %dma_start3A_183 = tpu.memref_slice %arg5[%dma_start3A_181, %dma_start3A_182] : memref<1024x16xf32, #tpu.memory_space<vmem>> -> memref<512x16xf32, #tpu.memory_space<vmem>>
    %dma_start3A_184 = tpu.memref_slice %arg2[%add3A_180, %mul3A_4] : memref<32768x128xf32, #tpu.memory_space<hbm>> -> memref<512x16xf32, #tpu.memory_space<hbm>>
    %dma_start3A_185 = arith.constant 512 : i32
    %dma_start3A_186 = arith.constant 0 : i32
    %dma_start3A_187 = tpu.memref_slice %arg5[%dma_start3A_185, %dma_start3A_186] : memref<1024x16xf32, #tpu.memory_space<vmem>> -> memref<512x16xf32, #tpu.memory_space<vmem>>
    %dma_start3A_188 = tpu.memref_slice %arg2[%add3A_180, %mul3A_4] : memref<32768x128xf32, #tpu.memory_space<hbm>> -> memref<512x16xf32, #tpu.memory_space<hbm>>
    tpu.enqueue_dma source(%dma_start3A_188 : memref<512x16xf32, #tpu.memory_space<hbm>>) target(%dma_start3A_187 : memref<512x16xf32, #tpu.memory_space<vmem>>) target_semaphore(%arg12 : memref<!tpu.dma_semaphore, #tpu.memory_space<semaphore_mem>>)
    %dma_start3A_189 = arith.constant 512 : i32
    %dma_start3A_190 = arith.constant 0 : i32
    %dma_start3A_191 = tpu.memref_slice %arg6[%dma_start3A_189, %dma_start3A_190] : memref<1024x16xf32, #tpu.memory_space<vmem>> -> memref<512x16xf32, #tpu.memory_space<vmem>>
    %dma_start3A_192 = tpu.memref_slice %arg3[%add3A_180, %mul3A_4] : memref<32768x128xf32, #tpu.memory_space<hbm>> -> memref<512x16xf32, #tpu.memory_space<hbm>>
    %dma_start3A_193 = arith.constant 512 : i32
    %dma_start3A_194 = arith.constant 0 : i32
    %dma_start3A_195 = tpu.memref_slice %arg6[%dma_start3A_193, %dma_start3A_194] : memref<1024x16xf32, #tpu.memory_space<vmem>> -> memref<512x16xf32, #tpu.memory_space<vmem>>
    %dma_start3A_196 = tpu.memref_slice %arg3[%add3A_180, %mul3A_4] : memref<32768x128xf32, #tpu.memory_space<hbm>> -> memref<512x16xf32, #tpu.memory_space<hbm>>
    tpu.enqueue_dma source(%dma_start3A_196 : memref<512x16xf32, #tpu.memory_space<hbm>>) target(%dma_start3A_195 : memref<512x16xf32, #tpu.memory_space<vmem>>) target_semaphore(%arg13 : memref<!tpu.dma_semaphore, #tpu.memory_space<semaphore_mem>>)
    %dma_wait3A_197 = arith.constant 0 : i32
    %dma_wait3A_198 = arith.constant 0 : i32
    %dma_wait3A_199 = tpu.memref_slice %arg5[%dma_wait3A_197, %dma_wait3A_198] : memref<1024x16xf32, #tpu.memory_space<vmem>> -> memref<512x16xf32, #tpu.memory_space<vmem>>
    %dma_wait3A_200 = tpu.memref_slice %arg2[%add3A_143, %mul3A_4] : memref<32768x128xf32, #tpu.memory_space<hbm>> -> memref<512x16xf32, #tpu.memory_space<hbm>>
    %dma_wait3A_201 = arith.constant 0 : i32
    %dma_wait3A_202 = arith.constant 0 : i32
    %dma_wait3A_203 = tpu.memref_slice %arg5[%dma_wait3A_201, %dma_wait3A_202] : memref<1024x16xf32, #tpu.memory_space<vmem>> -> memref<512x16xf32, #tpu.memory_space<vmem>>
    %dma_wait3A_204 = tpu.memref_slice %arg2[%add3A_143, %mul3A_4] : memref<32768x128xf32, #tpu.memory_space<hbm>> -> memref<512x16xf32, #tpu.memory_space<hbm>>
    tpu.wait_dma2 semaphore(%arg10 : memref<!tpu.dma_semaphore, #tpu.memory_space<semaphore_mem>>) src(%dma_wait3A_204 : memref<512x16xf32, #tpu.memory_space<hbm>>) dst(%dma_wait3A_203 : memref<512x16xf32, #tpu.memory_space<vmem>>)
    %dma_wait3A_205 = arith.constant 0 : i32
    %dma_wait3A_206 = arith.constant 0 : i32
    %dma_wait3A_207 = tpu.memref_slice %arg6[%dma_wait3A_205, %dma_wait3A_206] : memref<1024x16xf32, #tpu.memory_space<vmem>> -> memref<512x16xf32, #tpu.memory_space<vmem>>
    %dma_wait3A_208 = tpu.memref_slice %arg3[%add3A_143, %mul3A_4] : memref<32768x128xf32, #tpu.memory_space<hbm>> -> memref<512x16xf32, #tpu.memory_space<hbm>>
    %dma_wait3A_209 = arith.constant 0 : i32
    %dma_wait3A_210 = arith.constant 0 : i32
    %dma_wait3A_211 = tpu.memref_slice %arg6[%dma_wait3A_209, %dma_wait3A_210] : memref<1024x16xf32, #tpu.memory_space<vmem>> -> memref<512x16xf32, #tpu.memory_space<vmem>>
    %dma_wait3A_212 = tpu.memref_slice %arg3[%add3A_143, %mul3A_4] : memref<32768x128xf32, #tpu.memory_space<hbm>> -> memref<512x16xf32, #tpu.memory_space<hbm>>
    tpu.wait_dma2 semaphore(%arg11 : memref<!tpu.dma_semaphore, #tpu.memory_space<semaphore_mem>>) src(%dma_wait3A_212 : memref<512x16xf32, #tpu.memory_space<hbm>>) dst(%dma_wait3A_211 : memref<512x16xf32, #tpu.memory_space<vmem>>)
    %parallel_loop3A_213 = arith.constant 0 : i32
    %parallel_loop3A_214 = arith.constant 512 : i32
    %parallel_loop3A_215 = arith.constant 1 : i32
    scf.for %parallel_loop3A_718 = %parallel_loop3A_213 to %parallel_loop3A_214 step %parallel_loop3A_215  : i32 {
      %parallel_loop3A_719 = arith.constant 0 : i32
      %parallel_loop3A_720 = arith.addi %parallel_loop3A_719, %parallel_loop3A_718 : i32
      %parallel_loop3A_721 = arith.index_cast %parallel_loop3A_720 : i32 to index
      %parallel_loop3A_722 = arith.constant 0 : index
      %parallel_loop3A_723 = tpu.vector_load %arg5[%parallel_loop3A_721, %parallel_loop3A_722] {strides = array<i32>} : memref<1024x16xf32, #tpu.memory_space<vmem>>, vector<16xf32>,
      %parallel_loop3A_724 = arith.constant 0 : i32
      %parallel_loop3A_725 = arith.addi %parallel_loop3A_724, %parallel_loop3A_718 : i32
      %parallel_loop3A_726 = arith.index_cast %parallel_loop3A_725 : i32 to index
      %parallel_loop3A_727 = arith.constant 0 : index
      %parallel_loop3A_728 = tpu.vector_load %arg6[%parallel_loop3A_726, %parallel_loop3A_727] {strides = array<i32>} : memref<1024x16xf32, #tpu.memory_space<vmem>>, vector<16xf32>,
      %parallel_loop3A_729 = arith.subf %parallel_loop3A_723, %parallel_loop3A_728 : vector<16xf32>
      %parallel_loop3A_730 = vector.bitcast %parallel_loop3A_729 : vector<16xf32> to vector<16xi32>
      %parallel_loop3A_731 = arith.constant 17 : i32
      %parallel_loop3A_732 = vector.broadcast %parallel_loop3A_731 : i32 to vector<16xi32>
      %parallel_loop3A_733 = arith.shrui %parallel_loop3A_730, %parallel_loop3A_732 : vector<16xi32>
      %parallel_loop3A_734 = arith.constant 16368 : i32
      %parallel_loop3A_735 = vector.broadcast %parallel_loop3A_734 : i32 to vector<16xi32>
      %parallel_loop3A_736 = arith.andi %parallel_loop3A_733, %parallel_loop3A_735 : vector<16xi32>
      %parallel_loop3A_737 = arith.ori %parallel_loop3A_736, %iota3A : vector<16xi32>
      tpu.vector_store_idx %arg7[%parallel_loop3A_737], %broadcast_in_dim3A_7 {add = true} : memref<16384xi32, #tpu.memory_space<vmem>>[vector<16xi32>], vector<16xi32>,
      %parallel_loop3A_738 = arith.mulf %parallel_loop3A_729, %parallel_loop3A_729 : vector<16xf32>
      tpu.vector_store_idx %arg8[%parallel_loop3A_737], %parallel_loop3A_738 {add = true} : memref<16384xf32, #tpu.memory_space<vmem>>[vector<16xi32>], vector<16xf32>,
    } {sc.loop_unroll_factor = 8 : i64, sc.parallel_access}
    %add3A_216 = arith.constant 3072 : i32
    %add3A_217 = arith.addi %mul3A_6, %add3A_216 : i32
    %dma_start3A_218 = arith.constant 0 : i32
    %dma_start3A_219 = arith.constant 0 : i32
    %dma_start3A_220 = tpu.memref_slice %arg5[%dma_start3A_218, %dma_start3A_219] : memref<1024x16xf32, #tpu.memory_space<vmem>> -> memref<512x16xf32, #tpu.memory_space<vmem>>
    %dma_start3A_221 = tpu.memref_slice %arg2[%add3A_217, %mul3A_4] : memref<32768x128xf32, #tpu.memory_space<hbm>> -> memref<512x16xf32, #tpu.memory_space<hbm>>
    %dma_start3A_222 = arith.constant 0 : i32
    %dma_start3A_223 = arith.constant 0 : i32
    %dma_start3A_224 = tpu.memref_slice %arg5[%dma_start3A_222, %dma_start3A_223] : memref<1024x16xf32, #tpu.memory_space<vmem>> -> memref<512x16xf32, #tpu.memory_space<vmem>>
    %dma_start3A_225 = tpu.memref_slice %arg2[%add3A_217, %mul3A_4] : memref<32768x128xf32, #tpu.memory_space<hbm>> -> memref<512x16xf32, #tpu.memory_space<hbm>>
    tpu.enqueue_dma source(%dma_start3A_225 : memref<512x16xf32, #tpu.memory_space<hbm>>) target(%dma_start3A_224 : memref<512x16xf32, #tpu.memory_space<vmem>>) target_semaphore(%arg10 : memref<!tpu.dma_semaphore, #tpu.memory_space<semaphore_mem>>)
    %dma_start3A_226 = arith.constant 0 : i32
    %dma_start3A_227 = arith.constant 0 : i32
    %dma_start3A_228 = tpu.memref_slice %arg6[%dma_start3A_226, %dma_start3A_227] : memref<1024x16xf32, #tpu.memory_space<vmem>> -> memref<512x16xf32, #tpu.memory_space<vmem>>
    %dma_start3A_229 = tpu.memref_slice %arg3[%add3A_217, %mul3A_4] : memref<32768x128xf32, #tpu.memory_space<hbm>> -> memref<512x16xf32, #tpu.memory_space<hbm>>
    %dma_start3A_230 = arith.constant 0 : i32
    %dma_start3A_231 = arith.constant 0 : i32
    %dma_start3A_232 = tpu.memref_slice %arg6[%dma_start3A_230, %dma_start3A_231] : memref<1024x16xf32, #tpu.memory_space<vmem>> -> memref<512x16xf32, #tpu.memory_space<vmem>>
    %dma_start3A_233 = tpu.memref_slice %arg3[%add3A_217, %mul3A_4] : memref<32768x128xf32, #tpu.memory_space<hbm>> -> memref<512x16xf32, #tpu.memory_space<hbm>>
    tpu.enqueue_dma source(%dma_start3A_233 : memref<512x16xf32, #tpu.memory_space<hbm>>) target(%dma_start3A_232 : memref<512x16xf32, #tpu.memory_space<vmem>>) target_semaphore(%arg11 : memref<!tpu.dma_semaphore, #tpu.memory_space<semaphore_mem>>)
    %dma_wait3A_234 = arith.constant 512 : i32
    %dma_wait3A_235 = arith.constant 0 : i32
    %dma_wait3A_236 = tpu.memref_slice %arg5[%dma_wait3A_234, %dma_wait3A_235] : memref<1024x16xf32, #tpu.memory_space<vmem>> -> memref<512x16xf32, #tpu.memory_space<vmem>>
    %dma_wait3A_237 = tpu.memref_slice %arg2[%add3A_180, %mul3A_4] : memref<32768x128xf32, #tpu.memory_space<hbm>> -> memref<512x16xf32, #tpu.memory_space<hbm>>
    %dma_wait3A_238 = arith.constant 512 : i32
    %dma_wait3A_239 = arith.constant 0 : i32
    %dma_wait3A_240 = tpu.memref_slice %arg5[%dma_wait3A_238, %dma_wait3A_239] : memref<1024x16xf32, #tpu.memory_space<vmem>> -> memref<512x16xf32, #tpu.memory_space<vmem>>
    %dma_wait3A_241 = tpu.memref_slice %arg2[%add3A_180, %mul3A_4] : memref<32768x128xf32, #tpu.memory_space<hbm>> -> memref<512x16xf32, #tpu.memory_space<hbm>>
    tpu.wait_dma2 semaphore(%arg12 : memref<!tpu.dma_semaphore, #tpu.memory_space<semaphore_mem>>) src(%dma_wait3A_241 : memref<512x16xf32, #tpu.memory_space<hbm>>) dst(%dma_wait3A_240 : memref<512x16xf32, #tpu.memory_space<vmem>>)
    %dma_wait3A_242 = arith.constant 512 : i32
    %dma_wait3A_243 = arith.constant 0 : i32
    %dma_wait3A_244 = tpu.memref_slice %arg6[%dma_wait3A_242, %dma_wait3A_243] : memref<1024x16xf32, #tpu.memory_space<vmem>> -> memref<512x16xf32, #tpu.memory_space<vmem>>
    %dma_wait3A_245 = tpu.memref_slice %arg3[%add3A_180, %mul3A_4] : memref<32768x128xf32, #tpu.memory_space<hbm>> -> memref<512x16xf32, #tpu.memory_space<hbm>>
    %dma_wait3A_246 = arith.constant 512 : i32
    %dma_wait3A_247 = arith.constant 0 : i32
    %dma_wait3A_248 = tpu.memref_slice %arg6[%dma_wait3A_246, %dma_wait3A_247] : memref<1024x16xf32, #tpu.memory_space<vmem>> -> memref<512x16xf32, #tpu.memory_space<vmem>>
    %dma_wait3A_249 = tpu.memref_slice %arg3[%add3A_180, %mul3A_4] : memref<32768x128xf32, #tpu.memory_space<hbm>> -> memref<512x16xf32, #tpu.memory_space<hbm>>
    tpu.wait_dma2 semaphore(%arg13 : memref<!tpu.dma_semaphore, #tpu.memory_space<semaphore_mem>>) src(%dma_wait3A_249 : memref<512x16xf32, #tpu.memory_space<hbm>>) dst(%dma_wait3A_248 : memref<512x16xf32, #tpu.memory_space<vmem>>)
    %parallel_loop3A_250 = arith.constant 0 : i32
    %parallel_loop3A_251 = arith.constant 512 : i32
    %parallel_loop3A_252 = arith.constant 1 : i32
    scf.for %parallel_loop3A_718 = %parallel_loop3A_250 to %parallel_loop3A_251 step %parallel_loop3A_252  : i32 {
      %parallel_loop3A_719 = arith.constant 512 : i32
      %parallel_loop3A_720 = arith.addi %parallel_loop3A_719, %parallel_loop3A_718 : i32
      %parallel_loop3A_721 = arith.index_cast %parallel_loop3A_720 : i32 to index
      %parallel_loop3A_722 = arith.constant 0 : index
      %parallel_loop3A_723 = tpu.vector_load %arg5[%parallel_loop3A_721, %parallel_loop3A_722] {strides = array<i32>} : memref<1024x16xf32, #tpu.memory_space<vmem>>, vector<16xf32>,
      %parallel_loop3A_724 = arith.constant 512 : i32
      %parallel_loop3A_725 = arith.addi %parallel_loop3A_724, %parallel_loop3A_718 : i32
      %parallel_loop3A_726 = arith.index_cast %parallel_loop3A_725 : i32 to index
      %parallel_loop3A_727 = arith.constant 0 : index
      %parallel_loop3A_728 = tpu.vector_load %arg6[%parallel_loop3A_726, %parallel_loop3A_727] {strides = array<i32>} : memref<1024x16xf32, #tpu.memory_space<vmem>>, vector<16xf32>,
      %parallel_loop3A_729 = arith.subf %parallel_loop3A_723, %parallel_loop3A_728 : vector<16xf32>
      %parallel_loop3A_730 = vector.bitcast %parallel_loop3A_729 : vector<16xf32> to vector<16xi32>
      %parallel_loop3A_731 = arith.constant 17 : i32
      %parallel_loop3A_732 = vector.broadcast %parallel_loop3A_731 : i32 to vector<16xi32>
      %parallel_loop3A_733 = arith.shrui %parallel_loop3A_730, %parallel_loop3A_732 : vector<16xi32>
      %parallel_loop3A_734 = arith.constant 16368 : i32
      %parallel_loop3A_735 = vector.broadcast %parallel_loop3A_734 : i32 to vector<16xi32>
      %parallel_loop3A_736 = arith.andi %parallel_loop3A_733, %parallel_loop3A_735 : vector<16xi32>
      %parallel_loop3A_737 = arith.ori %parallel_loop3A_736, %iota3A : vector<16xi32>
      tpu.vector_store_idx %arg7[%parallel_loop3A_737], %broadcast_in_dim3A_7 {add = true} : memref<16384xi32, #tpu.memory_space<vmem>>[vector<16xi32>], vector<16xi32>,
      %parallel_loop3A_738 = arith.mulf %parallel_loop3A_729, %parallel_loop3A_729 : vector<16xf32>
      tpu.vector_store_idx %arg8[%parallel_loop3A_737], %parallel_loop3A_738 {add = true} : memref<16384xf32, #tpu.memory_space<vmem>>[vector<16xi32>], vector<16xf32>,
    } {sc.loop_unroll_factor = 8 : i64, sc.parallel_access}
    %add3A_253 = arith.constant 3584 : i32
    %add3A_254 = arith.addi %mul3A_6, %add3A_253 : i32
    %dma_start3A_255 = arith.constant 512 : i32
    %dma_start3A_256 = arith.constant 0 : i32
    %dma_start3A_257 = tpu.memref_slice %arg5[%dma_start3A_255, %dma_start3A_256] : memref<1024x16xf32, #tpu.memory_space<vmem>> -> memref<512x16xf32, #tpu.memory_space<vmem>>
    %dma_start3A_258 = tpu.memref_slice %arg2[%add3A_254, %mul3A_4] : memref<32768x128xf32, #tpu.memory_space<hbm>> -> memref<512x16xf32, #tpu.memory_space<hbm>>
    %dma_start3A_259 = arith.constant 512 : i32
    %dma_start3A_260 = arith.constant 0 : i32
    %dma_start3A_261 = tpu.memref_slice %arg5[%dma_start3A_259, %dma_start3A_260] : memref<1024x16xf32, #tpu.memory_space<vmem>> -> memref<512x16xf32, #tpu.memory_space<vmem>>
    %dma_start3A_262 = tpu.memref_slice %arg2[%add3A_254, %mul3A_4] : memref<32768x128xf32, #tpu.memory_space<hbm>> -> memref<512x16xf32, #tpu.memory_space<hbm>>
    tpu.enqueue_dma source(%dma_start3A_262 : memref<512x16xf32, #tpu.memory_space<hbm>>) target(%dma_start3A_261 : memref<512x16xf32, #tpu.memory_space<vmem>>) target_semaphore(%arg12 : memref<!tpu.dma_semaphore, #tpu.memory_space<semaphore_mem>>)
    %dma_start3A_263 = arith.constant 512 : i32
    %dma_start3A_264 = arith.constant 0 : i32
    %dma_start3A_265 = tpu.memref_slice %arg6[%dma_start3A_263, %dma_start3A_264] : memref<1024x16xf32, #tpu.memory_space<vmem>> -> memref<512x16xf32, #tpu.memory_space<vmem>>
    %dma_start3A_266 = tpu.memref_slice %arg3[%add3A_254, %mul3A_4] : memref<32768x128xf32, #tpu.memory_space<hbm>> -> memref<512x16xf32, #tpu.memory_space<hbm>>
    %dma_start3A_267 = arith.constant 512 : i32
    %dma_start3A_268 = arith.constant 0 : i32
    %dma_start3A_269 = tpu.memref_slice %arg6[%dma_start3A_267, %dma_start3A_268] : memref<1024x16xf32, #tpu.memory_space<vmem>> -> memref<512x16xf32, #tpu.memory_space<vmem>>
    %dma_start3A_270 = tpu.memref_slice %arg3[%add3A_254, %mul3A_4] : memref<32768x128xf32, #tpu.memory_space<hbm>> -> memref<512x16xf32, #tpu.memory_space<hbm>>
    tpu.enqueue_dma source(%dma_start3A_270 : memref<512x16xf32, #tpu.memory_space<hbm>>) target(%dma_start3A_269 : memref<512x16xf32, #tpu.memory_space<vmem>>) target_semaphore(%arg13 : memref<!tpu.dma_semaphore, #tpu.memory_space<semaphore_mem>>)
    %dma_wait3A_271 = arith.constant 0 : i32
    %dma_wait3A_272 = arith.constant 0 : i32
    %dma_wait3A_273 = tpu.memref_slice %arg5[%dma_wait3A_271, %dma_wait3A_272] : memref<1024x16xf32, #tpu.memory_space<vmem>> -> memref<512x16xf32, #tpu.memory_space<vmem>>
    %dma_wait3A_274 = tpu.memref_slice %arg2[%add3A_217, %mul3A_4] : memref<32768x128xf32, #tpu.memory_space<hbm>> -> memref<512x16xf32, #tpu.memory_space<hbm>>
    %dma_wait3A_275 = arith.constant 0 : i32
    %dma_wait3A_276 = arith.constant 0 : i32
    %dma_wait3A_277 = tpu.memref_slice %arg5[%dma_wait3A_275, %dma_wait3A_276] : memref<1024x16xf32, #tpu.memory_space<vmem>> -> memref<512x16xf32, #tpu.memory_space<vmem>>
    %dma_wait3A_278 = tpu.memref_slice %arg2[%add3A_217, %mul3A_4] : memref<32768x128xf32, #tpu.memory_space<hbm>> -> memref<512x16xf32, #tpu.memory_space<hbm>>
    tpu.wait_dma2 semaphore(%arg10 : memref<!tpu.dma_semaphore, #tpu.memory_space<semaphore_mem>>) src(%dma_wait3A_278 : memref<512x16xf32, #tpu.memory_space<hbm>>) dst(%dma_wait3A_277 : memref<512x16xf32, #tpu.memory_space<vmem>>)
    %dma_wait3A_279 = arith.constant 0 : i32
    %dma_wait3A_280 = arith.constant 0 : i32
    %dma_wait3A_281 = tpu.memref_slice %arg6[%dma_wait3A_279, %dma_wait3A_280] : memref<1024x16xf32, #tpu.memory_space<vmem>> -> memref<512x16xf32, #tpu.memory_space<vmem>>
    %dma_wait3A_282 = tpu.memref_slice %arg3[%add3A_217, %mul3A_4] : memref<32768x128xf32, #tpu.memory_space<hbm>> -> memref<512x16xf32, #tpu.memory_space<hbm>>
    %dma_wait3A_283 = arith.constant 0 : i32
    %dma_wait3A_284 = arith.constant 0 : i32
    %dma_wait3A_285 = tpu.memref_slice %arg6[%dma_wait3A_283, %dma_wait3A_284] : memref<1024x16xf32, #tpu.memory_space<vmem>> -> memref<512x16xf32, #tpu.memory_space<vmem>>
    %dma_wait3A_286 = tpu.memref_slice %arg3[%add3A_217, %mul3A_4] : memref<32768x128xf32, #tpu.memory_space<hbm>> -> memref<512x16xf32, #tpu.memory_space<hbm>>
    tpu.wait_dma2 semaphore(%arg11 : memref<!tpu.dma_semaphore, #tpu.memory_space<semaphore_mem>>) src(%dma_wait3A_286 : memref<512x16xf32, #tpu.memory_space<hbm>>) dst(%dma_wait3A_285 : memref<512x16xf32, #tpu.memory_space<vmem>>)
    %parallel_loop3A_287 = arith.constant 0 : i32
    %parallel_loop3A_288 = arith.constant 512 : i32
    %parallel_loop3A_289 = arith.constant 1 : i32
    scf.for %parallel_loop3A_718 = %parallel_loop3A_287 to %parallel_loop3A_288 step %parallel_loop3A_289  : i32 {
      %parallel_loop3A_719 = arith.constant 0 : i32
      %parallel_loop3A_720 = arith.addi %parallel_loop3A_719, %parallel_loop3A_718 : i32
      %parallel_loop3A_721 = arith.index_cast %parallel_loop3A_720 : i32 to index
      %parallel_loop3A_722 = arith.constant 0 : index
      %parallel_loop3A_723 = tpu.vector_load %arg5[%parallel_loop3A_721, %parallel_loop3A_722] {strides = array<i32>} : memref<1024x16xf32, #tpu.memory_space<vmem>>, vector<16xf32>,
      %parallel_loop3A_724 = arith.constant 0 : i32
      %parallel_loop3A_725 = arith.addi %parallel_loop3A_724, %parallel_loop3A_718 : i32
      %parallel_loop3A_726 = arith.index_cast %parallel_loop3A_725 : i32 to index
      %parallel_loop3A_727 = arith.constant 0 : index
      %parallel_loop3A_728 = tpu.vector_load %arg6[%parallel_loop3A_726, %parallel_loop3A_727] {strides = array<i32>} : memref<1024x16xf32, #tpu.memory_space<vmem>>, vector<16xf32>,
      %parallel_loop3A_729 = arith.subf %parallel_loop3A_723, %parallel_loop3A_728 : vector<16xf32>
      %parallel_loop3A_730 = vector.bitcast %parallel_loop3A_729 : vector<16xf32> to vector<16xi32>
      %parallel_loop3A_731 = arith.constant 17 : i32
      %parallel_loop3A_732 = vector.broadcast %parallel_loop3A_731 : i32 to vector<16xi32>
      %parallel_loop3A_733 = arith.shrui %parallel_loop3A_730, %parallel_loop3A_732 : vector<16xi32>
      %parallel_loop3A_734 = arith.constant 16368 : i32
      %parallel_loop3A_735 = vector.broadcast %parallel_loop3A_734 : i32 to vector<16xi32>
      %parallel_loop3A_736 = arith.andi %parallel_loop3A_733, %parallel_loop3A_735 : vector<16xi32>
      %parallel_loop3A_737 = arith.ori %parallel_loop3A_736, %iota3A : vector<16xi32>
      tpu.vector_store_idx %arg7[%parallel_loop3A_737], %broadcast_in_dim3A_7 {add = true} : memref<16384xi32, #tpu.memory_space<vmem>>[vector<16xi32>], vector<16xi32>,
      %parallel_loop3A_738 = arith.mulf %parallel_loop3A_729, %parallel_loop3A_729 : vector<16xf32>
      tpu.vector_store_idx %arg8[%parallel_loop3A_737], %parallel_loop3A_738 {add = true} : memref<16384xf32, #tpu.memory_space<vmem>>[vector<16xi32>], vector<16xf32>,
    } {sc.loop_unroll_factor = 8 : i64, sc.parallel_access}
    %add3A_290 = arith.constant 4096 : i32
    %add3A_291 = arith.addi %mul3A_6, %add3A_290 : i32
    %dma_start3A_292 = arith.constant 0 : i32
    %dma_start3A_293 = arith.constant 0 : i32
    %dma_start3A_294 = tpu.memref_slice %arg5[%dma_start3A_292, %dma_start3A_293] : memref<1024x16xf32, #tpu.memory_space<vmem>> -> memref<512x16xf32, #tpu.memory_space<vmem>>
    %dma_start3A_295 = tpu.memref_slice %arg2[%add3A_291, %mul3A_4] : memref<32768x128xf32, #tpu.memory_space<hbm>> -> memref<512x16xf32, #tpu.memory_space<hbm>>
    %dma_start3A_296 = arith.constant 0 : i32
    %dma_start3A_297 = arith.constant 0 : i32
    %dma_start3A_298 = tpu.memref_slice %arg5[%dma_start3A_296, %dma_start3A_297] : memref<1024x16xf32, #tpu.memory_space<vmem>> -> memref<512x16xf32, #tpu.memory_space<vmem>>
    %dma_start3A_299 = tpu.memref_slice %arg2[%add3A_291, %mul3A_4] : memref<32768x128xf32, #tpu.memory_space<hbm>> -> memref<512x16xf32, #tpu.memory_space<hbm>>
    tpu.enqueue_dma source(%dma_start3A_299 : memref<512x16xf32, #tpu.memory_space<hbm>>) target(%dma_start3A_298 : memref<512x16xf32, #tpu.memory_space<vmem>>) target_semaphore(%arg10 : memref<!tpu.dma_semaphore, #tpu.memory_space<semaphore_mem>>)
    %dma_start3A_300 = arith.constant 0 : i32
    %dma_start3A_301 = arith.constant 0 : i32
    %dma_start3A_302 = tpu.memref_slice %arg6[%dma_start3A_300, %dma_start3A_301] : memref<1024x16xf32, #tpu.memory_space<vmem>> -> memref<512x16xf32, #tpu.memory_space<vmem>>
    %dma_start3A_303 = tpu.memref_slice %arg3[%add3A_291, %mul3A_4] : memref<32768x128xf32, #tpu.memory_space<hbm>> -> memref<512x16xf32, #tpu.memory_space<hbm>>
    %dma_start3A_304 = arith.constant 0 : i32
    %dma_start3A_305 = arith.constant 0 : i32
    %dma_start3A_306 = tpu.memref_slice %arg6[%dma_start3A_304, %dma_start3A_305] : memref<1024x16xf32, #tpu.memory_space<vmem>> -> memref<512x16xf32, #tpu.memory_space<vmem>>
    %dma_start3A_307 = tpu.memref_slice %arg3[%add3A_291, %mul3A_4] : memref<32768x128xf32, #tpu.memory_space<hbm>> -> memref<512x16xf32, #tpu.memory_space<hbm>>
    tpu.enqueue_dma source(%dma_start3A_307 : memref<512x16xf32, #tpu.memory_space<hbm>>) target(%dma_start3A_306 : memref<512x16xf32, #tpu.memory_space<vmem>>) target_semaphore(%arg11 : memref<!tpu.dma_semaphore, #tpu.memory_space<semaphore_mem>>)
    %dma_wait3A_308 = arith.constant 512 : i32
    %dma_wait3A_309 = arith.constant 0 : i32
    %dma_wait3A_310 = tpu.memref_slice %arg5[%dma_wait3A_308, %dma_wait3A_309] : memref<1024x16xf32, #tpu.memory_space<vmem>> -> memref<512x16xf32, #tpu.memory_space<vmem>>
    %dma_wait3A_311 = tpu.memref_slice %arg2[%add3A_254, %mul3A_4] : memref<32768x128xf32, #tpu.memory_space<hbm>> -> memref<512x16xf32, #tpu.memory_space<hbm>>
    %dma_wait3A_312 = arith.constant 512 : i32
    %dma_wait3A_313 = arith.constant 0 : i32
    %dma_wait3A_314 = tpu.memref_slice %arg5[%dma_wait3A_312, %dma_wait3A_313] : memref<1024x16xf32, #tpu.memory_space<vmem>> -> memref<512x16xf32, #tpu.memory_space<vmem>>
    %dma_wait3A_315 = tpu.memref_slice %arg2[%add3A_254, %mul3A_4] : memref<32768x128xf32, #tpu.memory_space<hbm>> -> memref<512x16xf32, #tpu.memory_space<hbm>>
    tpu.wait_dma2 semaphore(%arg12 : memref<!tpu.dma_semaphore, #tpu.memory_space<semaphore_mem>>) src(%dma_wait3A_315 : memref<512x16xf32, #tpu.memory_space<hbm>>) dst(%dma_wait3A_314 : memref<512x16xf32, #tpu.memory_space<vmem>>)
    %dma_wait3A_316 = arith.constant 512 : i32
    %dma_wait3A_317 = arith.constant 0 : i32
    %dma_wait3A_318 = tpu.memref_slice %arg6[%dma_wait3A_316, %dma_wait3A_317] : memref<1024x16xf32, #tpu.memory_space<vmem>> -> memref<512x16xf32, #tpu.memory_space<vmem>>
    %dma_wait3A_319 = tpu.memref_slice %arg3[%add3A_254, %mul3A_4] : memref<32768x128xf32, #tpu.memory_space<hbm>> -> memref<512x16xf32, #tpu.memory_space<hbm>>
    %dma_wait3A_320 = arith.constant 512 : i32
    %dma_wait3A_321 = arith.constant 0 : i32
    %dma_wait3A_322 = tpu.memref_slice %arg6[%dma_wait3A_320, %dma_wait3A_321] : memref<1024x16xf32, #tpu.memory_space<vmem>> -> memref<512x16xf32, #tpu.memory_space<vmem>>
    %dma_wait3A_323 = tpu.memref_slice %arg3[%add3A_254, %mul3A_4] : memref<32768x128xf32, #tpu.memory_space<hbm>> -> memref<512x16xf32, #tpu.memory_space<hbm>>
    tpu.wait_dma2 semaphore(%arg13 : memref<!tpu.dma_semaphore, #tpu.memory_space<semaphore_mem>>) src(%dma_wait3A_323 : memref<512x16xf32, #tpu.memory_space<hbm>>) dst(%dma_wait3A_322 : memref<512x16xf32, #tpu.memory_space<vmem>>)
    %parallel_loop3A_324 = arith.constant 0 : i32
    %parallel_loop3A_325 = arith.constant 512 : i32
    %parallel_loop3A_326 = arith.constant 1 : i32
    scf.for %parallel_loop3A_718 = %parallel_loop3A_324 to %parallel_loop3A_325 step %parallel_loop3A_326  : i32 {
      %parallel_loop3A_719 = arith.constant 512 : i32
      %parallel_loop3A_720 = arith.addi %parallel_loop3A_719, %parallel_loop3A_718 : i32
      %parallel_loop3A_721 = arith.index_cast %parallel_loop3A_720 : i32 to index
      %parallel_loop3A_722 = arith.constant 0 : index
      %parallel_loop3A_723 = tpu.vector_load %arg5[%parallel_loop3A_721, %parallel_loop3A_722] {strides = array<i32>} : memref<1024x16xf32, #tpu.memory_space<vmem>>, vector<16xf32>,
      %parallel_loop3A_724 = arith.constant 512 : i32
      %parallel_loop3A_725 = arith.addi %parallel_loop3A_724, %parallel_loop3A_718 : i32
      %parallel_loop3A_726 = arith.index_cast %parallel_loop3A_725 : i32 to index
      %parallel_loop3A_727 = arith.constant 0 : index
      %parallel_loop3A_728 = tpu.vector_load %arg6[%parallel_loop3A_726, %parallel_loop3A_727] {strides = array<i32>} : memref<1024x16xf32, #tpu.memory_space<vmem>>, vector<16xf32>,
      %parallel_loop3A_729 = arith.subf %parallel_loop3A_723, %parallel_loop3A_728 : vector<16xf32>
      %parallel_loop3A_730 = vector.bitcast %parallel_loop3A_729 : vector<16xf32> to vector<16xi32>
      %parallel_loop3A_731 = arith.constant 17 : i32
      %parallel_loop3A_732 = vector.broadcast %parallel_loop3A_731 : i32 to vector<16xi32>
      %parallel_loop3A_733 = arith.shrui %parallel_loop3A_730, %parallel_loop3A_732 : vector<16xi32>
      %parallel_loop3A_734 = arith.constant 16368 : i32
      %parallel_loop3A_735 = vector.broadcast %parallel_loop3A_734 : i32 to vector<16xi32>
      %parallel_loop3A_736 = arith.andi %parallel_loop3A_733, %parallel_loop3A_735 : vector<16xi32>
      %parallel_loop3A_737 = arith.ori %parallel_loop3A_736, %iota3A : vector<16xi32>
      tpu.vector_store_idx %arg7[%parallel_loop3A_737], %broadcast_in_dim3A_7 {add = true} : memref<16384xi32, #tpu.memory_space<vmem>>[vector<16xi32>], vector<16xi32>,
      %parallel_loop3A_738 = arith.mulf %parallel_loop3A_729, %parallel_loop3A_729 : vector<16xf32>
      tpu.vector_store_idx %arg8[%parallel_loop3A_737], %parallel_loop3A_738 {add = true} : memref<16384xf32, #tpu.memory_space<vmem>>[vector<16xi32>], vector<16xf32>,
    } {sc.loop_unroll_factor = 8 : i64, sc.parallel_access}
    %add3A_327 = arith.constant 4608 : i32
    %add3A_328 = arith.addi %mul3A_6, %add3A_327 : i32
    %dma_start3A_329 = arith.constant 512 : i32
    %dma_start3A_330 = arith.constant 0 : i32
    %dma_start3A_331 = tpu.memref_slice %arg5[%dma_start3A_329, %dma_start3A_330] : memref<1024x16xf32, #tpu.memory_space<vmem>> -> memref<512x16xf32, #tpu.memory_space<vmem>>
    %dma_start3A_332 = tpu.memref_slice %arg2[%add3A_328, %mul3A_4] : memref<32768x128xf32, #tpu.memory_space<hbm>> -> memref<512x16xf32, #tpu.memory_space<hbm>>
    %dma_start3A_333 = arith.constant 512 : i32
    %dma_start3A_334 = arith.constant 0 : i32
    %dma_start3A_335 = tpu.memref_slice %arg5[%dma_start3A_333, %dma_start3A_334] : memref<1024x16xf32, #tpu.memory_space<vmem>> -> memref<512x16xf32, #tpu.memory_space<vmem>>
    %dma_start3A_336 = tpu.memref_slice %arg2[%add3A_328, %mul3A_4] : memref<32768x128xf32, #tpu.memory_space<hbm>> -> memref<512x16xf32, #tpu.memory_space<hbm>>
    tpu.enqueue_dma source(%dma_start3A_336 : memref<512x16xf32, #tpu.memory_space<hbm>>) target(%dma_start3A_335 : memref<512x16xf32, #tpu.memory_space<vmem>>) target_semaphore(%arg12 : memref<!tpu.dma_semaphore, #tpu.memory_space<semaphore_mem>>)
    %dma_start3A_337 = arith.constant 512 : i32
    %dma_start3A_338 = arith.constant 0 : i32
    %dma_start3A_339 = tpu.memref_slice %arg6[%dma_start3A_337, %dma_start3A_338] : memref<1024x16xf32, #tpu.memory_space<vmem>> -> memref<512x16xf32, #tpu.memory_space<vmem>>
    %dma_start3A_340 = tpu.memref_slice %arg3[%add3A_328, %mul3A_4] : memref<32768x128xf32, #tpu.memory_space<hbm>> -> memref<512x16xf32, #tpu.memory_space<hbm>>
    %dma_start3A_341 = arith.constant 512 : i32
    %dma_start3A_342 = arith.constant 0 : i32
    %dma_start3A_343 = tpu.memref_slice %arg6[%dma_start3A_341, %dma_start3A_342] : memref<1024x16xf32, #tpu.memory_space<vmem>> -> memref<512x16xf32, #tpu.memory_space<vmem>>
    %dma_start3A_344 = tpu.memref_slice %arg3[%add3A_328, %mul3A_4] : memref<32768x128xf32, #tpu.memory_space<hbm>> -> memref<512x16xf32, #tpu.memory_space<hbm>>
    tpu.enqueue_dma source(%dma_start3A_344 : memref<512x16xf32, #tpu.memory_space<hbm>>) target(%dma_start3A_343 : memref<512x16xf32, #tpu.memory_space<vmem>>) target_semaphore(%arg13 : memref<!tpu.dma_semaphore, #tpu.memory_space<semaphore_mem>>)
    %dma_wait3A_345 = arith.constant 0 : i32
    %dma_wait3A_346 = arith.constant 0 : i32
    %dma_wait3A_347 = tpu.memref_slice %arg5[%dma_wait3A_345, %dma_wait3A_346] : memref<1024x16xf32, #tpu.memory_space<vmem>> -> memref<512x16xf32, #tpu.memory_space<vmem>>
    %dma_wait3A_348 = tpu.memref_slice %arg2[%add3A_291, %mul3A_4] : memref<32768x128xf32, #tpu.memory_space<hbm>> -> memref<512x16xf32, #tpu.memory_space<hbm>>
    %dma_wait3A_349 = arith.constant 0 : i32
    %dma_wait3A_350 = arith.constant 0 : i32
    %dma_wait3A_351 = tpu.memref_slice %arg5[%dma_wait3A_349, %dma_wait3A_350] : memref<1024x16xf32, #tpu.memory_space<vmem>> -> memref<512x16xf32, #tpu.memory_space<vmem>>
    %dma_wait3A_352 = tpu.memref_slice %arg2[%add3A_291, %mul3A_4] : memref<32768x128xf32, #tpu.memory_space<hbm>> -> memref<512x16xf32, #tpu.memory_space<hbm>>
    tpu.wait_dma2 semaphore(%arg10 : memref<!tpu.dma_semaphore, #tpu.memory_space<semaphore_mem>>) src(%dma_wait3A_352 : memref<512x16xf32, #tpu.memory_space<hbm>>) dst(%dma_wait3A_351 : memref<512x16xf32, #tpu.memory_space<vmem>>)
    %dma_wait3A_353 = arith.constant 0 : i32
    %dma_wait3A_354 = arith.constant 0 : i32
    %dma_wait3A_355 = tpu.memref_slice %arg6[%dma_wait3A_353, %dma_wait3A_354] : memref<1024x16xf32, #tpu.memory_space<vmem>> -> memref<512x16xf32, #tpu.memory_space<vmem>>
    %dma_wait3A_356 = tpu.memref_slice %arg3[%add3A_291, %mul3A_4] : memref<32768x128xf32, #tpu.memory_space<hbm>> -> memref<512x16xf32, #tpu.memory_space<hbm>>
    %dma_wait3A_357 = arith.constant 0 : i32
    %dma_wait3A_358 = arith.constant 0 : i32
    %dma_wait3A_359 = tpu.memref_slice %arg6[%dma_wait3A_357, %dma_wait3A_358] : memref<1024x16xf32, #tpu.memory_space<vmem>> -> memref<512x16xf32, #tpu.memory_space<vmem>>
    %dma_wait3A_360 = tpu.memref_slice %arg3[%add3A_291, %mul3A_4] : memref<32768x128xf32, #tpu.memory_space<hbm>> -> memref<512x16xf32, #tpu.memory_space<hbm>>
    tpu.wait_dma2 semaphore(%arg11 : memref<!tpu.dma_semaphore, #tpu.memory_space<semaphore_mem>>) src(%dma_wait3A_360 : memref<512x16xf32, #tpu.memory_space<hbm>>) dst(%dma_wait3A_359 : memref<512x16xf32, #tpu.memory_space<vmem>>)
    %parallel_loop3A_361 = arith.constant 0 : i32
    %parallel_loop3A_362 = arith.constant 512 : i32
    %parallel_loop3A_363 = arith.constant 1 : i32
    scf.for %parallel_loop3A_718 = %parallel_loop3A_361 to %parallel_loop3A_362 step %parallel_loop3A_363  : i32 {
      %parallel_loop3A_719 = arith.constant 0 : i32
      %parallel_loop3A_720 = arith.addi %parallel_loop3A_719, %parallel_loop3A_718 : i32
      %parallel_loop3A_721 = arith.index_cast %parallel_loop3A_720 : i32 to index
      %parallel_loop3A_722 = arith.constant 0 : index
      %parallel_loop3A_723 = tpu.vector_load %arg5[%parallel_loop3A_721, %parallel_loop3A_722] {strides = array<i32>} : memref<1024x16xf32, #tpu.memory_space<vmem>>, vector<16xf32>,
      %parallel_loop3A_724 = arith.constant 0 : i32
      %parallel_loop3A_725 = arith.addi %parallel_loop3A_724, %parallel_loop3A_718 : i32
      %parallel_loop3A_726 = arith.index_cast %parallel_loop3A_725 : i32 to index
      %parallel_loop3A_727 = arith.constant 0 : index
      %parallel_loop3A_728 = tpu.vector_load %arg6[%parallel_loop3A_726, %parallel_loop3A_727] {strides = array<i32>} : memref<1024x16xf32, #tpu.memory_space<vmem>>, vector<16xf32>,
      %parallel_loop3A_729 = arith.subf %parallel_loop3A_723, %parallel_loop3A_728 : vector<16xf32>
      %parallel_loop3A_730 = vector.bitcast %parallel_loop3A_729 : vector<16xf32> to vector<16xi32>
      %parallel_loop3A_731 = arith.constant 17 : i32
      %parallel_loop3A_732 = vector.broadcast %parallel_loop3A_731 : i32 to vector<16xi32>
      %parallel_loop3A_733 = arith.shrui %parallel_loop3A_730, %parallel_loop3A_732 : vector<16xi32>
      %parallel_loop3A_734 = arith.constant 16368 : i32
      %parallel_loop3A_735 = vector.broadcast %parallel_loop3A_734 : i32 to vector<16xi32>
      %parallel_loop3A_736 = arith.andi %parallel_loop3A_733, %parallel_loop3A_735 : vector<16xi32>
      %parallel_loop3A_737 = arith.ori %parallel_loop3A_736, %iota3A : vector<16xi32>
      tpu.vector_store_idx %arg7[%parallel_loop3A_737], %broadcast_in_dim3A_7 {add = true} : memref<16384xi32, #tpu.memory_space<vmem>>[vector<16xi32>], vector<16xi32>,
      %parallel_loop3A_738 = arith.mulf %parallel_loop3A_729, %parallel_loop3A_729 : vector<16xf32>
      tpu.vector_store_idx %arg8[%parallel_loop3A_737], %parallel_loop3A_738 {add = true} : memref<16384xf32, #tpu.memory_space<vmem>>[vector<16xi32>], vector<16xf32>,
    } {sc.loop_unroll_factor = 8 : i64, sc.parallel_access}
    %add3A_364 = arith.constant 5120 : i32
    %add3A_365 = arith.addi %mul3A_6, %add3A_364 : i32
    %dma_start3A_366 = arith.constant 0 : i32
    %dma_start3A_367 = arith.constant 0 : i32
    %dma_start3A_368 = tpu.memref_slice %arg5[%dma_start3A_366, %dma_start3A_367] : memref<1024x16xf32, #tpu.memory_space<vmem>> -> memref<512x16xf32, #tpu.memory_space<vmem>>
    %dma_start3A_369 = tpu.memref_slice %arg2[%add3A_365, %mul3A_4] : memref<32768x128xf32, #tpu.memory_space<hbm>> -> memref<512x16xf32, #tpu.memory_space<hbm>>
    %dma_start3A_370 = arith.constant 0 : i32
    %dma_start3A_371 = arith.constant 0 : i32
    %dma_start3A_372 = tpu.memref_slice %arg5[%dma_start3A_370, %dma_start3A_371] : memref<1024x16xf32, #tpu.memory_space<vmem>> -> memref<512x16xf32, #tpu.memory_space<vmem>>
    %dma_start3A_373 = tpu.memref_slice %arg2[%add3A_365, %mul3A_4] : memref<32768x128xf32, #tpu.memory_space<hbm>> -> memref<512x16xf32, #tpu.memory_space<hbm>>
    tpu.enqueue_dma source(%dma_start3A_373 : memref<512x16xf32, #tpu.memory_space<hbm>>) target(%dma_start3A_372 : memref<512x16xf32, #tpu.memory_space<vmem>>) target_semaphore(%arg10 : memref<!tpu.dma_semaphore, #tpu.memory_space<semaphore_mem>>)
    %dma_start3A_374 = arith.constant 0 : i32
    %dma_start3A_375 = arith.constant 0 : i32
    %dma_start3A_376 = tpu.memref_slice %arg6[%dma_start3A_374, %dma_start3A_375] : memref<1024x16xf32, #tpu.memory_space<vmem>> -> memref<512x16xf32, #tpu.memory_space<vmem>>
    %dma_start3A_377 = tpu.memref_slice %arg3[%add3A_365, %mul3A_4] : memref<32768x128xf32, #tpu.memory_space<hbm>> -> memref<512x16xf32, #tpu.memory_space<hbm>>
    %dma_start3A_378 = arith.constant 0 : i32
    %dma_start3A_379 = arith.constant 0 : i32
    %dma_start3A_380 = tpu.memref_slice %arg6[%dma_start3A_378, %dma_start3A_379] : memref<1024x16xf32, #tpu.memory_space<vmem>> -> memref<512x16xf32, #tpu.memory_space<vmem>>
    %dma_start3A_381 = tpu.memref_slice %arg3[%add3A_365, %mul3A_4] : memref<32768x128xf32, #tpu.memory_space<hbm>> -> memref<512x16xf32, #tpu.memory_space<hbm>>
    tpu.enqueue_dma source(%dma_start3A_381 : memref<512x16xf32, #tpu.memory_space<hbm>>) target(%dma_start3A_380 : memref<512x16xf32, #tpu.memory_space<vmem>>) target_semaphore(%arg11 : memref<!tpu.dma_semaphore, #tpu.memory_space<semaphore_mem>>)
    %dma_wait3A_382 = arith.constant 512 : i32
    %dma_wait3A_383 = arith.constant 0 : i32
    %dma_wait3A_384 = tpu.memref_slice %arg5[%dma_wait3A_382, %dma_wait3A_383] : memref<1024x16xf32, #tpu.memory_space<vmem>> -> memref<512x16xf32, #tpu.memory_space<vmem>>
    %dma_wait3A_385 = tpu.memref_slice %arg2[%add3A_328, %mul3A_4] : memref<32768x128xf32, #tpu.memory_space<hbm>> -> memref<512x16xf32, #tpu.memory_space<hbm>>
    %dma_wait3A_386 = arith.constant 512 : i32
    %dma_wait3A_387 = arith.constant 0 : i32
    %dma_wait3A_388 = tpu.memref_slice %arg5[%dma_wait3A_386, %dma_wait3A_387] : memref<1024x16xf32, #tpu.memory_space<vmem>> -> memref<512x16xf32, #tpu.memory_space<vmem>>
    %dma_wait3A_389 = tpu.memref_slice %arg2[%add3A_328, %mul3A_4] : memref<32768x128xf32, #tpu.memory_space<hbm>> -> memref<512x16xf32, #tpu.memory_space<hbm>>
    tpu.wait_dma2 semaphore(%arg12 : memref<!tpu.dma_semaphore, #tpu.memory_space<semaphore_mem>>) src(%dma_wait3A_389 : memref<512x16xf32, #tpu.memory_space<hbm>>) dst(%dma_wait3A_388 : memref<512x16xf32, #tpu.memory_space<vmem>>)
    %dma_wait3A_390 = arith.constant 512 : i32
    %dma_wait3A_391 = arith.constant 0 : i32
    %dma_wait3A_392 = tpu.memref_slice %arg6[%dma_wait3A_390, %dma_wait3A_391] : memref<1024x16xf32, #tpu.memory_space<vmem>> -> memref<512x16xf32, #tpu.memory_space<vmem>>
    %dma_wait3A_393 = tpu.memref_slice %arg3[%add3A_328, %mul3A_4] : memref<32768x128xf32, #tpu.memory_space<hbm>> -> memref<512x16xf32, #tpu.memory_space<hbm>>
    %dma_wait3A_394 = arith.constant 512 : i32
    %dma_wait3A_395 = arith.constant 0 : i32
    %dma_wait3A_396 = tpu.memref_slice %arg6[%dma_wait3A_394, %dma_wait3A_395] : memref<1024x16xf32, #tpu.memory_space<vmem>> -> memref<512x16xf32, #tpu.memory_space<vmem>>
    %dma_wait3A_397 = tpu.memref_slice %arg3[%add3A_328, %mul3A_4] : memref<32768x128xf32, #tpu.memory_space<hbm>> -> memref<512x16xf32, #tpu.memory_space<hbm>>
    tpu.wait_dma2 semaphore(%arg13 : memref<!tpu.dma_semaphore, #tpu.memory_space<semaphore_mem>>) src(%dma_wait3A_397 : memref<512x16xf32, #tpu.memory_space<hbm>>) dst(%dma_wait3A_396 : memref<512x16xf32, #tpu.memory_space<vmem>>)
    %parallel_loop3A_398 = arith.constant 0 : i32
    %parallel_loop3A_399 = arith.constant 512 : i32
    %parallel_loop3A_400 = arith.constant 1 : i32
    scf.for %parallel_loop3A_718 = %parallel_loop3A_398 to %parallel_loop3A_399 step %parallel_loop3A_400  : i32 {
      %parallel_loop3A_719 = arith.constant 512 : i32
      %parallel_loop3A_720 = arith.addi %parallel_loop3A_719, %parallel_loop3A_718 : i32
      %parallel_loop3A_721 = arith.index_cast %parallel_loop3A_720 : i32 to index
      %parallel_loop3A_722 = arith.constant 0 : index
      %parallel_loop3A_723 = tpu.vector_load %arg5[%parallel_loop3A_721, %parallel_loop3A_722] {strides = array<i32>} : memref<1024x16xf32, #tpu.memory_space<vmem>>, vector<16xf32>,
      %parallel_loop3A_724 = arith.constant 512 : i32
      %parallel_loop3A_725 = arith.addi %parallel_loop3A_724, %parallel_loop3A_718 : i32
      %parallel_loop3A_726 = arith.index_cast %parallel_loop3A_725 : i32 to index
      %parallel_loop3A_727 = arith.constant 0 : index
      %parallel_loop3A_728 = tpu.vector_load %arg6[%parallel_loop3A_726, %parallel_loop3A_727] {strides = array<i32>} : memref<1024x16xf32, #tpu.memory_space<vmem>>, vector<16xf32>,
      %parallel_loop3A_729 = arith.subf %parallel_loop3A_723, %parallel_loop3A_728 : vector<16xf32>
      %parallel_loop3A_730 = vector.bitcast %parallel_loop3A_729 : vector<16xf32> to vector<16xi32>
      %parallel_loop3A_731 = arith.constant 17 : i32
      %parallel_loop3A_732 = vector.broadcast %parallel_loop3A_731 : i32 to vector<16xi32>
      %parallel_loop3A_733 = arith.shrui %parallel_loop3A_730, %parallel_loop3A_732 : vector<16xi32>
      %parallel_loop3A_734 = arith.constant 16368 : i32
      %parallel_loop3A_735 = vector.broadcast %parallel_loop3A_734 : i32 to vector<16xi32>
      %parallel_loop3A_736 = arith.andi %parallel_loop3A_733, %parallel_loop3A_735 : vector<16xi32>
      %parallel_loop3A_737 = arith.ori %parallel_loop3A_736, %iota3A : vector<16xi32>
      tpu.vector_store_idx %arg7[%parallel_loop3A_737], %broadcast_in_dim3A_7 {add = true} : memref<16384xi32, #tpu.memory_space<vmem>>[vector<16xi32>], vector<16xi32>,
      %parallel_loop3A_738 = arith.mulf %parallel_loop3A_729, %parallel_loop3A_729 : vector<16xf32>
      tpu.vector_store_idx %arg8[%parallel_loop3A_737], %parallel_loop3A_738 {add = true} : memref<16384xf32, #tpu.memory_space<vmem>>[vector<16xi32>], vector<16xf32>,
    } {sc.loop_unroll_factor = 8 : i64, sc.parallel_access}
    %add3A_401 = arith.constant 5632 : i32
    %add3A_402 = arith.addi %mul3A_6, %add3A_401 : i32
    %dma_start3A_403 = arith.constant 512 : i32
    %dma_start3A_404 = arith.constant 0 : i32
    %dma_start3A_405 = tpu.memref_slice %arg5[%dma_start3A_403, %dma_start3A_404] : memref<1024x16xf32, #tpu.memory_space<vmem>> -> memref<512x16xf32, #tpu.memory_space<vmem>>
    %dma_start3A_406 = tpu.memref_slice %arg2[%add3A_402, %mul3A_4] : memref<32768x128xf32, #tpu.memory_space<hbm>> -> memref<512x16xf32, #tpu.memory_space<hbm>>
    %dma_start3A_407 = arith.constant 512 : i32
    %dma_start3A_408 = arith.constant 0 : i32
    %dma_start3A_409 = tpu.memref_slice %arg5[%dma_start3A_407, %dma_start3A_408] : memref<1024x16xf32, #tpu.memory_space<vmem>> -> memref<512x16xf32, #tpu.memory_space<vmem>>
    %dma_start3A_410 = tpu.memref_slice %arg2[%add3A_402, %mul3A_4] : memref<32768x128xf32, #tpu.memory_space<hbm>> -> memref<512x16xf32, #tpu.memory_space<hbm>>
    tpu.enqueue_dma source(%dma_start3A_410 : memref<512x16xf32, #tpu.memory_space<hbm>>) target(%dma_start3A_409 : memref<512x16xf32, #tpu.memory_space<vmem>>) target_semaphore(%arg12 : memref<!tpu.dma_semaphore, #tpu.memory_space<semaphore_mem>>)
    %dma_start3A_411 = arith.constant 512 : i32
    %dma_start3A_412 = arith.constant 0 : i32
    %dma_start3A_413 = tpu.memref_slice %arg6[%dma_start3A_411, %dma_start3A_412] : memref<1024x16xf32, #tpu.memory_space<vmem>> -> memref<512x16xf32, #tpu.memory_space<vmem>>
    %dma_start3A_414 = tpu.memref_slice %arg3[%add3A_402, %mul3A_4] : memref<32768x128xf32, #tpu.memory_space<hbm>> -> memref<512x16xf32, #tpu.memory_space<hbm>>
    %dma_start3A_415 = arith.constant 512 : i32
    %dma_start3A_416 = arith.constant 0 : i32
    %dma_start3A_417 = tpu.memref_slice %arg6[%dma_start3A_415, %dma_start3A_416] : memref<1024x16xf32, #tpu.memory_space<vmem>> -> memref<512x16xf32, #tpu.memory_space<vmem>>
    %dma_start3A_418 = tpu.memref_slice %arg3[%add3A_402, %mul3A_4] : memref<32768x128xf32, #tpu.memory_space<hbm>> -> memref<512x16xf32, #tpu.memory_space<hbm>>
    tpu.enqueue_dma source(%dma_start3A_418 : memref<512x16xf32, #tpu.memory_space<hbm>>) target(%dma_start3A_417 : memref<512x16xf32, #tpu.memory_space<vmem>>) target_semaphore(%arg13 : memref<!tpu.dma_semaphore, #tpu.memory_space<semaphore_mem>>)
    %dma_wait3A_419 = arith.constant 0 : i32
    %dma_wait3A_420 = arith.constant 0 : i32
    %dma_wait3A_421 = tpu.memref_slice %arg5[%dma_wait3A_419, %dma_wait3A_420] : memref<1024x16xf32, #tpu.memory_space<vmem>> -> memref<512x16xf32, #tpu.memory_space<vmem>>
    %dma_wait3A_422 = tpu.memref_slice %arg2[%add3A_365, %mul3A_4] : memref<32768x128xf32, #tpu.memory_space<hbm>> -> memref<512x16xf32, #tpu.memory_space<hbm>>
    %dma_wait3A_423 = arith.constant 0 : i32
    %dma_wait3A_424 = arith.constant 0 : i32
    %dma_wait3A_425 = tpu.memref_slice %arg5[%dma_wait3A_423, %dma_wait3A_424] : memref<1024x16xf32, #tpu.memory_space<vmem>> -> memref<512x16xf32, #tpu.memory_space<vmem>>
    %dma_wait3A_426 = tpu.memref_slice %arg2[%add3A_365, %mul3A_4] : memref<32768x128xf32, #tpu.memory_space<hbm>> -> memref<512x16xf32, #tpu.memory_space<hbm>>
    tpu.wait_dma2 semaphore(%arg10 : memref<!tpu.dma_semaphore, #tpu.memory_space<semaphore_mem>>) src(%dma_wait3A_426 : memref<512x16xf32, #tpu.memory_space<hbm>>) dst(%dma_wait3A_425 : memref<512x16xf32, #tpu.memory_space<vmem>>)
    %dma_wait3A_427 = arith.constant 0 : i32
    %dma_wait3A_428 = arith.constant 0 : i32
    %dma_wait3A_429 = tpu.memref_slice %arg6[%dma_wait3A_427, %dma_wait3A_428] : memref<1024x16xf32, #tpu.memory_space<vmem>> -> memref<512x16xf32, #tpu.memory_space<vmem>>
    %dma_wait3A_430 = tpu.memref_slice %arg3[%add3A_365, %mul3A_4] : memref<32768x128xf32, #tpu.memory_space<hbm>> -> memref<512x16xf32, #tpu.memory_space<hbm>>
    %dma_wait3A_431 = arith.constant 0 : i32
    %dma_wait3A_432 = arith.constant 0 : i32
    %dma_wait3A_433 = tpu.memref_slice %arg6[%dma_wait3A_431, %dma_wait3A_432] : memref<1024x16xf32, #tpu.memory_space<vmem>> -> memref<512x16xf32, #tpu.memory_space<vmem>>
    %dma_wait3A_434 = tpu.memref_slice %arg3[%add3A_365, %mul3A_4] : memref<32768x128xf32, #tpu.memory_space<hbm>> -> memref<512x16xf32, #tpu.memory_space<hbm>>
    tpu.wait_dma2 semaphore(%arg11 : memref<!tpu.dma_semaphore, #tpu.memory_space<semaphore_mem>>) src(%dma_wait3A_434 : memref<512x16xf32, #tpu.memory_space<hbm>>) dst(%dma_wait3A_433 : memref<512x16xf32, #tpu.memory_space<vmem>>)
    %parallel_loop3A_435 = arith.constant 0 : i32
    %parallel_loop3A_436 = arith.constant 512 : i32
    %parallel_loop3A_437 = arith.constant 1 : i32
    scf.for %parallel_loop3A_718 = %parallel_loop3A_435 to %parallel_loop3A_436 step %parallel_loop3A_437  : i32 {
      %parallel_loop3A_719 = arith.constant 0 : i32
      %parallel_loop3A_720 = arith.addi %parallel_loop3A_719, %parallel_loop3A_718 : i32
      %parallel_loop3A_721 = arith.index_cast %parallel_loop3A_720 : i32 to index
      %parallel_loop3A_722 = arith.constant 0 : index
      %parallel_loop3A_723 = tpu.vector_load %arg5[%parallel_loop3A_721, %parallel_loop3A_722] {strides = array<i32>} : memref<1024x16xf32, #tpu.memory_space<vmem>>, vector<16xf32>,
      %parallel_loop3A_724 = arith.constant 0 : i32
      %parallel_loop3A_725 = arith.addi %parallel_loop3A_724, %parallel_loop3A_718 : i32
      %parallel_loop3A_726 = arith.index_cast %parallel_loop3A_725 : i32 to index
      %parallel_loop3A_727 = arith.constant 0 : index
      %parallel_loop3A_728 = tpu.vector_load %arg6[%parallel_loop3A_726, %parallel_loop3A_727] {strides = array<i32>} : memref<1024x16xf32, #tpu.memory_space<vmem>>, vector<16xf32>,
      %parallel_loop3A_729 = arith.subf %parallel_loop3A_723, %parallel_loop3A_728 : vector<16xf32>
      %parallel_loop3A_730 = vector.bitcast %parallel_loop3A_729 : vector<16xf32> to vector<16xi32>
      %parallel_loop3A_731 = arith.constant 17 : i32
      %parallel_loop3A_732 = vector.broadcast %parallel_loop3A_731 : i32 to vector<16xi32>
      %parallel_loop3A_733 = arith.shrui %parallel_loop3A_730, %parallel_loop3A_732 : vector<16xi32>
      %parallel_loop3A_734 = arith.constant 16368 : i32
      %parallel_loop3A_735 = vector.broadcast %parallel_loop3A_734 : i32 to vector<16xi32>
      %parallel_loop3A_736 = arith.andi %parallel_loop3A_733, %parallel_loop3A_735 : vector<16xi32>
      %parallel_loop3A_737 = arith.ori %parallel_loop3A_736, %iota3A : vector<16xi32>
      tpu.vector_store_idx %arg7[%parallel_loop3A_737], %broadcast_in_dim3A_7 {add = true} : memref<16384xi32, #tpu.memory_space<vmem>>[vector<16xi32>], vector<16xi32>,
      %parallel_loop3A_738 = arith.mulf %parallel_loop3A_729, %parallel_loop3A_729 : vector<16xf32>
      tpu.vector_store_idx %arg8[%parallel_loop3A_737], %parallel_loop3A_738 {add = true} : memref<16384xf32, #tpu.memory_space<vmem>>[vector<16xi32>], vector<16xf32>,
    } {sc.loop_unroll_factor = 8 : i64, sc.parallel_access}
    %add3A_438 = arith.constant 6144 : i32
    %add3A_439 = arith.addi %mul3A_6, %add3A_438 : i32
    %dma_start3A_440 = arith.constant 0 : i32
    %dma_start3A_441 = arith.constant 0 : i32
    %dma_start3A_442 = tpu.memref_slice %arg5[%dma_start3A_440, %dma_start3A_441] : memref<1024x16xf32, #tpu.memory_space<vmem>> -> memref<512x16xf32, #tpu.memory_space<vmem>>
    %dma_start3A_443 = tpu.memref_slice %arg2[%add3A_439, %mul3A_4] : memref<32768x128xf32, #tpu.memory_space<hbm>> -> memref<512x16xf32, #tpu.memory_space<hbm>>
    %dma_start3A_444 = arith.constant 0 : i32
    %dma_start3A_445 = arith.constant 0 : i32
    %dma_start3A_446 = tpu.memref_slice %arg5[%dma_start3A_444, %dma_start3A_445] : memref<1024x16xf32, #tpu.memory_space<vmem>> -> memref<512x16xf32, #tpu.memory_space<vmem>>
    %dma_start3A_447 = tpu.memref_slice %arg2[%add3A_439, %mul3A_4] : memref<32768x128xf32, #tpu.memory_space<hbm>> -> memref<512x16xf32, #tpu.memory_space<hbm>>
    tpu.enqueue_dma source(%dma_start3A_447 : memref<512x16xf32, #tpu.memory_space<hbm>>) target(%dma_start3A_446 : memref<512x16xf32, #tpu.memory_space<vmem>>) target_semaphore(%arg10 : memref<!tpu.dma_semaphore, #tpu.memory_space<semaphore_mem>>)
    %dma_start3A_448 = arith.constant 0 : i32
    %dma_start3A_449 = arith.constant 0 : i32
    %dma_start3A_450 = tpu.memref_slice %arg6[%dma_start3A_448, %dma_start3A_449] : memref<1024x16xf32, #tpu.memory_space<vmem>> -> memref<512x16xf32, #tpu.memory_space<vmem>>
    %dma_start3A_451 = tpu.memref_slice %arg3[%add3A_439, %mul3A_4] : memref<32768x128xf32, #tpu.memory_space<hbm>> -> memref<512x16xf32, #tpu.memory_space<hbm>>
    %dma_start3A_452 = arith.constant 0 : i32
    %dma_start3A_453 = arith.constant 0 : i32
    %dma_start3A_454 = tpu.memref_slice %arg6[%dma_start3A_452, %dma_start3A_453] : memref<1024x16xf32, #tpu.memory_space<vmem>> -> memref<512x16xf32, #tpu.memory_space<vmem>>
    %dma_start3A_455 = tpu.memref_slice %arg3[%add3A_439, %mul3A_4] : memref<32768x128xf32, #tpu.memory_space<hbm>> -> memref<512x16xf32, #tpu.memory_space<hbm>>
    tpu.enqueue_dma source(%dma_start3A_455 : memref<512x16xf32, #tpu.memory_space<hbm>>) target(%dma_start3A_454 : memref<512x16xf32, #tpu.memory_space<vmem>>) target_semaphore(%arg11 : memref<!tpu.dma_semaphore, #tpu.memory_space<semaphore_mem>>)
    %dma_wait3A_456 = arith.constant 512 : i32
    %dma_wait3A_457 = arith.constant 0 : i32
    %dma_wait3A_458 = tpu.memref_slice %arg5[%dma_wait3A_456, %dma_wait3A_457] : memref<1024x16xf32, #tpu.memory_space<vmem>> -> memref<512x16xf32, #tpu.memory_space<vmem>>
    %dma_wait3A_459 = tpu.memref_slice %arg2[%add3A_402, %mul3A_4] : memref<32768x128xf32, #tpu.memory_space<hbm>> -> memref<512x16xf32, #tpu.memory_space<hbm>>
    %dma_wait3A_460 = arith.constant 512 : i32
    %dma_wait3A_461 = arith.constant 0 : i32
    %dma_wait3A_462 = tpu.memref_slice %arg5[%dma_wait3A_460, %dma_wait3A_461] : memref<1024x16xf32, #tpu.memory_space<vmem>> -> memref<512x16xf32, #tpu.memory_space<vmem>>
    %dma_wait3A_463 = tpu.memref_slice %arg2[%add3A_402, %mul3A_4] : memref<32768x128xf32, #tpu.memory_space<hbm>> -> memref<512x16xf32, #tpu.memory_space<hbm>>
    tpu.wait_dma2 semaphore(%arg12 : memref<!tpu.dma_semaphore, #tpu.memory_space<semaphore_mem>>) src(%dma_wait3A_463 : memref<512x16xf32, #tpu.memory_space<hbm>>) dst(%dma_wait3A_462 : memref<512x16xf32, #tpu.memory_space<vmem>>)
    %dma_wait3A_464 = arith.constant 512 : i32
    %dma_wait3A_465 = arith.constant 0 : i32
    %dma_wait3A_466 = tpu.memref_slice %arg6[%dma_wait3A_464, %dma_wait3A_465] : memref<1024x16xf32, #tpu.memory_space<vmem>> -> memref<512x16xf32, #tpu.memory_space<vmem>>
    %dma_wait3A_467 = tpu.memref_slice %arg3[%add3A_402, %mul3A_4] : memref<32768x128xf32, #tpu.memory_space<hbm>> -> memref<512x16xf32, #tpu.memory_space<hbm>>
    %dma_wait3A_468 = arith.constant 512 : i32
    %dma_wait3A_469 = arith.constant 0 : i32
    %dma_wait3A_470 = tpu.memref_slice %arg6[%dma_wait3A_468, %dma_wait3A_469] : memref<1024x16xf32, #tpu.memory_space<vmem>> -> memref<512x16xf32, #tpu.memory_space<vmem>>
    %dma_wait3A_471 = tpu.memref_slice %arg3[%add3A_402, %mul3A_4] : memref<32768x128xf32, #tpu.memory_space<hbm>> -> memref<512x16xf32, #tpu.memory_space<hbm>>
    tpu.wait_dma2 semaphore(%arg13 : memref<!tpu.dma_semaphore, #tpu.memory_space<semaphore_mem>>) src(%dma_wait3A_471 : memref<512x16xf32, #tpu.memory_space<hbm>>) dst(%dma_wait3A_470 : memref<512x16xf32, #tpu.memory_space<vmem>>)
    %parallel_loop3A_472 = arith.constant 0 : i32
    %parallel_loop3A_473 = arith.constant 512 : i32
    %parallel_loop3A_474 = arith.constant 1 : i32
    scf.for %parallel_loop3A_718 = %parallel_loop3A_472 to %parallel_loop3A_473 step %parallel_loop3A_474  : i32 {
      %parallel_loop3A_719 = arith.constant 512 : i32
      %parallel_loop3A_720 = arith.addi %parallel_loop3A_719, %parallel_loop3A_718 : i32
      %parallel_loop3A_721 = arith.index_cast %parallel_loop3A_720 : i32 to index
      %parallel_loop3A_722 = arith.constant 0 : index
      %parallel_loop3A_723 = tpu.vector_load %arg5[%parallel_loop3A_721, %parallel_loop3A_722] {strides = array<i32>} : memref<1024x16xf32, #tpu.memory_space<vmem>>, vector<16xf32>,
      %parallel_loop3A_724 = arith.constant 512 : i32
      %parallel_loop3A_725 = arith.addi %parallel_loop3A_724, %parallel_loop3A_718 : i32
      %parallel_loop3A_726 = arith.index_cast %parallel_loop3A_725 : i32 to index
      %parallel_loop3A_727 = arith.constant 0 : index
      %parallel_loop3A_728 = tpu.vector_load %arg6[%parallel_loop3A_726, %parallel_loop3A_727] {strides = array<i32>} : memref<1024x16xf32, #tpu.memory_space<vmem>>, vector<16xf32>,
      %parallel_loop3A_729 = arith.subf %parallel_loop3A_723, %parallel_loop3A_728 : vector<16xf32>
      %parallel_loop3A_730 = vector.bitcast %parallel_loop3A_729 : vector<16xf32> to vector<16xi32>
      %parallel_loop3A_731 = arith.constant 17 : i32
      %parallel_loop3A_732 = vector.broadcast %parallel_loop3A_731 : i32 to vector<16xi32>
      %parallel_loop3A_733 = arith.shrui %parallel_loop3A_730, %parallel_loop3A_732 : vector<16xi32>
      %parallel_loop3A_734 = arith.constant 16368 : i32
      %parallel_loop3A_735 = vector.broadcast %parallel_loop3A_734 : i32 to vector<16xi32>
      %parallel_loop3A_736 = arith.andi %parallel_loop3A_733, %parallel_loop3A_735 : vector<16xi32>
      %parallel_loop3A_737 = arith.ori %parallel_loop3A_736, %iota3A : vector<16xi32>
      tpu.vector_store_idx %arg7[%parallel_loop3A_737], %broadcast_in_dim3A_7 {add = true} : memref<16384xi32, #tpu.memory_space<vmem>>[vector<16xi32>], vector<16xi32>,
      %parallel_loop3A_738 = arith.mulf %parallel_loop3A_729, %parallel_loop3A_729 : vector<16xf32>
      tpu.vector_store_idx %arg8[%parallel_loop3A_737], %parallel_loop3A_738 {add = true} : memref<16384xf32, #tpu.memory_space<vmem>>[vector<16xi32>], vector<16xf32>,
    } {sc.loop_unroll_factor = 8 : i64, sc.parallel_access}
    %add3A_475 = arith.constant 6656 : i32
    %add3A_476 = arith.addi %mul3A_6, %add3A_475 : i32
    %dma_start3A_477 = arith.constant 512 : i32
    %dma_start3A_478 = arith.constant 0 : i32
    %dma_start3A_479 = tpu.memref_slice %arg5[%dma_start3A_477, %dma_start3A_478] : memref<1024x16xf32, #tpu.memory_space<vmem>> -> memref<512x16xf32, #tpu.memory_space<vmem>>
    %dma_start3A_480 = tpu.memref_slice %arg2[%add3A_476, %mul3A_4] : memref<32768x128xf32, #tpu.memory_space<hbm>> -> memref<512x16xf32, #tpu.memory_space<hbm>>
    %dma_start3A_481 = arith.constant 512 : i32
    %dma_start3A_482 = arith.constant 0 : i32
    %dma_start3A_483 = tpu.memref_slice %arg5[%dma_start3A_481, %dma_start3A_482] : memref<1024x16xf32, #tpu.memory_space<vmem>> -> memref<512x16xf32, #tpu.memory_space<vmem>>
    %dma_start3A_484 = tpu.memref_slice %arg2[%add3A_476, %mul3A_4] : memref<32768x128xf32, #tpu.memory_space<hbm>> -> memref<512x16xf32, #tpu.memory_space<hbm>>
    tpu.enqueue_dma source(%dma_start3A_484 : memref<512x16xf32, #tpu.memory_space<hbm>>) target(%dma_start3A_483 : memref<512x16xf32, #tpu.memory_space<vmem>>) target_semaphore(%arg12 : memref<!tpu.dma_semaphore, #tpu.memory_space<semaphore_mem>>)
    %dma_start3A_485 = arith.constant 512 : i32
    %dma_start3A_486 = arith.constant 0 : i32
    %dma_start3A_487 = tpu.memref_slice %arg6[%dma_start3A_485, %dma_start3A_486] : memref<1024x16xf32, #tpu.memory_space<vmem>> -> memref<512x16xf32, #tpu.memory_space<vmem>>
    %dma_start3A_488 = tpu.memref_slice %arg3[%add3A_476, %mul3A_4] : memref<32768x128xf32, #tpu.memory_space<hbm>> -> memref<512x16xf32, #tpu.memory_space<hbm>>
    %dma_start3A_489 = arith.constant 512 : i32
    %dma_start3A_490 = arith.constant 0 : i32
    %dma_start3A_491 = tpu.memref_slice %arg6[%dma_start3A_489, %dma_start3A_490] : memref<1024x16xf32, #tpu.memory_space<vmem>> -> memref<512x16xf32, #tpu.memory_space<vmem>>
    %dma_start3A_492 = tpu.memref_slice %arg3[%add3A_476, %mul3A_4] : memref<32768x128xf32, #tpu.memory_space<hbm>> -> memref<512x16xf32, #tpu.memory_space<hbm>>
    tpu.enqueue_dma source(%dma_start3A_492 : memref<512x16xf32, #tpu.memory_space<hbm>>) target(%dma_start3A_491 : memref<512x16xf32, #tpu.memory_space<vmem>>) target_semaphore(%arg13 : memref<!tpu.dma_semaphore, #tpu.memory_space<semaphore_mem>>)
    %dma_wait3A_493 = arith.constant 0 : i32
    %dma_wait3A_494 = arith.constant 0 : i32
    %dma_wait3A_495 = tpu.memref_slice %arg5[%dma_wait3A_493, %dma_wait3A_494] : memref<1024x16xf32, #tpu.memory_space<vmem>> -> memref<512x16xf32, #tpu.memory_space<vmem>>
    %dma_wait3A_496 = tpu.memref_slice %arg2[%add3A_439, %mul3A_4] : memref<32768x128xf32, #tpu.memory_space<hbm>> -> memref<512x16xf32, #tpu.memory_space<hbm>>
    %dma_wait3A_497 = arith.constant 0 : i32
    %dma_wait3A_498 = arith.constant 0 : i32
    %dma_wait3A_499 = tpu.memref_slice %arg5[%dma_wait3A_497, %dma_wait3A_498] : memref<1024x16xf32, #tpu.memory_space<vmem>> -> memref<512x16xf32, #tpu.memory_space<vmem>>
    %dma_wait3A_500 = tpu.memref_slice %arg2[%add3A_439, %mul3A_4] : memref<32768x128xf32, #tpu.memory_space<hbm>> -> memref<512x16xf32, #tpu.memory_space<hbm>>
    tpu.wait_dma2 semaphore(%arg10 : memref<!tpu.dma_semaphore, #tpu.memory_space<semaphore_mem>>) src(%dma_wait3A_500 : memref<512x16xf32, #tpu.memory_space<hbm>>) dst(%dma_wait3A_499 : memref<512x16xf32, #tpu.memory_space<vmem>>)
    %dma_wait3A_501 = arith.constant 0 : i32
    %dma_wait3A_502 = arith.constant 0 : i32
    %dma_wait3A_503 = tpu.memref_slice %arg6[%dma_wait3A_501, %dma_wait3A_502] : memref<1024x16xf32, #tpu.memory_space<vmem>> -> memref<512x16xf32, #tpu.memory_space<vmem>>
    %dma_wait3A_504 = tpu.memref_slice %arg3[%add3A_439, %mul3A_4] : memref<32768x128xf32, #tpu.memory_space<hbm>> -> memref<512x16xf32, #tpu.memory_space<hbm>>
    %dma_wait3A_505 = arith.constant 0 : i32
    %dma_wait3A_506 = arith.constant 0 : i32
    %dma_wait3A_507 = tpu.memref_slice %arg6[%dma_wait3A_505, %dma_wait3A_506] : memref<1024x16xf32, #tpu.memory_space<vmem>> -> memref<512x16xf32, #tpu.memory_space<vmem>>
    %dma_wait3A_508 = tpu.memref_slice %arg3[%add3A_439, %mul3A_4] : memref<32768x128xf32, #tpu.memory_space<hbm>> -> memref<512x16xf32, #tpu.memory_space<hbm>>
    tpu.wait_dma2 semaphore(%arg11 : memref<!tpu.dma_semaphore, #tpu.memory_space<semaphore_mem>>) src(%dma_wait3A_508 : memref<512x16xf32, #tpu.memory_space<hbm>>) dst(%dma_wait3A_507 : memref<512x16xf32, #tpu.memory_space<vmem>>)
    %parallel_loop3A_509 = arith.constant 0 : i32
    %parallel_loop3A_510 = arith.constant 512 : i32
    %parallel_loop3A_511 = arith.constant 1 : i32
    scf.for %parallel_loop3A_718 = %parallel_loop3A_509 to %parallel_loop3A_510 step %parallel_loop3A_511  : i32 {
      %parallel_loop3A_719 = arith.constant 0 : i32
      %parallel_loop3A_720 = arith.addi %parallel_loop3A_719, %parallel_loop3A_718 : i32
      %parallel_loop3A_721 = arith.index_cast %parallel_loop3A_720 : i32 to index
      %parallel_loop3A_722 = arith.constant 0 : index
      %parallel_loop3A_723 = tpu.vector_load %arg5[%parallel_loop3A_721, %parallel_loop3A_722] {strides = array<i32>} : memref<1024x16xf32, #tpu.memory_space<vmem>>, vector<16xf32>,
      %parallel_loop3A_724 = arith.constant 0 : i32
      %parallel_loop3A_725 = arith.addi %parallel_loop3A_724, %parallel_loop3A_718 : i32
      %parallel_loop3A_726 = arith.index_cast %parallel_loop3A_725 : i32 to index
      %parallel_loop3A_727 = arith.constant 0 : index
      %parallel_loop3A_728 = tpu.vector_load %arg6[%parallel_loop3A_726, %parallel_loop3A_727] {strides = array<i32>} : memref<1024x16xf32, #tpu.memory_space<vmem>>, vector<16xf32>,
      %parallel_loop3A_729 = arith.subf %parallel_loop3A_723, %parallel_loop3A_728 : vector<16xf32>
      %parallel_loop3A_730 = vector.bitcast %parallel_loop3A_729 : vector<16xf32> to vector<16xi32>
      %parallel_loop3A_731 = arith.constant 17 : i32
      %parallel_loop3A_732 = vector.broadcast %parallel_loop3A_731 : i32 to vector<16xi32>
      %parallel_loop3A_733 = arith.shrui %parallel_loop3A_730, %parallel_loop3A_732 : vector<16xi32>
      %parallel_loop3A_734 = arith.constant 16368 : i32
      %parallel_loop3A_735 = vector.broadcast %parallel_loop3A_734 : i32 to vector<16xi32>
      %parallel_loop3A_736 = arith.andi %parallel_loop3A_733, %parallel_loop3A_735 : vector<16xi32>
      %parallel_loop3A_737 = arith.ori %parallel_loop3A_736, %iota3A : vector<16xi32>
      tpu.vector_store_idx %arg7[%parallel_loop3A_737], %broadcast_in_dim3A_7 {add = true} : memref<16384xi32, #tpu.memory_space<vmem>>[vector<16xi32>], vector<16xi32>,
      %parallel_loop3A_738 = arith.mulf %parallel_loop3A_729, %parallel_loop3A_729 : vector<16xf32>
      tpu.vector_store_idx %arg8[%parallel_loop3A_737], %parallel_loop3A_738 {add = true} : memref<16384xf32, #tpu.memory_space<vmem>>[vector<16xi32>], vector<16xf32>,
    } {sc.loop_unroll_factor = 8 : i64, sc.parallel_access}
    %add3A_512 = arith.constant 7168 : i32
    %add3A_513 = arith.addi %mul3A_6, %add3A_512 : i32
    %dma_start3A_514 = arith.constant 0 : i32
    %dma_start3A_515 = arith.constant 0 : i32
    %dma_start3A_516 = tpu.memref_slice %arg5[%dma_start3A_514, %dma_start3A_515] : memref<1024x16xf32, #tpu.memory_space<vmem>> -> memref<512x16xf32, #tpu.memory_space<vmem>>
    %dma_start3A_517 = tpu.memref_slice %arg2[%add3A_513, %mul3A_4] : memref<32768x128xf32, #tpu.memory_space<hbm>> -> memref<512x16xf32, #tpu.memory_space<hbm>>
    %dma_start3A_518 = arith.constant 0 : i32
    %dma_start3A_519 = arith.constant 0 : i32
    %dma_start3A_520 = tpu.memref_slice %arg5[%dma_start3A_518, %dma_start3A_519] : memref<1024x16xf32, #tpu.memory_space<vmem>> -> memref<512x16xf32, #tpu.memory_space<vmem>>
    %dma_start3A_521 = tpu.memref_slice %arg2[%add3A_513, %mul3A_4] : memref<32768x128xf32, #tpu.memory_space<hbm>> -> memref<512x16xf32, #tpu.memory_space<hbm>>
    tpu.enqueue_dma source(%dma_start3A_521 : memref<512x16xf32, #tpu.memory_space<hbm>>) target(%dma_start3A_520 : memref<512x16xf32, #tpu.memory_space<vmem>>) target_semaphore(%arg10 : memref<!tpu.dma_semaphore, #tpu.memory_space<semaphore_mem>>)
    %dma_start3A_522 = arith.constant 0 : i32
    %dma_start3A_523 = arith.constant 0 : i32
    %dma_start3A_524 = tpu.memref_slice %arg6[%dma_start3A_522, %dma_start3A_523] : memref<1024x16xf32, #tpu.memory_space<vmem>> -> memref<512x16xf32, #tpu.memory_space<vmem>>
    %dma_start3A_525 = tpu.memref_slice %arg3[%add3A_513, %mul3A_4] : memref<32768x128xf32, #tpu.memory_space<hbm>> -> memref<512x16xf32, #tpu.memory_space<hbm>>
    %dma_start3A_526 = arith.constant 0 : i32
    %dma_start3A_527 = arith.constant 0 : i32
    %dma_start3A_528 = tpu.memref_slice %arg6[%dma_start3A_526, %dma_start3A_527] : memref<1024x16xf32, #tpu.memory_space<vmem>> -> memref<512x16xf32, #tpu.memory_space<vmem>>
    %dma_start3A_529 = tpu.memref_slice %arg3[%add3A_513, %mul3A_4] : memref<32768x128xf32, #tpu.memory_space<hbm>> -> memref<512x16xf32, #tpu.memory_space<hbm>>
    tpu.enqueue_dma source(%dma_start3A_529 : memref<512x16xf32, #tpu.memory_space<hbm>>) target(%dma_start3A_528 : memref<512x16xf32, #tpu.memory_space<vmem>>) target_semaphore(%arg11 : memref<!tpu.dma_semaphore, #tpu.memory_space<semaphore_mem>>)
    %dma_wait3A_530 = arith.constant 512 : i32
    %dma_wait3A_531 = arith.constant 0 : i32
    %dma_wait3A_532 = tpu.memref_slice %arg5[%dma_wait3A_530, %dma_wait3A_531] : memref<1024x16xf32, #tpu.memory_space<vmem>> -> memref<512x16xf32, #tpu.memory_space<vmem>>
    %dma_wait3A_533 = tpu.memref_slice %arg2[%add3A_476, %mul3A_4] : memref<32768x128xf32, #tpu.memory_space<hbm>> -> memref<512x16xf32, #tpu.memory_space<hbm>>
    %dma_wait3A_534 = arith.constant 512 : i32
    %dma_wait3A_535 = arith.constant 0 : i32
    %dma_wait3A_536 = tpu.memref_slice %arg5[%dma_wait3A_534, %dma_wait3A_535] : memref<1024x16xf32, #tpu.memory_space<vmem>> -> memref<512x16xf32, #tpu.memory_space<vmem>>
    %dma_wait3A_537 = tpu.memref_slice %arg2[%add3A_476, %mul3A_4] : memref<32768x128xf32, #tpu.memory_space<hbm>> -> memref<512x16xf32, #tpu.memory_space<hbm>>
    tpu.wait_dma2 semaphore(%arg12 : memref<!tpu.dma_semaphore, #tpu.memory_space<semaphore_mem>>) src(%dma_wait3A_537 : memref<512x16xf32, #tpu.memory_space<hbm>>) dst(%dma_wait3A_536 : memref<512x16xf32, #tpu.memory_space<vmem>>)
    %dma_wait3A_538 = arith.constant 512 : i32
    %dma_wait3A_539 = arith.constant 0 : i32
    %dma_wait3A_540 = tpu.memref_slice %arg6[%dma_wait3A_538, %dma_wait3A_539] : memref<1024x16xf32, #tpu.memory_space<vmem>> -> memref<512x16xf32, #tpu.memory_space<vmem>>
    %dma_wait3A_541 = tpu.memref_slice %arg3[%add3A_476, %mul3A_4] : memref<32768x128xf32, #tpu.memory_space<hbm>> -> memref<512x16xf32, #tpu.memory_space<hbm>>
    %dma_wait3A_542 = arith.constant 512 : i32
    %dma_wait3A_543 = arith.constant 0 : i32
    %dma_wait3A_544 = tpu.memref_slice %arg6[%dma_wait3A_542, %dma_wait3A_543] : memref<1024x16xf32, #tpu.memory_space<vmem>> -> memref<512x16xf32, #tpu.memory_space<vmem>>
    %dma_wait3A_545 = tpu.memref_slice %arg3[%add3A_476, %mul3A_4] : memref<32768x128xf32, #tpu.memory_space<hbm>> -> memref<512x16xf32, #tpu.memory_space<hbm>>
    tpu.wait_dma2 semaphore(%arg13 : memref<!tpu.dma_semaphore, #tpu.memory_space<semaphore_mem>>) src(%dma_wait3A_545 : memref<512x16xf32, #tpu.memory_space<hbm>>) dst(%dma_wait3A_544 : memref<512x16xf32, #tpu.memory_space<vmem>>)
    %parallel_loop3A_546 = arith.constant 0 : i32
    %parallel_loop3A_547 = arith.constant 512 : i32
    %parallel_loop3A_548 = arith.constant 1 : i32
    scf.for %parallel_loop3A_718 = %parallel_loop3A_546 to %parallel_loop3A_547 step %parallel_loop3A_548  : i32 {
      %parallel_loop3A_719 = arith.constant 512 : i32
      %parallel_loop3A_720 = arith.addi %parallel_loop3A_719, %parallel_loop3A_718 : i32
      %parallel_loop3A_721 = arith.index_cast %parallel_loop3A_720 : i32 to index
      %parallel_loop3A_722 = arith.constant 0 : index
      %parallel_loop3A_723 = tpu.vector_load %arg5[%parallel_loop3A_721, %parallel_loop3A_722] {strides = array<i32>} : memref<1024x16xf32, #tpu.memory_space<vmem>>, vector<16xf32>,
      %parallel_loop3A_724 = arith.constant 512 : i32
      %parallel_loop3A_725 = arith.addi %parallel_loop3A_724, %parallel_loop3A_718 : i32
      %parallel_loop3A_726 = arith.index_cast %parallel_loop3A_725 : i32 to index
      %parallel_loop3A_727 = arith.constant 0 : index
      %parallel_loop3A_728 = tpu.vector_load %arg6[%parallel_loop3A_726, %parallel_loop3A_727] {strides = array<i32>} : memref<1024x16xf32, #tpu.memory_space<vmem>>, vector<16xf32>,
      %parallel_loop3A_729 = arith.subf %parallel_loop3A_723, %parallel_loop3A_728 : vector<16xf32>
      %parallel_loop3A_730 = vector.bitcast %parallel_loop3A_729 : vector<16xf32> to vector<16xi32>
      %parallel_loop3A_731 = arith.constant 17 : i32
      %parallel_loop3A_732 = vector.broadcast %parallel_loop3A_731 : i32 to vector<16xi32>
      %parallel_loop3A_733 = arith.shrui %parallel_loop3A_730, %parallel_loop3A_732 : vector<16xi32>
      %parallel_loop3A_734 = arith.constant 16368 : i32
      %parallel_loop3A_735 = vector.broadcast %parallel_loop3A_734 : i32 to vector<16xi32>
      %parallel_loop3A_736 = arith.andi %parallel_loop3A_733, %parallel_loop3A_735 : vector<16xi32>
      %parallel_loop3A_737 = arith.ori %parallel_loop3A_736, %iota3A : vector<16xi32>
      tpu.vector_store_idx %arg7[%parallel_loop3A_737], %broadcast_in_dim3A_7 {add = true} : memref<16384xi32, #tpu.memory_space<vmem>>[vector<16xi32>], vector<16xi32>,
      %parallel_loop3A_738 = arith.mulf %parallel_loop3A_729, %parallel_loop3A_729 : vector<16xf32>
      tpu.vector_store_idx %arg8[%parallel_loop3A_737], %parallel_loop3A_738 {add = true} : memref<16384xf32, #tpu.memory_space<vmem>>[vector<16xi32>], vector<16xf32>,
    } {sc.loop_unroll_factor = 8 : i64, sc.parallel_access}
    %add3A_549 = arith.constant 7680 : i32
    %add3A_550 = arith.addi %mul3A_6, %add3A_549 : i32
    %dma_start3A_551 = arith.constant 512 : i32
    %dma_start3A_552 = arith.constant 0 : i32
    %dma_start3A_553 = tpu.memref_slice %arg5[%dma_start3A_551, %dma_start3A_552] : memref<1024x16xf32, #tpu.memory_space<vmem>> -> memref<512x16xf32, #tpu.memory_space<vmem>>
    %dma_start3A_554 = tpu.memref_slice %arg2[%add3A_550, %mul3A_4] : memref<32768x128xf32, #tpu.memory_space<hbm>> -> memref<512x16xf32, #tpu.memory_space<hbm>>
    %dma_start3A_555 = arith.constant 512 : i32
    %dma_start3A_556 = arith.constant 0 : i32
    %dma_start3A_557 = tpu.memref_slice %arg5[%dma_start3A_555, %dma_start3A_556] : memref<1024x16xf32, #tpu.memory_space<vmem>> -> memref<512x16xf32, #tpu.memory_space<vmem>>
    %dma_start3A_558 = tpu.memref_slice %arg2[%add3A_550, %mul3A_4] : memref<32768x128xf32, #tpu.memory_space<hbm>> -> memref<512x16xf32, #tpu.memory_space<hbm>>
    tpu.enqueue_dma source(%dma_start3A_558 : memref<512x16xf32, #tpu.memory_space<hbm>>) target(%dma_start3A_557 : memref<512x16xf32, #tpu.memory_space<vmem>>) target_semaphore(%arg12 : memref<!tpu.dma_semaphore, #tpu.memory_space<semaphore_mem>>)
    %dma_start3A_559 = arith.constant 512 : i32
    %dma_start3A_560 = arith.constant 0 : i32
    %dma_start3A_561 = tpu.memref_slice %arg6[%dma_start3A_559, %dma_start3A_560] : memref<1024x16xf32, #tpu.memory_space<vmem>> -> memref<512x16xf32, #tpu.memory_space<vmem>>
    %dma_start3A_562 = tpu.memref_slice %arg3[%add3A_550, %mul3A_4] : memref<32768x128xf32, #tpu.memory_space<hbm>> -> memref<512x16xf32, #tpu.memory_space<hbm>>
    %dma_start3A_563 = arith.constant 512 : i32
    %dma_start3A_564 = arith.constant 0 : i32
    %dma_start3A_565 = tpu.memref_slice %arg6[%dma_start3A_563, %dma_start3A_564] : memref<1024x16xf32, #tpu.memory_space<vmem>> -> memref<512x16xf32, #tpu.memory_space<vmem>>
    %dma_start3A_566 = tpu.memref_slice %arg3[%add3A_550, %mul3A_4] : memref<32768x128xf32, #tpu.memory_space<hbm>> -> memref<512x16xf32, #tpu.memory_space<hbm>>
    tpu.enqueue_dma source(%dma_start3A_566 : memref<512x16xf32, #tpu.memory_space<hbm>>) target(%dma_start3A_565 : memref<512x16xf32, #tpu.memory_space<vmem>>) target_semaphore(%arg13 : memref<!tpu.dma_semaphore, #tpu.memory_space<semaphore_mem>>)
    %dma_wait3A_567 = arith.constant 0 : i32
    %dma_wait3A_568 = arith.constant 0 : i32
    %dma_wait3A_569 = tpu.memref_slice %arg5[%dma_wait3A_567, %dma_wait3A_568] : memref<1024x16xf32, #tpu.memory_space<vmem>> -> memref<512x16xf32, #tpu.memory_space<vmem>>
    %dma_wait3A_570 = tpu.memref_slice %arg2[%add3A_513, %mul3A_4] : memref<32768x128xf32, #tpu.memory_space<hbm>> -> memref<512x16xf32, #tpu.memory_space<hbm>>
    %dma_wait3A_571 = arith.constant 0 : i32
    %dma_wait3A_572 = arith.constant 0 : i32
    %dma_wait3A_573 = tpu.memref_slice %arg5[%dma_wait3A_571, %dma_wait3A_572] : memref<1024x16xf32, #tpu.memory_space<vmem>> -> memref<512x16xf32, #tpu.memory_space<vmem>>
    %dma_wait3A_574 = tpu.memref_slice %arg2[%add3A_513, %mul3A_4] : memref<32768x128xf32, #tpu.memory_space<hbm>> -> memref<512x16xf32, #tpu.memory_space<hbm>>
    tpu.wait_dma2 semaphore(%arg10 : memref<!tpu.dma_semaphore, #tpu.memory_space<semaphore_mem>>) src(%dma_wait3A_574 : memref<512x16xf32, #tpu.memory_space<hbm>>) dst(%dma_wait3A_573 : memref<512x16xf32, #tpu.memory_space<vmem>>)
    %dma_wait3A_575 = arith.constant 0 : i32
    %dma_wait3A_576 = arith.constant 0 : i32
    %dma_wait3A_577 = tpu.memref_slice %arg6[%dma_wait3A_575, %dma_wait3A_576] : memref<1024x16xf32, #tpu.memory_space<vmem>> -> memref<512x16xf32, #tpu.memory_space<vmem>>
    %dma_wait3A_578 = tpu.memref_slice %arg3[%add3A_513, %mul3A_4] : memref<32768x128xf32, #tpu.memory_space<hbm>> -> memref<512x16xf32, #tpu.memory_space<hbm>>
    %dma_wait3A_579 = arith.constant 0 : i32
    %dma_wait3A_580 = arith.constant 0 : i32
    %dma_wait3A_581 = tpu.memref_slice %arg6[%dma_wait3A_579, %dma_wait3A_580] : memref<1024x16xf32, #tpu.memory_space<vmem>> -> memref<512x16xf32, #tpu.memory_space<vmem>>
    %dma_wait3A_582 = tpu.memref_slice %arg3[%add3A_513, %mul3A_4] : memref<32768x128xf32, #tpu.memory_space<hbm>> -> memref<512x16xf32, #tpu.memory_space<hbm>>
    tpu.wait_dma2 semaphore(%arg11 : memref<!tpu.dma_semaphore, #tpu.memory_space<semaphore_mem>>) src(%dma_wait3A_582 : memref<512x16xf32, #tpu.memory_space<hbm>>) dst(%dma_wait3A_581 : memref<512x16xf32, #tpu.memory_space<vmem>>)
    %parallel_loop3A_583 = arith.constant 0 : i32
    %parallel_loop3A_584 = arith.constant 512 : i32
    %parallel_loop3A_585 = arith.constant 1 : i32
    scf.for %parallel_loop3A_718 = %parallel_loop3A_583 to %parallel_loop3A_584 step %parallel_loop3A_585  : i32 {
      %parallel_loop3A_719 = arith.constant 0 : i32
      %parallel_loop3A_720 = arith.addi %parallel_loop3A_719, %parallel_loop3A_718 : i32
      %parallel_loop3A_721 = arith.index_cast %parallel_loop3A_720 : i32 to index
      %parallel_loop3A_722 = arith.constant 0 : index
      %parallel_loop3A_723 = tpu.vector_load %arg5[%parallel_loop3A_721, %parallel_loop3A_722] {strides = array<i32>} : memref<1024x16xf32, #tpu.memory_space<vmem>>, vector<16xf32>,
      %parallel_loop3A_724 = arith.constant 0 : i32
      %parallel_loop3A_725 = arith.addi %parallel_loop3A_724, %parallel_loop3A_718 : i32
      %parallel_loop3A_726 = arith.index_cast %parallel_loop3A_725 : i32 to index
      %parallel_loop3A_727 = arith.constant 0 : index
      %parallel_loop3A_728 = tpu.vector_load %arg6[%parallel_loop3A_726, %parallel_loop3A_727] {strides = array<i32>} : memref<1024x16xf32, #tpu.memory_space<vmem>>, vector<16xf32>,
      %parallel_loop3A_729 = arith.subf %parallel_loop3A_723, %parallel_loop3A_728 : vector<16xf32>
      %parallel_loop3A_730 = vector.bitcast %parallel_loop3A_729 : vector<16xf32> to vector<16xi32>
      %parallel_loop3A_731 = arith.constant 17 : i32
      %parallel_loop3A_732 = vector.broadcast %parallel_loop3A_731 : i32 to vector<16xi32>
      %parallel_loop3A_733 = arith.shrui %parallel_loop3A_730, %parallel_loop3A_732 : vector<16xi32>
      %parallel_loop3A_734 = arith.constant 16368 : i32
      %parallel_loop3A_735 = vector.broadcast %parallel_loop3A_734 : i32 to vector<16xi32>
      %parallel_loop3A_736 = arith.andi %parallel_loop3A_733, %parallel_loop3A_735 : vector<16xi32>
      %parallel_loop3A_737 = arith.ori %parallel_loop3A_736, %iota3A : vector<16xi32>
      tpu.vector_store_idx %arg7[%parallel_loop3A_737], %broadcast_in_dim3A_7 {add = true} : memref<16384xi32, #tpu.memory_space<vmem>>[vector<16xi32>], vector<16xi32>,
      %parallel_loop3A_738 = arith.mulf %parallel_loop3A_729, %parallel_loop3A_729 : vector<16xf32>
      tpu.vector_store_idx %arg8[%parallel_loop3A_737], %parallel_loop3A_738 {add = true} : memref<16384xf32, #tpu.memory_space<vmem>>[vector<16xi32>], vector<16xf32>,
    } {sc.loop_unroll_factor = 8 : i64, sc.parallel_access}
    %dma_wait3A_586 = arith.constant 512 : i32
    %dma_wait3A_587 = arith.constant 0 : i32
    %dma_wait3A_588 = tpu.memref_slice %arg5[%dma_wait3A_586, %dma_wait3A_587] : memref<1024x16xf32, #tpu.memory_space<vmem>> -> memref<512x16xf32, #tpu.memory_space<vmem>>
    %dma_wait3A_589 = tpu.memref_slice %arg2[%add3A_550, %mul3A_4] : memref<32768x128xf32, #tpu.memory_space<hbm>> -> memref<512x16xf32, #tpu.memory_space<hbm>>
    %dma_wait3A_590 = arith.constant 512 : i32
    %dma_wait3A_591 = arith.constant 0 : i32
    %dma_wait3A_592 = tpu.memref_slice %arg5[%dma_wait3A_590, %dma_wait3A_591] : memref<1024x16xf32, #tpu.memory_space<vmem>> -> memref<512x16xf32, #tpu.memory_space<vmem>>
    %dma_wait3A_593 = tpu.memref_slice %arg2[%add3A_550, %mul3A_4] : memref<32768x128xf32, #tpu.memory_space<hbm>> -> memref<512x16xf32, #tpu.memory_space<hbm>>
    tpu.wait_dma2 semaphore(%arg12 : memref<!tpu.dma_semaphore, #tpu.memory_space<semaphore_mem>>) src(%dma_wait3A_593 : memref<512x16xf32, #tpu.memory_space<hbm>>) dst(%dma_wait3A_592 : memref<512x16xf32, #tpu.memory_space<vmem>>)
    %dma_wait3A_594 = arith.constant 512 : i32
    %dma_wait3A_595 = arith.constant 0 : i32
    %dma_wait3A_596 = tpu.memref_slice %arg6[%dma_wait3A_594, %dma_wait3A_595] : memref<1024x16xf32, #tpu.memory_space<vmem>> -> memref<512x16xf32, #tpu.memory_space<vmem>>
    %dma_wait3A_597 = tpu.memref_slice %arg3[%add3A_550, %mul3A_4] : memref<32768x128xf32, #tpu.memory_space<hbm>> -> memref<512x16xf32, #tpu.memory_space<hbm>>
    %dma_wait3A_598 = arith.constant 512 : i32
    %dma_wait3A_599 = arith.constant 0 : i32
    %dma_wait3A_600 = tpu.memref_slice %arg6[%dma_wait3A_598, %dma_wait3A_599] : memref<1024x16xf32, #tpu.memory_space<vmem>> -> memref<512x16xf32, #tpu.memory_space<vmem>>
    %dma_wait3A_601 = tpu.memref_slice %arg3[%add3A_550, %mul3A_4] : memref<32768x128xf32, #tpu.memory_space<hbm>> -> memref<512x16xf32, #tpu.memory_space<hbm>>
    tpu.wait_dma2 semaphore(%arg13 : memref<!tpu.dma_semaphore, #tpu.memory_space<semaphore_mem>>) src(%dma_wait3A_601 : memref<512x16xf32, #tpu.memory_space<hbm>>) dst(%dma_wait3A_600 : memref<512x16xf32, #tpu.memory_space<vmem>>)
    %parallel_loop3A_602 = arith.constant 0 : i32
    %parallel_loop3A_603 = arith.constant 512 : i32
    %parallel_loop3A_604 = arith.constant 1 : i32
    scf.for %parallel_loop3A_718 = %parallel_loop3A_602 to %parallel_loop3A_603 step %parallel_loop3A_604  : i32 {
      %parallel_loop3A_719 = arith.constant 512 : i32
      %parallel_loop3A_720 = arith.addi %parallel_loop3A_719, %parallel_loop3A_718 : i32
      %parallel_loop3A_721 = arith.index_cast %parallel_loop3A_720 : i32 to index
      %parallel_loop3A_722 = arith.constant 0 : index
      %parallel_loop3A_723 = tpu.vector_load %arg5[%parallel_loop3A_721, %parallel_loop3A_722] {strides = array<i32>} : memref<1024x16xf32, #tpu.memory_space<vmem>>, vector<16xf32>,
      %parallel_loop3A_724 = arith.constant 512 : i32
      %parallel_loop3A_725 = arith.addi %parallel_loop3A_724, %parallel_loop3A_718 : i32
      %parallel_loop3A_726 = arith.index_cast %parallel_loop3A_725 : i32 to index
      %parallel_loop3A_727 = arith.constant 0 : index
      %parallel_loop3A_728 = tpu.vector_load %arg6[%parallel_loop3A_726, %parallel_loop3A_727] {strides = array<i32>} : memref<1024x16xf32, #tpu.memory_space<vmem>>, vector<16xf32>,
      %parallel_loop3A_729 = arith.subf %parallel_loop3A_723, %parallel_loop3A_728 : vector<16xf32>
      %parallel_loop3A_730 = vector.bitcast %parallel_loop3A_729 : vector<16xf32> to vector<16xi32>
      %parallel_loop3A_731 = arith.constant 17 : i32
      %parallel_loop3A_732 = vector.broadcast %parallel_loop3A_731 : i32 to vector<16xi32>
      %parallel_loop3A_733 = arith.shrui %parallel_loop3A_730, %parallel_loop3A_732 : vector<16xi32>
      %parallel_loop3A_734 = arith.constant 16368 : i32
      %parallel_loop3A_735 = vector.broadcast %parallel_loop3A_734 : i32 to vector<16xi32>
      %parallel_loop3A_736 = arith.andi %parallel_loop3A_733, %parallel_loop3A_735 : vector<16xi32>
      %parallel_loop3A_737 = arith.ori %parallel_loop3A_736, %iota3A : vector<16xi32>
      tpu.vector_store_idx %arg7[%parallel_loop3A_737], %broadcast_in_dim3A_7 {add = true} : memref<16384xi32, #tpu.memory_space<vmem>>[vector<16xi32>], vector<16xi32>,
      %parallel_loop3A_738 = arith.mulf %parallel_loop3A_729, %parallel_loop3A_729 : vector<16xf32>
      tpu.vector_store_idx %arg8[%parallel_loop3A_737], %parallel_loop3A_738 {add = true} : memref<16384xf32, #tpu.memory_space<vmem>>[vector<16xi32>], vector<16xf32>,
    } {sc.loop_unroll_factor = 8 : i64, sc.parallel_access}
    "tpu.region"() ({
      %run_scoped3A = tpu.sem_alloc : memref<!tpu.dma_semaphore, #tpu.memory_space<semaphore_mem>>
      %dma_start3A_718 = arith.constant 0 : i32
      %dma_start3A_719 = tpu.memref_slice %arg14[%arg1, %dma_start3A_718] : memref<16x16384xi32, #tpu.memory_space<vmem_shared>> -> memref<1x16384xi32, #tpu.memory_space<vmem_shared>>
      %dma_start3A_720 = tpu.memref_squeeze %dma_start3A_719 : memref<1x16384xi32, #tpu.memory_space<vmem_shared>> -> memref<16384xi32, #tpu.memory_space<vmem_shared>>
      %dma_start3A_721 = arith.constant 0 : i32
      %dma_start3A_722 = tpu.memref_slice %arg14[%arg1, %dma_start3A_721] : memref<16x16384xi32, #tpu.memory_space<vmem_shared>> -> memref<1x16384xi32, #tpu.memory_space<vmem_shared>>
      %dma_start3A_723 = tpu.memref_squeeze %dma_start3A_722 : memref<1x16384xi32, #tpu.memory_space<vmem_shared>> -> memref<16384xi32, #tpu.memory_space<vmem_shared>>
      tpu.enqueue_dma source(%arg7 : memref<16384xi32, #tpu.memory_space<vmem>>) target(%dma_start3A_723 : memref<16384xi32, #tpu.memory_space<vmem_shared>>) target_semaphore(%run_scoped3A : memref<!tpu.dma_semaphore, #tpu.memory_space<semaphore_mem>>)
      %dma_wait3A_724 = arith.constant 0 : i32
      %dma_wait3A_725 = tpu.memref_slice %arg14[%arg1, %dma_wait3A_724] : memref<16x16384xi32, #tpu.memory_space<vmem_shared>> -> memref<1x16384xi32, #tpu.memory_space<vmem_shared>>
      %dma_wait3A_726 = tpu.memref_squeeze %dma_wait3A_725 : memref<1x16384xi32, #tpu.memory_space<vmem_shared>> -> memref<16384xi32, #tpu.memory_space<vmem_shared>>
      %dma_wait3A_727 = arith.constant 0 : i32
      %dma_wait3A_728 = tpu.memref_slice %arg14[%arg1, %dma_wait3A_727] : memref<16x16384xi32, #tpu.memory_space<vmem_shared>> -> memref<1x16384xi32, #tpu.memory_space<vmem_shared>>
      %dma_wait3A_729 = tpu.memref_squeeze %dma_wait3A_728 : memref<1x16384xi32, #tpu.memory_space<vmem_shared>> -> memref<16384xi32, #tpu.memory_space<vmem_shared>>
      tpu.wait_dma2 semaphore(%run_scoped3A : memref<!tpu.dma_semaphore, #tpu.memory_space<semaphore_mem>>) src(%arg7 : memref<16384xi32, #tpu.memory_space<vmem>>) dst(%dma_wait3A_729 : memref<16384xi32, #tpu.memory_space<vmem_shared>>)
      tpu.yield
    }) : () -> ()
    "tpu.region"() ({
      %run_scoped3A = tpu.sem_alloc : memref<!tpu.dma_semaphore, #tpu.memory_space<semaphore_mem>>
      %dma_start3A_718 = arith.constant 0 : i32
      %dma_start3A_719 = tpu.memref_slice %arg15[%arg1, %dma_start3A_718] : memref<16x16384xf32, #tpu.memory_space<vmem_shared>> -> memref<1x16384xf32, #tpu.memory_space<vmem_shared>>
      %dma_start3A_720 = tpu.memref_squeeze %dma_start3A_719 : memref<1x16384xf32, #tpu.memory_space<vmem_shared>> -> memref<16384xf32, #tpu.memory_space<vmem_shared>>
      %dma_start3A_721 = arith.constant 0 : i32
      %dma_start3A_722 = tpu.memref_slice %arg15[%arg1, %dma_start3A_721] : memref<16x16384xf32, #tpu.memory_space<vmem_shared>> -> memref<1x16384xf32, #tpu.memory_space<vmem_shared>>
      %dma_start3A_723 = tpu.memref_squeeze %dma_start3A_722 : memref<1x16384xf32, #tpu.memory_space<vmem_shared>> -> memref<16384xf32, #tpu.memory_space<vmem_shared>>
      tpu.enqueue_dma source(%arg8 : memref<16384xf32, #tpu.memory_space<vmem>>) target(%dma_start3A_723 : memref<16384xf32, #tpu.memory_space<vmem_shared>>) target_semaphore(%run_scoped3A : memref<!tpu.dma_semaphore, #tpu.memory_space<semaphore_mem>>)
      %dma_wait3A_724 = arith.constant 0 : i32
      %dma_wait3A_725 = tpu.memref_slice %arg15[%arg1, %dma_wait3A_724] : memref<16x16384xf32, #tpu.memory_space<vmem_shared>> -> memref<1x16384xf32, #tpu.memory_space<vmem_shared>>
      %dma_wait3A_726 = tpu.memref_squeeze %dma_wait3A_725 : memref<1x16384xf32, #tpu.memory_space<vmem_shared>> -> memref<16384xf32, #tpu.memory_space<vmem_shared>>
      %dma_wait3A_727 = arith.constant 0 : i32
      %dma_wait3A_728 = tpu.memref_slice %arg15[%arg1, %dma_wait3A_727] : memref<16x16384xf32, #tpu.memory_space<vmem_shared>> -> memref<1x16384xf32, #tpu.memory_space<vmem_shared>>
      %dma_wait3A_729 = tpu.memref_squeeze %dma_wait3A_728 : memref<1x16384xf32, #tpu.memory_space<vmem_shared>> -> memref<16384xf32, #tpu.memory_space<vmem_shared>>
      tpu.wait_dma2 semaphore(%run_scoped3A : memref<!tpu.dma_semaphore, #tpu.memory_space<semaphore_mem>>) src(%arg8 : memref<16384xf32, #tpu.memory_space<vmem>>) dst(%dma_wait3A_729 : memref<16384xf32, #tpu.memory_space<vmem_shared>>)
      tpu.yield
    }) : () -> ()
    %barrier3A = arith.constant 0 : index
    tpu.barrier barrier_id(%barrier3A)
    %mul3A_605 = arith.constant 4096 : i32
    %mul3A_606 = arith.muli %div3A_1, %mul3A_605 : i32
    "tpu.region"() ({
      %run_scoped3A = tpu.sem_alloc : memref<!tpu.dma_semaphore, #tpu.memory_space<semaphore_mem>>
      %dma_start3A_718 = arith.constant 0 : i32
      %dma_start3A_719 = tpu.memref_slice %arg7[%dma_start3A_718] : memref<16384xi32, #tpu.memory_space<vmem>> -> memref<4096xi32, #tpu.memory_space<vmem>>
      %dma_start3A_720 = tpu.memref_slice %arg14[%rem3A_0, %mul3A_606] : memref<16x16384xi32, #tpu.memory_space<vmem_shared>> -> memref<1x4096xi32, #tpu.memory_space<vmem_shared>>
      %dma_start3A_721 = tpu.memref_squeeze %dma_start3A_720 : memref<1x4096xi32, #tpu.memory_space<vmem_shared>> -> memref<4096xi32, #tpu.memory_space<vmem_shared>>
      %dma_start3A_722 = arith.constant 0 : i32
      %dma_start3A_723 = tpu.memref_slice %arg7[%dma_start3A_722] : memref<16384xi32, #tpu.memory_space<vmem>> -> memref<4096xi32, #tpu.memory_space<vmem>>
      %dma_start3A_724 = tpu.memref_slice %arg14[%rem3A_0, %mul3A_606] : memref<16x16384xi32, #tpu.memory_space<vmem_shared>> -> memref<1x4096xi32, #tpu.memory_space<vmem_shared>>
      %dma_start3A_725 = tpu.memref_squeeze %dma_start3A_724 : memref<1x4096xi32, #tpu.memory_space<vmem_shared>> -> memref<4096xi32, #tpu.memory_space<vmem_shared>>
      tpu.enqueue_dma source(%dma_start3A_725 : memref<4096xi32, #tpu.memory_space<vmem_shared>>) target(%dma_start3A_723 : memref<4096xi32, #tpu.memory_space<vmem>>) target_semaphore(%run_scoped3A : memref<!tpu.dma_semaphore, #tpu.memory_space<semaphore_mem>>)
      %dma_wait3A_726 = arith.constant 0 : i32
      %dma_wait3A_727 = tpu.memref_slice %arg7[%dma_wait3A_726] : memref<16384xi32, #tpu.memory_space<vmem>> -> memref<4096xi32, #tpu.memory_space<vmem>>
      %dma_wait3A_728 = tpu.memref_slice %arg14[%rem3A_0, %mul3A_606] : memref<16x16384xi32, #tpu.memory_space<vmem_shared>> -> memref<1x4096xi32, #tpu.memory_space<vmem_shared>>
      %dma_wait3A_729 = tpu.memref_squeeze %dma_wait3A_728 : memref<1x4096xi32, #tpu.memory_space<vmem_shared>> -> memref<4096xi32, #tpu.memory_space<vmem_shared>>
      %dma_wait3A_730 = arith.constant 0 : i32
      %dma_wait3A_731 = tpu.memref_slice %arg7[%dma_wait3A_730] : memref<16384xi32, #tpu.memory_space<vmem>> -> memref<4096xi32, #tpu.memory_space<vmem>>
      %dma_wait3A_732 = tpu.memref_slice %arg14[%rem3A_0, %mul3A_606] : memref<16x16384xi32, #tpu.memory_space<vmem_shared>> -> memref<1x4096xi32, #tpu.memory_space<vmem_shared>>
      %dma_wait3A_733 = tpu.memref_squeeze %dma_wait3A_732 : memref<1x4096xi32, #tpu.memory_space<vmem_shared>> -> memref<4096xi32, #tpu.memory_space<vmem_shared>>
      tpu.wait_dma2 semaphore(%run_scoped3A : memref<!tpu.dma_semaphore, #tpu.memory_space<semaphore_mem>>) src(%dma_wait3A_733 : memref<4096xi32, #tpu.memory_space<vmem_shared>>) dst(%dma_wait3A_731 : memref<4096xi32, #tpu.memory_space<vmem>>)
      tpu.yield
    }) : () -> ()
    "tpu.region"() ({
      %run_scoped3A = tpu.sem_alloc : memref<!tpu.dma_semaphore, #tpu.memory_space<semaphore_mem>>
      %dma_start3A_718 = arith.constant 0 : i32
      %dma_start3A_719 = tpu.memref_slice %arg8[%dma_start3A_718] : memref<16384xf32, #tpu.memory_space<vmem>> -> memref<4096xf32, #tpu.memory_space<vmem>>
      %dma_start3A_720 = tpu.memref_slice %arg15[%rem3A_0, %mul3A_606] : memref<16x16384xf32, #tpu.memory_space<vmem_shared>> -> memref<1x4096xf32, #tpu.memory_space<vmem_shared>>
      %dma_start3A_721 = tpu.memref_squeeze %dma_start3A_720 : memref<1x4096xf32, #tpu.memory_space<vmem_shared>> -> memref<4096xf32, #tpu.memory_space<vmem_shared>>
      %dma_start3A_722 = arith.constant 0 : i32
      %dma_start3A_723 = tpu.memref_slice %arg8[%dma_start3A_722] : memref<16384xf32, #tpu.memory_space<vmem>> -> memref<4096xf32, #tpu.memory_space<vmem>>
      %dma_start3A_724 = tpu.memref_slice %arg15[%rem3A_0, %mul3A_606] : memref<16x16384xf32, #tpu.memory_space<vmem_shared>> -> memref<1x4096xf32, #tpu.memory_space<vmem_shared>>
      %dma_start3A_725 = tpu.memref_squeeze %dma_start3A_724 : memref<1x4096xf32, #tpu.memory_space<vmem_shared>> -> memref<4096xf32, #tpu.memory_space<vmem_shared>>
      tpu.enqueue_dma source(%dma_start3A_725 : memref<4096xf32, #tpu.memory_space<vmem_shared>>) target(%dma_start3A_723 : memref<4096xf32, #tpu.memory_space<vmem>>) target_semaphore(%run_scoped3A : memref<!tpu.dma_semaphore, #tpu.memory_space<semaphore_mem>>)
      %dma_wait3A_726 = arith.constant 0 : i32
      %dma_wait3A_727 = tpu.memref_slice %arg8[%dma_wait3A_726] : memref<16384xf32, #tpu.memory_space<vmem>> -> memref<4096xf32, #tpu.memory_space<vmem>>
      %dma_wait3A_728 = tpu.memref_slice %arg15[%rem3A_0, %mul3A_606] : memref<16x16384xf32, #tpu.memory_space<vmem_shared>> -> memref<1x4096xf32, #tpu.memory_space<vmem_shared>>
      %dma_wait3A_729 = tpu.memref_squeeze %dma_wait3A_728 : memref<1x4096xf32, #tpu.memory_space<vmem_shared>> -> memref<4096xf32, #tpu.memory_space<vmem_shared>>
      %dma_wait3A_730 = arith.constant 0 : i32
      %dma_wait3A_731 = tpu.memref_slice %arg8[%dma_wait3A_730] : memref<16384xf32, #tpu.memory_space<vmem>> -> memref<4096xf32, #tpu.memory_space<vmem>>
      %dma_wait3A_732 = tpu.memref_slice %arg15[%rem3A_0, %mul3A_606] : memref<16x16384xf32, #tpu.memory_space<vmem_shared>> -> memref<1x4096xf32, #tpu.memory_space<vmem_shared>>
      %dma_wait3A_733 = tpu.memref_squeeze %dma_wait3A_732 : memref<1x4096xf32, #tpu.memory_space<vmem_shared>> -> memref<4096xf32, #tpu.memory_space<vmem_shared>>
      tpu.wait_dma2 semaphore(%run_scoped3A : memref<!tpu.dma_semaphore, #tpu.memory_space<semaphore_mem>>) src(%dma_wait3A_733 : memref<4096xf32, #tpu.memory_space<vmem_shared>>) dst(%dma_wait3A_731 : memref<4096xf32, #tpu.memory_space<vmem>>)
      tpu.yield
    }) : () -> ()
    %add3A_607 = arith.constant 4 : i32
    %add3A_608 = arith.addi %add3A_607, %rem3A_0 : i32
    "tpu.region"() ({
      %run_scoped3A = tpu.sem_alloc : memref<!tpu.dma_semaphore, #tpu.memory_space<semaphore_mem>>
      %dma_start3A_718 = arith.constant 4096 : i32
      %dma_start3A_719 = tpu.memref_slice %arg7[%dma_start3A_718] : memref<16384xi32, #tpu.memory_space<vmem>> -> memref<4096xi32, #tpu.memory_space<vmem>>
      %dma_start3A_720 = tpu.memref_slice %arg14[%add3A_608, %mul3A_606] : memref<16x16384xi32, #tpu.memory_space<vmem_shared>> -> memref<1x4096xi32, #tpu.memory_space<vmem_shared>>
      %dma_start3A_721 = tpu.memref_squeeze %dma_start3A_720 : memref<1x4096xi32, #tpu.memory_space<vmem_shared>> -> memref<4096xi32, #tpu.memory_space<vmem_shared>>
      %dma_start3A_722 = arith.constant 4096 : i32
      %dma_start3A_723 = tpu.memref_slice %arg7[%dma_start3A_722] : memref<16384xi32, #tpu.memory_space<vmem>> -> memref<4096xi32, #tpu.memory_space<vmem>>
      %dma_start3A_724 = tpu.memref_slice %arg14[%add3A_608, %mul3A_606] : memref<16x16384xi32, #tpu.memory_space<vmem_shared>> -> memref<1x4096xi32, #tpu.memory_space<vmem_shared>>
      %dma_start3A_725 = tpu.memref_squeeze %dma_start3A_724 : memref<1x4096xi32, #tpu.memory_space<vmem_shared>> -> memref<4096xi32, #tpu.memory_space<vmem_shared>>
      tpu.enqueue_dma source(%dma_start3A_725 : memref<4096xi32, #tpu.memory_space<vmem_shared>>) target(%dma_start3A_723 : memref<4096xi32, #tpu.memory_space<vmem>>) target_semaphore(%run_scoped3A : memref<!tpu.dma_semaphore, #tpu.memory_space<semaphore_mem>>)
      %dma_wait3A_726 = arith.constant 4096 : i32
      %dma_wait3A_727 = tpu.memref_slice %arg7[%dma_wait3A_726] : memref<16384xi32, #tpu.memory_space<vmem>> -> memref<4096xi32, #tpu.memory_space<vmem>>
      %dma_wait3A_728 = tpu.memref_slice %arg14[%add3A_608, %mul3A_606] : memref<16x16384xi32, #tpu.memory_space<vmem_shared>> -> memref<1x4096xi32, #tpu.memory_space<vmem_shared>>
      %dma_wait3A_729 = tpu.memref_squeeze %dma_wait3A_728 : memref<1x4096xi32, #tpu.memory_space<vmem_shared>> -> memref<4096xi32, #tpu.memory_space<vmem_shared>>
      %dma_wait3A_730 = arith.constant 4096 : i32
      %dma_wait3A_731 = tpu.memref_slice %arg7[%dma_wait3A_730] : memref<16384xi32, #tpu.memory_space<vmem>> -> memref<4096xi32, #tpu.memory_space<vmem>>
      %dma_wait3A_732 = tpu.memref_slice %arg14[%add3A_608, %mul3A_606] : memref<16x16384xi32, #tpu.memory_space<vmem_shared>> -> memref<1x4096xi32, #tpu.memory_space<vmem_shared>>
      %dma_wait3A_733 = tpu.memref_squeeze %dma_wait3A_732 : memref<1x4096xi32, #tpu.memory_space<vmem_shared>> -> memref<4096xi32, #tpu.memory_space<vmem_shared>>
      tpu.wait_dma2 semaphore(%run_scoped3A : memref<!tpu.dma_semaphore, #tpu.memory_space<semaphore_mem>>) src(%dma_wait3A_733 : memref<4096xi32, #tpu.memory_space<vmem_shared>>) dst(%dma_wait3A_731 : memref<4096xi32, #tpu.memory_space<vmem>>)
      tpu.yield
    }) : () -> ()
    "tpu.region"() ({
      %run_scoped3A = tpu.sem_alloc : memref<!tpu.dma_semaphore, #tpu.memory_space<semaphore_mem>>
      %dma_start3A_718 = arith.constant 4096 : i32
      %dma_start3A_719 = tpu.memref_slice %arg8[%dma_start3A_718] : memref<16384xf32, #tpu.memory_space<vmem>> -> memref<4096xf32, #tpu.memory_space<vmem>>
      %dma_start3A_720 = tpu.memref_slice %arg15[%add3A_608, %mul3A_606] : memref<16x16384xf32, #tpu.memory_space<vmem_shared>> -> memref<1x4096xf32, #tpu.memory_space<vmem_shared>>
      %dma_start3A_721 = tpu.memref_squeeze %dma_start3A_720 : memref<1x4096xf32, #tpu.memory_space<vmem_shared>> -> memref<4096xf32, #tpu.memory_space<vmem_shared>>
      %dma_start3A_722 = arith.constant 4096 : i32
      %dma_start3A_723 = tpu.memref_slice %arg8[%dma_start3A_722] : memref<16384xf32, #tpu.memory_space<vmem>> -> memref<4096xf32, #tpu.memory_space<vmem>>
      %dma_start3A_724 = tpu.memref_slice %arg15[%add3A_608, %mul3A_606] : memref<16x16384xf32, #tpu.memory_space<vmem_shared>> -> memref<1x4096xf32, #tpu.memory_space<vmem_shared>>
      %dma_start3A_725 = tpu.memref_squeeze %dma_start3A_724 : memref<1x4096xf32, #tpu.memory_space<vmem_shared>> -> memref<4096xf32, #tpu.memory_space<vmem_shared>>
      tpu.enqueue_dma source(%dma_start3A_725 : memref<4096xf32, #tpu.memory_space<vmem_shared>>) target(%dma_start3A_723 : memref<4096xf32, #tpu.memory_space<vmem>>) target_semaphore(%run_scoped3A : memref<!tpu.dma_semaphore, #tpu.memory_space<semaphore_mem>>)
      %dma_wait3A_726 = arith.constant 4096 : i32
      %dma_wait3A_727 = tpu.memref_slice %arg8[%dma_wait3A_726] : memref<16384xf32, #tpu.memory_space<vmem>> -> memref<4096xf32, #tpu.memory_space<vmem>>
      %dma_wait3A_728 = tpu.memref_slice %arg15[%add3A_608, %mul3A_606] : memref<16x16384xf32, #tpu.memory_space<vmem_shared>> -> memref<1x4096xf32, #tpu.memory_space<vmem_shared>>
      %dma_wait3A_729 = tpu.memref_squeeze %dma_wait3A_728 : memref<1x4096xf32, #tpu.memory_space<vmem_shared>> -> memref<4096xf32, #tpu.memory_space<vmem_shared>>
      %dma_wait3A_730 = arith.constant 4096 : i32
      %dma_wait3A_731 = tpu.memref_slice %arg8[%dma_wait3A_730] : memref<16384xf32, #tpu.memory_space<vmem>> -> memref<4096xf32, #tpu.memory_space<vmem>>
      %dma_wait3A_732 = tpu.memref_slice %arg15[%add3A_608, %mul3A_606] : memref<16x16384xf32, #tpu.memory_space<vmem_shared>> -> memref<1x4096xf32, #tpu.memory_space<vmem_shared>>
      %dma_wait3A_733 = tpu.memref_squeeze %dma_wait3A_732 : memref<1x4096xf32, #tpu.memory_space<vmem_shared>> -> memref<4096xf32, #tpu.memory_space<vmem_shared>>
      tpu.wait_dma2 semaphore(%run_scoped3A : memref<!tpu.dma_semaphore, #tpu.memory_space<semaphore_mem>>) src(%dma_wait3A_733 : memref<4096xf32, #tpu.memory_space<vmem_shared>>) dst(%dma_wait3A_731 : memref<4096xf32, #tpu.memory_space<vmem>>)
      tpu.yield
    }) : () -> ()
    %scan3A_609 = arith.constant 0 : i32
    %scan3A_610 = arith.constant 256 : i32
    %scan3A_611 = arith.addi %scan3A_609, %scan3A_610 : i32
    %scan3A_612 = arith.constant 1 : i32
    scf.for %scan3A_718 = %scan3A_609 to %scan3A_611 step %scan3A_612  : i32 {
      %mul3A_719 = arith.constant 1 : i32
      %mul3A_720 = arith.muli %scan3A_718, %mul3A_719 : i32
      %add3A_721 = arith.constant 0 : i32
      %add3A_722 = arith.addi %add3A_721, %mul3A_720 : i32
      %mul3A_723 = arith.constant 16 : i32
      %mul3A_724 = arith.muli %add3A_722, %mul3A_723 : i32
      %get3A_725 = arith.index_cast %mul3A_724 : i32 to index
      %get3A_726 = tpu.vector_load %arg7[%get3A_725] {strides = array<i32>} : memref<16384xi32, #tpu.memory_space<vmem>>, vector<16xi32>,
      %mul3A_727 = arith.constant 16 : i32
      %mul3A_728 = arith.muli %add3A_722, %mul3A_727 : i32
      %add3A_729 = arith.constant 4096 : i32
      %add3A_730 = arith.addi %add3A_729, %mul3A_728 : i32
      %get3A_731 = arith.index_cast %add3A_730 : i32 to index
      %get3A_732 = tpu.vector_load %arg7[%get3A_731] {strides = array<i32>} : memref<16384xi32, #tpu.memory_space<vmem>>, vector<16xi32>,
      %add3A_733 = arith.addi %get3A_726, %get3A_732 : vector<16xi32>
      %mul3A_734 = arith.constant 16 : i32
      %mul3A_735 = arith.muli %add3A_722, %mul3A_734 : i32
      %swap3A_736 = arith.index_cast %mul3A_735 : i32 to index
      %swap3A_737 = tpu.vector_load %arg7[%swap3A_736] {strides = array<i32>} : memref<16384xi32, #tpu.memory_space<vmem>>, vector<16xi32>,
      tpu.vector_store %arg7[%swap3A_736], %add3A_733 {strides = array<i32>} : memref<16384xi32, #tpu.memory_space<vmem>>, vector<16xi32>,
      %mul3A_738 = arith.constant 16 : i32
      %mul3A_739 = arith.muli %add3A_722, %mul3A_738 : i32
      %get3A_740 = arith.index_cast %mul3A_739 : i32 to index
      %get3A_741 = tpu.vector_load %arg8[%get3A_740] {strides = array<i32>} : memref<16384xf32, #tpu.memory_space<vmem>>, vector<16xf32>,
      %mul3A_742 = arith.constant 16 : i32
      %mul3A_743 = arith.muli %add3A_722, %mul3A_742 : i32
      %add3A_744 = arith.constant 4096 : i32
      %add3A_745 = arith.addi %add3A_744, %mul3A_743 : i32
      %get3A_746 = arith.index_cast %add3A_745 : i32 to index
      %get3A_747 = tpu.vector_load %arg8[%get3A_746] {strides = array<i32>} : memref<16384xf32, #tpu.memory_space<vmem>>, vector<16xf32>,
      %add3A_748 = arith.addf %get3A_741, %get3A_747 : vector<16xf32>
      %mul3A_749 = arith.constant 16 : i32
      %mul3A_750 = arith.muli %add3A_722, %mul3A_749 : i32
      %swap3A_751 = arith.index_cast %mul3A_750 : i32 to index
      %swap3A_752 = tpu.vector_load %arg8[%swap3A_751] {strides = array<i32>} : memref<16384xf32, #tpu.memory_space<vmem>>, vector<16xf32>,
      tpu.vector_store %arg8[%swap3A_751], %add3A_748 {strides = array<i32>} : memref<16384xf32, #tpu.memory_space<vmem>>, vector<16xf32>,
    }
    %scan3A_613 = arith.constant 256 : i32
    %add3A_614 = arith.constant 8 : i32
    %add3A_615 = arith.addi %add3A_614, %rem3A_0 : i32
    "tpu.region"() ({
      %run_scoped3A = tpu.sem_alloc : memref<!tpu.dma_semaphore, #tpu.memory_space<semaphore_mem>>
      %dma_start3A_718 = arith.constant 4096 : i32
      %dma_start3A_719 = tpu.memref_slice %arg7[%dma_start3A_718] : memref<16384xi32, #tpu.memory_space<vmem>> -> memref<4096xi32, #tpu.memory_space<vmem>>
      %dma_start3A_720 = tpu.memref_slice %arg14[%add3A_615, %mul3A_606] : memref<16x16384xi32, #tpu.memory_space<vmem_shared>> -> memref<1x4096xi32, #tpu.memory_space<vmem_shared>>
      %dma_start3A_721 = tpu.memref_squeeze %dma_start3A_720 : memref<1x4096xi32, #tpu.memory_space<vmem_shared>> -> memref<4096xi32, #tpu.memory_space<vmem_shared>>
      %dma_start3A_722 = arith.constant 4096 : i32
      %dma_start3A_723 = tpu.memref_slice %arg7[%dma_start3A_722] : memref<16384xi32, #tpu.memory_space<vmem>> -> memref<4096xi32, #tpu.memory_space<vmem>>
      %dma_start3A_724 = tpu.memref_slice %arg14[%add3A_615, %mul3A_606] : memref<16x16384xi32, #tpu.memory_space<vmem_shared>> -> memref<1x4096xi32, #tpu.memory_space<vmem_shared>>
      %dma_start3A_725 = tpu.memref_squeeze %dma_start3A_724 : memref<1x4096xi32, #tpu.memory_space<vmem_shared>> -> memref<4096xi32, #tpu.memory_space<vmem_shared>>
      tpu.enqueue_dma source(%dma_start3A_725 : memref<4096xi32, #tpu.memory_space<vmem_shared>>) target(%dma_start3A_723 : memref<4096xi32, #tpu.memory_space<vmem>>) target_semaphore(%run_scoped3A : memref<!tpu.dma_semaphore, #tpu.memory_space<semaphore_mem>>)
      %dma_wait3A_726 = arith.constant 4096 : i32
      %dma_wait3A_727 = tpu.memref_slice %arg7[%dma_wait3A_726] : memref<16384xi32, #tpu.memory_space<vmem>> -> memref<4096xi32, #tpu.memory_space<vmem>>
      %dma_wait3A_728 = tpu.memref_slice %arg14[%add3A_615, %mul3A_606] : memref<16x16384xi32, #tpu.memory_space<vmem_shared>> -> memref<1x4096xi32, #tpu.memory_space<vmem_shared>>
      %dma_wait3A_729 = tpu.memref_squeeze %dma_wait3A_728 : memref<1x4096xi32, #tpu.memory_space<vmem_shared>> -> memref<4096xi32, #tpu.memory_space<vmem_shared>>
      %dma_wait3A_730 = arith.constant 4096 : i32
      %dma_wait3A_731 = tpu.memref_slice %arg7[%dma_wait3A_730] : memref<16384xi32, #tpu.memory_space<vmem>> -> memref<4096xi32, #tpu.memory_space<vmem>>
      %dma_wait3A_732 = tpu.memref_slice %arg14[%add3A_615, %mul3A_606] : memref<16x16384xi32, #tpu.memory_space<vmem_shared>> -> memref<1x4096xi32, #tpu.memory_space<vmem_shared>>
      %dma_wait3A_733 = tpu.memref_squeeze %dma_wait3A_732 : memref<1x4096xi32, #tpu.memory_space<vmem_shared>> -> memref<4096xi32, #tpu.memory_space<vmem_shared>>
      tpu.wait_dma2 semaphore(%run_scoped3A : memref<!tpu.dma_semaphore, #tpu.memory_space<semaphore_mem>>) src(%dma_wait3A_733 : memref<4096xi32, #tpu.memory_space<vmem_shared>>) dst(%dma_wait3A_731 : memref<4096xi32, #tpu.memory_space<vmem>>)
      tpu.yield
    }) : () -> ()
    "tpu.region"() ({
      %run_scoped3A = tpu.sem_alloc : memref<!tpu.dma_semaphore, #tpu.memory_space<semaphore_mem>>
      %dma_start3A_718 = arith.constant 4096 : i32
      %dma_start3A_719 = tpu.memref_slice %arg8[%dma_start3A_718] : memref<16384xf32, #tpu.memory_space<vmem>> -> memref<4096xf32, #tpu.memory_space<vmem>>
      %dma_start3A_720 = tpu.memref_slice %arg15[%add3A_615, %mul3A_606] : memref<16x16384xf32, #tpu.memory_space<vmem_shared>> -> memref<1x4096xf32, #tpu.memory_space<vmem_shared>>
      %dma_start3A_721 = tpu.memref_squeeze %dma_start3A_720 : memref<1x4096xf32, #tpu.memory_space<vmem_shared>> -> memref<4096xf32, #tpu.memory_space<vmem_shared>>
      %dma_start3A_722 = arith.constant 4096 : i32
      %dma_start3A_723 = tpu.memref_slice %arg8[%dma_start3A_722] : memref<16384xf32, #tpu.memory_space<vmem>> -> memref<4096xf32, #tpu.memory_space<vmem>>
      %dma_start3A_724 = tpu.memref_slice %arg15[%add3A_615, %mul3A_606] : memref<16x16384xf32, #tpu.memory_space<vmem_shared>> -> memref<1x4096xf32, #tpu.memory_space<vmem_shared>>
      %dma_start3A_725 = tpu.memref_squeeze %dma_start3A_724 : memref<1x4096xf32, #tpu.memory_space<vmem_shared>> -> memref<4096xf32, #tpu.memory_space<vmem_shared>>
      tpu.enqueue_dma source(%dma_start3A_725 : memref<4096xf32, #tpu.memory_space<vmem_shared>>) target(%dma_start3A_723 : memref<4096xf32, #tpu.memory_space<vmem>>) target_semaphore(%run_scoped3A : memref<!tpu.dma_semaphore, #tpu.memory_space<semaphore_mem>>)
      %dma_wait3A_726 = arith.constant 4096 : i32
      %dma_wait3A_727 = tpu.memref_slice %arg8[%dma_wait3A_726] : memref<16384xf32, #tpu.memory_space<vmem>> -> memref<4096xf32, #tpu.memory_space<vmem>>
      %dma_wait3A_728 = tpu.memref_slice %arg15[%add3A_615, %mul3A_606] : memref<16x16384xf32, #tpu.memory_space<vmem_shared>> -> memref<1x4096xf32, #tpu.memory_space<vmem_shared>>
      %dma_wait3A_729 = tpu.memref_squeeze %dma_wait3A_728 : memref<1x4096xf32, #tpu.memory_space<vmem_shared>> -> memref<4096xf32, #tpu.memory_space<vmem_shared>>
      %dma_wait3A_730 = arith.constant 4096 : i32
      %dma_wait3A_731 = tpu.memref_slice %arg8[%dma_wait3A_730] : memref<16384xf32, #tpu.memory_space<vmem>> -> memref<4096xf32, #tpu.memory_space<vmem>>
      %dma_wait3A_732 = tpu.memref_slice %arg15[%add3A_615, %mul3A_606] : memref<16x16384xf32, #tpu.memory_space<vmem_shared>> -> memref<1x4096xf32, #tpu.memory_space<vmem_shared>>
      %dma_wait3A_733 = tpu.memref_squeeze %dma_wait3A_732 : memref<1x4096xf32, #tpu.memory_space<vmem_shared>> -> memref<4096xf32, #tpu.memory_space<vmem_shared>>
      tpu.wait_dma2 semaphore(%run_scoped3A : memref<!tpu.dma_semaphore, #tpu.memory_space<semaphore_mem>>) src(%dma_wait3A_733 : memref<4096xf32, #tpu.memory_space<vmem_shared>>) dst(%dma_wait3A_731 : memref<4096xf32, #tpu.memory_space<vmem>>)
      tpu.yield
    }) : () -> ()
    %scan3A_616 = arith.constant 0 : i32
    %scan3A_617 = arith.constant 256 : i32
    %scan3A_618 = arith.addi %scan3A_616, %scan3A_617 : i32
    %scan3A_619 = arith.constant 1 : i32
    scf.for %scan3A_718 = %scan3A_616 to %scan3A_618 step %scan3A_619  : i32 {
      %mul3A_719 = arith.constant 1 : i32
      %mul3A_720 = arith.muli %scan3A_718, %mul3A_719 : i32
      %add3A_721 = arith.constant 0 : i32
      %add3A_722 = arith.addi %add3A_721, %mul3A_720 : i32
      %mul3A_723 = arith.constant 16 : i32
      %mul3A_724 = arith.muli %add3A_722, %mul3A_723 : i32
      %get3A_725 = arith.index_cast %mul3A_724 : i32 to index
      %get3A_726 = tpu.vector_load %arg7[%get3A_725] {strides = array<i32>} : memref<16384xi32, #tpu.memory_space<vmem>>, vector<16xi32>,
      %mul3A_727 = arith.constant 16 : i32
      %mul3A_728 = arith.muli %add3A_722, %mul3A_727 : i32
      %add3A_729 = arith.constant 4096 : i32
      %add3A_730 = arith.addi %add3A_729, %mul3A_728 : i32
      %get3A_731 = arith.index_cast %add3A_730 : i32 to index
      %get3A_732 = tpu.vector_load %arg7[%get3A_731] {strides = array<i32>} : memref<16384xi32, #tpu.memory_space<vmem>>, vector<16xi32>,
      %add3A_733 = arith.addi %get3A_726, %get3A_732 : vector<16xi32>
      %mul3A_734 = arith.constant 16 : i32
      %mul3A_735 = arith.muli %add3A_722, %mul3A_734 : i32
      %swap3A_736 = arith.index_cast %mul3A_735 : i32 to index
      %swap3A_737 = tpu.vector_load %arg7[%swap3A_736] {strides = array<i32>} : memref<16384xi32, #tpu.memory_space<vmem>>, vector<16xi32>,
      tpu.vector_store %arg7[%swap3A_736], %add3A_733 {strides = array<i32>} : memref<16384xi32, #tpu.memory_space<vmem>>, vector<16xi32>,
      %mul3A_738 = arith.constant 16 : i32
      %mul3A_739 = arith.muli %add3A_722, %mul3A_738 : i32
      %get3A_740 = arith.index_cast %mul3A_739 : i32 to index
      %get3A_741 = tpu.vector_load %arg8[%get3A_740] {strides = array<i32>} : memref<16384xf32, #tpu.memory_space<vmem>>, vector<16xf32>,
      %mul3A_742 = arith.constant 16 : i32
      %mul3A_743 = arith.muli %add3A_722, %mul3A_742 : i32
      %add3A_744 = arith.constant 4096 : i32
      %add3A_745 = arith.addi %add3A_744, %mul3A_743 : i32
      %get3A_746 = arith.index_cast %add3A_745 : i32 to index
      %get3A_747 = tpu.vector_load %arg8[%get3A_746] {strides = array<i32>} : memref<16384xf32, #tpu.memory_space<vmem>>, vector<16xf32>,
      %add3A_748 = arith.addf %get3A_741, %get3A_747 : vector<16xf32>
      %mul3A_749 = arith.constant 16 : i32
      %mul3A_750 = arith.muli %add3A_722, %mul3A_749 : i32
      %swap3A_751 = arith.index_cast %mul3A_750 : i32 to index
      %swap3A_752 = tpu.vector_load %arg8[%swap3A_751] {strides = array<i32>} : memref<16384xf32, #tpu.memory_space<vmem>>, vector<16xf32>,
      tpu.vector_store %arg8[%swap3A_751], %add3A_748 {strides = array<i32>} : memref<16384xf32, #tpu.memory_space<vmem>>, vector<16xf32>,
    }
    %scan3A_620 = arith.constant 256 : i32
    %add3A_621 = arith.constant 12 : i32
    %add3A_622 = arith.addi %add3A_621, %rem3A_0 : i32
    "tpu.region"() ({
      %run_scoped3A = tpu.sem_alloc : memref<!tpu.dma_semaphore, #tpu.memory_space<semaphore_mem>>
      %dma_start3A_718 = arith.constant 4096 : i32
      %dma_start3A_719 = tpu.memref_slice %arg7[%dma_start3A_718] : memref<16384xi32, #tpu.memory_space<vmem>> -> memref<4096xi32, #tpu.memory_space<vmem>>
      %dma_start3A_720 = tpu.memref_slice %arg14[%add3A_622, %mul3A_606] : memref<16x16384xi32, #tpu.memory_space<vmem_shared>> -> memref<1x4096xi32, #tpu.memory_space<vmem_shared>>
      %dma_start3A_721 = tpu.memref_squeeze %dma_start3A_720 : memref<1x4096xi32, #tpu.memory_space<vmem_shared>> -> memref<4096xi32, #tpu.memory_space<vmem_shared>>
      %dma_start3A_722 = arith.constant 4096 : i32
      %dma_start3A_723 = tpu.memref_slice %arg7[%dma_start3A_722] : memref<16384xi32, #tpu.memory_space<vmem>> -> memref<4096xi32, #tpu.memory_space<vmem>>
      %dma_start3A_724 = tpu.memref_slice %arg14[%add3A_622, %mul3A_606] : memref<16x16384xi32, #tpu.memory_space<vmem_shared>> -> memref<1x4096xi32, #tpu.memory_space<vmem_shared>>
      %dma_start3A_725 = tpu.memref_squeeze %dma_start3A_724 : memref<1x4096xi32, #tpu.memory_space<vmem_shared>> -> memref<4096xi32, #tpu.memory_space<vmem_shared>>
      tpu.enqueue_dma source(%dma_start3A_725 : memref<4096xi32, #tpu.memory_space<vmem_shared>>) target(%dma_start3A_723 : memref<4096xi32, #tpu.memory_space<vmem>>) target_semaphore(%run_scoped3A : memref<!tpu.dma_semaphore, #tpu.memory_space<semaphore_mem>>)
      %dma_wait3A_726 = arith.constant 4096 : i32
      %dma_wait3A_727 = tpu.memref_slice %arg7[%dma_wait3A_726] : memref<16384xi32, #tpu.memory_space<vmem>> -> memref<4096xi32, #tpu.memory_space<vmem>>
      %dma_wait3A_728 = tpu.memref_slice %arg14[%add3A_622, %mul3A_606] : memref<16x16384xi32, #tpu.memory_space<vmem_shared>> -> memref<1x4096xi32, #tpu.memory_space<vmem_shared>>
      %dma_wait3A_729 = tpu.memref_squeeze %dma_wait3A_728 : memref<1x4096xi32, #tpu.memory_space<vmem_shared>> -> memref<4096xi32, #tpu.memory_space<vmem_shared>>
      %dma_wait3A_730 = arith.constant 4096 : i32
      %dma_wait3A_731 = tpu.memref_slice %arg7[%dma_wait3A_730] : memref<16384xi32, #tpu.memory_space<vmem>> -> memref<4096xi32, #tpu.memory_space<vmem>>
      %dma_wait3A_732 = tpu.memref_slice %arg14[%add3A_622, %mul3A_606] : memref<16x16384xi32, #tpu.memory_space<vmem_shared>> -> memref<1x4096xi32, #tpu.memory_space<vmem_shared>>
      %dma_wait3A_733 = tpu.memref_squeeze %dma_wait3A_732 : memref<1x4096xi32, #tpu.memory_space<vmem_shared>> -> memref<4096xi32, #tpu.memory_space<vmem_shared>>
      tpu.wait_dma2 semaphore(%run_scoped3A : memref<!tpu.dma_semaphore, #tpu.memory_space<semaphore_mem>>) src(%dma_wait3A_733 : memref<4096xi32, #tpu.memory_space<vmem_shared>>) dst(%dma_wait3A_731 : memref<4096xi32, #tpu.memory_space<vmem>>)
      tpu.yield
    }) : () -> ()
    "tpu.region"() ({
      %run_scoped3A = tpu.sem_alloc : memref<!tpu.dma_semaphore, #tpu.memory_space<semaphore_mem>>
      %dma_start3A_718 = arith.constant 4096 : i32
      %dma_start3A_719 = tpu.memref_slice %arg8[%dma_start3A_718] : memref<16384xf32, #tpu.memory_space<vmem>> -> memref<4096xf32, #tpu.memory_space<vmem>>
      %dma_start3A_720 = tpu.memref_slice %arg15[%add3A_622, %mul3A_606] : memref<16x16384xf32, #tpu.memory_space<vmem_shared>> -> memref<1x4096xf32, #tpu.memory_space<vmem_shared>>
      %dma_start3A_721 = tpu.memref_squeeze %dma_start3A_720 : memref<1x4096xf32, #tpu.memory_space<vmem_shared>> -> memref<4096xf32, #tpu.memory_space<vmem_shared>>
      %dma_start3A_722 = arith.constant 4096 : i32
      %dma_start3A_723 = tpu.memref_slice %arg8[%dma_start3A_722] : memref<16384xf32, #tpu.memory_space<vmem>> -> memref<4096xf32, #tpu.memory_space<vmem>>
      %dma_start3A_724 = tpu.memref_slice %arg15[%add3A_622, %mul3A_606] : memref<16x16384xf32, #tpu.memory_space<vmem_shared>> -> memref<1x4096xf32, #tpu.memory_space<vmem_shared>>
      %dma_start3A_725 = tpu.memref_squeeze %dma_start3A_724 : memref<1x4096xf32, #tpu.memory_space<vmem_shared>> -> memref<4096xf32, #tpu.memory_space<vmem_shared>>
      tpu.enqueue_dma source(%dma_start3A_725 : memref<4096xf32, #tpu.memory_space<vmem_shared>>) target(%dma_start3A_723 : memref<4096xf32, #tpu.memory_space<vmem>>) target_semaphore(%run_scoped3A : memref<!tpu.dma_semaphore, #tpu.memory_space<semaphore_mem>>)
      %dma_wait3A_726 = arith.constant 4096 : i32
      %dma_wait3A_727 = tpu.memref_slice %arg8[%dma_wait3A_726] : memref<16384xf32, #tpu.memory_space<vmem>> -> memref<4096xf32, #tpu.memory_space<vmem>>
      %dma_wait3A_728 = tpu.memref_slice %arg15[%add3A_622, %mul3A_606] : memref<16x16384xf32, #tpu.memory_space<vmem_shared>> -> memref<1x4096xf32, #tpu.memory_space<vmem_shared>>
      %dma_wait3A_729 = tpu.memref_squeeze %dma_wait3A_728 : memref<1x4096xf32, #tpu.memory_space<vmem_shared>> -> memref<4096xf32, #tpu.memory_space<vmem_shared>>
      %dma_wait3A_730 = arith.constant 4096 : i32
      %dma_wait3A_731 = tpu.memref_slice %arg8[%dma_wait3A_730] : memref<16384xf32, #tpu.memory_space<vmem>> -> memref<4096xf32, #tpu.memory_space<vmem>>
      %dma_wait3A_732 = tpu.memref_slice %arg15[%add3A_622, %mul3A_606] : memref<16x16384xf32, #tpu.memory_space<vmem_shared>> -> memref<1x4096xf32, #tpu.memory_space<vmem_shared>>
      %dma_wait3A_733 = tpu.memref_squeeze %dma_wait3A_732 : memref<1x4096xf32, #tpu.memory_space<vmem_shared>> -> memref<4096xf32, #tpu.memory_space<vmem_shared>>
      tpu.wait_dma2 semaphore(%run_scoped3A : memref<!tpu.dma_semaphore, #tpu.memory_space<semaphore_mem>>) src(%dma_wait3A_733 : memref<4096xf32, #tpu.memory_space<vmem_shared>>) dst(%dma_wait3A_731 : memref<4096xf32, #tpu.memory_space<vmem>>)
      tpu.yield
    }) : () -> ()
    %scan3A_623 = arith.constant 0 : i32
    %scan3A_624 = arith.constant 256 : i32
    %scan3A_625 = arith.addi %scan3A_623, %scan3A_624 : i32
    %scan3A_626 = arith.constant 1 : i32
    %scan3A_627:2 = scf.for %scan3A_718 = %scan3A_623 to %scan3A_625 step %scan3A_626 iter_args(%scan3A_719 = %broadcast_in_dim3A_9, %scan3A_720 = %broadcast_in_dim3A_11) -> (vector<16xi32>, vector<16xf32>)  : i32 {
      %mul3A_721 = arith.constant 1 : i32
      %mul3A_722 = arith.muli %scan3A_718, %mul3A_721 : i32
      %add3A_723 = arith.constant 0 : i32
      %add3A_724 = arith.addi %add3A_723, %mul3A_722 : i32
      %mul3A_725 = arith.constant 16 : i32
      %mul3A_726 = arith.muli %add3A_724, %mul3A_725 : i32
      %get3A_727 = arith.index_cast %mul3A_726 : i32 to index
      %get3A_728 = tpu.vector_load %arg7[%get3A_727] {strides = array<i32>} : memref<16384xi32, #tpu.memory_space<vmem>>, vector<16xi32>,
      %mul3A_729 = arith.constant 16 : i32
      %mul3A_730 = arith.muli %add3A_724, %mul3A_729 : i32
      %add3A_731 = arith.constant 4096 : i32
      %add3A_732 = arith.addi %add3A_731, %mul3A_730 : i32
      %get3A_733 = arith.index_cast %add3A_732 : i32 to index
      %get3A_734 = tpu.vector_load %arg7[%get3A_733] {strides = array<i32>} : memref<16384xi32, #tpu.memory_space<vmem>>, vector<16xi32>,
      %add3A_735 = arith.addi %get3A_728, %get3A_734 : vector<16xi32>
      %mul3A_736 = arith.constant 16 : i32
      %mul3A_737 = arith.muli %add3A_724, %mul3A_736 : i32
      %get3A_738 = arith.index_cast %mul3A_737 : i32 to index
      %get3A_739 = tpu.vector_load %arg8[%get3A_738] {strides = array<i32>} : memref<16384xf32, #tpu.memory_space<vmem>>, vector<16xf32>,
      %mul3A_740 = arith.constant 16 : i32
      %mul3A_741 = arith.muli %add3A_724, %mul3A_740 : i32
      %add3A_742 = arith.constant 4096 : i32
      %add3A_743 = arith.addi %add3A_742, %mul3A_741 : i32
      %get3A_744 = arith.index_cast %add3A_743 : i32 to index
      %get3A_745 = tpu.vector_load %arg8[%get3A_744] {strides = array<i32>} : memref<16384xf32, #tpu.memory_space<vmem>>, vector<16xf32>,
      %add3A_746 = arith.addf %get3A_739, %get3A_745 : vector<16xf32>
      %mul3A_747 = arith.constant 16 : i32
      %mul3A_748 = arith.muli %add3A_724, %mul3A_747 : i32
      %swap3A_749 = arith.index_cast %mul3A_748 : i32 to index
      %swap3A_750 = tpu.vector_load %arg7[%swap3A_749] {strides = array<i32>} : memref<16384xi32, #tpu.memory_space<vmem>>, vector<16xi32>,
      tpu.vector_store %arg7[%swap3A_749], %add3A_735 {strides = array<i32>} : memref<16384xi32, #tpu.memory_space<vmem>>, vector<16xi32>,
      %mul3A_751 = arith.constant 16 : i32
      %mul3A_752 = arith.muli %add3A_724, %mul3A_751 : i32
      %swap3A_753 = arith.index_cast %mul3A_752 : i32 to index
      %swap3A_754 = tpu.vector_load %arg8[%swap3A_753] {strides = array<i32>} : memref<16384xf32, #tpu.memory_space<vmem>>, vector<16xf32>,
      tpu.vector_store %arg8[%swap3A_753], %add3A_746 {strides = array<i32>} : memref<16384xf32, #tpu.memory_space<vmem>>, vector<16xf32>,
      %add3A_755 = arith.addi %scan3A_719, %add3A_735 : vector<16xi32>
      %add3A_756 = arith.addf %scan3A_720, %add3A_746 : vector<16xf32>
      scf.yield %add3A_755, %add3A_756 : vector<16xi32>, vector<16xf32>
    }
    %scan3A_628 = arith.constant 256 : i32
    %swap3A = arith.constant 12288 : index
    %swap3A_629 = tpu.vector_load %arg7[%swap3A] {strides = array<i32>} : memref<16384xi32, #tpu.memory_space<vmem>>, vector<16xi32>,
    tpu.vector_store %arg7[%swap3A], %scan3A_627#0 {strides = array<i32>} : memref<16384xi32, #tpu.memory_space<vmem>>, vector<16xi32>,
    %swap3A_630 = arith.constant 12288 : index
    %swap3A_631 = tpu.vector_load %arg8[%swap3A_630] {strides = array<i32>} : memref<16384xf32, #tpu.memory_space<vmem>>, vector<16xf32>,
    tpu.vector_store %arg8[%swap3A_630], %scan3A_627#1 {strides = array<i32>} : memref<16384xf32, #tpu.memory_space<vmem>>, vector<16xf32>,
    %mul3A_632 = arith.constant 16 : i32
    %mul3A_633 = arith.muli %div3A_1, %mul3A_632 : i32
    "tpu.region"() ({
      %run_scoped3A = tpu.sem_alloc : memref<!tpu.dma_semaphore, #tpu.memory_space<semaphore_mem>>
      %dma_start3A_718 = arith.constant 12288 : i32
      %dma_start3A_719 = tpu.memref_slice %arg7[%dma_start3A_718] : memref<16384xi32, #tpu.memory_space<vmem>> -> memref<16xi32, #tpu.memory_space<vmem>>
      %dma_start3A_720 = tpu.memref_slice %arg16[%rem3A_0, %mul3A_633] : memref<4x64xi32, #tpu.memory_space<vmem_shared>> -> memref<1x16xi32, #tpu.memory_space<vmem_shared>>
      %dma_start3A_721 = tpu.memref_squeeze %dma_start3A_720 : memref<1x16xi32, #tpu.memory_space<vmem_shared>> -> memref<16xi32, #tpu.memory_space<vmem_shared>>
      %dma_start3A_722 = tpu.memref_slice %arg16[%rem3A_0, %mul3A_633] : memref<4x64xi32, #tpu.memory_space<vmem_shared>> -> memref<1x16xi32, #tpu.memory_space<vmem_shared>>
      %dma_start3A_723 = tpu.memref_squeeze %dma_start3A_722 : memref<1x16xi32, #tpu.memory_space<vmem_shared>> -> memref<16xi32, #tpu.memory_space<vmem_shared>>
      %dma_start3A_724 = arith.constant 12288 : i32
      %dma_start3A_725 = tpu.memref_slice %arg7[%dma_start3A_724] : memref<16384xi32, #tpu.memory_space<vmem>> -> memref<16xi32, #tpu.memory_space<vmem>>
      tpu.enqueue_dma source(%dma_start3A_725 : memref<16xi32, #tpu.memory_space<vmem>>) target(%dma_start3A_723 : memref<16xi32, #tpu.memory_space<vmem_shared>>) target_semaphore(%run_scoped3A : memref<!tpu.dma_semaphore, #tpu.memory_space<semaphore_mem>>)
      %dma_wait3A_726 = arith.constant 12288 : i32
      %dma_wait3A_727 = tpu.memref_slice %arg7[%dma_wait3A_726] : memref<16384xi32, #tpu.memory_space<vmem>> -> memref<16xi32, #tpu.memory_space<vmem>>
      %dma_wait3A_728 = tpu.memref_slice %arg16[%rem3A_0, %mul3A_633] : memref<4x64xi32, #tpu.memory_space<vmem_shared>> -> memref<1x16xi32, #tpu.memory_space<vmem_shared>>
      %dma_wait3A_729 = tpu.memref_squeeze %dma_wait3A_728 : memref<1x16xi32, #tpu.memory_space<vmem_shared>> -> memref<16xi32, #tpu.memory_space<vmem_shared>>
      %dma_wait3A_730 = tpu.memref_slice %arg16[%rem3A_0, %mul3A_633] : memref<4x64xi32, #tpu.memory_space<vmem_shared>> -> memref<1x16xi32, #tpu.memory_space<vmem_shared>>
      %dma_wait3A_731 = tpu.memref_squeeze %dma_wait3A_730 : memref<1x16xi32, #tpu.memory_space<vmem_shared>> -> memref<16xi32, #tpu.memory_space<vmem_shared>>
      %dma_wait3A_732 = arith.constant 12288 : i32
      %dma_wait3A_733 = tpu.memref_slice %arg7[%dma_wait3A_732] : memref<16384xi32, #tpu.memory_space<vmem>> -> memref<16xi32, #tpu.memory_space<vmem>>
      tpu.wait_dma2 semaphore(%run_scoped3A : memref<!tpu.dma_semaphore, #tpu.memory_space<semaphore_mem>>) src(%dma_wait3A_733 : memref<16xi32, #tpu.memory_space<vmem>>) dst(%dma_wait3A_731 : memref<16xi32, #tpu.memory_space<vmem_shared>>)
      tpu.yield
    }) : () -> ()
    %mul3A_634 = arith.constant 16 : i32
    %mul3A_635 = arith.muli %div3A_1, %mul3A_634 : i32
    "tpu.region"() ({
      %run_scoped3A = tpu.sem_alloc : memref<!tpu.dma_semaphore, #tpu.memory_space<semaphore_mem>>
      %dma_start3A_718 = arith.constant 12288 : i32
      %dma_start3A_719 = tpu.memref_slice %arg8[%dma_start3A_718] : memref<16384xf32, #tpu.memory_space<vmem>> -> memref<16xf32, #tpu.memory_space<vmem>>
      %dma_start3A_720 = tpu.memref_slice %arg17[%rem3A_0, %mul3A_635] : memref<4x64xf32, #tpu.memory_space<vmem_shared>> -> memref<1x16xf32, #tpu.memory_space<vmem_shared>>
      %dma_start3A_721 = tpu.memref_squeeze %dma_start3A_720 : memref<1x16xf32, #tpu.memory_space<vmem_shared>> -> memref<16xf32, #tpu.memory_space<vmem_shared>>
      %dma_start3A_722 = tpu.memref_slice %arg17[%rem3A_0, %mul3A_635] : memref<4x64xf32, #tpu.memory_space<vmem_shared>> -> memref<1x16xf32, #tpu.memory_space<vmem_shared>>
      %dma_start3A_723 = tpu.memref_squeeze %dma_start3A_722 : memref<1x16xf32, #tpu.memory_space<vmem_shared>> -> memref<16xf32, #tpu.memory_space<vmem_shared>>
      %dma_start3A_724 = arith.constant 12288 : i32
      %dma_start3A_725 = tpu.memref_slice %arg8[%dma_start3A_724] : memref<16384xf32, #tpu.memory_space<vmem>> -> memref<16xf32, #tpu.memory_space<vmem>>
      tpu.enqueue_dma source(%dma_start3A_725 : memref<16xf32, #tpu.memory_space<vmem>>) target(%dma_start3A_723 : memref<16xf32, #tpu.memory_space<vmem_shared>>) target_semaphore(%run_scoped3A : memref<!tpu.dma_semaphore, #tpu.memory_space<semaphore_mem>>)
      %dma_wait3A_726 = arith.constant 12288 : i32
      %dma_wait3A_727 = tpu.memref_slice %arg8[%dma_wait3A_726] : memref<16384xf32, #tpu.memory_space<vmem>> -> memref<16xf32, #tpu.memory_space<vmem>>
      %dma_wait3A_728 = tpu.memref_slice %arg17[%rem3A_0, %mul3A_635] : memref<4x64xf32, #tpu.memory_space<vmem_shared>> -> memref<1x16xf32, #tpu.memory_space<vmem_shared>>
      %dma_wait3A_729 = tpu.memref_squeeze %dma_wait3A_728 : memref<1x16xf32, #tpu.memory_space<vmem_shared>> -> memref<16xf32, #tpu.memory_space<vmem_shared>>
      %dma_wait3A_730 = tpu.memref_slice %arg17[%rem3A_0, %mul3A_635] : memref<4x64xf32, #tpu.memory_space<vmem_shared>> -> memref<1x16xf32, #tpu.memory_space<vmem_shared>>
      %dma_wait3A_731 = tpu.memref_squeeze %dma_wait3A_730 : memref<1x16xf32, #tpu.memory_space<vmem_shared>> -> memref<16xf32, #tpu.memory_space<vmem_shared>>
      %dma_wait3A_732 = arith.constant 12288 : i32
      %dma_wait3A_733 = tpu.memref_slice %arg8[%dma_wait3A_732] : memref<16384xf32, #tpu.memory_space<vmem>> -> memref<16xf32, #tpu.memory_space<vmem>>
      tpu.wait_dma2 semaphore(%run_scoped3A : memref<!tpu.dma_semaphore, #tpu.memory_space<semaphore_mem>>) src(%dma_wait3A_733 : memref<16xf32, #tpu.memory_space<vmem>>) dst(%dma_wait3A_731 : memref<16xf32, #tpu.memory_space<vmem_shared>>)
      tpu.yield
    }) : () -> ()
    %barrier3A_636 = arith.constant 0 : index
    tpu.barrier barrier_id(%barrier3A_636)
    "tpu.region"() ({
      %run_scoped3A = tpu.sem_alloc : memref<!tpu.dma_semaphore, #tpu.memory_space<semaphore_mem>>
      %dma_start3A_718 = arith.constant 8192 : i32
      %dma_start3A_719 = tpu.memref_slice %arg7[%dma_start3A_718] : memref<16384xi32, #tpu.memory_space<vmem>> -> memref<64xi32, #tpu.memory_space<vmem>>
      %dma_start3A_720 = arith.constant 0 : i32
      %dma_start3A_721 = tpu.memref_slice %arg16[%rem3A_0, %dma_start3A_720] : memref<4x64xi32, #tpu.memory_space<vmem_shared>> -> memref<1x64xi32, #tpu.memory_space<vmem_shared>>
      %dma_start3A_722 = tpu.memref_squeeze %dma_start3A_721 : memref<1x64xi32, #tpu.memory_space<vmem_shared>> -> memref<64xi32, #tpu.memory_space<vmem_shared>>
      %dma_start3A_723 = arith.constant 8192 : i32
      %dma_start3A_724 = tpu.memref_slice %arg7[%dma_start3A_723] : memref<16384xi32, #tpu.memory_space<vmem>> -> memref<64xi32, #tpu.memory_space<vmem>>
      %dma_start3A_725 = arith.constant 0 : i32
      %dma_start3A_726 = tpu.memref_slice %arg16[%rem3A_0, %dma_start3A_725] : memref<4x64xi32, #tpu.memory_space<vmem_shared>> -> memref<1x64xi32, #tpu.memory_space<vmem_shared>>
      %dma_start3A_727 = tpu.memref_squeeze %dma_start3A_726 : memref<1x64xi32, #tpu.memory_space<vmem_shared>> -> memref<64xi32, #tpu.memory_space<vmem_shared>>
      tpu.enqueue_dma source(%dma_start3A_727 : memref<64xi32, #tpu.memory_space<vmem_shared>>) target(%dma_start3A_724 : memref<64xi32, #tpu.memory_space<vmem>>) target_semaphore(%run_scoped3A : memref<!tpu.dma_semaphore, #tpu.memory_space<semaphore_mem>>)
      %dma_wait3A_728 = arith.constant 8192 : i32
      %dma_wait3A_729 = tpu.memref_slice %arg7[%dma_wait3A_728] : memref<16384xi32, #tpu.memory_space<vmem>> -> memref<64xi32, #tpu.memory_space<vmem>>
      %dma_wait3A_730 = arith.constant 0 : i32
      %dma_wait3A_731 = tpu.memref_slice %arg16[%rem3A_0, %dma_wait3A_730] : memref<4x64xi32, #tpu.memory_space<vmem_shared>> -> memref<1x64xi32, #tpu.memory_space<vmem_shared>>
      %dma_wait3A_732 = tpu.memref_squeeze %dma_wait3A_731 : memref<1x64xi32, #tpu.memory_space<vmem_shared>> -> memref<64xi32, #tpu.memory_space<vmem_shared>>
      %dma_wait3A_733 = arith.constant 8192 : i32
      %dma_wait3A_734 = tpu.memref_slice %arg7[%dma_wait3A_733] : memref<16384xi32, #tpu.memory_space<vmem>> -> memref<64xi32, #tpu.memory_space<vmem>>
      %dma_wait3A_735 = arith.constant 0 : i32
      %dma_wait3A_736 = tpu.memref_slice %arg16[%rem3A_0, %dma_wait3A_735] : memref<4x64xi32, #tpu.memory_space<vmem_shared>> -> memref<1x64xi32, #tpu.memory_space<vmem_shared>>
      %dma_wait3A_737 = tpu.memref_squeeze %dma_wait3A_736 : memref<1x64xi32, #tpu.memory_space<vmem_shared>> -> memref<64xi32, #tpu.memory_space<vmem_shared>>
      tpu.wait_dma2 semaphore(%run_scoped3A : memref<!tpu.dma_semaphore, #tpu.memory_space<semaphore_mem>>) src(%dma_wait3A_737 : memref<64xi32, #tpu.memory_space<vmem_shared>>) dst(%dma_wait3A_734 : memref<64xi32, #tpu.memory_space<vmem>>)
      tpu.yield
    }) : () -> ()
    "tpu.region"() ({
      %run_scoped3A = tpu.sem_alloc : memref<!tpu.dma_semaphore, #tpu.memory_space<semaphore_mem>>
      %dma_start3A_718 = arith.constant 8192 : i32
      %dma_start3A_719 = tpu.memref_slice %arg8[%dma_start3A_718] : memref<16384xf32, #tpu.memory_space<vmem>> -> memref<64xf32, #tpu.memory_space<vmem>>
      %dma_start3A_720 = arith.constant 0 : i32
      %dma_start3A_721 = tpu.memref_slice %arg17[%rem3A_0, %dma_start3A_720] : memref<4x64xf32, #tpu.memory_space<vmem_shared>> -> memref<1x64xf32, #tpu.memory_space<vmem_shared>>
      %dma_start3A_722 = tpu.memref_squeeze %dma_start3A_721 : memref<1x64xf32, #tpu.memory_space<vmem_shared>> -> memref<64xf32, #tpu.memory_space<vmem_shared>>
      %dma_start3A_723 = arith.constant 8192 : i32
      %dma_start3A_724 = tpu.memref_slice %arg8[%dma_start3A_723] : memref<16384xf32, #tpu.memory_space<vmem>> -> memref<64xf32, #tpu.memory_space<vmem>>
      %dma_start3A_725 = arith.constant 0 : i32
      %dma_start3A_726 = tpu.memref_slice %arg17[%rem3A_0, %dma_start3A_725] : memref<4x64xf32, #tpu.memory_space<vmem_shared>> -> memref<1x64xf32, #tpu.memory_space<vmem_shared>>
      %dma_start3A_727 = tpu.memref_squeeze %dma_start3A_726 : memref<1x64xf32, #tpu.memory_space<vmem_shared>> -> memref<64xf32, #tpu.memory_space<vmem_shared>>
      tpu.enqueue_dma source(%dma_start3A_727 : memref<64xf32, #tpu.memory_space<vmem_shared>>) target(%dma_start3A_724 : memref<64xf32, #tpu.memory_space<vmem>>) target_semaphore(%run_scoped3A : memref<!tpu.dma_semaphore, #tpu.memory_space<semaphore_mem>>)
      %dma_wait3A_728 = arith.constant 8192 : i32
      %dma_wait3A_729 = tpu.memref_slice %arg8[%dma_wait3A_728] : memref<16384xf32, #tpu.memory_space<vmem>> -> memref<64xf32, #tpu.memory_space<vmem>>
      %dma_wait3A_730 = arith.constant 0 : i32
      %dma_wait3A_731 = tpu.memref_slice %arg17[%rem3A_0, %dma_wait3A_730] : memref<4x64xf32, #tpu.memory_space<vmem_shared>> -> memref<1x64xf32, #tpu.memory_space<vmem_shared>>
      %dma_wait3A_732 = tpu.memref_squeeze %dma_wait3A_731 : memref<1x64xf32, #tpu.memory_space<vmem_shared>> -> memref<64xf32, #tpu.memory_space<vmem_shared>>
      %dma_wait3A_733 = arith.constant 8192 : i32
      %dma_wait3A_734 = tpu.memref_slice %arg8[%dma_wait3A_733] : memref<16384xf32, #tpu.memory_space<vmem>> -> memref<64xf32, #tpu.memory_space<vmem>>
      %dma_wait3A_735 = arith.constant 0 : i32
      %dma_wait3A_736 = tpu.memref_slice %arg17[%rem3A_0, %dma_wait3A_735] : memref<4x64xf32, #tpu.memory_space<vmem_shared>> -> memref<1x64xf32, #tpu.memory_space<vmem_shared>>
      %dma_wait3A_737 = tpu.memref_squeeze %dma_wait3A_736 : memref<1x64xf32, #tpu.memory_space<vmem_shared>> -> memref<64xf32, #tpu.memory_space<vmem_shared>>
      tpu.wait_dma2 semaphore(%run_scoped3A : memref<!tpu.dma_semaphore, #tpu.memory_space<semaphore_mem>>) src(%dma_wait3A_737 : memref<64xf32, #tpu.memory_space<vmem_shared>>) dst(%dma_wait3A_734 : memref<64xf32, #tpu.memory_space<vmem>>)
      tpu.yield
    }) : () -> ()
    %mul3A_637 = arith.constant 0 : i32
    %mul3A_638 = vector.broadcast %mul3A_637 : i32 to vector<16xi32>
    %mul3A_639 = arith.muli %broadcast_in_dim3A_7, %mul3A_638 : vector<16xi32>
    %mul3A_640 = vector.broadcast %div3A_1 : i32 to vector<16xi32>
    %mul3A_641 = arith.muli %broadcast_in_dim3A_7, %mul3A_640 : vector<16xi32>
    %lt3A = arith.cmpi slt, %mul3A_639, %mul3A_641 : vector<16xi32>
    %get3A = arith.constant 8192 : index
    %get3A_642 = tpu.vector_load %arg7[%get3A] {strides = array<i32>} : memref<16384xi32, #tpu.memory_space<vmem>>, vector<16xi32>,
    %select_n3A = arith.select %lt3A, %get3A_642, %broadcast_in_dim3A_9 : vector<16xi1>, vector<16xi32>
    %add3A_643 = arith.addi %broadcast_in_dim3A_9, %select_n3A : vector<16xi32>
    %get3A_644 = arith.constant 8192 : index
    %get3A_645 = tpu.vector_load %arg8[%get3A_644] {strides = array<i32>} : memref<16384xf32, #tpu.memory_space<vmem>>, vector<16xf32>,
    %select_n3A_646 = arith.select %lt3A, %get3A_645, %broadcast_in_dim3A_11 : vector<16xi1>, vector<16xf32>
    %add3A_647 = arith.addf %broadcast_in_dim3A_11, %select_n3A_646 : vector<16xf32>
    %mul3A_648 = arith.constant 1 : i32
    %mul3A_649 = vector.broadcast %mul3A_648 : i32 to vector<16xi32>
    %mul3A_650 = arith.muli %broadcast_in_dim3A_7, %mul3A_649 : vector<16xi32>
    %mul3A_651 = vector.broadcast %div3A_1 : i32 to vector<16xi32>
    %mul3A_652 = arith.muli %broadcast_in_dim3A_7, %mul3A_651 : vector<16xi32>
    %lt3A_653 = arith.cmpi slt, %mul3A_650, %mul3A_652 : vector<16xi32>
    %get3A_654 = arith.constant 8208 : index
    %get3A_655 = tpu.vector_load %arg7[%get3A_654] {strides = array<i32>} : memref<16384xi32, #tpu.memory_space<vmem>>, vector<16xi32>,
    %select_n3A_656 = arith.select %lt3A_653, %get3A_655, %broadcast_in_dim3A_9 : vector<16xi1>, vector<16xi32>
    %add3A_657 = arith.addi %add3A_643, %select_n3A_656 : vector<16xi32>
    %get3A_658 = arith.constant 8208 : index
    %get3A_659 = tpu.vector_load %arg8[%get3A_658] {strides = array<i32>} : memref<16384xf32, #tpu.memory_space<vmem>>, vector<16xf32>,
    %select_n3A_660 = arith.select %lt3A_653, %get3A_659, %broadcast_in_dim3A_11 : vector<16xi1>, vector<16xf32>
    %add3A_661 = arith.addf %add3A_647, %select_n3A_660 : vector<16xf32>
    %mul3A_662 = arith.constant 2 : i32
    %mul3A_663 = vector.broadcast %mul3A_662 : i32 to vector<16xi32>
    %mul3A_664 = arith.muli %broadcast_in_dim3A_7, %mul3A_663 : vector<16xi32>
    %mul3A_665 = vector.broadcast %div3A_1 : i32 to vector<16xi32>
    %mul3A_666 = arith.muli %broadcast_in_dim3A_7, %mul3A_665 : vector<16xi32>
    %lt3A_667 = arith.cmpi slt, %mul3A_664, %mul3A_666 : vector<16xi32>
    %get3A_668 = arith.constant 8224 : index
    %get3A_669 = tpu.vector_load %arg7[%get3A_668] {strides = array<i32>} : memref<16384xi32, #tpu.memory_space<vmem>>, vector<16xi32>,
    %select_n3A_670 = arith.select %lt3A_667, %get3A_669, %broadcast_in_dim3A_9 : vector<16xi1>, vector<16xi32>
    %add3A_671 = arith.addi %add3A_657, %select_n3A_670 : vector<16xi32>
    %get3A_672 = arith.constant 8224 : index
    %get3A_673 = tpu.vector_load %arg8[%get3A_672] {strides = array<i32>} : memref<16384xf32, #tpu.memory_space<vmem>>, vector<16xf32>,
    %select_n3A_674 = arith.select %lt3A_667, %get3A_673, %broadcast_in_dim3A_11 : vector<16xi1>, vector<16xf32>
    %add3A_675 = arith.addf %add3A_661, %select_n3A_674 : vector<16xf32>
    %mul3A_676 = arith.constant 256 : i32
    %mul3A_677 = arith.muli %div3A_1, %mul3A_676 : i32
    %ge3A = arith.constant 16384 : i32
    %ge3A_678 = vector.broadcast %ge3A : i32 to vector<16xi32>
    %ge3A_679 = arith.cmpi sge, %add3A_671, %ge3A_678 : vector<16xi32>
    %scan3A_680 = arith.constant 0 : i32
    %scan3A_681 = arith.constant 256 : i32
    %scan3A_682 = arith.addi %scan3A_680, %scan3A_681 : i32
    %scan3A_683 = arith.constant 1 : i32
    %scan3A_684:8 = scf.for %scan3A_718 = %scan3A_680 to %scan3A_682 step %scan3A_683 iter_args(%scan3A_719 = %add3A_671, %scan3A_720 = %add3A_675, %scan3A_721 = %broadcast_in_dim3A_9, %scan3A_722 = %broadcast_in_dim3A_9, %scan3A_723 = %broadcast_in_dim3A_11, %scan3A_724 = %broadcast_in_dim3A_9, %scan3A_725 = %broadcast_in_dim3A_11, %scan3A_726 = %ge3A_679) -> (vector<16xi32>, vector<16xf32>, vector<16xi32>, vector<16xi32>, vector<16xf32>, vector<16xi32>, vector<16xf32>, vector<16xi1>)  : i32 {
      %mul3A_727 = arith.constant 1 : i32
      %mul3A_728 = arith.muli %scan3A_718, %mul3A_727 : i32
      %add3A_729 = arith.constant 0 : i32
      %add3A_730 = arith.addi %add3A_729, %mul3A_728 : i32
      %mul3A_731 = arith.constant 16 : i32
      %mul3A_732 = arith.muli %add3A_730, %mul3A_731 : i32
      %get3A_733 = arith.index_cast %mul3A_732 : i32 to index
      %get3A_734 = tpu.vector_load %arg7[%get3A_733] {strides = array<i32>} : memref<16384xi32, #tpu.memory_space<vmem>>, vector<16xi32>,
      %mul3A_735 = arith.constant 16 : i32
      %mul3A_736 = arith.muli %add3A_730, %mul3A_735 : i32
      %get3A_737 = arith.index_cast %mul3A_736 : i32 to index
      %get3A_738 = tpu.vector_load %arg8[%get3A_737] {strides = array<i32>} : memref<16384xf32, #tpu.memory_space<vmem>>, vector<16xf32>,
      %add3A_739 = arith.addi %scan3A_719, %get3A_734 : vector<16xi32>
      %not3A = arith.constant dense<true> : vector<16xi1>
      %not3A_740 = arith.xori %scan3A_726, %not3A : vector<16xi1>
      %ge3A_741 = arith.constant 16384 : i32
      %ge3A_742 = vector.broadcast %ge3A_741 : i32 to vector<16xi32>
      %ge3A_743 = arith.cmpi sge, %add3A_739, %ge3A_742 : vector<16xi32>
      %and3A_744 = arith.andi %not3A_740, %ge3A_743 : vector<16xi1>
      %add3A_745 = arith.addi %mul3A_677, %add3A_730 : i32
      %mul3A_746 = vector.broadcast %add3A_745 : i32 to vector<16xi32>
      %mul3A_747 = arith.muli %broadcast_in_dim3A_7, %mul3A_746 : vector<16xi32>
      %select_n3A_748 = arith.select %and3A_744, %mul3A_747, %scan3A_721 : vector<16xi1>, vector<16xi32>
      %select_n3A_749 = arith.select %and3A_744, %get3A_734, %scan3A_722 : vector<16xi1>, vector<16xi32>
      %select_n3A_750 = arith.select %and3A_744, %get3A_738, %scan3A_723 : vector<16xi1>, vector<16xf32>
      %select_n3A_751 = arith.select %and3A_744, %scan3A_719, %scan3A_724 : vector<16xi1>, vector<16xi32>
      %select_n3A_752 = arith.select %and3A_744, %scan3A_720, %scan3A_725 : vector<16xi1>, vector<16xf32>
      %or3A = arith.ori %scan3A_726, %and3A_744 : vector<16xi1>
      %add3A_753 = arith.addf %scan3A_720, %get3A_738 : vector<16xf32>
      scf.yield %add3A_739, %add3A_753, %select_n3A_748, %select_n3A_749, %select_n3A_750, %select_n3A_751, %select_n3A_752, %or3A : vector<16xi32>, vector<16xf32>, vector<16xi32>, vector<16xi32>, vector<16xf32>, vector<16xi32>, vector<16xf32>, vector<16xi1>
    }
    %scan3A_685 = arith.constant 256 : i32
    %shift_left3A = arith.constant 21 : i32
    %shift_left3A_686 = vector.broadcast %shift_left3A : i32 to vector<16xi32>
    %shift_left3A_687 = arith.shli %scan3A_684#2, %shift_left3A_686 : vector<16xi32>
    %bitcast3A = vector.bitcast %shift_left3A_687 : vector<16xi32> to vector<16xf32>
    %mul3A_688 = arith.mulf %bitcast3A, %bitcast3A : vector<16xf32>
    %sub3A = arith.constant 16384 : i32
    %sub3A_689 = vector.broadcast %sub3A : i32 to vector<16xi32>
    %sub3A_690 = arith.subi %sub3A_689, %scan3A_684#5 : vector<16xi32>
    %convert_element_type3A = arith.sitofp %sub3A_690 : vector<16xi32> to vector<16xf32>
    %max3A = arith.constant 1 : i32
    %max3A_691 = vector.broadcast %max3A : i32 to vector<16xi32>
    %max3A_692 = arith.maxsi %scan3A_684#3, %max3A_691 : vector<16xi32>
    %convert_element_type3A_693 = arith.sitofp %max3A_692 : vector<16xi32> to vector<16xf32>
    %mul3A_694 = arith.mulf %convert_element_type3A, %mul3A_688 : vector<16xf32>
    %mul3A_695 = arith.mulf %convert_element_type3A, %convert_element_type3A : vector<16xf32>
    %div3A_696 = arith.divf %mul3A_695, %convert_element_type3A_693 : vector<16xf32>
    %div3A_697 = arith.divf %scan3A_684#4, %convert_element_type3A_693 : vector<16xf32>
    %sub3A_698 = arith.subf %div3A_697, %mul3A_688 : vector<16xf32>
    %mul3A_699 = arith.mulf %div3A_696, %sub3A_698 : vector<16xf32>
    %add3A_700 = arith.addf %mul3A_694, %mul3A_699 : vector<16xf32>
    %lt3A_701 = arith.constant 16384 : i32
    %lt3A_702 = vector.broadcast %lt3A_701 : i32 to vector<16xi32>
    %lt3A_703 = arith.cmpi slt, %add3A_671, %lt3A_702 : vector<16xi32>
    %add3A_704 = arith.addi %add3A_671, %scan3A_627#0 : vector<16xi32>
    %ge3A_705 = arith.constant 16384 : i32
    %ge3A_706 = vector.broadcast %ge3A_705 : i32 to vector<16xi32>
    %ge3A_707 = arith.cmpi sge, %add3A_704, %ge3A_706 : vector<16xi32>
    %and3A = arith.andi %lt3A_703, %ge3A_707 : vector<16xi1>
    %add3A_708 = arith.addf %scan3A_684#6, %add3A_700 : vector<16xf32>
    %select_n3A_709 = arith.select %and3A, %add3A_708, %broadcast_in_dim3A_11 : vector<16xi1>, vector<16xf32>
    %swap3A_710 = arith.constant 0 : index
    %swap3A_711 = tpu.vector_load %arg9[%swap3A_710] {strides = array<i32>} : memref<16xf32, #tpu.memory_space<vmem>>, vector<16xf32>,
    tpu.vector_store %arg9[%swap3A_710], %select_n3A_709 {strides = array<i32>} : memref<16xf32, #tpu.memory_space<vmem>>, vector<16xf32>,
    %mul3A_712 = arith.constant 16 : i32
    %mul3A_713 = arith.muli %div3A_1, %mul3A_712 : i32
    "tpu.region"() ({
      %run_scoped3A = tpu.sem_alloc : memref<!tpu.dma_semaphore, #tpu.memory_space<semaphore_mem>>
      %dma_start3A_718 = tpu.memref_slice %arg18[%rem3A_0, %mul3A_713] : memref<4x64xf32, #tpu.memory_space<vmem_shared>> -> memref<1x16xf32, #tpu.memory_space<vmem_shared>>
      %dma_start3A_719 = tpu.memref_squeeze %dma_start3A_718 : memref<1x16xf32, #tpu.memory_space<vmem_shared>> -> memref<16xf32, #tpu.memory_space<vmem_shared>>
      %dma_start3A_720 = tpu.memref_slice %arg18[%rem3A_0, %mul3A_713] : memref<4x64xf32, #tpu.memory_space<vmem_shared>> -> memref<1x16xf32, #tpu.memory_space<vmem_shared>>
      %dma_start3A_721 = tpu.memref_squeeze %dma_start3A_720 : memref<1x16xf32, #tpu.memory_space<vmem_shared>> -> memref<16xf32, #tpu.memory_space<vmem_shared>>
      tpu.enqueue_dma source(%arg9 : memref<16xf32, #tpu.memory_space<vmem>>) target(%dma_start3A_721 : memref<16xf32, #tpu.memory_space<vmem_shared>>) target_semaphore(%run_scoped3A : memref<!tpu.dma_semaphore, #tpu.memory_space<semaphore_mem>>)
      %dma_wait3A_722 = tpu.memref_slice %arg18[%rem3A_0, %mul3A_713] : memref<4x64xf32, #tpu.memory_space<vmem_shared>> -> memref<1x16xf32, #tpu.memory_space<vmem_shared>>
      %dma_wait3A_723 = tpu.memref_squeeze %dma_wait3A_722 : memref<1x16xf32, #tpu.memory_space<vmem_shared>> -> memref<16xf32, #tpu.memory_space<vmem_shared>>
      %dma_wait3A_724 = tpu.memref_slice %arg18[%rem3A_0, %mul3A_713] : memref<4x64xf32, #tpu.memory_space<vmem_shared>> -> memref<1x16xf32, #tpu.memory_space<vmem_shared>>
      %dma_wait3A_725 = tpu.memref_squeeze %dma_wait3A_724 : memref<1x16xf32, #tpu.memory_space<vmem_shared>> -> memref<16xf32, #tpu.memory_space<vmem_shared>>
      tpu.wait_dma2 semaphore(%run_scoped3A : memref<!tpu.dma_semaphore, #tpu.memory_space<semaphore_mem>>) src(%arg9 : memref<16xf32, #tpu.memory_space<vmem>>) dst(%dma_wait3A_725 : memref<16xf32, #tpu.memory_space<vmem_shared>>)
      tpu.yield
    }) : () -> ()
    %barrier3A_714 = arith.constant 0 : index
    tpu.barrier barrier_id(%barrier3A_714)
    %eq3A = arith.constant 0 : i32
    %eq3A_715 = arith.cmpi eq, %div3A_1, %eq3A : i32
    %convert_element_type3A_716 = arith.extui %eq3A_715 : i1 to i32
    %cond3A = arith.constant 0 : i32
    %cond3A_717 = arith.cmpi ne, %convert_element_type3A_716, %cond3A : i32
    scf.if %cond3A_717 {
      "tpu.region"() ({
        %run_scoped3A = tpu.sem_alloc : memref<!tpu.dma_semaphore, #tpu.memory_space<semaphore_mem>>
        %dma_start3A_734 = arith.constant 0 : i32
        %dma_start3A_735 = tpu.memref_slice %arg8[%dma_start3A_734] : memref<16384xf32, #tpu.memory_space<vmem>> -> memref<64xf32, #tpu.memory_space<vmem>>
        %dma_start3A_736 = arith.constant 0 : i32
        %dma_start3A_737 = tpu.memref_slice %arg18[%rem3A_0, %dma_start3A_736] : memref<4x64xf32, #tpu.memory_space<vmem_shared>> -> memref<1x64xf32, #tpu.memory_space<vmem_shared>>
        %dma_start3A_738 = tpu.memref_squeeze %dma_start3A_737 : memref<1x64xf32, #tpu.memory_space<vmem_shared>> -> memref<64xf32, #tpu.memory_space<vmem_shared>>
        %dma_start3A_739 = arith.constant 0 : i32
        %dma_start3A_740 = tpu.memref_slice %arg8[%dma_start3A_739] : memref<16384xf32, #tpu.memory_space<vmem>> -> memref<64xf32, #tpu.memory_space<vmem>>
        %dma_start3A_741 = arith.constant 0 : i32
        %dma_start3A_742 = tpu.memref_slice %arg18[%rem3A_0, %dma_start3A_741] : memref<4x64xf32, #tpu.memory_space<vmem_shared>> -> memref<1x64xf32, #tpu.memory_space<vmem_shared>>
        %dma_start3A_743 = tpu.memref_squeeze %dma_start3A_742 : memref<1x64xf32, #tpu.memory_space<vmem_shared>> -> memref<64xf32, #tpu.memory_space<vmem_shared>>
        tpu.enqueue_dma source(%dma_start3A_743 : memref<64xf32, #tpu.memory_space<vmem_shared>>) target(%dma_start3A_740 : memref<64xf32, #tpu.memory_space<vmem>>) target_semaphore(%run_scoped3A : memref<!tpu.dma_semaphore, #tpu.memory_space<semaphore_mem>>)
        %dma_wait3A_744 = arith.constant 0 : i32
        %dma_wait3A_745 = tpu.memref_slice %arg8[%dma_wait3A_744] : memref<16384xf32, #tpu.memory_space<vmem>> -> memref<64xf32, #tpu.memory_space<vmem>>
        %dma_wait3A_746 = arith.constant 0 : i32
        %dma_wait3A_747 = tpu.memref_slice %arg18[%rem3A_0, %dma_wait3A_746] : memref<4x64xf32, #tpu.memory_space<vmem_shared>> -> memref<1x64xf32, #tpu.memory_space<vmem_shared>>
        %dma_wait3A_748 = tpu.memref_squeeze %dma_wait3A_747 : memref<1x64xf32, #tpu.memory_space<vmem_shared>> -> memref<64xf32, #tpu.memory_space<vmem_shared>>
        %dma_wait3A_749 = arith.constant 0 : i32
        %dma_wait3A_750 = tpu.memref_slice %arg8[%dma_wait3A_749] : memref<16384xf32, #tpu.memory_space<vmem>> -> memref<64xf32, #tpu.memory_space<vmem>>
        %dma_wait3A_751 = arith.constant 0 : i32
        %dma_wait3A_752 = tpu.memref_slice %arg18[%rem3A_0, %dma_wait3A_751] : memref<4x64xf32, #tpu.memory_space<vmem_shared>> -> memref<1x64xf32, #tpu.memory_space<vmem_shared>>
        %dma_wait3A_753 = tpu.memref_squeeze %dma_wait3A_752 : memref<1x64xf32, #tpu.memory_space<vmem_shared>> -> memref<64xf32, #tpu.memory_space<vmem_shared>>
        tpu.wait_dma2 semaphore(%run_scoped3A : memref<!tpu.dma_semaphore, #tpu.memory_space<semaphore_mem>>) src(%dma_wait3A_753 : memref<64xf32, #tpu.memory_space<vmem_shared>>) dst(%dma_wait3A_750 : memref<64xf32, #tpu.memory_space<vmem>>)
        tpu.yield
      }) : () -> ()
      %get3A_718 = arith.constant 0 : index
      %get3A_719 = tpu.vector_load %arg8[%get3A_718] {strides = array<i32>} : memref<16384xf32, #tpu.memory_space<vmem>>, vector<16xf32>,
      %add3A_720 = arith.addf %broadcast_in_dim3A_11, %get3A_719 : vector<16xf32>
      %get3A_721 = arith.constant 16 : index
      %get3A_722 = tpu.vector_load %arg8[%get3A_721] {strides = array<i32>} : memref<16384xf32, #tpu.memory_space<vmem>>, vector<16xf32>,
      %add3A_723 = arith.addf %add3A_720, %get3A_722 : vector<16xf32>
      %get3A_724 = arith.constant 32 : index
      %get3A_725 = tpu.vector_load %arg8[%get3A_724] {strides = array<i32>} : memref<16384xf32, #tpu.memory_space<vmem>>, vector<16xf32>,
      %add3A_726 = arith.addf %add3A_723, %get3A_725 : vector<16xf32>
      %get3A_727 = arith.constant 48 : index
      %get3A_728 = tpu.vector_load %arg8[%get3A_727] {strides = array<i32>} : memref<16384xf32, #tpu.memory_space<vmem>>, vector<16xf32>,
      %add3A_729 = arith.addf %add3A_726, %get3A_728 : vector<16xf32>
      %swap3A_730 = arith.constant 0 : index
      %swap3A_731 = tpu.vector_load %arg9[%swap3A_730] {strides = array<i32>} : memref<16xf32, #tpu.memory_space<vmem>>, vector<16xf32>,
      tpu.vector_store %arg9[%swap3A_730], %add3A_729 {strides = array<i32>} : memref<16xf32, #tpu.memory_space<vmem>>, vector<16xf32>,
      %mul3A_732 = arith.constant 16 : i32
      %mul3A_733 = arith.muli %add3A, %mul3A_732 : i32
      "tpu.region"() ({
        %run_scoped3A = tpu.sem_alloc : memref<!tpu.dma_semaphore, #tpu.memory_space<semaphore_mem>>
        %dma_start3A_734 = tpu.memref_slice %arg4[%mul3A_733] : memref<128xf32, #tpu.memory_space<hbm>> -> memref<16xf32, #tpu.memory_space<hbm>>
        %dma_start3A_735 = tpu.memref_slice %arg4[%mul3A_733] : memref<128xf32, #tpu.memory_space<hbm>> -> memref<16xf32, #tpu.memory_space<hbm>>
        tpu.enqueue_dma source(%arg9 : memref<16xf32, #tpu.memory_space<vmem>>) target(%dma_start3A_735 : memref<16xf32, #tpu.memory_space<hbm>>) target_semaphore(%run_scoped3A : memref<!tpu.dma_semaphore, #tpu.memory_space<semaphore_mem>>)
        %dma_wait3A_736 = tpu.memref_slice %arg4[%mul3A_733] : memref<128xf32, #tpu.memory_space<hbm>> -> memref<16xf32, #tpu.memory_space<hbm>>
        %dma_wait3A_737 = tpu.memref_slice %arg4[%mul3A_733] : memref<128xf32, #tpu.memory_space<hbm>> -> memref<16xf32, #tpu.memory_space<hbm>>
        tpu.wait_dma2 semaphore(%run_scoped3A : memref<!tpu.dma_semaphore, #tpu.memory_space<semaphore_mem>>) src(%arg9 : memref<16xf32, #tpu.memory_space<vmem>>) dst(%dma_wait3A_737 : memref<16xf32, #tpu.memory_space<hbm>>)
        tpu.yield
      }) : () -> ()
    } else {
    }
    return
  }
}

</mosaic_0001>

<sc_bundles>
// kernel: kernel.3.cloned.1.call-start
scs
__scs_entry_jumppad:
0x0: {  	(pc) =	sbr.rel $0x88, $3  }
0x1: {  	(tag) =	ssettag $0x0;
	lr =	simm.s32 $0x1  }
0x2: {  	[smem:$0x3F9F] =	sst lr;
	_ =	strace $0xD0000000  }
0x3: {  	_ = 	snop  }
0x4: {  	_ = 	snop  }
0x5: {  	_ = 	snop  }
0x6: {  	_ = 	snop  }
0x7: {  	_ = 	snop  }
__scs_overlays_trampoline_lowered:
0x8: {  	[smem:$0x3FAE] =	sst s0  }
0x9: {  	[smem:$0x3FAF] =	sst s1  }
0xa: {  	[smem:$0x3FB0] =	sst s2  }
0xb: {  	[smem:$0x3FB1] =	sst s3  }
0xc: {  	[smem:$0x3FB2] =	sst s4  }
0xd: {  	[smem:$0x3FB3] =	sst s5  }
0xe: {  	[smem:$0x3FB4] =	sst s6  }
0xf: {  	[smem:$0x3FB5] =	sst s7  }
0x10: {  	[smem:$0x3FB6] =	sst s8  }
0x11: {  	[smem:$0x3FB7] =	sst s9;
	s0 =	simm.s32 @!p0 $0x0  }
0x12: {  	s1 =	sld [smem:$0x3F9D];
	s0 =	simm.s32 @p0 $0x1  }
0x13: {  	[smem:$0x3FB8] =	sst s0;
	s0 =	simm.s32 @!p1 $0x0  }
0x14: {  	s2 =	sld [smem:$0x3F9C];
	s0 =	simm.s32 @p1 $0x1  }
0x15: {  	[smem:$0x3FB9] =	sst s0;
	s0 =	simm.s32 @!p2 $0x0  }
0x16: {  	s3 =	sld [smem:$0x3FDB];
	s0 =	simm.s32 @p2 $0x1  }
0x17: {  	s4 =	simm.s32 $0x1BF5;
	[smem:$0x3FBB] =	sst s0  }
0x18: {  	s0 =	sld [smem:$0x3F9E];
	_ =	swait.ge [sflag:s4], $0x0  }
0x19: {  	s7 =	sld [smem:$0x3F9F]  }
0x1a: {  	s8 =	sadd.s32 $0xFFFFE003, lr  }
0x1b: {  	s9 =	sadd.s32 $0xFFFFFEF7, lr;
	s5 =	simm.s32 $0xFFFFFFFF;
	p2 =	slt.u32 s8, $0xFFFFF086  }
0x1c: {  	p1 =	slt.u32 s9, $0xF7A;
	s5 =	simm.s32 @!p2 $0x0  }
0x1d: {  	s5 =	simm.s32 @p1 $0x1;
	p0 =	seq.s32 s7, s2  }
0x1e: {  	s7 =	smul.u32 @!p0 $0xF7A, s2;
	p2 =	seq.s32 @!p0 s5, $0x0  }
0x1f: {  	s9 =	smul.u32 $0xF7A, s1;
	s8 =	simm.s32 @!p0 $0x1BF5;
	p2 =	por !p2, p0  }
0x20: {  	[sflag:s8] =	ssyncset.s32 @!p0 $0xFFFFF086;
	s6 =	sadd.s32 @!p0 s3, s7;
	s7 =	simm.s32 @!p0 $0x108  }
0x21: {  	s3 =	sadd.s32 s3, s9;
	s6 =	sadd.s32 @!p0 $0x88, s6;
	s7 =	simm.s32 @p2 $0x1082  }
0x22: {  	[simem:s7], [sflag:s8] =	dma.local @!p0 [hbm:s6], $0xF7A  }
0x23: {  	s9 =	sor.u32 $0xD0000000, s2;
	s6 =	simm.s32 $0x108;
	_ =	swait.ge @!p0 [sflag:s8], $0x0  }
0x24: {  	s3 =	sadd.s32 $0x88, s3;
	s6 =	simm.s32 @!p1 $0x1082;
	[sflag:s4] =	ssyncset.s32 $0xFFFFF086  }
0x25: {  	[simem:s6], [sflag:s4] =	dma.local [hbm:s3], $0xF7A  }
0x26: {  	[smem:$0x3F9F] =	sst s1;
	(tag) =	ssettag s2;
	_ =	strace s9  }
0x27: {  	s1 =	sld [smem:$0x3FAF]  }
0x28: {  	s2 =	sld [smem:$0x3FB0]  }
0x29: {  	s4 =	sld [smem:$0x3FB2]  }
0x2a: {  	p0 =	seq.s32 s5, $0x0;
	s5 =	sld [smem:$0x3FB3]  }
0x2b: {  	s6 =	sld [smem:$0x3FB4]  }
0x2c: {  	s7 =	sld [smem:$0x3FB5]  }
0x2d: {  	s3 =	simm.s32 $0x108;
	s8 =	sld [smem:$0x3FB6]  }
0x2e: {  	s3 =	simm.s32 @!p0 $0x1082;
	s9 =	sld [smem:$0x3FB7]  }
0x2f: {  	lr =	sadd.s32 s0, s3;
	s0 =	sld [smem:$0x3FAE]  }
0x30: {  	s3 =	sld [smem:$0x3FB1]  }
0x31: {  	[smem:$0x3FBA] =	sst s10  }
0x32: {  	s10 =	sld [smem:$0x3FB8];
	_ =	sdelay $0x3  }
0x33: {  	p0 =	seq.s32 s10, $0x1;
	s10 =	sld [smem:$0x3FBA];
	_ =	sdelay $0x3  }
0x34: {  	[smem:$0x3FBA] =	sst s10  }
0x35: {  	s10 =	sld [smem:$0x3FB9];
	_ =	sdelay $0x3  }
0x36: {  	p1 =	seq.s32 s10, $0x1;
	s10 =	sld [smem:$0x3FBA];
	_ =	sdelay $0x3  }
0x37: {  	[smem:$0x3FBA] =	sst s10  }
0x38: {  	s10 =	sld [smem:$0x3FBB]  }
0x39: {  	_ = 	snop;
	(pc) =	sbr.ind lr, $3  }
0x3a: {  	_ = 	snop  }
0x3b: {  	_ = 	snop  }
0x3c: {  	p2 =	seq.s32 s10, $0x1;
	s10 =	sld [smem:$0x3FBA]  }
0x3d: {  	_ =	shalt  }
0x3e: {  	_ =	shalt  }
0x3f: {  	_ =	shalt  }
0x40: {  	_ =	shalt  }
0x41: {  	_ =	shalt  }
0x42: {  	_ =	shalt  }
0x43: {  	_ =	shalt  }
0x44: {  	_ =	shalt  }
0x45: {  	_ =	shalt  }
0x46: {  	_ =	shalt  }
0x47: {  	_ =	shalt  }
0x48: {  	_ =	shalt  }
0x49: {  	_ =	shalt  }
0x4a: {  	_ =	shalt  }
0x4b: {  	_ =	shalt  }
0x4c: {  	_ =	shalt  }
0x4d: {  	_ =	shalt  }
0x4e: {  	_ =	shalt  }
0x4f: {  	_ =	shalt  }
0x50: {  	_ =	shalt  }
0x51: {  	_ =	shalt  }
0x52: {  	_ =	shalt  }
0x53: {  	_ =	shalt  }
0x54: {  	_ =	shalt  }
0x55: {  	_ =	shalt  }
0x56: {  	_ =	shalt  }
0x57: {  	_ =	shalt  }
0x58: {  	_ =	shalt  }
0x59: {  	_ =	shalt  }
0x5a: {  	_ =	shalt  }
0x5b: {  	_ =	shalt  }
0x5c: {  	_ =	shalt  }
0x5d: {  	_ =	shalt  }
0x5e: {  	_ =	shalt  }
0x5f: {  	_ =	shalt  }
0x60: {  	_ =	shalt  }
0x61: {  	_ =	shalt  }
0x62: {  	_ =	shalt  }
0x63: {  	_ =	shalt  }
0x64: {  	_ =	shalt  }
0x65: {  	_ =	shalt  }
0x66: {  	_ =	shalt  }
0x67: {  	_ =	shalt  }
0x68: {  	_ =	shalt  }
0x69: {  	_ =	shalt  }
0x6a: {  	_ =	shalt  }
0x6b: {  	_ =	shalt  }
0x6c: {  	_ =	shalt  }
0x6d: {  	_ =	shalt  }
0x6e: {  	_ =	shalt  }
0x6f: {  	_ =	shalt  }
0x70: {  	_ =	shalt  }
0x71: {  	_ =	shalt  }
0x72: {  	_ =	shalt  }
0x73: {  	_ =	shalt  }
0x74: {  	_ =	shalt  }
0x75: {  	_ =	shalt  }
0x76: {  	_ =	shalt  }
0x77: {  	_ =	shalt  }
0x78: {  	_ =	shalt  }
0x79: {  	_ =	shalt  }
0x7a: {  	_ =	shalt  }
0x7b: {  	_ =	shalt  }
0x7c: {  	_ =	shalt  }
0x7d: {  	_ =	shalt  }
0x7e: {  	_ =	shalt  }
0x7f: {  	_ =	shalt  }
0x80: {  	_ =	shalt  }
0x81: {  	_ =	shalt  }
0x82: {  	_ =	shalt  }
0x83: {  	_ =	shalt  }
0x84: {  	_ =	shalt  }
0x85: {  	_ =	shalt  }
0x86: {  	_ =	shalt  }
0x87: {  	_ =	shalt  }
.Lfunc_end0:
.L_simem_size_0:
called_computation_lowered:
.L_overlay_start_0:
0x88: {  	s2 =	sld [smem:$0x3FD9]  }
0x89: {  	s3 =	sld [smem:$0x3FFE];
	_ =	sdelay $0x1  }
0x8a: {  	s1 =	srdreg.scid  }
0x8b: {  	s0 =	sand.u32 $0x1, s1  }
0x8c: {  	s17 =	sshll.u32 s0, $0xA;
	s2 =	sadd.s32 s3, s2  }
0x8d: {  	s2 =	sadd.s32 s2, s17  }
0x8e: {  	[smem:$0x3FC6] =	sst s2  }
0x8f: {  	_ = 	snop  }
0x90: {  	s2 =	sld [smem:$0x3FC9]  }
0x91: {  	s18 =	sld [smem:$0x3FC8];
	(tm) =	ssettm $0x1  }
0x92: {  	s4 =	sld [smem:$0x3FFB];
	_ =	sdelay $0x3  }
0x93: {  	_ =	strace s4  }
0x94: {  	s4 =	sld [smem:$0x3FFC];
	_ =	sdelay $0x3  }
0x95: {  	_ =	strace s4  }
0x96: {  	s4 =	sld [smem:$0x3FFD];
	_ =	sdelay $0x3  }
0x97: {  	_ =	strace s4  }
0x98: {  	_ =	strace $0x8FFFFFFF  }
0x99: {  	s19 =	sld [smem:$0x3FDB];
	_ =	sdelay $0x1  }
0x9a: {  	s5 =	simm.s32 $_scs_section_size  }
0x9b: {  	s6 =	simm.s32 $_size__tile_overlayer_lowered;
	s7 =	simm.s32 $_tile_overlayer_lowered  }
0x9c: {  	s22 =	simm.s32 $0x1BFF;
	s21 =	sshll.u32 s7, $0x1;
	s4 =	sadd.s32 s5, s19  }
0x9d: {  	s8 =	simm.s32 $0x0;
	s20 =	sshll.u32 s6, $0x1;
	s6 =	sadd.s32 s21, s4  }
0x9e: {  	[timem:s8], [sflag:s22] =	dma.local [hbm:s6], s20  }
0x9f: {  	_ =	swait.ge [sflag:s22], s20  }
0xa0: {  	s5 =	ssub.s32 $0x0, s20;
	[sflag:s22] =	ssyncset.done $0x0  }
0xa1: {  	[sflag:s22] =	ssyncadd.s32 s5;
	_ =	sdelay $0x1  }
0xa2: {  	s23 =	simm.s32 $0x1B8B  }
0xa3: {  	_ =	swait.ge [sflag:s23], $0x1  }
0xa4: {  	[sflag:s23] =	ssyncset.done $0x0  }
0xa5: {  	s25 =	simm.s32 $0x1B8E;
	s24 =	sld [smem:$0x3FFE];
	[sflag:s23] =	ssyncadd.s32 $0xFFFFFFFF  }
0xa6: {  	s26 =	simm.s32 $execute0_lowered;
	[smem:$0x3FD2] =	sst s25  }
0xa7: {  	s6 =	sshll.u32 s26, $0x1;
	_ =	strace $0x80000046;
	[dreg:$0x1] =	wrdreg $0xFFFFFFFF  }
0xa8: {  	s28 =	simm.s32 $_size_execute0_lowered;
	s4 =	sadd.s32 s4, s6;
	[dreg:$0x0] =	wrdreg $0x0  }
0xa9: {  	s6 =	sshll.u32 s28, $0x1;
	[dreg:$0x2] =	wrdreg s4  }
0xaa: {  	[dreg:$0x3] =	wrdreg s6  }
0xab: {  	[dreg:$0x4] =	wrdreg $0xC0  }
0xac: {  	_ =	task [dreg:s8], $0x5FFFF  }
0xad: {  	[dreg:$0x1] =	wrdreg $0xFFFFFFFF  }
0xae: {  	[dreg:$0x0] =	wrdreg $0x60  }
0xaf: {  	[dreg:$0x2] =	wrdreg s2  }
0xb0: {  	[dreg:$0x3] =	wrdreg s18  }
0xb1: {  	[dreg:$0x4] =	wrdreg s24  }
0xb2: {  	[dreg:$0x5] =	wrdreg $0x100100  }
0xb3: {  	[dreg:$0x6] =	wrdreg $0x140100  }
0xb4: {  	[dreg:$0x7] =	wrdreg $0x180100  }
0xb5: {  	[dreg:$0x8] =	wrdreg $0x180200  }
0xb6: {  	[dreg:$0x9] =	wrdreg $0x180300  }
0xb7: {  	[dreg:$0xa] =	wrdreg $0x9  }
0xb8: {  	_ =	task.clear_ibuf [dreg:s8], $0xBFFFF;
	_ =	strace $0x90000046  }
0xb9: {  	s29 =	simm.s32 $0x9;
	_ =	strace $0x80000048  }
0xba: {  	_ =	swait.ge [sflag:s29], $0x1  }
0xbb: {  	[sflag:s29] =	ssyncadd.s32 $0xFFFFFFFF  }
0xbc: {  	_ =	strace $0x90000048  }
0xbd: {  	_ =	sfence  }
0xbe: {  	s30 =	sld [smem:$0x0];
	_ =	sdelay $0x2  }
0xbf: {  	s31 =	sshll.u32 s1, $0xD;
	s1 =	sshrl.u32 s1, $0x2  }
0xc0: {  	s3 =	sand.u32 $0x4000, s31;
	s1 =	sadd.s32 s1, s30  }
0xc1: {  	s0 =	sor.u32 s3, s0;
	s1 =	sshll.u32 s1, $0x11  }
0xc2: {  	s0 =	sor.u32 s1, s0  }
0xc3: {  	s0 =	sadd.s32 $0x8F2B, s0  }
0xc4: {  	[sflag:s0] =	ssyncadd.remote.s32 $0x1  }
0xc5: {  	_ =	sfence.sel $0xFFFF  }
0xc6: {  	[dreg:$0x0] =	wrdreg $0xFFFFFFFF;
	(pc) =	sbr.abs _section_cstart, $3  }
0xc7: {  	[dreg:$0x1] =	wrdreg $0xFFFFFFFF  }
0xc8: {  	_ =	task.clear_ibuf [dreg:s8], $0x2FFFF;
	_ =	strace $0x9FFFFFFF  }
0xc9: {  	(tm) =	ssettm $0x7FFFFFFF  }
tec
execute0_lowered:
.L_overlay_start_1:
0x0: {  	(tag) =	ssettag $0x1  }
0x1: {  	s0 =	srdreg.scid;
	s10 =	stileid.u32  }
0x2: {  	s1 =	sand.u32 $0x1, s0;
	s3 =	sand.u32 $0x3, s10  }
0x3: {  	s6 =	sshrl.u32 s10, $0x2;
	s0 =	sshll.u32 s1, $0x6;
	s2 =	sshll.u32 s3, $0x4  }
0x4: {  	s15 =	sshll.u32 s6, $0x14;
	s0 =	sor.u32 s0, s2  }
0x5: {  	s2 =	sor.u32 s15, s0  }
0x6: {  	s2 =	sshrl.u32 s2, $0x3  }
0x7: {  	s4 =	rddreg [dreg:$0x0];
	s1 =	ssub.s32 $0x2, s1;
	s8 =	sor.u32 $0x2000, s2  }
0x8: {  	s5 =	rddreg [dreg:$0x1];
	s7 =	sshrl.u32 s1, $0x1;
	s16 =	sadd.s32 s4, s8  }
0x9: {  	s17 =	sor.u32 $0x4000, s2;
	s8 =	sadd.s32 s5, s8;
	[dreg:$0x9] =	wrdreg s16  }
0xa: {  	s1 =	ssub.s32 s1, s7;
	s18 =	sadd.s32 s4, s17;
	[dreg:$0xa] =	wrdreg s8  }
0xb: {  	s19 =	sor.u32 $0x6000, s2;
	s7 =	sadd.s32 s5, s17;
	[dreg:$0xb] =	wrdreg s18  }
0xc: {  	s21 =	sor.u32 $0x8000, s2;
	s20 =	sadd.s32 s4, s19;
	[dreg:$0xc] =	wrdreg s7  }
0xd: {  	s23 =	sor.u32 $0xA000, s2;
	s22 =	sadd.s32 s4, s21;
	[dreg:$0xd] =	wrdreg s20  }
0xe: {  	s25 =	sor.u32 $0xC000, s2;
	s24 =	sadd.s32 s4, s23;
	[dreg:$0xf] =	wrdreg s22  }
0xf: {  	s9 =	sor.u32 $0xE000, s2;
	s26 =	sadd.s32 s4, s25;
	[dreg:$0x11] =	wrdreg s24  }
0x10: {  	s12 =	sor.u32 $0x10000, s2;
	s11 =	sadd.s32 s4, s9;
	[dreg:$0x13] =	wrdreg s26  }
0x11: {  	s14 =	sor.u32 $0x12000, s2;
	s13 =	sadd.s32 s4, s12;
	[dreg:$0x15] =	wrdreg s11  }
0x12: {  	s15 =	sadd.s32 s4, s14;
	[dreg:$0x17] =	wrdreg s13  }
0x13: {  	s8 =	sadd.s32 s5, s19;
	[dreg:$0x19] =	wrdreg s15  }
0x14: {  	s7 =	sadd.s32 s5, s21;
	[dreg:$0xe] =	wrdreg s8  }
0x15: {  	s26 =	sadd.s32 s4, s2;
	[dreg:$0x10] =	wrdreg s7  }
0x16: {  	[smem:$0x7F2] =	sst s26  }
0x17: {  	s8 =	sadd.s32 s5, s23;
	s26 =	rddreg [dreg:$0x2]  }
0x18: {  	s16 =	sor.u32 $0x14000, s2;
	s7 =	sadd.s32 s5, s25;
	[dreg:$0x12] =	wrdreg s8  }
0x19: {  	s18 =	sor.u32 $0x16000, s2;
	s17 =	sadd.s32 s4, s16;
	[dreg:$0x14] =	wrdreg s7  }
0x1a: {  	s20 =	sor.u32 $0x18000, s2;
	s19 =	sadd.s32 s4, s18;
	[dreg:$0x1b] =	wrdreg s17  }
0x1b: {  	s22 =	sor.u32 $0x1A000, s2;
	s21 =	sadd.s32 s4, s20;
	[dreg:$0x1d] =	wrdreg s19  }
0x1c: {  	s24 =	sor.u32 $0x1C000, s2;
	s23 =	sadd.s32 s4, s22;
	[dreg:$0x1f] =	wrdreg s21  }
0x1d: {  	s25 =	sadd.s32 s4, s24;
	[smem:$0x7EE] =	sst s23  }
0x1e: {  	[smem:$0x7F0] =	sst s25  }
0x1f: {  	s7 =	sadd.s32 s5, s12;
	s12 =	rddreg [dreg:$0x3]  }
0x20: {  	s23 =	rddreg [dreg:$0x5]  }
0x21: {  	s8 =	sadd.s32 s5, s9;
	s25 =	rddreg [dreg:$0x7]  }
0x22: {  	s28 =	simm.s32 $0x1;
	[dreg:$0x16] =	wrdreg s8  }
0x23: {  	s29 =	simm.s32 $0x2;
	s30 =	simm.s32 $0x8000;
	[dreg:$0x18] =	wrdreg s7  }
0x24: {  	s31 =	simm.s32 $0xC000;
	s8 =	sadd.s32 s5, s14;
	s14 =	rddreg [dreg:$0x4]  }
0x25: {  	p0 =	sgt.u32 s10, $0x3;
	s7 =	sadd.s32 s5, s16;
	[dreg:$0x1a] =	wrdreg s8  }
0x26: {  	s0 =	sshrl.u32 s0, $0x3;
	[dreg:$0x1c] =	wrdreg s7;
	s8 =	sadd.s32 s5, s18  }
0x27: {  	s11 =	sshll.u32 s3, $0xE;
	s7 =	sadd.s32 s5, s20;
	[dreg:$0x1e] =	wrdreg s8  }
0x28: {  	s13 =	sshll.u32 s10, $0xE;
	s3 =	sshll.u32 s3, $0x6;
	[smem:$0x7ED] =	sst s7  }
0x29: {  	s8 =	sadd.s32 s5, s22;
	s7 =	sadd.s32 s5, s24;
	s24 =	rddreg [dreg:$0x6]  }
0x2a: {  	s9 =	sshll.u32 s6, $0xC;
	s21 =	sshll.u32 s6, $0x4;
	[smem:$0x7EF] =	sst s8  }
0x2b: {  	s22 =	sor.u32 s21, s3;
	[smem:$0x7F1] =	sst s7;
	s8 =	sadd.s32 s5, s2  }
0x2c: {  	s2 =	sor.u32 $0x1E000, s2;
	s7 =	sadd.s32 s13, s14;
	[smem:$0x7F3] =	sst s8  }
0x2d: {  	s21 =	sshll.u32 s6, $0x8;
	s4 =	sadd.s32 s4, s2;
	[smem:$0x7F7] =	sst s7  }
0x2e: {  	v0 =	vmov s6;
	s6 =	simm.s32 $0x0;
	s2 =	sadd.s32 s5, s2;
	[smem:$0x7F4] =	sst s4  }
0x2f: {  	s5 =	simm.s32 $0xD000;
	[smem:$0x7F5] =	sst s2;
	s2 =	simm.s32 $0x0  }
0x30: {  	s4 =	sor.u32 s9, s11;
	s9 =	sadd.s32 s13, s12;
	[smem:$0x7FF] =	sst s2  }
0x31: {  	s13 =	sadd.s32 s22, s23;
	[smem:$0x7F6] =	sst s9;
	s15 =	sor.u32 $0x10000, s4  }
0x32: {  	s17 =	sor.u32 $0x20000, s4;
	s19 =	sadd.s32 s4, s12;
	s20 =	sadd.s32 s4, s14  }
0x33: {  	s4 =	sor.u32 $0x30000, s4;
	s16 =	sadd.s32 s15, s12;
	s9 =	sadd.s32 s15, s14  }
0x34: {  	s18 =	sadd.s32 s17, s12;
	s7 =	sadd.s32 s17, s14;
	[smem:$0x7FC] =	sst s19  }
0x35: {  	[smem:$0x7FD] =	sst s20;
	s11 =	sadd.s32 s4, s12;
	s12 =	sadd.s32 s4, s14  }
0x36: {  	s14 =	sadd.s32 s3, s23;
	s15 =	sadd.s32 s22, s24;
	s17 =	sadd.s32 s22, s25  }
0x37: {  	s19 =	sadd.s32 s26, s0;
	s20 =	smax.u32 s1, $0x1;
	[smem:$0x7F8] =	sst s16  }
0x38: {  	s22 =	simm.s32 $0x10;
	s23 =	simm.s32 $0x80;
	[smem:$0x7F9] =	sst s9  }
0x39: {  	s26 =	simm.s32 $0x6000;
	s0 =	simm.s32 $0x3;
	[smem:$0x7FA] =	sst s18  }
0x3a: {  	s1 =	simm.s32 $0x4;
	s4 =	simm.s32 $0x9000;
	[smem:$0x7FB] =	sst s7  }
0x3b: {  	v1 =	vimm.s32 $0x0;
	s16 =	sadd.s32 s3, s24;
	s18 =	sadd.s32 s3, s25;
	s24 =	simm.s32 $0x4000  }
0x3c: {  	v2 =	vimm.f32 $0.0e+00;
	v3 =	vlaneseq.u32;
	v4 =	vimm.s32 $0x1;
	s25 =	simm.s32 $0x2000;
	s3 =	simm.s32 $0x5;
	_ =	strace $0x80000047  }
.LBB2_1:
0x3d: {  	s7 =	simm.s32 $0x40;
	s8 =	simm.s32 $0x0  }
.LBB2_2:
0x3e: {  	p1 =	sne.s32 s7, $0xFFC0;
	[tilespmem:s8+$0x8000] =	vst v1;
	s9 =	smov.u32 s7;
	s7 =	sadd.s32 $0x40, s7  }
.Ltmp0:
0x3f: {  	[tilespmem:s8+$0xC000] =	vst v2;
	(pc) =	sbr.rel @p1 .LBB2_2-.Ltmp0, $2  }
0x40: {  	_ =	sdelay $0x2  }
0x41: {  	s8 =	sshra.s32 s9, $0x2  }
0x42: {  	s7 =	sld [smem:$0x7F2]  }
0x43: {  	[tilespmem:s8+$0x8000] =	vst v1  }
0x44: {  	[tilespmem:s8+$0xC000] =	vst v2;
	s10 =	sld [smem:$0x7F3]  }
0x45: {  	[tilespmem:s2], [sflag:$0x1] =	stream.strided.gather [hbm4b:s7+s22], $0x2000, s23, s22, $0x38;
	[tilespmem:$0x18040] =	vst v63  }
0x46: {  	_ = 	snop  }
0x47: {  	[tilespmem:s24], [sflag:$0x2] =	stream.strided.gather [hbm4b:s10+s22], $0x2000, s23, s22, $0x38;
	[tilespmem:$0x18040] =	vst v63  }
0x48: {  	s8 =	rddreg [dreg:$0x9]  }
0x49: {  	[tilespmem:s25], [sflag:$0x3] =	stream.strided.gather [hbm4b:s8+s22], $0x2000, s23, s22, $0x38;
	[tilespmem:$0x18040] =	vst v63  }
0x4a: {  	s9 =	rddreg [dreg:$0xa]  }
0x4b: {  	[tilespmem:s26], [sflag:$0x4] =	stream.strided.gather [hbm4b:s9+s22], $0x2000, s23, s22, $0x38;
	[tilespmem:$0x18040] =	vst v63  }
0x4c: {  	_ =	swait.ge [sflag:s28], $0x2000  }
0x4d: {  	[sflag:s28] =	ssyncset.done $0x0  }
0x4e: {  	[sflag:s28] =	ssyncadd.s32 $0xFFFFE000  }
0x4f: {  	_ =	swait.ge [sflag:s29], $0x2000  }
0x50: {  	[sflag:s29] =	ssyncset.done $0x0  }
0x51: {  	s10 =	simm.s32 $0x40;
	[sflag:s29] =	ssyncadd.s32 $0xFFFFE000  }
0x52: {  	s7 =	simm.s32 $0x4040;
	v5 =	vld [tilespmem:s10+$0x30]  }
0x53: {  	v6 =	vld [tilespmem:s7+$0x30]  }
0x54: {  	v8 =	vld [tilespmem:s10+$0xFFFFFFD0]  }
0x55: {  	v9 =	vld [tilespmem:s7+$0xFFFFFFD0]  }
0x56: {  	v10 =	vld [tilespmem:s10+$0xFFFFFFE0]  }
0x57: {  	v11 =	vld [tilespmem:s7+$0xFFFFFFE0]  }
0x58: {  	v12 =	vld [tilespmem:s7+$0xFFFFFFF0]  }
0x59: {  	v54 =	vld [tilespmem:s10+$0x0]  }
0x5a: {  	v14 =	vld [tilespmem:s7+$0x0];
	v5 =	vsub.f32 v5, v6  }
0x5b: {  	v55 =	vld [tilespmem:s10+$0x10];
	v8 =	vsub.f32 v8, v9  }
0x5c: {  	v6 =	vld [tilespmem:s10+$0xFFFFFFF0];
	v10 =	vsub.f32 v10, v11;
	v13 =	vshrl.u32 v5, $0x11  }
0x5d: {  	v56 =	vld [tilespmem:s10+$0x20];
	v15 =	vshrl.u32 v8, $0x11;
	v13 =	vand.u32 $0x3FF0, v13  }
0x5e: {  	v18 =	vld [tilespmem:s7+$0x20];
	v17 =	vshrl.u32 v10, $0x11;
	v15 =	vand.u32 $0x3FF0, v15;
	v13 =	vor.u32 v3, v13  }
0x5f: {  	v16 =	vld [tilespmem:s7+$0x10];
	v17 =	vand.u32 $0x3FF0, v17;
	v15 =	vor.u32 v3, v15  }
0x60: {  	v57 =	vor.u32 v3, v17  }
0x61: {  	v7 =	vld [tilespmem:s7+$0xFFFFFFC0];
	v6 =	vsub.f32 v6, v12  }
0x62: {  	v59 =	vld [tilespmem:s10+$0xFFFFFFC0]  }
0x63: {  	v9 =	vsub.f32 v54, v14;
	v12 =	vsub.f32 v56, v18;
	v19 =	vshrl.u32 v6, $0x11;
	[tilespmem:v13+s30+$0x0] =	vst.idx.add.s32.msk $0xffff, v4  }
0x64: {  	v11 =	vsub.f32 v55, v16;
	v5 =	vmul.f32 v5, v5;
	v58 =	vand.u32 $0x3FF0, v19;
	[tilespmem:v15+s30+$0x0] =	vst.idx.add.s32.msk $0xffff, v4  }
0x65: {  	v10 =	vmul.f32 v10, v10;
	v61 =	vshrl.u32 v12, $0x11;
	v60 =	vor.u32 v3, v58;
	[tilespmem:v57+s30+$0x0] =	vst.idx.add.s32.msk $0xffff, v4  }
0x66: {  	v8 =	vmul.f32 v8, v8;
	v62 =	vand.u32 $0x3FF0, v61;
	[tilespmem:v13+s31+$0x0] =	vst.idx.add.f32.msk $0xffff, v5;
	v5 =	vshrl.u32 v9, $0x11  }
0x67: {  	[tilespmem:v57+s31+$0x0] =	vst.idx.add.f32.msk $0xffff, v10;
	v10 =	vor.u32 v3, v62;
	v5 =	vand.u32 $0x3FF0, v5  }
0x68: {  	v16 =	vshrl.u32 v11, $0x11;
	[tilespmem:v15+s31+$0x0] =	vst.idx.add.f32.msk $0xffff, v8;
	v8 =	vor.u32 v3, v5  }
0x69: {  	v7 =	vsub.f32 v59, v7;
	v5 =	vmul.f32 v6, v6;
	v6 =	vand.u32 $0x3FF0, v16  }
0x6a: {  	v6 =	vor.u32 v3, v6;
	[tilespmem:v60+s30+$0x0] =	vst.idx.add.s32.msk $0xffff, v4  }
0x6b: {  	v63 =	vshrl.u32 v7, $0x11;
	[tilespmem:v60+s31+$0x0] =	vst.idx.add.f32.msk $0xffff, v5  }
0x6c: {  	v9 =	vmul.f32 v9, v9;
	v5 =	vand.u32 $0x3FF0, v63;
	[tilespmem:v10+s30+$0x0] =	vst.idx.add.s32.msk $0xffff, v4  }
0x6d: {  	v5 =	vor.u32 v3, v5;
	[tilespmem:v8+s30+$0x0] =	vst.idx.add.s32.msk $0xffff, v4  }
0x6e: {  	v11 =	vmul.f32 v11, v11;
	[tilespmem:v8+s31+$0x0] =	vst.idx.add.f32.msk $0xffff, v9  }
0x6f: {  	[tilespmem:v6+s30+$0x0] =	vst.idx.add.s32.msk $0xffff, v4;
	v8 =	vmul.f32 v12, v12  }
0x70: {  	[tilespmem:v6+s31+$0x0] =	vst.idx.add.f32.msk $0xffff, v11  }
0x71: {  	[tilespmem:v10+s31+$0x0] =	vst.idx.add.f32.msk $0xffff, v8  }
0x72: {  	s8 =	simm.s32 $0x0;
	s9 =	simm.s32 $0xC0;
	v6 =	vmul.f32 v7, v7;
	[tilespmem:v5+s30+$0x0] =	vst.idx.add.s32.msk $0xffff, v4  }
.LBB2_4:
0x73: {  	v7 =	vld [tilespmem:s9+$0x30];
	s7 =	sadd.s32 $0x80, s7  }
0x74: {  	v8 =	vld [tilespmem:s7+$0x30]  }
0x75: {  	s8 =	sadd.s32 $0x8, s8;
	v9 =	vld [tilespmem:s7+$0xFFFFFFC0]  }
0x76: {  	p1 =	slt.u32 s8, $0x1F8;
	v10 =	vld [tilespmem:s9+$0xFFFFFFD0]  }
0x77: {  	v11 =	vld [tilespmem:s7+$0xFFFFFFD0]  }
0x78: {  	v12 =	vld [tilespmem:s9+$0xFFFFFFE0]  }
0x79: {  	v13 =	vld [tilespmem:s7+$0xFFFFFFE0];
	v7 =	vsub.f32 v7, v8  }
0x7a: {  	v8 =	vld [tilespmem:s9+$0xFFFFFFF0]  }
0x7b: {  	v14 =	vld [tilespmem:s7+$0xFFFFFFF0];
	v15 =	vshrl.u32 v7, $0x11  }
0x7c: {  	v10 =	vsub.f32 v10, v11;
	v11 =	vld [tilespmem:s9+$0x0];
	v15 =	vand.u32 $0x3FF0, v15  }
0x7d: {  	v16 =	vld [tilespmem:s7+$0x0];
	v15 =	vor.u32 v3, v15  }
0x7e: {  	v17 =	vshrl.u32 v10, $0x11;
	v10 =	vmul.f32 v10, v10;
	v12 =	vsub.f32 v12, v13;
	v13 =	vld [tilespmem:s9+$0x10]  }
0x7f: {  	v17 =	vand.u32 $0x3FF0, v17;
	v18 =	vld [tilespmem:s7+$0x10]  }
0x80: {  	v19 =	vshrl.u32 v12, $0x11;
	v12 =	vmul.f32 v12, v12;
	v8 =	vsub.f32 v8, v14;
	v14 =	vld [tilespmem:s9+$0x20]  }
0x81: {  	v7 =	vmul.f32 v7, v7;
	v17 =	vor.u32 v3, v17;
	v19 =	vand.u32 $0x3FF0, v19;
	v20 =	vld [tilespmem:s7+$0x20]  }
0x82: {  	v21 =	vshrl.u32 v8, $0x11;
	v8 =	vmul.f32 v8, v8;
	v11 =	vsub.f32 v11, v16;
	[tilespmem:v15+s30+$0x0] =	vst.idx.add.s32.msk $0xffff, v4  }
0x83: {  	v16 =	vor.u32 v3, v19;
	v19 =	vand.u32 $0x3FF0, v21;
	[tilespmem:v15+s31+$0x0] =	vst.idx.add.f32.msk $0xffff, v7  }
0x84: {  	v7 =	vld [tilespmem:s9+$0xFFFFFFC0];
	v15 =	vshrl.u32 v11, $0x11;
	v11 =	vmul.f32 v11, v11;
	v13 =	vsub.f32 v13, v18  }
0x85: {  	v18 =	vor.u32 v3, v19;
	v15 =	vand.u32 $0x3FF0, v15;
	[tilespmem:v5+s31+$0x0] =	vst.idx.add.f32.msk $0xffff, v6  }
0x86: {  	[tilespmem:v17+s30+$0x0] =	vst.idx.add.s32.msk $0xffff, v4;
	v5 =	vshrl.u32 v13, $0x11;
	v13 =	vmul.f32 v13, v13;
	v6 =	vsub.f32 v14, v20  }
0x87: {  	[tilespmem:v17+s31+$0x0] =	vst.idx.add.f32.msk $0xffff, v10;
	v10 =	vor.u32 v3, v15;
	v5 =	vand.u32 $0x3FF0, v5  }
0x88: {  	[tilespmem:v16+s30+$0x0] =	vst.idx.add.s32.msk $0xffff, v4;
	v14 =	vor.u32 v3, v5;
	v5 =	vshrl.u32 v6, $0x11;
	v15 =	vmul.f32 v6, v6  }
0x89: {  	v6 =	vsub.f32 v7, v9;
	[tilespmem:v16+s31+$0x0] =	vst.idx.add.f32.msk $0xffff, v12;
	v5 =	vand.u32 $0x3FF0, v5  }
0x8a: {  	[tilespmem:v18+s30+$0x0] =	vst.idx.add.s32.msk $0xffff, v4;
	v7 =	vor.u32 v3, v5  }
0x8b: {  	v5 =	vshrl.u32 v6, $0x11;
	v6 =	vmul.f32 v6, v6;
	[tilespmem:v18+s31+$0x0] =	vst.idx.add.f32.msk $0xffff, v8  }
0x8c: {  	v5 =	vand.u32 $0x3FF0, v5;
	[tilespmem:v10+s30+$0x0] =	vst.idx.add.s32.msk $0xffff, v4  }
0x8d: {  	v5 =	vor.u32 v3, v5;
	[tilespmem:v10+s31+$0x0] =	vst.idx.add.f32.msk $0xffff, v11  }
.Ltmp1:
0x8e: {  	[tilespmem:v14+s30+$0x0] =	vst.idx.add.s32.msk $0xffff, v4;
	(pc) =	sbr.rel @p1 .LBB2_4-.Ltmp1, $4  }
0x8f: {  	[tilespmem:v14+s31+$0x0] =	vst.idx.add.f32.msk $0xffff, v13  }
0x90: {  	[tilespmem:v7+s30+$0x0] =	vst.idx.add.s32.msk $0xffff, v4  }
0x91: {  	[tilespmem:v7+s31+$0x0] =	vst.idx.add.f32.msk $0xffff, v15  }
0x92: {  	s9 =	sadd.s32 $0x80, s9;
	[tilespmem:v5+s30+$0x0] =	vst.idx.add.s32.msk $0xffff, v4  }
0x93: {  	_ =	sdelay $0x3  }
0x94: {  	[tilespmem:v5+s31+$0x0] =	vst.idx.add.f32.msk $0xffff, v6  }
0x95: {  	s7 =	rddreg [dreg:$0xb]  }
0x96: {  	[tilespmem:s2], [sflag:$0x1] =	stream.strided.gather [hbm4b:s7+s22], $0x2000, s23, s22, $0x38;
	[tilespmem:$0x18040] =	vst v63  }
0x97: {  	s10 =	rddreg [dreg:$0xc]  }
0x98: {  	[tilespmem:s24], [sflag:$0x2] =	stream.strided.gather [hbm4b:s10+s22], $0x2000, s23, s22, $0x38;
	[tilespmem:$0x18040] =	vst v63  }
0x99: {  	_ =	swait.ge [sflag:s0], $0x2000  }
0x9a: {  	[sflag:s0] =	ssyncset.done $0x0  }
0x9b: {  	[sflag:s0] =	ssyncadd.s32 $0xFFFFE000  }
0x9c: {  	_ =	swait.ge [sflag:s1], $0x2000  }
0x9d: {  	[sflag:s1] =	ssyncset.done $0x0  }
0x9e: {  	s8 =	simm.s32 $0x2070;
	[sflag:s1] =	ssyncadd.s32 $0xFFFFE000  }
0x9f: {  	s7 =	simm.s32 $0x6070;
	v5 =	vld [tilespmem:s8+$0x0]  }
0xa0: {  	v6 =	vld [tilespmem:s7+$0x0]  }
0xa1: {  	v8 =	vld [tilespmem:s8+$0xFFFFFFA0]  }
0xa2: {  	v9 =	vld [tilespmem:s7+$0xFFFFFFA0]  }
0xa3: {  	v10 =	vld [tilespmem:s8+$0xFFFFFFB0]  }
0xa4: {  	v11 =	vld [tilespmem:s7+$0xFFFFFFB0]  }
0xa5: {  	v12 =	vld [tilespmem:s7+$0xFFFFFFC0]  }
0xa6: {  	v54 =	vld [tilespmem:s8+$0xFFFFFFD0]  }
0xa7: {  	v14 =	vld [tilespmem:s7+$0xFFFFFFD0];
	v5 =	vsub.f32 v5, v6  }
0xa8: {  	v55 =	vld [tilespmem:s8+$0xFFFFFFE0];
	v8 =	vsub.f32 v8, v9  }
0xa9: {  	v6 =	vld [tilespmem:s8+$0xFFFFFFC0];
	v10 =	vsub.f32 v10, v11;
	v13 =	vshrl.u32 v5, $0x11  }
0xaa: {  	v56 =	vld [tilespmem:s8+$0xFFFFFFF0];
	v15 =	vshrl.u32 v8, $0x11;
	v13 =	vand.u32 $0x3FF0, v13  }
0xab: {  	v18 =	vld [tilespmem:s7+$0xFFFFFFF0];
	v17 =	vshrl.u32 v10, $0x11;
	v15 =	vand.u32 $0x3FF0, v15;
	v13 =	vor.u32 v3, v13  }
0xac: {  	v16 =	vld [tilespmem:s7+$0xFFFFFFE0];
	v17 =	vand.u32 $0x3FF0, v17;
	v15 =	vor.u32 v3, v15  }
0xad: {  	v57 =	vor.u32 v3, v17  }
0xae: {  	v7 =	vld [tilespmem:s7+$0xFFFFFF90];
	v6 =	vsub.f32 v6, v12  }
0xaf: {  	v59 =	vld [tilespmem:s8+$0xFFFFFF90]  }
0xb0: {  	v9 =	vsub.f32 v54, v14;
	v12 =	vsub.f32 v56, v18;
	v19 =	vshrl.u32 v6, $0x11;
	[tilespmem:v13+s30+$0x0] =	vst.idx.add.s32.msk $0xffff, v4  }
0xb1: {  	v11 =	vsub.f32 v55, v16;
	v5 =	vmul.f32 v5, v5;
	v58 =	vand.u32 $0x3FF0, v19;
	[tilespmem:v15+s30+$0x0] =	vst.idx.add.s32.msk $0xffff, v4  }
0xb2: {  	v10 =	vmul.f32 v10, v10;
	v61 =	vshrl.u32 v12, $0x11;
	v60 =	vor.u32 v3, v58;
	[tilespmem:v57+s30+$0x0] =	vst.idx.add.s32.msk $0xffff, v4  }
0xb3: {  	v8 =	vmul.f32 v8, v8;
	v62 =	vand.u32 $0x3FF0, v61;
	[tilespmem:v13+s31+$0x0] =	vst.idx.add.f32.msk $0xffff, v5;
	v5 =	vshrl.u32 v9, $0x11  }
0xb4: {  	[tilespmem:v57+s31+$0x0] =	vst.idx.add.f32.msk $0xffff, v10;
	v10 =	vor.u32 v3, v62;
	v5 =	vand.u32 $0x3FF0, v5  }
0xb5: {  	v16 =	vshrl.u32 v11, $0x11;
	[tilespmem:v15+s31+$0x0] =	vst.idx.add.f32.msk $0xffff, v8;
	v8 =	vor.u32 v3, v5  }
0xb6: {  	v7 =	vsub.f32 v59, v7;
	v5 =	vmul.f32 v6, v6;
	v6 =	vand.u32 $0x3FF0, v16  }
0xb7: {  	v6 =	vor.u32 v3, v6;
	[tilespmem:v60+s30+$0x0] =	vst.idx.add.s32.msk $0xffff, v4  }
0xb8: {  	v63 =	vshrl.u32 v7, $0x11;
	[tilespmem:v60+s31+$0x0] =	vst.idx.add.f32.msk $0xffff, v5  }
0xb9: {  	v9 =	vmul.f32 v9, v9;
	v5 =	vand.u32 $0x3FF0, v63;
	[tilespmem:v10+s30+$0x0] =	vst.idx.add.s32.msk $0xffff, v4  }
0xba: {  	v5 =	vor.u32 v3, v5;
	[tilespmem:v8+s30+$0x0] =	vst.idx.add.s32.msk $0xffff, v4  }
0xbb: {  	v11 =	vmul.f32 v11, v11;
	[tilespmem:v8+s31+$0x0] =	vst.idx.add.f32.msk $0xffff, v9  }
0xbc: {  	[tilespmem:v6+s30+$0x0] =	vst.idx.add.s32.msk $0xffff, v4;
	v8 =	vmul.f32 v12, v12  }
0xbd: {  	[tilespmem:v6+s31+$0x0] =	vst.idx.add.f32.msk $0xffff, v11  }
0xbe: {  	[tilespmem:v10+s31+$0x0] =	vst.idx.add.f32.msk $0xffff, v8  }
0xbf: {  	s9 =	simm.s32 $0x20F0;
	s8 =	simm.s32 $0x0;
	v6 =	vmul.f32 v7, v7;
	[tilespmem:v5+s30+$0x0] =	vst.idx.add.s32.msk $0xffff, v4  }
.LBB2_6:
0xc0: {  	v7 =	vld [tilespmem:s9+$0x0];
	s7 =	sadd.s32 $0x80, s7  }
0xc1: {  	v8 =	vld [tilespmem:s7+$0x0]  }
0xc2: {  	s8 =	sadd.s32 $0x8, s8;
	v9 =	vld [tilespmem:s7+$0xFFFFFF90]  }
0xc3: {  	p1 =	slt.u32 s8, $0x1F8;
	v10 =	vld [tilespmem:s9+$0xFFFFFFA0]  }
0xc4: {  	v11 =	vld [tilespmem:s7+$0xFFFFFFA0]  }
0xc5: {  	v12 =	vld [tilespmem:s9+$0xFFFFFFB0]  }
0xc6: {  	v13 =	vld [tilespmem:s7+$0xFFFFFFB0];
	v7 =	vsub.f32 v7, v8  }
0xc7: {  	v8 =	vld [tilespmem:s9+$0xFFFFFFC0]  }
0xc8: {  	v14 =	vld [tilespmem:s7+$0xFFFFFFC0];
	v15 =	vshrl.u32 v7, $0x11  }
0xc9: {  	v10 =	vsub.f32 v10, v11;
	v11 =	vld [tilespmem:s9+$0xFFFFFFD0];
	v15 =	vand.u32 $0x3FF0, v15  }
0xca: {  	v16 =	vld [tilespmem:s7+$0xFFFFFFD0];
	v15 =	vor.u32 v3, v15  }
0xcb: {  	v17 =	vshrl.u32 v10, $0x11;
	v10 =	vmul.f32 v10, v10;
	v12 =	vsub.f32 v12, v13;
	v13 =	vld [tilespmem:s9+$0xFFFFFFE0]  }
0xcc: {  	v17 =	vand.u32 $0x3FF0, v17;
	v18 =	vld [tilespmem:s7+$0xFFFFFFE0]  }
0xcd: {  	v19 =	vshrl.u32 v12, $0x11;
	v12 =	vmul.f32 v12, v12;
	v8 =	vsub.f32 v8, v14;
	v14 =	vld [tilespmem:s9+$0xFFFFFFF0]  }
0xce: {  	v7 =	vmul.f32 v7, v7;
	v17 =	vor.u32 v3, v17;
	v19 =	vand.u32 $0x3FF0, v19;
	v20 =	vld [tilespmem:s7+$0xFFFFFFF0]  }
0xcf: {  	v21 =	vshrl.u32 v8, $0x11;
	v8 =	vmul.f32 v8, v8;
	v11 =	vsub.f32 v11, v16;
	[tilespmem:v15+s30+$0x0] =	vst.idx.add.s32.msk $0xffff, v4  }
0xd0: {  	v16 =	vor.u32 v3, v19;
	v19 =	vand.u32 $0x3FF0, v21;
	[tilespmem:v15+s31+$0x0] =	vst.idx.add.f32.msk $0xffff, v7  }
0xd1: {  	v7 =	vld [tilespmem:s9+$0xFFFFFF90];
	v15 =	vshrl.u32 v11, $0x11;
	v11 =	vmul.f32 v11, v11;
	v13 =	vsub.f32 v13, v18  }
0xd2: {  	v18 =	vor.u32 v3, v19;
	v15 =	vand.u32 $0x3FF0, v15;
	[tilespmem:v5+s31+$0x0] =	vst.idx.add.f32.msk $0xffff, v6  }
0xd3: {  	[tilespmem:v17+s30+$0x0] =	vst.idx.add.s32.msk $0xffff, v4;
	v5 =	vshrl.u32 v13, $0x11;
	v13 =	vmul.f32 v13, v13;
	v6 =	vsub.f32 v14, v20  }
0xd4: {  	[tilespmem:v17+s31+$0x0] =	vst.idx.add.f32.msk $0xffff, v10;
	v10 =	vor.u32 v3, v15;
	v5 =	vand.u32 $0x3FF0, v5  }
0xd5: {  	[tilespmem:v16+s30+$0x0] =	vst.idx.add.s32.msk $0xffff, v4;
	v14 =	vor.u32 v3, v5;
	v5 =	vshrl.u32 v6, $0x11;
	v15 =	vmul.f32 v6, v6  }
0xd6: {  	v6 =	vsub.f32 v7, v9;
	[tilespmem:v16+s31+$0x0] =	vst.idx.add.f32.msk $0xffff, v12;
	v5 =	vand.u32 $0x3FF0, v5  }
0xd7: {  	[tilespmem:v18+s30+$0x0] =	vst.idx.add.s32.msk $0xffff, v4;
	v7 =	vor.u32 v3, v5  }
0xd8: {  	v5 =	vshrl.u32 v6, $0x11;
	v6 =	vmul.f32 v6, v6;
	[tilespmem:v18+s31+$0x0] =	vst.idx.add.f32.msk $0xffff, v8  }
0xd9: {  	v5 =	vand.u32 $0x3FF0, v5;
	[tilespmem:v10+s30+$0x0] =	vst.idx.add.s32.msk $0xffff, v4  }
0xda: {  	v5 =	vor.u32 v3, v5;
	[tilespmem:v10+s31+$0x0] =	vst.idx.add.f32.msk $0xffff, v11  }
.Ltmp2:
0xdb: {  	[tilespmem:v14+s30+$0x0] =	vst.idx.add.s32.msk $0xffff, v4;
	(pc) =	sbr.rel @p1 .LBB2_6-.Ltmp2, $4  }
0xdc: {  	[tilespmem:v14+s31+$0x0] =	vst.idx.add.f32.msk $0xffff, v13  }
0xdd: {  	[tilespmem:v7+s30+$0x0] =	vst.idx.add.s32.msk $0xffff, v4  }
0xde: {  	[tilespmem:v7+s31+$0x0] =	vst.idx.add.f32.msk $0xffff, v15  }
0xdf: {  	s9 =	sadd.s32 $0x80, s9;
	[tilespmem:v5+s30+$0x0] =	vst.idx.add.s32.msk $0xffff, v4  }
0xe0: {  	_ =	sdelay $0x3  }
0xe1: {  	[tilespmem:v5+s31+$0x0] =	vst.idx.add.f32.msk $0xffff, v6  }
0xe2: {  	s7 =	rddreg [dreg:$0xd]  }
0xe3: {  	[tilespmem:s25], [sflag:$0x3] =	stream.strided.gather [hbm4b:s7+s22], $0x2000, s23, s22, $0x38;
	[tilespmem:$0x18040] =	vst v63  }
0xe4: {  	s10 =	rddreg [dreg:$0xe]  }
0xe5: {  	[tilespmem:s26], [sflag:$0x4] =	stream.strided.gather [hbm4b:s10+s22], $0x2000, s23, s22, $0x38;
	[tilespmem:$0x18040] =	vst v63  }
0xe6: {  	_ =	swait.ge [sflag:s28], $0x2000  }
0xe7: {  	[sflag:s28] =	ssyncset.done $0x0  }
0xe8: {  	[sflag:s28] =	ssyncadd.s32 $0xFFFFE000  }
0xe9: {  	_ =	swait.ge [sflag:s29], $0x2000  }
0xea: {  	[sflag:s29] =	ssyncset.done $0x0  }
0xeb: {  	s8 =	simm.s32 $0x40;
	[sflag:s29] =	ssyncadd.s32 $0xFFFFE000  }
0xec: {  	s7 =	simm.s32 $0x4040;
	v5 =	vld [tilespmem:s8+$0x30]  }
0xed: {  	v6 =	vld [tilespmem:s7+$0x30]  }
0xee: {  	v8 =	vld [tilespmem:s8+$0xFFFFFFD0]  }
0xef: {  	v9 =	vld [tilespmem:s7+$0xFFFFFFD0]  }
0xf0: {  	v10 =	vld [tilespmem:s8+$0xFFFFFFE0]  }
0xf1: {  	v11 =	vld [tilespmem:s7+$0xFFFFFFE0]  }
0xf2: {  	v12 =	vld [tilespmem:s7+$0xFFFFFFF0]  }
0xf3: {  	v54 =	vld [tilespmem:s8+$0x0]  }
0xf4: {  	v14 =	vld [tilespmem:s7+$0x0];
	v5 =	vsub.f32 v5, v6  }
0xf5: {  	v55 =	vld [tilespmem:s8+$0x10];
	v8 =	vsub.f32 v8, v9  }
0xf6: {  	v6 =	vld [tilespmem:s8+$0xFFFFFFF0];
	v10 =	vsub.f32 v10, v11;
	v13 =	vshrl.u32 v5, $0x11  }
0xf7: {  	v56 =	vld [tilespmem:s8+$0x20];
	v15 =	vshrl.u32 v8, $0x11;
	v13 =	vand.u32 $0x3FF0, v13  }
0xf8: {  	v18 =	vld [tilespmem:s7+$0x20];
	v17 =	vshrl.u32 v10, $0x11;
	v15 =	vand.u32 $0x3FF0, v15;
	v13 =	vor.u32 v3, v13  }
0xf9: {  	v16 =	vld [tilespmem:s7+$0x10];
	v17 =	vand.u32 $0x3FF0, v17;
	v15 =	vor.u32 v3, v15  }
0xfa: {  	v57 =	vor.u32 v3, v17  }
0xfb: {  	v7 =	vld [tilespmem:s7+$0xFFFFFFC0];
	v6 =	vsub.f32 v6, v12  }
0xfc: {  	v59 =	vld [tilespmem:s8+$0xFFFFFFC0]  }
0xfd: {  	v9 =	vsub.f32 v54, v14;
	v12 =	vsub.f32 v56, v18;
	v19 =	vshrl.u32 v6, $0x11;
	[tilespmem:v13+s30+$0x0] =	vst.idx.add.s32.msk $0xffff, v4  }
0xfe: {  	v11 =	vsub.f32 v55, v16;
	v5 =	vmul.f32 v5, v5;
	v58 =	vand.u32 $0x3FF0, v19;
	[tilespmem:v15+s30+$0x0] =	vst.idx.add.s32.msk $0xffff, v4  }
0xff: {  	v10 =	vmul.f32 v10, v10;
	v61 =	vshrl.u32 v12, $0x11;
	v60 =	vor.u32 v3, v58;
	[tilespmem:v57+s30+$0x0] =	vst.idx.add.s32.msk $0xffff, v4  }
0x100: {  	v8 =	vmul.f32 v8, v8;
	v62 =	vand.u32 $0x3FF0, v61;
	[tilespmem:v13+s31+$0x0] =	vst.idx.add.f32.msk $0xffff, v5;
	v5 =	vshrl.u32 v9, $0x11  }
0x101: {  	[tilespmem:v57+s31+$0x0] =	vst.idx.add.f32.msk $0xffff, v10;
	v10 =	vor.u32 v3, v62;
	v5 =	vand.u32 $0x3FF0, v5  }
0x102: {  	v16 =	vshrl.u32 v11, $0x11;
	[tilespmem:v15+s31+$0x0] =	vst.idx.add.f32.msk $0xffff, v8;
	v8 =	vor.u32 v3, v5  }
0x103: {  	v7 =	vsub.f32 v59, v7;
	v5 =	vmul.f32 v6, v6;
	v6 =	vand.u32 $0x3FF0, v16  }
0x104: {  	v6 =	vor.u32 v3, v6;
	[tilespmem:v60+s30+$0x0] =	vst.idx.add.s32.msk $0xffff, v4  }
0x105: {  	v63 =	vshrl.u32 v7, $0x11;
	[tilespmem:v60+s31+$0x0] =	vst.idx.add.f32.msk $0xffff, v5  }
0x106: {  	v9 =	vmul.f32 v9, v9;
	v5 =	vand.u32 $0x3FF0, v63;
	[tilespmem:v10+s30+$0x0] =	vst.idx.add.s32.msk $0xffff, v4  }
0x107: {  	v5 =	vor.u32 v3, v5;
	[tilespmem:v8+s30+$0x0] =	vst.idx.add.s32.msk $0xffff, v4  }
0x108: {  	v11 =	vmul.f32 v11, v11;
	[tilespmem:v8+s31+$0x0] =	vst.idx.add.f32.msk $0xffff, v9  }
0x109: {  	[tilespmem:v6+s30+$0x0] =	vst.idx.add.s32.msk $0xffff, v4;
	v8 =	vmul.f32 v12, v12  }
0x10a: {  	[tilespmem:v6+s31+$0x0] =	vst.idx.add.f32.msk $0xffff, v11  }
0x10b: {  	[tilespmem:v10+s31+$0x0] =	vst.idx.add.f32.msk $0xffff, v8  }
0x10c: {  	s9 =	simm.s32 $0xC0;
	s8 =	simm.s32 $0x0;
	v6 =	vmul.f32 v7, v7;
	[tilespmem:v5+s30+$0x0] =	vst.idx.add.s32.msk $0xffff, v4  }
.LBB2_8:
0x10d: {  	v7 =	vld [tilespmem:s9+$0x30];
	s7 =	sadd.s32 $0x80, s7  }
0x10e: {  	v8 =	vld [tilespmem:s7+$0x30]  }
0x10f: {  	s8 =	sadd.s32 $0x8, s8;
	v9 =	vld [tilespmem:s7+$0xFFFFFFC0]  }
0x110: {  	p1 =	slt.u32 s8, $0x1F8;
	v10 =	vld [tilespmem:s9+$0xFFFFFFD0]  }
0x111: {  	v11 =	vld [tilespmem:s7+$0xFFFFFFD0]  }
0x112: {  	v12 =	vld [tilespmem:s9+$0xFFFFFFE0]  }
0x113: {  	v13 =	vld [tilespmem:s7+$0xFFFFFFE0];
	v7 =	vsub.f32 v7, v8  }
0x114: {  	v8 =	vld [tilespmem:s9+$0xFFFFFFF0]  }
0x115: {  	v14 =	vld [tilespmem:s7+$0xFFFFFFF0];
	v15 =	vshrl.u32 v7, $0x11  }
0x116: {  	v10 =	vsub.f32 v10, v11;
	v11 =	vld [tilespmem:s9+$0x0];
	v15 =	vand.u32 $0x3FF0, v15  }
0x117: {  	v16 =	vld [tilespmem:s7+$0x0];
	v15 =	vor.u32 v3, v15  }
0x118: {  	v17 =	vshrl.u32 v10, $0x11;
	v10 =	vmul.f32 v10, v10;
	v12 =	vsub.f32 v12, v13;
	v13 =	vld [tilespmem:s9+$0x10]  }
0x119: {  	v17 =	vand.u32 $0x3FF0, v17;
	v18 =	vld [tilespmem:s7+$0x10]  }
0x11a: {  	v19 =	vshrl.u32 v12, $0x11;
	v12 =	vmul.f32 v12, v12;
	v8 =	vsub.f32 v8, v14;
	v14 =	vld [tilespmem:s9+$0x20]  }
0x11b: {  	v7 =	vmul.f32 v7, v7;
	v17 =	vor.u32 v3, v17;
	v19 =	vand.u32 $0x3FF0, v19;
	v20 =	vld [tilespmem:s7+$0x20]  }
0x11c: {  	v21 =	vshrl.u32 v8, $0x11;
	v8 =	vmul.f32 v8, v8;
	v11 =	vsub.f32 v11, v16;
	[tilespmem:v15+s30+$0x0] =	vst.idx.add.s32.msk $0xffff, v4  }
0x11d: {  	v16 =	vor.u32 v3, v19;
	v19 =	vand.u32 $0x3FF0, v21;
	[tilespmem:v15+s31+$0x0] =	vst.idx.add.f32.msk $0xffff, v7  }
0x11e: {  	v7 =	vld [tilespmem:s9+$0xFFFFFFC0];
	v15 =	vshrl.u32 v11, $0x11;
	v11 =	vmul.f32 v11, v11;
	v13 =	vsub.f32 v13, v18  }
0x11f: {  	v18 =	vor.u32 v3, v19;
	v15 =	vand.u32 $0x3FF0, v15;
	[tilespmem:v5+s31+$0x0] =	vst.idx.add.f32.msk $0xffff, v6  }
0x120: {  	[tilespmem:v17+s30+$0x0] =	vst.idx.add.s32.msk $0xffff, v4;
	v5 =	vshrl.u32 v13, $0x11;
	v13 =	vmul.f32 v13, v13;
	v6 =	vsub.f32 v14, v20  }
0x121: {  	[tilespmem:v17+s31+$0x0] =	vst.idx.add.f32.msk $0xffff, v10;
	v10 =	vor.u32 v3, v15;
	v5 =	vand.u32 $0x3FF0, v5  }
0x122: {  	[tilespmem:v16+s30+$0x0] =	vst.idx.add.s32.msk $0xffff, v4;
	v14 =	vor.u32 v3, v5;
	v5 =	vshrl.u32 v6, $0x11;
	v15 =	vmul.f32 v6, v6  }
0x123: {  	v6 =	vsub.f32 v7, v9;
	[tilespmem:v16+s31+$0x0] =	vst.idx.add.f32.msk $0xffff, v12;
	v5 =	vand.u32 $0x3FF0, v5  }
0x124: {  	[tilespmem:v18+s30+$0x0] =	vst.idx.add.s32.msk $0xffff, v4;
	v7 =	vor.u32 v3, v5  }
0x125: {  	v5 =	vshrl.u32 v6, $0x11;
	v6 =	vmul.f32 v6, v6;
	[tilespmem:v18+s31+$0x0] =	vst.idx.add.f32.msk $0xffff, v8  }
0x126: {  	v5 =	vand.u32 $0x3FF0, v5;
	[tilespmem:v10+s30+$0x0] =	vst.idx.add.s32.msk $0xffff, v4  }
0x127: {  	v5 =	vor.u32 v3, v5;
	[tilespmem:v10+s31+$0x0] =	vst.idx.add.f32.msk $0xffff, v11  }
.Ltmp3:
0x128: {  	[tilespmem:v14+s30+$0x0] =	vst.idx.add.s32.msk $0xffff, v4;
	(pc) =	sbr.rel @p1 .LBB2_8-.Ltmp3, $4  }
0x129: {  	[tilespmem:v14+s31+$0x0] =	vst.idx.add.f32.msk $0xffff, v13  }
0x12a: {  	[tilespmem:v7+s30+$0x0] =	vst.idx.add.s32.msk $0xffff, v4  }
0x12b: {  	[tilespmem:v7+s31+$0x0] =	vst.idx.add.f32.msk $0xffff, v15  }
0x12c: {  	s9 =	sadd.s32 $0x80, s9;
	[tilespmem:v5+s30+$0x0] =	vst.idx.add.s32.msk $0xffff, v4  }
0x12d: {  	_ =	sdelay $0x3  }
0x12e: {  	[tilespmem:v5+s31+$0x0] =	vst.idx.add.f32.msk $0xffff, v6  }
0x12f: {  	s7 =	rddreg [dreg:$0xf]  }
0x130: {  	[tilespmem:s2], [sflag:$0x1] =	stream.strided.gather [hbm4b:s7+s22], $0x2000, s23, s22, $0x38;
	[tilespmem:$0x18040] =	vst v63  }
0x131: {  	s10 =	rddreg [dreg:$0x10]  }
0x132: {  	[tilespmem:s24], [sflag:$0x2] =	stream.strided.gather [hbm4b:s10+s22], $0x2000, s23, s22, $0x38;
	[tilespmem:$0x18040] =	vst v63  }
0x133: {  	_ =	swait.ge [sflag:s0], $0x2000  }
0x134: {  	[sflag:s0] =	ssyncset.done $0x0  }
0x135: {  	[sflag:s0] =	ssyncadd.s32 $0xFFFFE000  }
0x136: {  	_ =	swait.ge [sflag:s1], $0x2000  }
0x137: {  	[sflag:s1] =	ssyncset.done $0x0  }
0x138: {  	s8 =	simm.s32 $0x2070;
	[sflag:s1] =	ssyncadd.s32 $0xFFFFE000  }
0x139: {  	s7 =	simm.s32 $0x6070;
	v5 =	vld [tilespmem:s8+$0x0]  }
0x13a: {  	v6 =	vld [tilespmem:s7+$0x0]  }
0x13b: {  	v8 =	vld [tilespmem:s8+$0xFFFFFFA0]  }
0x13c: {  	v9 =	vld [tilespmem:s7+$0xFFFFFFA0]  }
0x13d: {  	v10 =	vld [tilespmem:s8+$0xFFFFFFB0]  }
0x13e: {  	v11 =	vld [tilespmem:s7+$0xFFFFFFB0]  }
0x13f: {  	v12 =	vld [tilespmem:s7+$0xFFFFFFC0]  }
0x140: {  	v54 =	vld [tilespmem:s8+$0xFFFFFFD0]  }
0x141: {  	v14 =	vld [tilespmem:s7+$0xFFFFFFD0];
	v5 =	vsub.f32 v5, v6  }
0x142: {  	v55 =	vld [tilespmem:s8+$0xFFFFFFE0];
	v8 =	vsub.f32 v8, v9  }
0x143: {  	v6 =	vld [tilespmem:s8+$0xFFFFFFC0];
	v10 =	vsub.f32 v10, v11;
	v13 =	vshrl.u32 v5, $0x11  }
0x144: {  	v56 =	vld [tilespmem:s8+$0xFFFFFFF0];
	v15 =	vshrl.u32 v8, $0x11;
	v13 =	vand.u32 $0x3FF0, v13  }
0x145: {  	v18 =	vld [tilespmem:s7+$0xFFFFFFF0];
	v17 =	vshrl.u32 v10, $0x11;
	v15 =	vand.u32 $0x3FF0, v15;
	v13 =	vor.u32 v3, v13  }
0x146: {  	v16 =	vld [tilespmem:s7+$0xFFFFFFE0];
	v17 =	vand.u32 $0x3FF0, v17;
	v15 =	vor.u32 v3, v15  }
0x147: {  	v57 =	vor.u32 v3, v17  }
0x148: {  	v7 =	vld [tilespmem:s7+$0xFFFFFF90];
	v6 =	vsub.f32 v6, v12  }
0x149: {  	v59 =	vld [tilespmem:s8+$0xFFFFFF90]  }
0x14a: {  	v9 =	vsub.f32 v54, v14;
	v12 =	vsub.f32 v56, v18;
	v19 =	vshrl.u32 v6, $0x11;
	[tilespmem:v13+s30+$0x0] =	vst.idx.add.s32.msk $0xffff, v4  }
0x14b: {  	v11 =	vsub.f32 v55, v16;
	v5 =	vmul.f32 v5, v5;
	v58 =	vand.u32 $0x3FF0, v19;
	[tilespmem:v15+s30+$0x0] =	vst.idx.add.s32.msk $0xffff, v4  }
0x14c: {  	v10 =	vmul.f32 v10, v10;
	v61 =	vshrl.u32 v12, $0x11;
	v60 =	vor.u32 v3, v58;
	[tilespmem:v57+s30+$0x0] =	vst.idx.add.s32.msk $0xffff, v4  }
0x14d: {  	v8 =	vmul.f32 v8, v8;
	v62 =	vand.u32 $0x3FF0, v61;
	[tilespmem:v13+s31+$0x0] =	vst.idx.add.f32.msk $0xffff, v5;
	v5 =	vshrl.u32 v9, $0x11  }
0x14e: {  	[tilespmem:v57+s31+$0x0] =	vst.idx.add.f32.msk $0xffff, v10;
	v10 =	vor.u32 v3, v62;
	v5 =	vand.u32 $0x3FF0, v5  }
0x14f: {  	v16 =	vshrl.u32 v11, $0x11;
	[tilespmem:v15+s31+$0x0] =	vst.idx.add.f32.msk $0xffff, v8;
	v8 =	vor.u32 v3, v5  }
0x150: {  	v7 =	vsub.f32 v59, v7;
	v5 =	vmul.f32 v6, v6;
	v6 =	vand.u32 $0x3FF0, v16  }
0x151: {  	v6 =	vor.u32 v3, v6;
	[tilespmem:v60+s30+$0x0] =	vst.idx.add.s32.msk $0xffff, v4  }
0x152: {  	v63 =	vshrl.u32 v7, $0x11;
	[tilespmem:v60+s31+$0x0] =	vst.idx.add.f32.msk $0xffff, v5  }
0x153: {  	v9 =	vmul.f32 v9, v9;
	v5 =	vand.u32 $0x3FF0, v63;
	[tilespmem:v10+s30+$0x0] =	vst.idx.add.s32.msk $0xffff, v4  }
0x154: {  	v5 =	vor.u32 v3, v5;
	[tilespmem:v8+s30+$0x0] =	vst.idx.add.s32.msk $0xffff, v4  }
0x155: {  	v11 =	vmul.f32 v11, v11;
	[tilespmem:v8+s31+$0x0] =	vst.idx.add.f32.msk $0xffff, v9  }
0x156: {  	[tilespmem:v6+s30+$0x0] =	vst.idx.add.s32.msk $0xffff, v4;
	v8 =	vmul.f32 v12, v12  }
0x157: {  	[tilespmem:v6+s31+$0x0] =	vst.idx.add.f32.msk $0xffff, v11  }
0x158: {  	[tilespmem:v10+s31+$0x0] =	vst.idx.add.f32.msk $0xffff, v8  }
0x159: {  	s9 =	simm.s32 $0x20F0;
	s8 =	simm.s32 $0x0;
	v6 =	vmul.f32 v7, v7;
	[tilespmem:v5+s30+$0x0] =	vst.idx.add.s32.msk $0xffff, v4  }
.LBB2_10:
0x15a: {  	v7 =	vld [tilespmem:s9+$0x0];
	s7 =	sadd.s32 $0x80, s7  }
0x15b: {  	v8 =	vld [tilespmem:s7+$0x0]  }
0x15c: {  	s8 =	sadd.s32 $0x8, s8;
	v9 =	vld [tilespmem:s7+$0xFFFFFF90]  }
0x15d: {  	p1 =	slt.u32 s8, $0x1F8;
	v10 =	vld [tilespmem:s9+$0xFFFFFFA0]  }
0x15e: {  	v11 =	vld [tilespmem:s7+$0xFFFFFFA0]  }
0x15f: {  	v12 =	vld [tilespmem:s9+$0xFFFFFFB0]  }
0x160: {  	v13 =	vld [tilespmem:s7+$0xFFFFFFB0];
	v7 =	vsub.f32 v7, v8  }
0x161: {  	v8 =	vld [tilespmem:s9+$0xFFFFFFC0]  }
0x162: {  	v14 =	vld [tilespmem:s7+$0xFFFFFFC0];
	v15 =	vshrl.u32 v7, $0x11  }
0x163: {  	v10 =	vsub.f32 v10, v11;
	v11 =	vld [tilespmem:s9+$0xFFFFFFD0];
	v15 =	vand.u32 $0x3FF0, v15  }
0x164: {  	v16 =	vld [tilespmem:s7+$0xFFFFFFD0];
	v15 =	vor.u32 v3, v15  }
0x165: {  	v17 =	vshrl.u32 v10, $0x11;
	v10 =	vmul.f32 v10, v10;
	v12 =	vsub.f32 v12, v13;
	v13 =	vld [tilespmem:s9+$0xFFFFFFE0]  }
0x166: {  	v17 =	vand.u32 $0x3FF0, v17;
	v18 =	vld [tilespmem:s7+$0xFFFFFFE0]  }
0x167: {  	v19 =	vshrl.u32 v12, $0x11;
	v12 =	vmul.f32 v12, v12;
	v8 =	vsub.f32 v8, v14;
	v14 =	vld [tilespmem:s9+$0xFFFFFFF0]  }
0x168: {  	v7 =	vmul.f32 v7, v7;
	v17 =	vor.u32 v3, v17;
	v19 =	vand.u32 $0x3FF0, v19;
	v20 =	vld [tilespmem:s7+$0xFFFFFFF0]  }
0x169: {  	v21 =	vshrl.u32 v8, $0x11;
	v8 =	vmul.f32 v8, v8;
	v11 =	vsub.f32 v11, v16;
	[tilespmem:v15+s30+$0x0] =	vst.idx.add.s32.msk $0xffff, v4  }
0x16a: {  	v16 =	vor.u32 v3, v19;
	v19 =	vand.u32 $0x3FF0, v21;
	[tilespmem:v15+s31+$0x0] =	vst.idx.add.f32.msk $0xffff, v7  }
0x16b: {  	v7 =	vld [tilespmem:s9+$0xFFFFFF90];
	v15 =	vshrl.u32 v11, $0x11;
	v11 =	vmul.f32 v11, v11;
	v13 =	vsub.f32 v13, v18  }
0x16c: {  	v18 =	vor.u32 v3, v19;
	v15 =	vand.u32 $0x3FF0, v15;
	[tilespmem:v5+s31+$0x0] =	vst.idx.add.f32.msk $0xffff, v6  }
0x16d: {  	[tilespmem:v17+s30+$0x0] =	vst.idx.add.s32.msk $0xffff, v4;
	v5 =	vshrl.u32 v13, $0x11;
	v13 =	vmul.f32 v13, v13;
	v6 =	vsub.f32 v14, v20  }
0x16e: {  	[tilespmem:v17+s31+$0x0] =	vst.idx.add.f32.msk $0xffff, v10;
	v10 =	vor.u32 v3, v15;
	v5 =	vand.u32 $0x3FF0, v5  }
0x16f: {  	[tilespmem:v16+s30+$0x0] =	vst.idx.add.s32.msk $0xffff, v4;
	v14 =	vor.u32 v3, v5;
	v5 =	vshrl.u32 v6, $0x11;
	v15 =	vmul.f32 v6, v6  }
0x170: {  	v6 =	vsub.f32 v7, v9;
	[tilespmem:v16+s31+$0x0] =	vst.idx.add.f32.msk $0xffff, v12;
	v5 =	vand.u32 $0x3FF0, v5  }
0x171: {  	[tilespmem:v18+s30+$0x0] =	vst.idx.add.s32.msk $0xffff, v4;
	v7 =	vor.u32 v3, v5  }
0x172: {  	v5 =	vshrl.u32 v6, $0x11;
	v6 =	vmul.f32 v6, v6;
	[tilespmem:v18+s31+$0x0] =	vst.idx.add.f32.msk $0xffff, v8  }
0x173: {  	v5 =	vand.u32 $0x3FF0, v5;
	[tilespmem:v10+s30+$0x0] =	vst.idx.add.s32.msk $0xffff, v4  }
0x174: {  	v5 =	vor.u32 v3, v5;
	[tilespmem:v10+s31+$0x0] =	vst.idx.add.f32.msk $0xffff, v11  }
.Ltmp4:
0x175: {  	[tilespmem:v14+s30+$0x0] =	vst.idx.add.s32.msk $0xffff, v4;
	(pc) =	sbr.rel @p1 .LBB2_10-.Ltmp4, $4  }
0x176: {  	[tilespmem:v14+s31+$0x0] =	vst.idx.add.f32.msk $0xffff, v13  }
0x177: {  	[tilespmem:v7+s30+$0x0] =	vst.idx.add.s32.msk $0xffff, v4  }
0x178: {  	[tilespmem:v7+s31+$0x0] =	vst.idx.add.f32.msk $0xffff, v15  }
0x179: {  	s9 =	sadd.s32 $0x80, s9;
	[tilespmem:v5+s30+$0x0] =	vst.idx.add.s32.msk $0xffff, v4  }
0x17a: {  	_ =	sdelay $0x3  }
0x17b: {  	[tilespmem:v5+s31+$0x0] =	vst.idx.add.f32.msk $0xffff, v6  }
0x17c: {  	s7 =	rddreg [dreg:$0x11]  }
0x17d: {  	[tilespmem:s25], [sflag:$0x3] =	stream.strided.gather [hbm4b:s7+s22], $0x2000, s23, s22, $0x38;
	[tilespmem:$0x18040] =	vst v63  }
0x17e: {  	s10 =	rddreg [dreg:$0x12]  }
0x17f: {  	[tilespmem:s26], [sflag:$0x4] =	stream.strided.gather [hbm4b:s10+s22], $0x2000, s23, s22, $0x38;
	[tilespmem:$0x18040] =	vst v63  }
0x180: {  	_ =	swait.ge [sflag:s28], $0x2000  }
0x181: {  	[sflag:s28] =	ssyncset.done $0x0  }
0x182: {  	[sflag:s28] =	ssyncadd.s32 $0xFFFFE000  }
0x183: {  	_ =	swait.ge [sflag:s29], $0x2000  }
0x184: {  	[sflag:s29] =	ssyncset.done $0x0  }
0x185: {  	s8 =	simm.s32 $0x40;
	[sflag:s29] =	ssyncadd.s32 $0xFFFFE000  }
0x186: {  	s7 =	simm.s32 $0x4040;
	v5 =	vld [tilespmem:s8+$0x30]  }
0x187: {  	v6 =	vld [tilespmem:s7+$0x30]  }
0x188: {  	v8 =	vld [tilespmem:s8+$0xFFFFFFD0]  }
0x189: {  	v9 =	vld [tilespmem:s7+$0xFFFFFFD0]  }
0x18a: {  	v10 =	vld [tilespmem:s8+$0xFFFFFFE0]  }
0x18b: {  	v11 =	vld [tilespmem:s7+$0xFFFFFFE0]  }
0x18c: {  	v12 =	vld [tilespmem:s7+$0xFFFFFFF0]  }
0x18d: {  	v54 =	vld [tilespmem:s8+$0x0]  }
0x18e: {  	v14 =	vld [tilespmem:s7+$0x0];
	v5 =	vsub.f32 v5, v6  }
0x18f: {  	v55 =	vld [tilespmem:s8+$0x10];
	v8 =	vsub.f32 v8, v9  }
0x190: {  	v6 =	vld [tilespmem:s8+$0xFFFFFFF0];
	v10 =	vsub.f32 v10, v11;
	v13 =	vshrl.u32 v5, $0x11  }
0x191: {  	v56 =	vld [tilespmem:s8+$0x20];
	v15 =	vshrl.u32 v8, $0x11;
	v13 =	vand.u32 $0x3FF0, v13  }
0x192: {  	v18 =	vld [tilespmem:s7+$0x20];
	v17 =	vshrl.u32 v10, $0x11;
	v15 =	vand.u32 $0x3FF0, v15;
	v13 =	vor.u32 v3, v13  }
0x193: {  	v16 =	vld [tilespmem:s7+$0x10];
	v17 =	vand.u32 $0x3FF0, v17;
	v15 =	vor.u32 v3, v15  }
0x194: {  	v57 =	vor.u32 v3, v17  }
0x195: {  	v7 =	vld [tilespmem:s7+$0xFFFFFFC0];
	v6 =	vsub.f32 v6, v12  }
0x196: {  	v59 =	vld [tilespmem:s8+$0xFFFFFFC0]  }
0x197: {  	v9 =	vsub.f32 v54, v14;
	v12 =	vsub.f32 v56, v18;
	v19 =	vshrl.u32 v6, $0x11;
	[tilespmem:v13+s30+$0x0] =	vst.idx.add.s32.msk $0xffff, v4  }
0x198: {  	v11 =	vsub.f32 v55, v16;
	v5 =	vmul.f32 v5, v5;
	v58 =	vand.u32 $0x3FF0, v19;
	[tilespmem:v15+s30+$0x0] =	vst.idx.add.s32.msk $0xffff, v4  }
0x199: {  	v10 =	vmul.f32 v10, v10;
	v61 =	vshrl.u32 v12, $0x11;
	v60 =	vor.u32 v3, v58;
	[tilespmem:v57+s30+$0x0] =	vst.idx.add.s32.msk $0xffff, v4  }
0x19a: {  	v8 =	vmul.f32 v8, v8;
	v62 =	vand.u32 $0x3FF0, v61;
	[tilespmem:v13+s31+$0x0] =	vst.idx.add.f32.msk $0xffff, v5;
	v5 =	vshrl.u32 v9, $0x11  }
0x19b: {  	[tilespmem:v57+s31+$0x0] =	vst.idx.add.f32.msk $0xffff, v10;
	v10 =	vor.u32 v3, v62;
	v5 =	vand.u32 $0x3FF0, v5  }
0x19c: {  	v16 =	vshrl.u32 v11, $0x11;
	[tilespmem:v15+s31+$0x0] =	vst.idx.add.f32.msk $0xffff, v8;
	v8 =	vor.u32 v3, v5  }
0x19d: {  	v7 =	vsub.f32 v59, v7;
	v5 =	vmul.f32 v6, v6;
	v6 =	vand.u32 $0x3FF0, v16  }
0x19e: {  	v6 =	vor.u32 v3, v6;
	[tilespmem:v60+s30+$0x0] =	vst.idx.add.s32.msk $0xffff, v4  }
0x19f: {  	v63 =	vshrl.u32 v7, $0x11;
	[tilespmem:v60+s31+$0x0] =	vst.idx.add.f32.msk $0xffff, v5  }
0x1a0: {  	v9 =	vmul.f32 v9, v9;
	v5 =	vand.u32 $0x3FF0, v63;
	[tilespmem:v10+s30+$0x0] =	vst.idx.add.s32.msk $0xffff, v4  }
0x1a1: {  	v5 =	vor.u32 v3, v5;
	[tilespmem:v8+s30+$0x0] =	vst.idx.add.s32.msk $0xffff, v4  }
0x1a2: {  	v11 =	vmul.f32 v11, v11;
	[tilespmem:v8+s31+$0x0] =	vst.idx.add.f32.msk $0xffff, v9  }
0x1a3: {  	[tilespmem:v6+s30+$0x0] =	vst.idx.add.s32.msk $0xffff, v4;
	v8 =	vmul.f32 v12, v12  }
0x1a4: {  	[tilespmem:v6+s31+$0x0] =	vst.idx.add.f32.msk $0xffff, v11  }
0x1a5: {  	[tilespmem:v10+s31+$0x0] =	vst.idx.add.f32.msk $0xffff, v8  }
0x1a6: {  	s9 =	simm.s32 $0xC0;
	s8 =	simm.s32 $0x0;
	v6 =	vmul.f32 v7, v7;
	[tilespmem:v5+s30+$0x0] =	vst.idx.add.s32.msk $0xffff, v4  }
.LBB2_12:
0x1a7: {  	v7 =	vld [tilespmem:s9+$0x30];
	s7 =	sadd.s32 $0x80, s7  }
0x1a8: {  	v8 =	vld [tilespmem:s7+$0x30]  }
0x1a9: {  	s8 =	sadd.s32 $0x8, s8;
	v9 =	vld [tilespmem:s7+$0xFFFFFFC0]  }
0x1aa: {  	p1 =	slt.u32 s8, $0x1F8;
	v10 =	vld [tilespmem:s9+$0xFFFFFFD0]  }
0x1ab: {  	v11 =	vld [tilespmem:s7+$0xFFFFFFD0]  }
0x1ac: {  	v12 =	vld [tilespmem:s9+$0xFFFFFFE0]  }
0x1ad: {  	v13 =	vld [tilespmem:s7+$0xFFFFFFE0];
	v7 =	vsub.f32 v7, v8  }
0x1ae: {  	v8 =	vld [tilespmem:s9+$0xFFFFFFF0]  }
0x1af: {  	v14 =	vld [tilespmem:s7+$0xFFFFFFF0];
	v15 =	vshrl.u32 v7, $0x11  }
0x1b0: {  	v10 =	vsub.f32 v10, v11;
	v11 =	vld [tilespmem:s9+$0x0];
	v15 =	vand.u32 $0x3FF0, v15  }
0x1b1: {  	v16 =	vld [tilespmem:s7+$0x0];
	v15 =	vor.u32 v3, v15  }
0x1b2: {  	v17 =	vshrl.u32 v10, $0x11;
	v10 =	vmul.f32 v10, v10;
	v12 =	vsub.f32 v12, v13;
	v13 =	vld [tilespmem:s9+$0x10]  }
0x1b3: {  	v17 =	vand.u32 $0x3FF0, v17;
	v18 =	vld [tilespmem:s7+$0x10]  }
0x1b4: {  	v19 =	vshrl.u32 v12, $0x11;
	v12 =	vmul.f32 v12, v12;
	v8 =	vsub.f32 v8, v14;
	v14 =	vld [tilespmem:s9+$0x20]  }
0x1b5: {  	v7 =	vmul.f32 v7, v7;
	v17 =	vor.u32 v3, v17;
	v19 =	vand.u32 $0x3FF0, v19;
	v20 =	vld [tilespmem:s7+$0x20]  }
0x1b6: {  	v21 =	vshrl.u32 v8, $0x11;
	v8 =	vmul.f32 v8, v8;
	v11 =	vsub.f32 v11, v16;
	[tilespmem:v15+s30+$0x0] =	vst.idx.add.s32.msk $0xffff, v4  }
0x1b7: {  	v16 =	vor.u32 v3, v19;
	v19 =	vand.u32 $0x3FF0, v21;
	[tilespmem:v15+s31+$0x0] =	vst.idx.add.f32.msk $0xffff, v7  }
0x1b8: {  	v7 =	vld [tilespmem:s9+$0xFFFFFFC0];
	v15 =	vshrl.u32 v11, $0x11;
	v11 =	vmul.f32 v11, v11;
	v13 =	vsub.f32 v13, v18  }
0x1b9: {  	v18 =	vor.u32 v3, v19;
	v15 =	vand.u32 $0x3FF0, v15;
	[tilespmem:v5+s31+$0x0] =	vst.idx.add.f32.msk $0xffff, v6  }
0x1ba: {  	[tilespmem:v17+s30+$0x0] =	vst.idx.add.s32.msk $0xffff, v4;
	v5 =	vshrl.u32 v13, $0x11;
	v13 =	vmul.f32 v13, v13;
	v6 =	vsub.f32 v14, v20  }
0x1bb: {  	[tilespmem:v17+s31+$0x0] =	vst.idx.add.f32.msk $0xffff, v10;
	v10 =	vor.u32 v3, v15;
	v5 =	vand.u32 $0x3FF0, v5  }
0x1bc: {  	[tilespmem:v16+s30+$0x0] =	vst.idx.add.s32.msk $0xffff, v4;
	v14 =	vor.u32 v3, v5;
	v5 =	vshrl.u32 v6, $0x11;
	v15 =	vmul.f32 v6, v6  }
0x1bd: {  	v6 =	vsub.f32 v7, v9;
	[tilespmem:v16+s31+$0x0] =	vst.idx.add.f32.msk $0xffff, v12;
	v5 =	vand.u32 $0x3FF0, v5  }
0x1be: {  	[tilespmem:v18+s30+$0x0] =	vst.idx.add.s32.msk $0xffff, v4;
	v7 =	vor.u32 v3, v5  }
0x1bf: {  	v5 =	vshrl.u32 v6, $0x11;
	v6 =	vmul.f32 v6, v6;
	[tilespmem:v18+s31+$0x0] =	vst.idx.add.f32.msk $0xffff, v8  }
0x1c0: {  	v5 =	vand.u32 $0x3FF0, v5;
	[tilespmem:v10+s30+$0x0] =	vst.idx.add.s32.msk $0xffff, v4  }
0x1c1: {  	v5 =	vor.u32 v3, v5;
	[tilespmem:v10+s31+$0x0] =	vst.idx.add.f32.msk $0xffff, v11  }
.Ltmp5:
0x1c2: {  	[tilespmem:v14+s30+$0x0] =	vst.idx.add.s32.msk $0xffff, v4;
	(pc) =	sbr.rel @p1 .LBB2_12-.Ltmp5, $4  }
0x1c3: {  	[tilespmem:v14+s31+$0x0] =	vst.idx.add.f32.msk $0xffff, v13  }
0x1c4: {  	[tilespmem:v7+s30+$0x0] =	vst.idx.add.s32.msk $0xffff, v4  }
0x1c5: {  	[tilespmem:v7+s31+$0x0] =	vst.idx.add.f32.msk $0xffff, v15  }
0x1c6: {  	s9 =	sadd.s32 $0x80, s9;
	[tilespmem:v5+s30+$0x0] =	vst.idx.add.s32.msk $0xffff, v4  }
0x1c7: {  	_ =	sdelay $0x3  }
0x1c8: {  	[tilespmem:v5+s31+$0x0] =	vst.idx.add.f32.msk $0xffff, v6  }
0x1c9: {  	s7 =	rddreg [dreg:$0x13]  }
0x1ca: {  	[tilespmem:s2], [sflag:$0x1] =	stream.strided.gather [hbm4b:s7+s22], $0x2000, s23, s22, $0x38;
	[tilespmem:$0x18040] =	vst v63  }
0x1cb: {  	s10 =	rddreg [dreg:$0x14]  }
0x1cc: {  	[tilespmem:s24], [sflag:$0x2] =	stream.strided.gather [hbm4b:s10+s22], $0x2000, s23, s22, $0x38;
	[tilespmem:$0x18040] =	vst v63  }
0x1cd: {  	_ =	swait.ge [sflag:s0], $0x2000  }
0x1ce: {  	[sflag:s0] =	ssyncset.done $0x0  }
0x1cf: {  	[sflag:s0] =	ssyncadd.s32 $0xFFFFE000  }
0x1d0: {  	_ =	swait.ge [sflag:s1], $0x2000  }
0x1d1: {  	[sflag:s1] =	ssyncset.done $0x0  }
0x1d2: {  	s8 =	simm.s32 $0x2070;
	[sflag:s1] =	ssyncadd.s32 $0xFFFFE000  }
0x1d3: {  	s7 =	simm.s32 $0x6070;
	v5 =	vld [tilespmem:s8+$0x0]  }
0x1d4: {  	v6 =	vld [tilespmem:s7+$0x0]  }
0x1d5: {  	v8 =	vld [tilespmem:s8+$0xFFFFFFA0]  }
0x1d6: {  	v9 =	vld [tilespmem:s7+$0xFFFFFFA0]  }
0x1d7: {  	v10 =	vld [tilespmem:s8+$0xFFFFFFB0]  }
0x1d8: {  	v11 =	vld [tilespmem:s7+$0xFFFFFFB0]  }
0x1d9: {  	v12 =	vld [tilespmem:s7+$0xFFFFFFC0]  }
0x1da: {  	v54 =	vld [tilespmem:s8+$0xFFFFFFD0]  }
0x1db: {  	v14 =	vld [tilespmem:s7+$0xFFFFFFD0];
	v5 =	vsub.f32 v5, v6  }
0x1dc: {  	v55 =	vld [tilespmem:s8+$0xFFFFFFE0];
	v8 =	vsub.f32 v8, v9  }
0x1dd: {  	v6 =	vld [tilespmem:s8+$0xFFFFFFC0];
	v10 =	vsub.f32 v10, v11;
	v13 =	vshrl.u32 v5, $0x11  }
0x1de: {  	v56 =	vld [tilespmem:s8+$0xFFFFFFF0];
	v15 =	vshrl.u32 v8, $0x11;
	v13 =	vand.u32 $0x3FF0, v13  }
0x1df: {  	v18 =	vld [tilespmem:s7+$0xFFFFFFF0];
	v17 =	vshrl.u32 v10, $0x11;
	v15 =	vand.u32 $0x3FF0, v15;
	v13 =	vor.u32 v3, v13  }
0x1e0: {  	v16 =	vld [tilespmem:s7+$0xFFFFFFE0];
	v17 =	vand.u32 $0x3FF0, v17;
	v15 =	vor.u32 v3, v15  }
0x1e1: {  	v57 =	vor.u32 v3, v17  }
0x1e2: {  	v7 =	vld [tilespmem:s7+$0xFFFFFF90];
	v6 =	vsub.f32 v6, v12  }
0x1e3: {  	v59 =	vld [tilespmem:s8+$0xFFFFFF90]  }
0x1e4: {  	v9 =	vsub.f32 v54, v14;
	v12 =	vsub.f32 v56, v18;
	v19 =	vshrl.u32 v6, $0x11;
	[tilespmem:v13+s30+$0x0] =	vst.idx.add.s32.msk $0xffff, v4  }
0x1e5: {  	v11 =	vsub.f32 v55, v16;
	v5 =	vmul.f32 v5, v5;
	v58 =	vand.u32 $0x3FF0, v19;
	[tilespmem:v15+s30+$0x0] =	vst.idx.add.s32.msk $0xffff, v4  }
0x1e6: {  	v10 =	vmul.f32 v10, v10;
	v61 =	vshrl.u32 v12, $0x11;
	v60 =	vor.u32 v3, v58;
	[tilespmem:v57+s30+$0x0] =	vst.idx.add.s32.msk $0xffff, v4  }
0x1e7: {  	v8 =	vmul.f32 v8, v8;
	v62 =	vand.u32 $0x3FF0, v61;
	[tilespmem:v13+s31+$0x0] =	vst.idx.add.f32.msk $0xffff, v5;
	v5 =	vshrl.u32 v9, $0x11  }
0x1e8: {  	[tilespmem:v57+s31+$0x0] =	vst.idx.add.f32.msk $0xffff, v10;
	v10 =	vor.u32 v3, v62;
	v5 =	vand.u32 $0x3FF0, v5  }
0x1e9: {  	v16 =	vshrl.u32 v11, $0x11;
	[tilespmem:v15+s31+$0x0] =	vst.idx.add.f32.msk $0xffff, v8;
	v8 =	vor.u32 v3, v5  }
0x1ea: {  	v7 =	vsub.f32 v59, v7;
	v5 =	vmul.f32 v6, v6;
	v6 =	vand.u32 $0x3FF0, v16  }
0x1eb: {  	v6 =	vor.u32 v3, v6;
	[tilespmem:v60+s30+$0x0] =	vst.idx.add.s32.msk $0xffff, v4  }
0x1ec: {  	v63 =	vshrl.u32 v7, $0x11;
	[tilespmem:v60+s31+$0x0] =	vst.idx.add.f32.msk $0xffff, v5  }
0x1ed: {  	v9 =	vmul.f32 v9, v9;
	v5 =	vand.u32 $0x3FF0, v63;
	[tilespmem:v10+s30+$0x0] =	vst.idx.add.s32.msk $0xffff, v4  }
0x1ee: {  	v5 =	vor.u32 v3, v5;
	[tilespmem:v8+s30+$0x0] =	vst.idx.add.s32.msk $0xffff, v4  }
0x1ef: {  	v11 =	vmul.f32 v11, v11;
	[tilespmem:v8+s31+$0x0] =	vst.idx.add.f32.msk $0xffff, v9  }
0x1f0: {  	[tilespmem:v6+s30+$0x0] =	vst.idx.add.s32.msk $0xffff, v4;
	v8 =	vmul.f32 v12, v12  }
0x1f1: {  	[tilespmem:v6+s31+$0x0] =	vst.idx.add.f32.msk $0xffff, v11  }
0x1f2: {  	[tilespmem:v10+s31+$0x0] =	vst.idx.add.f32.msk $0xffff, v8  }
0x1f3: {  	s9 =	simm.s32 $0x20F0;
	s8 =	simm.s32 $0x0;
	v6 =	vmul.f32 v7, v7;
	[tilespmem:v5+s30+$0x0] =	vst.idx.add.s32.msk $0xffff, v4  }
.LBB2_14:
0x1f4: {  	v7 =	vld [tilespmem:s9+$0x0];
	s7 =	sadd.s32 $0x80, s7  }
0x1f5: {  	v8 =	vld [tilespmem:s7+$0x0]  }
0x1f6: {  	s8 =	sadd.s32 $0x8, s8;
	v9 =	vld [tilespmem:s7+$0xFFFFFF90]  }
0x1f7: {  	p1 =	slt.u32 s8, $0x1F8;
	v10 =	vld [tilespmem:s9+$0xFFFFFFA0]  }
0x1f8: {  	v11 =	vld [tilespmem:s7+$0xFFFFFFA0]  }
0x1f9: {  	v12 =	vld [tilespmem:s9+$0xFFFFFFB0]  }
0x1fa: {  	v13 =	vld [tilespmem:s7+$0xFFFFFFB0];
	v7 =	vsub.f32 v7, v8  }
0x1fb: {  	v8 =	vld [tilespmem:s9+$0xFFFFFFC0]  }
0x1fc: {  	v14 =	vld [tilespmem:s7+$0xFFFFFFC0];
	v15 =	vshrl.u32 v7, $0x11  }
0x1fd: {  	v10 =	vsub.f32 v10, v11;
	v11 =	vld [tilespmem:s9+$0xFFFFFFD0];
	v15 =	vand.u32 $0x3FF0, v15  }
0x1fe: {  	v16 =	vld [tilespmem:s7+$0xFFFFFFD0];
	v15 =	vor.u32 v3, v15  }
0x1ff: {  	v17 =	vshrl.u32 v10, $0x11;
	v10 =	vmul.f32 v10, v10;
	v12 =	vsub.f32 v12, v13;
	v13 =	vld [tilespmem:s9+$0xFFFFFFE0]  }
0x200: {  	v17 =	vand.u32 $0x3FF0, v17;
	v18 =	vld [tilespmem:s7+$0xFFFFFFE0]  }
0x201: {  	v19 =	vshrl.u32 v12, $0x11;
	v12 =	vmul.f32 v12, v12;
	v8 =	vsub.f32 v8, v14;
	v14 =	vld [tilespmem:s9+$0xFFFFFFF0]  }
0x202: {  	v7 =	vmul.f32 v7, v7;
	v17 =	vor.u32 v3, v17;
	v19 =	vand.u32 $0x3FF0, v19;
	v20 =	vld [tilespmem:s7+$0xFFFFFFF0]  }
0x203: {  	v21 =	vshrl.u32 v8, $0x11;
	v8 =	vmul.f32 v8, v8;
	v11 =	vsub.f32 v11, v16;
	[tilespmem:v15+s30+$0x0] =	vst.idx.add.s32.msk $0xffff, v4  }
0x204: {  	v16 =	vor.u32 v3, v19;
	v19 =	vand.u32 $0x3FF0, v21;
	[tilespmem:v15+s31+$0x0] =	vst.idx.add.f32.msk $0xffff, v7  }
0x205: {  	v7 =	vld [tilespmem:s9+$0xFFFFFF90];
	v15 =	vshrl.u32 v11, $0x11;
	v11 =	vmul.f32 v11, v11;
	v13 =	vsub.f32 v13, v18  }
0x206: {  	v18 =	vor.u32 v3, v19;
	v15 =	vand.u32 $0x3FF0, v15;
	[tilespmem:v5+s31+$0x0] =	vst.idx.add.f32.msk $0xffff, v6  }
0x207: {  	[tilespmem:v17+s30+$0x0] =	vst.idx.add.s32.msk $0xffff, v4;
	v5 =	vshrl.u32 v13, $0x11;
	v13 =	vmul.f32 v13, v13;
	v6 =	vsub.f32 v14, v20  }
0x208: {  	[tilespmem:v17+s31+$0x0] =	vst.idx.add.f32.msk $0xffff, v10;
	v10 =	vor.u32 v3, v15;
	v5 =	vand.u32 $0x3FF0, v5  }
0x209: {  	[tilespmem:v16+s30+$0x0] =	vst.idx.add.s32.msk $0xffff, v4;
	v14 =	vor.u32 v3, v5;
	v5 =	vshrl.u32 v6, $0x11;
	v15 =	vmul.f32 v6, v6  }
0x20a: {  	v6 =	vsub.f32 v7, v9;
	[tilespmem:v16+s31+$0x0] =	vst.idx.add.f32.msk $0xffff, v12;
	v5 =	vand.u32 $0x3FF0, v5  }
0x20b: {  	[tilespmem:v18+s30+$0x0] =	vst.idx.add.s32.msk $0xffff, v4;
	v7 =	vor.u32 v3, v5  }
0x20c: {  	v5 =	vshrl.u32 v6, $0x11;
	v6 =	vmul.f32 v6, v6;
	[tilespmem:v18+s31+$0x0] =	vst.idx.add.f32.msk $0xffff, v8  }
0x20d: {  	v5 =	vand.u32 $0x3FF0, v5;
	[tilespmem:v10+s30+$0x0] =	vst.idx.add.s32.msk $0xffff, v4  }
0x20e: {  	v5 =	vor.u32 v3, v5;
	[tilespmem:v10+s31+$0x0] =	vst.idx.add.f32.msk $0xffff, v11  }
.Ltmp6:
0x20f: {  	[tilespmem:v14+s30+$0x0] =	vst.idx.add.s32.msk $0xffff, v4;
	(pc) =	sbr.rel @p1 .LBB2_14-.Ltmp6, $4  }
0x210: {  	[tilespmem:v14+s31+$0x0] =	vst.idx.add.f32.msk $0xffff, v13  }
0x211: {  	[tilespmem:v7+s30+$0x0] =	vst.idx.add.s32.msk $0xffff, v4  }
0x212: {  	[tilespmem:v7+s31+$0x0] =	vst.idx.add.f32.msk $0xffff, v15  }
0x213: {  	s9 =	sadd.s32 $0x80, s9;
	[tilespmem:v5+s30+$0x0] =	vst.idx.add.s32.msk $0xffff, v4  }
0x214: {  	_ =	sdelay $0x3  }
0x215: {  	[tilespmem:v5+s31+$0x0] =	vst.idx.add.f32.msk $0xffff, v6  }
0x216: {  	s7 =	rddreg [dreg:$0x15]  }
0x217: {  	[tilespmem:s25], [sflag:$0x3] =	stream.strided.gather [hbm4b:s7+s22], $0x2000, s23, s22, $0x38;
	[tilespmem:$0x18040] =	vst v63  }
0x218: {  	s10 =	rddreg [dreg:$0x16]  }
0x219: {  	[tilespmem:s26], [sflag:$0x4] =	stream.strided.gather [hbm4b:s10+s22], $0x2000, s23, s22, $0x38;
	[tilespmem:$0x18040] =	vst v63  }
0x21a: {  	_ =	swait.ge [sflag:s28], $0x2000  }
0x21b: {  	[sflag:s28] =	ssyncset.done $0x0  }
0x21c: {  	[sflag:s28] =	ssyncadd.s32 $0xFFFFE000  }
0x21d: {  	_ =	swait.ge [sflag:s29], $0x2000  }
0x21e: {  	[sflag:s29] =	ssyncset.done $0x0  }
0x21f: {  	s8 =	simm.s32 $0x40;
	[sflag:s29] =	ssyncadd.s32 $0xFFFFE000  }
0x220: {  	s7 =	simm.s32 $0x4040;
	v5 =	vld [tilespmem:s8+$0x30]  }
0x221: {  	v6 =	vld [tilespmem:s7+$0x30]  }
0x222: {  	v8 =	vld [tilespmem:s8+$0xFFFFFFD0]  }
0x223: {  	v9 =	vld [tilespmem:s7+$0xFFFFFFD0]  }
0x224: {  	v10 =	vld [tilespmem:s8+$0xFFFFFFE0]  }
0x225: {  	v11 =	vld [tilespmem:s7+$0xFFFFFFE0]  }
0x226: {  	v12 =	vld [tilespmem:s7+$0xFFFFFFF0]  }
0x227: {  	v54 =	vld [tilespmem:s8+$0x0]  }
0x228: {  	v14 =	vld [tilespmem:s7+$0x0];
	v5 =	vsub.f32 v5, v6  }
0x229: {  	v55 =	vld [tilespmem:s8+$0x10];
	v8 =	vsub.f32 v8, v9  }
0x22a: {  	v6 =	vld [tilespmem:s8+$0xFFFFFFF0];
	v10 =	vsub.f32 v10, v11;
	v13 =	vshrl.u32 v5, $0x11  }
0x22b: {  	v56 =	vld [tilespmem:s8+$0x20];
	v15 =	vshrl.u32 v8, $0x11;
	v13 =	vand.u32 $0x3FF0, v13  }
0x22c: {  	v18 =	vld [tilespmem:s7+$0x20];
	v17 =	vshrl.u32 v10, $0x11;
	v15 =	vand.u32 $0x3FF0, v15;
	v13 =	vor.u32 v3, v13  }
0x22d: {  	v16 =	vld [tilespmem:s7+$0x10];
	v17 =	vand.u32 $0x3FF0, v17;
	v15 =	vor.u32 v3, v15  }
0x22e: {  	v57 =	vor.u32 v3, v17  }
0x22f: {  	v7 =	vld [tilespmem:s7+$0xFFFFFFC0];
	v6 =	vsub.f32 v6, v12  }
0x230: {  	v59 =	vld [tilespmem:s8+$0xFFFFFFC0]  }
0x231: {  	v9 =	vsub.f32 v54, v14;
	v12 =	vsub.f32 v56, v18;
	v19 =	vshrl.u32 v6, $0x11;
	[tilespmem:v13+s30+$0x0] =	vst.idx.add.s32.msk $0xffff, v4  }
0x232: {  	v11 =	vsub.f32 v55, v16;
	v5 =	vmul.f32 v5, v5;
	v58 =	vand.u32 $0x3FF0, v19;
	[tilespmem:v15+s30+$0x0] =	vst.idx.add.s32.msk $0xffff, v4  }
0x233: {  	v10 =	vmul.f32 v10, v10;
	v61 =	vshrl.u32 v12, $0x11;
	v60 =	vor.u32 v3, v58;
	[tilespmem:v57+s30+$0x0] =	vst.idx.add.s32.msk $0xffff, v4  }
0x234: {  	v8 =	vmul.f32 v8, v8;
	v62 =	vand.u32 $0x3FF0, v61;
	[tilespmem:v13+s31+$0x0] =	vst.idx.add.f32.msk $0xffff, v5;
	v5 =	vshrl.u32 v9, $0x11  }
0x235: {  	[tilespmem:v57+s31+$0x0] =	vst.idx.add.f32.msk $0xffff, v10;
	v10 =	vor.u32 v3, v62;
	v5 =	vand.u32 $0x3FF0, v5  }
0x236: {  	v16 =	vshrl.u32 v11, $0x11;
	[tilespmem:v15+s31+$0x0] =	vst.idx.add.f32.msk $0xffff, v8;
	v8 =	vor.u32 v3, v5  }
0x237: {  	v7 =	vsub.f32 v59, v7;
	v5 =	vmul.f32 v6, v6;
	v6 =	vand.u32 $0x3FF0, v16  }
0x238: {  	v6 =	vor.u32 v3, v6;
	[tilespmem:v60+s30+$0x0] =	vst.idx.add.s32.msk $0xffff, v4  }
0x239: {  	v63 =	vshrl.u32 v7, $0x11;
	[tilespmem:v60+s31+$0x0] =	vst.idx.add.f32.msk $0xffff, v5  }
0x23a: {  	v9 =	vmul.f32 v9, v9;
	v5 =	vand.u32 $0x3FF0, v63;
	[tilespmem:v10+s30+$0x0] =	vst.idx.add.s32.msk $0xffff, v4  }
0x23b: {  	v5 =	vor.u32 v3, v5;
	[tilespmem:v8+s30+$0x0] =	vst.idx.add.s32.msk $0xffff, v4  }
0x23c: {  	v11 =	vmul.f32 v11, v11;
	[tilespmem:v8+s31+$0x0] =	vst.idx.add.f32.msk $0xffff, v9  }
0x23d: {  	[tilespmem:v6+s30+$0x0] =	vst.idx.add.s32.msk $0xffff, v4;
	v8 =	vmul.f32 v12, v12  }
0x23e: {  	[tilespmem:v6+s31+$0x0] =	vst.idx.add.f32.msk $0xffff, v11  }
0x23f: {  	[tilespmem:v10+s31+$0x0] =	vst.idx.add.f32.msk $0xffff, v8  }
0x240: {  	s9 =	simm.s32 $0xC0;
	s8 =	simm.s32 $0x0;
	v6 =	vmul.f32 v7, v7;
	[tilespmem:v5+s30+$0x0] =	vst.idx.add.s32.msk $0xffff, v4  }
.LBB2_16:
0x241: {  	v7 =	vld [tilespmem:s9+$0x30];
	s7 =	sadd.s32 $0x80, s7  }
0x242: {  	v8 =	vld [tilespmem:s7+$0x30]  }
0x243: {  	s8 =	sadd.s32 $0x8, s8;
	v9 =	vld [tilespmem:s7+$0xFFFFFFC0]  }
0x244: {  	p1 =	slt.u32 s8, $0x1F8;
	v10 =	vld [tilespmem:s9+$0xFFFFFFD0]  }
0x245: {  	v11 =	vld [tilespmem:s7+$0xFFFFFFD0]  }
0x246: {  	v12 =	vld [tilespmem:s9+$0xFFFFFFE0]  }
0x247: {  	v13 =	vld [tilespmem:s7+$0xFFFFFFE0];
	v7 =	vsub.f32 v7, v8  }
0x248: {  	v8 =	vld [tilespmem:s9+$0xFFFFFFF0]  }
0x249: {  	v14 =	vld [tilespmem:s7+$0xFFFFFFF0];
	v15 =	vshrl.u32 v7, $0x11  }
0x24a: {  	v10 =	vsub.f32 v10, v11;
	v11 =	vld [tilespmem:s9+$0x0];
	v15 =	vand.u32 $0x3FF0, v15  }
0x24b: {  	v16 =	vld [tilespmem:s7+$0x0];
	v15 =	vor.u32 v3, v15  }
0x24c: {  	v17 =	vshrl.u32 v10, $0x11;
	v10 =	vmul.f32 v10, v10;
	v12 =	vsub.f32 v12, v13;
	v13 =	vld [tilespmem:s9+$0x10]  }
0x24d: {  	v17 =	vand.u32 $0x3FF0, v17;
	v18 =	vld [tilespmem:s7+$0x10]  }
0x24e: {  	v19 =	vshrl.u32 v12, $0x11;
	v12 =	vmul.f32 v12, v12;
	v8 =	vsub.f32 v8, v14;
	v14 =	vld [tilespmem:s9+$0x20]  }
0x24f: {  	v7 =	vmul.f32 v7, v7;
	v17 =	vor.u32 v3, v17;
	v19 =	vand.u32 $0x3FF0, v19;
	v20 =	vld [tilespmem:s7+$0x20]  }
0x250: {  	v21 =	vshrl.u32 v8, $0x11;
	v8 =	vmul.f32 v8, v8;
	v11 =	vsub.f32 v11, v16;
	[tilespmem:v15+s30+$0x0] =	vst.idx.add.s32.msk $0xffff, v4  }
0x251: {  	v16 =	vor.u32 v3, v19;
	v19 =	vand.u32 $0x3FF0, v21;
	[tilespmem:v15+s31+$0x0] =	vst.idx.add.f32.msk $0xffff, v7  }
0x252: {  	v7 =	vld [tilespmem:s9+$0xFFFFFFC0];
	v15 =	vshrl.u32 v11, $0x11;
	v11 =	vmul.f32 v11, v11;
	v13 =	vsub.f32 v13, v18  }
0x253: {  	v18 =	vor.u32 v3, v19;
	v15 =	vand.u32 $0x3FF0, v15;
	[tilespmem:v5+s31+$0x0] =	vst.idx.add.f32.msk $0xffff, v6  }
0x254: {  	[tilespmem:v17+s30+$0x0] =	vst.idx.add.s32.msk $0xffff, v4;
	v5 =	vshrl.u32 v13, $0x11;
	v13 =	vmul.f32 v13, v13;
	v6 =	vsub.f32 v14, v20  }
0x255: {  	[tilespmem:v17+s31+$0x0] =	vst.idx.add.f32.msk $0xffff, v10;
	v10 =	vor.u32 v3, v15;
	v5 =	vand.u32 $0x3FF0, v5  }
0x256: {  	[tilespmem:v16+s30+$0x0] =	vst.idx.add.s32.msk $0xffff, v4;
	v14 =	vor.u32 v3, v5;
	v5 =	vshrl.u32 v6, $0x11;
	v15 =	vmul.f32 v6, v6  }
0x257: {  	v6 =	vsub.f32 v7, v9;
	[tilespmem:v16+s31+$0x0] =	vst.idx.add.f32.msk $0xffff, v12;
	v5 =	vand.u32 $0x3FF0, v5  }
0x258: {  	[tilespmem:v18+s30+$0x0] =	vst.idx.add.s32.msk $0xffff, v4;
	v7 =	vor.u32 v3, v5  }
0x259: {  	v5 =	vshrl.u32 v6, $0x11;
	v6 =	vmul.f32 v6, v6;
	[tilespmem:v18+s31+$0x0] =	vst.idx.add.f32.msk $0xffff, v8  }
0x25a: {  	v5 =	vand.u32 $0x3FF0, v5;
	[tilespmem:v10+s30+$0x0] =	vst.idx.add.s32.msk $0xffff, v4  }
0x25b: {  	v5 =	vor.u32 v3, v5;
	[tilespmem:v10+s31+$0x0] =	vst.idx.add.f32.msk $0xffff, v11  }
.Ltmp7:
0x25c: {  	[tilespmem:v14+s30+$0x0] =	vst.idx.add.s32.msk $0xffff, v4;
	(pc) =	sbr.rel @p1 .LBB2_16-.Ltmp7, $4  }
0x25d: {  	[tilespmem:v14+s31+$0x0] =	vst.idx.add.f32.msk $0xffff, v13  }
0x25e: {  	[tilespmem:v7+s30+$0x0] =	vst.idx.add.s32.msk $0xffff, v4  }
0x25f: {  	[tilespmem:v7+s31+$0x0] =	vst.idx.add.f32.msk $0xffff, v15  }
0x260: {  	s9 =	sadd.s32 $0x80, s9;
	[tilespmem:v5+s30+$0x0] =	vst.idx.add.s32.msk $0xffff, v4  }
0x261: {  	_ =	sdelay $0x3  }
0x262: {  	[tilespmem:v5+s31+$0x0] =	vst.idx.add.f32.msk $0xffff, v6  }
0x263: {  	s7 =	rddreg [dreg:$0x17]  }
0x264: {  	[tilespmem:s2], [sflag:$0x1] =	stream.strided.gather [hbm4b:s7+s22], $0x2000, s23, s22, $0x38;
	[tilespmem:$0x18040] =	vst v63  }
0x265: {  	s10 =	rddreg [dreg:$0x18]  }
0x266: {  	[tilespmem:s24], [sflag:$0x2] =	stream.strided.gather [hbm4b:s10+s22], $0x2000, s23, s22, $0x38;
	[tilespmem:$0x18040] =	vst v63  }
0x267: {  	_ =	swait.ge [sflag:s0], $0x2000  }
0x268: {  	[sflag:s0] =	ssyncset.done $0x0  }
0x269: {  	[sflag:s0] =	ssyncadd.s32 $0xFFFFE000  }
0x26a: {  	_ =	swait.ge [sflag:s1], $0x2000  }
0x26b: {  	[sflag:s1] =	ssyncset.done $0x0  }
0x26c: {  	s8 =	simm.s32 $0x2070;
	[sflag:s1] =	ssyncadd.s32 $0xFFFFE000  }
0x26d: {  	s7 =	simm.s32 $0x6070;
	v5 =	vld [tilespmem:s8+$0x0]  }
0x26e: {  	v6 =	vld [tilespmem:s7+$0x0]  }
0x26f: {  	v8 =	vld [tilespmem:s8+$0xFFFFFFA0]  }
0x270: {  	v9 =	vld [tilespmem:s7+$0xFFFFFFA0]  }
0x271: {  	v10 =	vld [tilespmem:s8+$0xFFFFFFB0]  }
0x272: {  	v11 =	vld [tilespmem:s7+$0xFFFFFFB0]  }
0x273: {  	v12 =	vld [tilespmem:s7+$0xFFFFFFC0]  }
0x274: {  	v54 =	vld [tilespmem:s8+$0xFFFFFFD0]  }
0x275: {  	v14 =	vld [tilespmem:s7+$0xFFFFFFD0];
	v5 =	vsub.f32 v5, v6  }
0x276: {  	v55 =	vld [tilespmem:s8+$0xFFFFFFE0];
	v8 =	vsub.f32 v8, v9  }
0x277: {  	v6 =	vld [tilespmem:s8+$0xFFFFFFC0];
	v10 =	vsub.f32 v10, v11;
	v13 =	vshrl.u32 v5, $0x11  }
0x278: {  	v56 =	vld [tilespmem:s8+$0xFFFFFFF0];
	v15 =	vshrl.u32 v8, $0x11;
	v13 =	vand.u32 $0x3FF0, v13  }
0x279: {  	v18 =	vld [tilespmem:s7+$0xFFFFFFF0];
	v17 =	vshrl.u32 v10, $0x11;
	v15 =	vand.u32 $0x3FF0, v15;
	v13 =	vor.u32 v3, v13  }
0x27a: {  	v16 =	vld [tilespmem:s7+$0xFFFFFFE0];
	v17 =	vand.u32 $0x3FF0, v17;
	v15 =	vor.u32 v3, v15  }
0x27b: {  	v57 =	vor.u32 v3, v17  }
0x27c: {  	v7 =	vld [tilespmem:s7+$0xFFFFFF90];
	v6 =	vsub.f32 v6, v12  }
0x27d: {  	v59 =	vld [tilespmem:s8+$0xFFFFFF90]  }
0x27e: {  	v9 =	vsub.f32 v54, v14;
	v12 =	vsub.f32 v56, v18;
	v19 =	vshrl.u32 v6, $0x11;
	[tilespmem:v13+s30+$0x0] =	vst.idx.add.s32.msk $0xffff, v4  }
0x27f: {  	v11 =	vsub.f32 v55, v16;
	v5 =	vmul.f32 v5, v5;
	v58 =	vand.u32 $0x3FF0, v19;
	[tilespmem:v15+s30+$0x0] =	vst.idx.add.s32.msk $0xffff, v4  }
0x280: {  	v10 =	vmul.f32 v10, v10;
	v61 =	vshrl.u32 v12, $0x11;
	v60 =	vor.u32 v3, v58;
	[tilespmem:v57+s30+$0x0] =	vst.idx.add.s32.msk $0xffff, v4  }
0x281: {  	v8 =	vmul.f32 v8, v8;
	v62 =	vand.u32 $0x3FF0, v61;
	[tilespmem:v13+s31+$0x0] =	vst.idx.add.f32.msk $0xffff, v5;
	v5 =	vshrl.u32 v9, $0x11  }
0x282: {  	[tilespmem:v57+s31+$0x0] =	vst.idx.add.f32.msk $0xffff, v10;
	v10 =	vor.u32 v3, v62;
	v5 =	vand.u32 $0x3FF0, v5  }
0x283: {  	v16 =	vshrl.u32 v11, $0x11;
	[tilespmem:v15+s31+$0x0] =	vst.idx.add.f32.msk $0xffff, v8;
	v8 =	vor.u32 v3, v5  }
0x284: {  	v7 =	vsub.f32 v59, v7;
	v5 =	vmul.f32 v6, v6;
	v6 =	vand.u32 $0x3FF0, v16  }
0x285: {  	v6 =	vor.u32 v3, v6;
	[tilespmem:v60+s30+$0x0] =	vst.idx.add.s32.msk $0xffff, v4  }
0x286: {  	v63 =	vshrl.u32 v7, $0x11;
	[tilespmem:v60+s31+$0x0] =	vst.idx.add.f32.msk $0xffff, v5  }
0x287: {  	v9 =	vmul.f32 v9, v9;
	v5 =	vand.u32 $0x3FF0, v63;
	[tilespmem:v10+s30+$0x0] =	vst.idx.add.s32.msk $0xffff, v4  }
0x288: {  	v5 =	vor.u32 v3, v5;
	[tilespmem:v8+s30+$0x0] =	vst.idx.add.s32.msk $0xffff, v4  }
0x289: {  	v11 =	vmul.f32 v11, v11;
	[tilespmem:v8+s31+$0x0] =	vst.idx.add.f32.msk $0xffff, v9  }
0x28a: {  	[tilespmem:v6+s30+$0x0] =	vst.idx.add.s32.msk $0xffff, v4;
	v8 =	vmul.f32 v12, v12  }
0x28b: {  	[tilespmem:v6+s31+$0x0] =	vst.idx.add.f32.msk $0xffff, v11  }
0x28c: {  	[tilespmem:v10+s31+$0x0] =	vst.idx.add.f32.msk $0xffff, v8  }
0x28d: {  	s9 =	simm.s32 $0x20F0;
	s8 =	simm.s32 $0x0;
	v6 =	vmul.f32 v7, v7;
	[tilespmem:v5+s30+$0x0] =	vst.idx.add.s32.msk $0xffff, v4  }
.LBB2_18:
0x28e: {  	v7 =	vld [tilespmem:s9+$0x0];
	s7 =	sadd.s32 $0x80, s7  }
0x28f: {  	v8 =	vld [tilespmem:s7+$0x0]  }
0x290: {  	s8 =	sadd.s32 $0x8, s8;
	v9 =	vld [tilespmem:s7+$0xFFFFFF90]  }
0x291: {  	p1 =	slt.u32 s8, $0x1F8;
	v10 =	vld [tilespmem:s9+$0xFFFFFFA0]  }
0x292: {  	v11 =	vld [tilespmem:s7+$0xFFFFFFA0]  }
0x293: {  	v12 =	vld [tilespmem:s9+$0xFFFFFFB0]  }
0x294: {  	v13 =	vld [tilespmem:s7+$0xFFFFFFB0];
	v7 =	vsub.f32 v7, v8  }
0x295: {  	v8 =	vld [tilespmem:s9+$0xFFFFFFC0]  }
0x296: {  	v14 =	vld [tilespmem:s7+$0xFFFFFFC0];
	v15 =	vshrl.u32 v7, $0x11  }
0x297: {  	v10 =	vsub.f32 v10, v11;
	v11 =	vld [tilespmem:s9+$0xFFFFFFD0];
	v15 =	vand.u32 $0x3FF0, v15  }
0x298: {  	v16 =	vld [tilespmem:s7+$0xFFFFFFD0];
	v15 =	vor.u32 v3, v15  }
0x299: {  	v17 =	vshrl.u32 v10, $0x11;
	v10 =	vmul.f32 v10, v10;
	v12 =	vsub.f32 v12, v13;
	v13 =	vld [tilespmem:s9+$0xFFFFFFE0]  }
0x29a: {  	v17 =	vand.u32 $0x3FF0, v17;
	v18 =	vld [tilespmem:s7+$0xFFFFFFE0]  }
0x29b: {  	v19 =	vshrl.u32 v12, $0x11;
	v12 =	vmul.f32 v12, v12;
	v8 =	vsub.f32 v8, v14;
	v14 =	vld [tilespmem:s9+$0xFFFFFFF0]  }
0x29c: {  	v7 =	vmul.f32 v7, v7;
	v17 =	vor.u32 v3, v17;
	v19 =	vand.u32 $0x3FF0, v19;
	v20 =	vld [tilespmem:s7+$0xFFFFFFF0]  }
0x29d: {  	v21 =	vshrl.u32 v8, $0x11;
	v8 =	vmul.f32 v8, v8;
	v11 =	vsub.f32 v11, v16;
	[tilespmem:v15+s30+$0x0] =	vst.idx.add.s32.msk $0xffff, v4  }
0x29e: {  	v16 =	vor.u32 v3, v19;
	v19 =	vand.u32 $0x3FF0, v21;
	[tilespmem:v15+s31+$0x0] =	vst.idx.add.f32.msk $0xffff, v7  }
0x29f: {  	v7 =	vld [tilespmem:s9+$0xFFFFFF90];
	v15 =	vshrl.u32 v11, $0x11;
	v11 =	vmul.f32 v11, v11;
	v13 =	vsub.f32 v13, v18  }
0x2a0: {  	v18 =	vor.u32 v3, v19;
	v15 =	vand.u32 $0x3FF0, v15;
	[tilespmem:v5+s31+$0x0] =	vst.idx.add.f32.msk $0xffff, v6  }
0x2a1: {  	[tilespmem:v17+s30+$0x0] =	vst.idx.add.s32.msk $0xffff, v4;
	v5 =	vshrl.u32 v13, $0x11;
	v13 =	vmul.f32 v13, v13;
	v6 =	vsub.f32 v14, v20  }
0x2a2: {  	[tilespmem:v17+s31+$0x0] =	vst.idx.add.f32.msk $0xffff, v10;
	v10 =	vor.u32 v3, v15;
	v5 =	vand.u32 $0x3FF0, v5  }
0x2a3: {  	[tilespmem:v16+s30+$0x0] =	vst.idx.add.s32.msk $0xffff, v4;
	v14 =	vor.u32 v3, v5;
	v5 =	vshrl.u32 v6, $0x11;
	v15 =	vmul.f32 v6, v6  }
0x2a4: {  	v6 =	vsub.f32 v7, v9;
	[tilespmem:v16+s31+$0x0] =	vst.idx.add.f32.msk $0xffff, v12;
	v5 =	vand.u32 $0x3FF0, v5  }
0x2a5: {  	[tilespmem:v18+s30+$0x0] =	vst.idx.add.s32.msk $0xffff, v4;
	v7 =	vor.u32 v3, v5  }
0x2a6: {  	v5 =	vshrl.u32 v6, $0x11;
	v6 =	vmul.f32 v6, v6;
	[tilespmem:v18+s31+$0x0] =	vst.idx.add.f32.msk $0xffff, v8  }
0x2a7: {  	v5 =	vand.u32 $0x3FF0, v5;
	[tilespmem:v10+s30+$0x0] =	vst.idx.add.s32.msk $0xffff, v4  }
0x2a8: {  	v5 =	vor.u32 v3, v5;
	[tilespmem:v10+s31+$0x0] =	vst.idx.add.f32.msk $0xffff, v11  }
.Ltmp8:
0x2a9: {  	[tilespmem:v14+s30+$0x0] =	vst.idx.add.s32.msk $0xffff, v4;
	(pc) =	sbr.rel @p1 .LBB2_18-.Ltmp8, $4  }
0x2aa: {  	[tilespmem:v14+s31+$0x0] =	vst.idx.add.f32.msk $0xffff, v13  }
0x2ab: {  	[tilespmem:v7+s30+$0x0] =	vst.idx.add.s32.msk $0xffff, v4  }
0x2ac: {  	[tilespmem:v7+s31+$0x0] =	vst.idx.add.f32.msk $0xffff, v15  }
0x2ad: {  	s9 =	sadd.s32 $0x80, s9;
	[tilespmem:v5+s30+$0x0] =	vst.idx.add.s32.msk $0xffff, v4  }
0x2ae: {  	_ =	sdelay $0x3  }
0x2af: {  	[tilespmem:v5+s31+$0x0] =	vst.idx.add.f32.msk $0xffff, v6  }
0x2b0: {  	s7 =	rddreg [dreg:$0x19]  }
0x2b1: {  	[tilespmem:s25], [sflag:$0x3] =	stream.strided.gather [hbm4b:s7+s22], $0x2000, s23, s22, $0x38;
	[tilespmem:$0x18040] =	vst v63  }
0x2b2: {  	s10 =	rddreg [dreg:$0x1a]  }
0x2b3: {  	[tilespmem:s26], [sflag:$0x4] =	stream.strided.gather [hbm4b:s10+s22], $0x2000, s23, s22, $0x38;
	[tilespmem:$0x18040] =	vst v63  }
0x2b4: {  	_ =	swait.ge [sflag:s28], $0x2000  }
0x2b5: {  	[sflag:s28] =	ssyncset.done $0x0  }
0x2b6: {  	[sflag:s28] =	ssyncadd.s32 $0xFFFFE000  }
0x2b7: {  	_ =	swait.ge [sflag:s29], $0x2000  }
0x2b8: {  	[sflag:s29] =	ssyncset.done $0x0  }
0x2b9: {  	s8 =	simm.s32 $0x40;
	[sflag:s29] =	ssyncadd.s32 $0xFFFFE000  }
0x2ba: {  	s7 =	simm.s32 $0x4040;
	v5 =	vld [tilespmem:s8+$0x30]  }
0x2bb: {  	v6 =	vld [tilespmem:s7+$0x30]  }
0x2bc: {  	v8 =	vld [tilespmem:s8+$0xFFFFFFD0]  }
0x2bd: {  	v9 =	vld [tilespmem:s7+$0xFFFFFFD0]  }
0x2be: {  	v10 =	vld [tilespmem:s8+$0xFFFFFFE0]  }
0x2bf: {  	v11 =	vld [tilespmem:s7+$0xFFFFFFE0]  }
0x2c0: {  	v12 =	vld [tilespmem:s7+$0xFFFFFFF0]  }
0x2c1: {  	v54 =	vld [tilespmem:s8+$0x0]  }
0x2c2: {  	v14 =	vld [tilespmem:s7+$0x0];
	v5 =	vsub.f32 v5, v6  }
0x2c3: {  	v55 =	vld [tilespmem:s8+$0x10];
	v8 =	vsub.f32 v8, v9  }
0x2c4: {  	v6 =	vld [tilespmem:s8+$0xFFFFFFF0];
	v10 =	vsub.f32 v10, v11;
	v13 =	vshrl.u32 v5, $0x11  }
0x2c5: {  	v56 =	vld [tilespmem:s8+$0x20];
	v15 =	vshrl.u32 v8, $0x11;
	v13 =	vand.u32 $0x3FF0, v13  }
0x2c6: {  	v18 =	vld [tilespmem:s7+$0x20];
	v17 =	vshrl.u32 v10, $0x11;
	v15 =	vand.u32 $0x3FF0, v15;
	v13 =	vor.u32 v3, v13  }
0x2c7: {  	v16 =	vld [tilespmem:s7+$0x10];
	v17 =	vand.u32 $0x3FF0, v17;
	v15 =	vor.u32 v3, v15  }
0x2c8: {  	v57 =	vor.u32 v3, v17  }
0x2c9: {  	v7 =	vld [tilespmem:s7+$0xFFFFFFC0];
	v6 =	vsub.f32 v6, v12  }
0x2ca: {  	v59 =	vld [tilespmem:s8+$0xFFFFFFC0]  }
0x2cb: {  	v9 =	vsub.f32 v54, v14;
	v12 =	vsub.f32 v56, v18;
	v19 =	vshrl.u32 v6, $0x11;
	[tilespmem:v13+s30+$0x0] =	vst.idx.add.s32.msk $0xffff, v4  }
0x2cc: {  	v11 =	vsub.f32 v55, v16;
	v5 =	vmul.f32 v5, v5;
	v58 =	vand.u32 $0x3FF0, v19;
	[tilespmem:v15+s30+$0x0] =	vst.idx.add.s32.msk $0xffff, v4  }
0x2cd: {  	v10 =	vmul.f32 v10, v10;
	v61 =	vshrl.u32 v12, $0x11;
	v60 =	vor.u32 v3, v58;
	[tilespmem:v57+s30+$0x0] =	vst.idx.add.s32.msk $0xffff, v4  }
0x2ce: {  	v8 =	vmul.f32 v8, v8;
	v62 =	vand.u32 $0x3FF0, v61;
	[tilespmem:v13+s31+$0x0] =	vst.idx.add.f32.msk $0xffff, v5;
	v5 =	vshrl.u32 v9, $0x11  }
0x2cf: {  	[tilespmem:v57+s31+$0x0] =	vst.idx.add.f32.msk $0xffff, v10;
	v10 =	vor.u32 v3, v62;
	v5 =	vand.u32 $0x3FF0, v5  }
0x2d0: {  	v16 =	vshrl.u32 v11, $0x11;
	[tilespmem:v15+s31+$0x0] =	vst.idx.add.f32.msk $0xffff, v8;
	v8 =	vor.u32 v3, v5  }
0x2d1: {  	v7 =	vsub.f32 v59, v7;
	v5 =	vmul.f32 v6, v6;
	v6 =	vand.u32 $0x3FF0, v16  }
0x2d2: {  	v6 =	vor.u32 v3, v6;
	[tilespmem:v60+s30+$0x0] =	vst.idx.add.s32.msk $0xffff, v4  }
0x2d3: {  	v63 =	vshrl.u32 v7, $0x11;
	[tilespmem:v60+s31+$0x0] =	vst.idx.add.f32.msk $0xffff, v5  }
0x2d4: {  	v9 =	vmul.f32 v9, v9;
	v5 =	vand.u32 $0x3FF0, v63;
	[tilespmem:v10+s30+$0x0] =	vst.idx.add.s32.msk $0xffff, v4  }
0x2d5: {  	v5 =	vor.u32 v3, v5;
	[tilespmem:v8+s30+$0x0] =	vst.idx.add.s32.msk $0xffff, v4  }
0x2d6: {  	v11 =	vmul.f32 v11, v11;
	[tilespmem:v8+s31+$0x0] =	vst.idx.add.f32.msk $0xffff, v9  }
0x2d7: {  	[tilespmem:v6+s30+$0x0] =	vst.idx.add.s32.msk $0xffff, v4;
	v8 =	vmul.f32 v12, v12  }
0x2d8: {  	[tilespmem:v6+s31+$0x0] =	vst.idx.add.f32.msk $0xffff, v11  }
0x2d9: {  	[tilespmem:v10+s31+$0x0] =	vst.idx.add.f32.msk $0xffff, v8  }
0x2da: {  	s9 =	simm.s32 $0xC0;
	s8 =	simm.s32 $0x0;
	v6 =	vmul.f32 v7, v7;
	[tilespmem:v5+s30+$0x0] =	vst.idx.add.s32.msk $0xffff, v4  }
.LBB2_20:
0x2db: {  	v7 =	vld [tilespmem:s9+$0x30];
	s7 =	sadd.s32 $0x80, s7  }
0x2dc: {  	v8 =	vld [tilespmem:s7+$0x30]  }
0x2dd: {  	s8 =	sadd.s32 $0x8, s8;
	v9 =	vld [tilespmem:s7+$0xFFFFFFC0]  }
0x2de: {  	p1 =	slt.u32 s8, $0x1F8;
	v10 =	vld [tilespmem:s9+$0xFFFFFFD0]  }
0x2df: {  	v11 =	vld [tilespmem:s7+$0xFFFFFFD0]  }
0x2e0: {  	v12 =	vld [tilespmem:s9+$0xFFFFFFE0]  }
0x2e1: {  	v13 =	vld [tilespmem:s7+$0xFFFFFFE0];
	v7 =	vsub.f32 v7, v8  }
0x2e2: {  	v8 =	vld [tilespmem:s9+$0xFFFFFFF0]  }
0x2e3: {  	v14 =	vld [tilespmem:s7+$0xFFFFFFF0];
	v15 =	vshrl.u32 v7, $0x11  }
0x2e4: {  	v10 =	vsub.f32 v10, v11;
	v11 =	vld [tilespmem:s9+$0x0];
	v15 =	vand.u32 $0x3FF0, v15  }
0x2e5: {  	v16 =	vld [tilespmem:s7+$0x0];
	v15 =	vor.u32 v3, v15  }
0x2e6: {  	v17 =	vshrl.u32 v10, $0x11;
	v10 =	vmul.f32 v10, v10;
	v12 =	vsub.f32 v12, v13;
	v13 =	vld [tilespmem:s9+$0x10]  }
0x2e7: {  	v17 =	vand.u32 $0x3FF0, v17;
	v18 =	vld [tilespmem:s7+$0x10]  }
0x2e8: {  	v19 =	vshrl.u32 v12, $0x11;
	v12 =	vmul.f32 v12, v12;
	v8 =	vsub.f32 v8, v14;
	v14 =	vld [tilespmem:s9+$0x20]  }
0x2e9: {  	v7 =	vmul.f32 v7, v7;
	v17 =	vor.u32 v3, v17;
	v19 =	vand.u32 $0x3FF0, v19;
	v20 =	vld [tilespmem:s7+$0x20]  }
0x2ea: {  	v21 =	vshrl.u32 v8, $0x11;
	v8 =	vmul.f32 v8, v8;
	v11 =	vsub.f32 v11, v16;
	[tilespmem:v15+s30+$0x0] =	vst.idx.add.s32.msk $0xffff, v4  }
0x2eb: {  	v16 =	vor.u32 v3, v19;
	v19 =	vand.u32 $0x3FF0, v21;
	[tilespmem:v15+s31+$0x0] =	vst.idx.add.f32.msk $0xffff, v7  }
0x2ec: {  	v7 =	vld [tilespmem:s9+$0xFFFFFFC0];
	v15 =	vshrl.u32 v11, $0x11;
	v11 =	vmul.f32 v11, v11;
	v13 =	vsub.f32 v13, v18  }
0x2ed: {  	v18 =	vor.u32 v3, v19;
	v15 =	vand.u32 $0x3FF0, v15;
	[tilespmem:v5+s31+$0x0] =	vst.idx.add.f32.msk $0xffff, v6  }
0x2ee: {  	[tilespmem:v17+s30+$0x0] =	vst.idx.add.s32.msk $0xffff, v4;
	v5 =	vshrl.u32 v13, $0x11;
	v13 =	vmul.f32 v13, v13;
	v6 =	vsub.f32 v14, v20  }
0x2ef: {  	[tilespmem:v17+s31+$0x0] =	vst.idx.add.f32.msk $0xffff, v10;
	v10 =	vor.u32 v3, v15;
	v5 =	vand.u32 $0x3FF0, v5  }
0x2f0: {  	[tilespmem:v16+s30+$0x0] =	vst.idx.add.s32.msk $0xffff, v4;
	v14 =	vor.u32 v3, v5;
	v5 =	vshrl.u32 v6, $0x11;
	v15 =	vmul.f32 v6, v6  }
0x2f1: {  	v6 =	vsub.f32 v7, v9;
	[tilespmem:v16+s31+$0x0] =	vst.idx.add.f32.msk $0xffff, v12;
	v5 =	vand.u32 $0x3FF0, v5  }
0x2f2: {  	[tilespmem:v18+s30+$0x0] =	vst.idx.add.s32.msk $0xffff, v4;
	v7 =	vor.u32 v3, v5  }
0x2f3: {  	v5 =	vshrl.u32 v6, $0x11;
	v6 =	vmul.f32 v6, v6;
	[tilespmem:v18+s31+$0x0] =	vst.idx.add.f32.msk $0xffff, v8  }
0x2f4: {  	v5 =	vand.u32 $0x3FF0, v5;
	[tilespmem:v10+s30+$0x0] =	vst.idx.add.s32.msk $0xffff, v4  }
0x2f5: {  	v5 =	vor.u32 v3, v5;
	[tilespmem:v10+s31+$0x0] =	vst.idx.add.f32.msk $0xffff, v11  }
.Ltmp9:
0x2f6: {  	[tilespmem:v14+s30+$0x0] =	vst.idx.add.s32.msk $0xffff, v4;
	(pc) =	sbr.rel @p1 .LBB2_20-.Ltmp9, $4  }
0x2f7: {  	[tilespmem:v14+s31+$0x0] =	vst.idx.add.f32.msk $0xffff, v13  }
0x2f8: {  	[tilespmem:v7+s30+$0x0] =	vst.idx.add.s32.msk $0xffff, v4  }
0x2f9: {  	[tilespmem:v7+s31+$0x0] =	vst.idx.add.f32.msk $0xffff, v15  }
0x2fa: {  	s9 =	sadd.s32 $0x80, s9;
	[tilespmem:v5+s30+$0x0] =	vst.idx.add.s32.msk $0xffff, v4  }
0x2fb: {  	_ =	sdelay $0x3  }
0x2fc: {  	[tilespmem:v5+s31+$0x0] =	vst.idx.add.f32.msk $0xffff, v6  }
0x2fd: {  	s7 =	rddreg [dreg:$0x1b]  }
0x2fe: {  	[tilespmem:s2], [sflag:$0x1] =	stream.strided.gather [hbm4b:s7+s22], $0x2000, s23, s22, $0x38;
	[tilespmem:$0x18040] =	vst v63  }
0x2ff: {  	s10 =	rddreg [dreg:$0x1c]  }
0x300: {  	[tilespmem:s24], [sflag:$0x2] =	stream.strided.gather [hbm4b:s10+s22], $0x2000, s23, s22, $0x38;
	[tilespmem:$0x18040] =	vst v63  }
0x301: {  	_ =	swait.ge [sflag:s0], $0x2000  }
0x302: {  	[sflag:s0] =	ssyncset.done $0x0  }
0x303: {  	[sflag:s0] =	ssyncadd.s32 $0xFFFFE000  }
0x304: {  	_ =	swait.ge [sflag:s1], $0x2000  }
0x305: {  	[sflag:s1] =	ssyncset.done $0x0  }
0x306: {  	s8 =	simm.s32 $0x2070;
	[sflag:s1] =	ssyncadd.s32 $0xFFFFE000  }
0x307: {  	s7 =	simm.s32 $0x6070;
	v5 =	vld [tilespmem:s8+$0x0]  }
0x308: {  	v6 =	vld [tilespmem:s7+$0x0]  }
0x309: {  	v8 =	vld [tilespmem:s8+$0xFFFFFFA0]  }
0x30a: {  	v9 =	vld [tilespmem:s7+$0xFFFFFFA0]  }
0x30b: {  	v10 =	vld [tilespmem:s8+$0xFFFFFFB0]  }
0x30c: {  	v11 =	vld [tilespmem:s7+$0xFFFFFFB0]  }
0x30d: {  	v12 =	vld [tilespmem:s7+$0xFFFFFFC0]  }
0x30e: {  	v54 =	vld [tilespmem:s8+$0xFFFFFFD0]  }
0x30f: {  	v14 =	vld [tilespmem:s7+$0xFFFFFFD0];
	v5 =	vsub.f32 v5, v6  }
0x310: {  	v55 =	vld [tilespmem:s8+$0xFFFFFFE0];
	v8 =	vsub.f32 v8, v9  }
0x311: {  	v6 =	vld [tilespmem:s8+$0xFFFFFFC0];
	v10 =	vsub.f32 v10, v11;
	v13 =	vshrl.u32 v5, $0x11  }
0x312: {  	v56 =	vld [tilespmem:s8+$0xFFFFFFF0];
	v15 =	vshrl.u32 v8, $0x11;
	v13 =	vand.u32 $0x3FF0, v13  }
0x313: {  	v18 =	vld [tilespmem:s7+$0xFFFFFFF0];
	v17 =	vshrl.u32 v10, $0x11;
	v15 =	vand.u32 $0x3FF0, v15;
	v13 =	vor.u32 v3, v13  }
0x314: {  	v16 =	vld [tilespmem:s7+$0xFFFFFFE0];
	v17 =	vand.u32 $0x3FF0, v17;
	v15 =	vor.u32 v3, v15  }
0x315: {  	v57 =	vor.u32 v3, v17  }
0x316: {  	v7 =	vld [tilespmem:s7+$0xFFFFFF90];
	v6 =	vsub.f32 v6, v12  }
0x317: {  	v59 =	vld [tilespmem:s8+$0xFFFFFF90]  }
0x318: {  	v9 =	vsub.f32 v54, v14;
	v12 =	vsub.f32 v56, v18;
	v19 =	vshrl.u32 v6, $0x11;
	[tilespmem:v13+s30+$0x0] =	vst.idx.add.s32.msk $0xffff, v4  }
0x319: {  	v11 =	vsub.f32 v55, v16;
	v5 =	vmul.f32 v5, v5;
	v58 =	vand.u32 $0x3FF0, v19;
	[tilespmem:v15+s30+$0x0] =	vst.idx.add.s32.msk $0xffff, v4  }
0x31a: {  	v10 =	vmul.f32 v10, v10;
	v61 =	vshrl.u32 v12, $0x11;
	v60 =	vor.u32 v3, v58;
	[tilespmem:v57+s30+$0x0] =	vst.idx.add.s32.msk $0xffff, v4  }
0x31b: {  	v8 =	vmul.f32 v8, v8;
	v62 =	vand.u32 $0x3FF0, v61;
	[tilespmem:v13+s31+$0x0] =	vst.idx.add.f32.msk $0xffff, v5;
	v5 =	vshrl.u32 v9, $0x11  }
0x31c: {  	[tilespmem:v57+s31+$0x0] =	vst.idx.add.f32.msk $0xffff, v10;
	v10 =	vor.u32 v3, v62;
	v5 =	vand.u32 $0x3FF0, v5  }
0x31d: {  	v16 =	vshrl.u32 v11, $0x11;
	[tilespmem:v15+s31+$0x0] =	vst.idx.add.f32.msk $0xffff, v8;
	v8 =	vor.u32 v3, v5  }
0x31e: {  	v7 =	vsub.f32 v59, v7;
	v5 =	vmul.f32 v6, v6;
	v6 =	vand.u32 $0x3FF0, v16  }
0x31f: {  	v6 =	vor.u32 v3, v6;
	[tilespmem:v60+s30+$0x0] =	vst.idx.add.s32.msk $0xffff, v4  }
0x320: {  	v63 =	vshrl.u32 v7, $0x11;
	[tilespmem:v60+s31+$0x0] =	vst.idx.add.f32.msk $0xffff, v5  }
0x321: {  	v9 =	vmul.f32 v9, v9;
	v5 =	vand.u32 $0x3FF0, v63;
	[tilespmem:v10+s30+$0x0] =	vst.idx.add.s32.msk $0xffff, v4  }
0x322: {  	v5 =	vor.u32 v3, v5;
	[tilespmem:v8+s30+$0x0] =	vst.idx.add.s32.msk $0xffff, v4  }
0x323: {  	v11 =	vmul.f32 v11, v11;
	[tilespmem:v8+s31+$0x0] =	vst.idx.add.f32.msk $0xffff, v9  }
0x324: {  	[tilespmem:v6+s30+$0x0] =	vst.idx.add.s32.msk $0xffff, v4;
	v8 =	vmul.f32 v12, v12  }
0x325: {  	[tilespmem:v6+s31+$0x0] =	vst.idx.add.f32.msk $0xffff, v11  }
0x326: {  	[tilespmem:v10+s31+$0x0] =	vst.idx.add.f32.msk $0xffff, v8  }
0x327: {  	s9 =	simm.s32 $0x20F0;
	s8 =	simm.s32 $0x0;
	v6 =	vmul.f32 v7, v7;
	[tilespmem:v5+s30+$0x0] =	vst.idx.add.s32.msk $0xffff, v4  }
.LBB2_22:
0x328: {  	v7 =	vld [tilespmem:s9+$0x0];
	s7 =	sadd.s32 $0x80, s7  }
0x329: {  	v8 =	vld [tilespmem:s7+$0x0]  }
0x32a: {  	s8 =	sadd.s32 $0x8, s8;
	v9 =	vld [tilespmem:s7+$0xFFFFFF90]  }
0x32b: {  	p1 =	slt.u32 s8, $0x1F8;
	v10 =	vld [tilespmem:s9+$0xFFFFFFA0]  }
0x32c: {  	v11 =	vld [tilespmem:s7+$0xFFFFFFA0]  }
0x32d: {  	v12 =	vld [tilespmem:s9+$0xFFFFFFB0]  }
0x32e: {  	v13 =	vld [tilespmem:s7+$0xFFFFFFB0];
	v7 =	vsub.f32 v7, v8  }
0x32f: {  	v8 =	vld [tilespmem:s9+$0xFFFFFFC0]  }
0x330: {  	v14 =	vld [tilespmem:s7+$0xFFFFFFC0];
	v15 =	vshrl.u32 v7, $0x11  }
0x331: {  	v10 =	vsub.f32 v10, v11;
	v11 =	vld [tilespmem:s9+$0xFFFFFFD0];
	v15 =	vand.u32 $0x3FF0, v15  }
0x332: {  	v16 =	vld [tilespmem:s7+$0xFFFFFFD0];
	v15 =	vor.u32 v3, v15  }
0x333: {  	v17 =	vshrl.u32 v10, $0x11;
	v10 =	vmul.f32 v10, v10;
	v12 =	vsub.f32 v12, v13;
	v13 =	vld [tilespmem:s9+$0xFFFFFFE0]  }
0x334: {  	v17 =	vand.u32 $0x3FF0, v17;
	v18 =	vld [tilespmem:s7+$0xFFFFFFE0]  }
0x335: {  	v19 =	vshrl.u32 v12, $0x11;
	v12 =	vmul.f32 v12, v12;
	v8 =	vsub.f32 v8, v14;
	v14 =	vld [tilespmem:s9+$0xFFFFFFF0]  }
0x336: {  	v7 =	vmul.f32 v7, v7;
	v17 =	vor.u32 v3, v17;
	v19 =	vand.u32 $0x3FF0, v19;
	v20 =	vld [tilespmem:s7+$0xFFFFFFF0]  }
0x337: {  	v21 =	vshrl.u32 v8, $0x11;
	v8 =	vmul.f32 v8, v8;
	v11 =	vsub.f32 v11, v16;
	[tilespmem:v15+s30+$0x0] =	vst.idx.add.s32.msk $0xffff, v4  }
0x338: {  	v16 =	vor.u32 v3, v19;
	v19 =	vand.u32 $0x3FF0, v21;
	[tilespmem:v15+s31+$0x0] =	vst.idx.add.f32.msk $0xffff, v7  }
0x339: {  	v7 =	vld [tilespmem:s9+$0xFFFFFF90];
	v15 =	vshrl.u32 v11, $0x11;
	v11 =	vmul.f32 v11, v11;
	v13 =	vsub.f32 v13, v18  }
0x33a: {  	v18 =	vor.u32 v3, v19;
	v15 =	vand.u32 $0x3FF0, v15;
	[tilespmem:v5+s31+$0x0] =	vst.idx.add.f32.msk $0xffff, v6  }
0x33b: {  	[tilespmem:v17+s30+$0x0] =	vst.idx.add.s32.msk $0xffff, v4;
	v5 =	vshrl.u32 v13, $0x11;
	v13 =	vmul.f32 v13, v13;
	v6 =	vsub.f32 v14, v20  }
0x33c: {  	[tilespmem:v17+s31+$0x0] =	vst.idx.add.f32.msk $0xffff, v10;
	v10 =	vor.u32 v3, v15;
	v5 =	vand.u32 $0x3FF0, v5  }
0x33d: {  	[tilespmem:v16+s30+$0x0] =	vst.idx.add.s32.msk $0xffff, v4;
	v14 =	vor.u32 v3, v5;
	v5 =	vshrl.u32 v6, $0x11;
	v15 =	vmul.f32 v6, v6  }
0x33e: {  	v6 =	vsub.f32 v7, v9;
	[tilespmem:v16+s31+$0x0] =	vst.idx.add.f32.msk $0xffff, v12;
	v5 =	vand.u32 $0x3FF0, v5  }
0x33f: {  	[tilespmem:v18+s30+$0x0] =	vst.idx.add.s32.msk $0xffff, v4;
	v7 =	vor.u32 v3, v5  }
0x340: {  	v5 =	vshrl.u32 v6, $0x11;
	v6 =	vmul.f32 v6, v6;
	[tilespmem:v18+s31+$0x0] =	vst.idx.add.f32.msk $0xffff, v8  }
0x341: {  	v5 =	vand.u32 $0x3FF0, v5;
	[tilespmem:v10+s30+$0x0] =	vst.idx.add.s32.msk $0xffff, v4  }
0x342: {  	v5 =	vor.u32 v3, v5;
	[tilespmem:v10+s31+$0x0] =	vst.idx.add.f32.msk $0xffff, v11  }
.Ltmp10:
0x343: {  	[tilespmem:v14+s30+$0x0] =	vst.idx.add.s32.msk $0xffff, v4;
	(pc) =	sbr.rel @p1 .LBB2_22-.Ltmp10, $4  }
0x344: {  	[tilespmem:v14+s31+$0x0] =	vst.idx.add.f32.msk $0xffff, v13  }
0x345: {  	[tilespmem:v7+s30+$0x0] =	vst.idx.add.s32.msk $0xffff, v4  }
0x346: {  	[tilespmem:v7+s31+$0x0] =	vst.idx.add.f32.msk $0xffff, v15  }
0x347: {  	s9 =	sadd.s32 $0x80, s9;
	[tilespmem:v5+s30+$0x0] =	vst.idx.add.s32.msk $0xffff, v4  }
0x348: {  	_ =	sdelay $0x3  }
0x349: {  	[tilespmem:v5+s31+$0x0] =	vst.idx.add.f32.msk $0xffff, v6  }
0x34a: {  	s7 =	rddreg [dreg:$0x1d]  }
0x34b: {  	[tilespmem:s25], [sflag:$0x3] =	stream.strided.gather [hbm4b:s7+s22], $0x2000, s23, s22, $0x38;
	[tilespmem:$0x18040] =	vst v63  }
0x34c: {  	s10 =	rddreg [dreg:$0x1e]  }
0x34d: {  	[tilespmem:s26], [sflag:$0x4] =	stream.strided.gather [hbm4b:s10+s22], $0x2000, s23, s22, $0x38;
	[tilespmem:$0x18040] =	vst v63  }
0x34e: {  	_ =	swait.ge [sflag:s28], $0x2000  }
0x34f: {  	[sflag:s28] =	ssyncset.done $0x0  }
0x350: {  	[sflag:s28] =	ssyncadd.s32 $0xFFFFE000  }
0x351: {  	_ =	swait.ge [sflag:s29], $0x2000  }
0x352: {  	[sflag:s29] =	ssyncset.done $0x0  }
0x353: {  	s8 =	simm.s32 $0x40;
	[sflag:s29] =	ssyncadd.s32 $0xFFFFE000  }
0x354: {  	s7 =	simm.s32 $0x4040;
	v5 =	vld [tilespmem:s8+$0x30]  }
0x355: {  	v6 =	vld [tilespmem:s7+$0x30]  }
0x356: {  	v8 =	vld [tilespmem:s8+$0xFFFFFFD0]  }
0x357: {  	v9 =	vld [tilespmem:s7+$0xFFFFFFD0]  }
0x358: {  	v10 =	vld [tilespmem:s8+$0xFFFFFFE0]  }
0x359: {  	v11 =	vld [tilespmem:s7+$0xFFFFFFE0]  }
0x35a: {  	v12 =	vld [tilespmem:s7+$0xFFFFFFF0]  }
0x35b: {  	v54 =	vld [tilespmem:s8+$0x0]  }
0x35c: {  	v14 =	vld [tilespmem:s7+$0x0];
	v5 =	vsub.f32 v5, v6  }
0x35d: {  	v55 =	vld [tilespmem:s8+$0x10];
	v8 =	vsub.f32 v8, v9  }
0x35e: {  	v6 =	vld [tilespmem:s8+$0xFFFFFFF0];
	v10 =	vsub.f32 v10, v11;
	v13 =	vshrl.u32 v5, $0x11  }
0x35f: {  	v56 =	vld [tilespmem:s8+$0x20];
	v15 =	vshrl.u32 v8, $0x11;
	v13 =	vand.u32 $0x3FF0, v13  }
0x360: {  	v18 =	vld [tilespmem:s7+$0x20];
	v17 =	vshrl.u32 v10, $0x11;
	v15 =	vand.u32 $0x3FF0, v15;
	v13 =	vor.u32 v3, v13  }
0x361: {  	v16 =	vld [tilespmem:s7+$0x10];
	v17 =	vand.u32 $0x3FF0, v17;
	v15 =	vor.u32 v3, v15  }
0x362: {  	v57 =	vor.u32 v3, v17  }
0x363: {  	v7 =	vld [tilespmem:s7+$0xFFFFFFC0];
	v6 =	vsub.f32 v6, v12  }
0x364: {  	v59 =	vld [tilespmem:s8+$0xFFFFFFC0]  }
0x365: {  	v9 =	vsub.f32 v54, v14;
	v12 =	vsub.f32 v56, v18;
	v19 =	vshrl.u32 v6, $0x11;
	[tilespmem:v13+s30+$0x0] =	vst.idx.add.s32.msk $0xffff, v4  }
0x366: {  	v11 =	vsub.f32 v55, v16;
	v5 =	vmul.f32 v5, v5;
	v58 =	vand.u32 $0x3FF0, v19;
	[tilespmem:v15+s30+$0x0] =	vst.idx.add.s32.msk $0xffff, v4  }
0x367: {  	v10 =	vmul.f32 v10, v10;
	v61 =	vshrl.u32 v12, $0x11;
	v60 =	vor.u32 v3, v58;
	[tilespmem:v57+s30+$0x0] =	vst.idx.add.s32.msk $0xffff, v4  }
0x368: {  	v8 =	vmul.f32 v8, v8;
	v62 =	vand.u32 $0x3FF0, v61;
	[tilespmem:v13+s31+$0x0] =	vst.idx.add.f32.msk $0xffff, v5;
	v5 =	vshrl.u32 v9, $0x11  }
0x369: {  	[tilespmem:v57+s31+$0x0] =	vst.idx.add.f32.msk $0xffff, v10;
	v10 =	vor.u32 v3, v62;
	v5 =	vand.u32 $0x3FF0, v5  }
0x36a: {  	v16 =	vshrl.u32 v11, $0x11;
	[tilespmem:v15+s31+$0x0] =	vst.idx.add.f32.msk $0xffff, v8;
	v8 =	vor.u32 v3, v5  }
0x36b: {  	v7 =	vsub.f32 v59, v7;
	v5 =	vmul.f32 v6, v6;
	v6 =	vand.u32 $0x3FF0, v16  }
0x36c: {  	v6 =	vor.u32 v3, v6;
	[tilespmem:v60+s30+$0x0] =	vst.idx.add.s32.msk $0xffff, v4  }
0x36d: {  	v63 =	vshrl.u32 v7, $0x11;
	[tilespmem:v60+s31+$0x0] =	vst.idx.add.f32.msk $0xffff, v5  }
0x36e: {  	v9 =	vmul.f32 v9, v9;
	v5 =	vand.u32 $0x3FF0, v63;
	[tilespmem:v10+s30+$0x0] =	vst.idx.add.s32.msk $0xffff, v4  }
0x36f: {  	v5 =	vor.u32 v3, v5;
	[tilespmem:v8+s30+$0x0] =	vst.idx.add.s32.msk $0xffff, v4  }
0x370: {  	v11 =	vmul.f32 v11, v11;
	[tilespmem:v8+s31+$0x0] =	vst.idx.add.f32.msk $0xffff, v9  }
0x371: {  	[tilespmem:v6+s30+$0x0] =	vst.idx.add.s32.msk $0xffff, v4;
	v8 =	vmul.f32 v12, v12  }
0x372: {  	[tilespmem:v6+s31+$0x0] =	vst.idx.add.f32.msk $0xffff, v11  }
0x373: {  	[tilespmem:v10+s31+$0x0] =	vst.idx.add.f32.msk $0xffff, v8  }
0x374: {  	s9 =	simm.s32 $0xC0;
	s8 =	simm.s32 $0x0;
	v6 =	vmul.f32 v7, v7;
	[tilespmem:v5+s30+$0x0] =	vst.idx.add.s32.msk $0xffff, v4  }
.LBB2_24:
0x375: {  	v7 =	vld [tilespmem:s9+$0x30];
	s7 =	sadd.s32 $0x80, s7  }
0x376: {  	v8 =	vld [tilespmem:s7+$0x30]  }
0x377: {  	s8 =	sadd.s32 $0x8, s8;
	v9 =	vld [tilespmem:s7+$0xFFFFFFC0]  }
0x378: {  	p1 =	slt.u32 s8, $0x1F8;
	v10 =	vld [tilespmem:s9+$0xFFFFFFD0]  }
0x379: {  	v11 =	vld [tilespmem:s7+$0xFFFFFFD0]  }
0x37a: {  	v12 =	vld [tilespmem:s9+$0xFFFFFFE0]  }
0x37b: {  	v13 =	vld [tilespmem:s7+$0xFFFFFFE0];
	v7 =	vsub.f32 v7, v8  }
0x37c: {  	v8 =	vld [tilespmem:s9+$0xFFFFFFF0]  }
0x37d: {  	v14 =	vld [tilespmem:s7+$0xFFFFFFF0];
	v15 =	vshrl.u32 v7, $0x11  }
0x37e: {  	v10 =	vsub.f32 v10, v11;
	v11 =	vld [tilespmem:s9+$0x0];
	v15 =	vand.u32 $0x3FF0, v15  }
0x37f: {  	v16 =	vld [tilespmem:s7+$0x0];
	v15 =	vor.u32 v3, v15  }
0x380: {  	v17 =	vshrl.u32 v10, $0x11;
	v10 =	vmul.f32 v10, v10;
	v12 =	vsub.f32 v12, v13;
	v13 =	vld [tilespmem:s9+$0x10]  }
0x381: {  	v17 =	vand.u32 $0x3FF0, v17;
	v18 =	vld [tilespmem:s7+$0x10]  }
0x382: {  	v19 =	vshrl.u32 v12, $0x11;
	v12 =	vmul.f32 v12, v12;
	v8 =	vsub.f32 v8, v14;
	v14 =	vld [tilespmem:s9+$0x20]  }
0x383: {  	v7 =	vmul.f32 v7, v7;
	v17 =	vor.u32 v3, v17;
	v19 =	vand.u32 $0x3FF0, v19;
	v20 =	vld [tilespmem:s7+$0x20]  }
0x384: {  	v21 =	vshrl.u32 v8, $0x11;
	v8 =	vmul.f32 v8, v8;
	v11 =	vsub.f32 v11, v16;
	[tilespmem:v15+s30+$0x0] =	vst.idx.add.s32.msk $0xffff, v4  }
0x385: {  	v16 =	vor.u32 v3, v19;
	v19 =	vand.u32 $0x3FF0, v21;
	[tilespmem:v15+s31+$0x0] =	vst.idx.add.f32.msk $0xffff, v7  }
0x386: {  	v7 =	vld [tilespmem:s9+$0xFFFFFFC0];
	v15 =	vshrl.u32 v11, $0x11;
	v11 =	vmul.f32 v11, v11;
	v13 =	vsub.f32 v13, v18  }
0x387: {  	v18 =	vor.u32 v3, v19;
	v15 =	vand.u32 $0x3FF0, v15;
	[tilespmem:v5+s31+$0x0] =	vst.idx.add.f32.msk $0xffff, v6  }
0x388: {  	[tilespmem:v17+s30+$0x0] =	vst.idx.add.s32.msk $0xffff, v4;
	v5 =	vshrl.u32 v13, $0x11;
	v13 =	vmul.f32 v13, v13;
	v6 =	vsub.f32 v14, v20  }
0x389: {  	[tilespmem:v17+s31+$0x0] =	vst.idx.add.f32.msk $0xffff, v10;
	v10 =	vor.u32 v3, v15;
	v5 =	vand.u32 $0x3FF0, v5  }
0x38a: {  	[tilespmem:v16+s30+$0x0] =	vst.idx.add.s32.msk $0xffff, v4;
	v14 =	vor.u32 v3, v5;
	v5 =	vshrl.u32 v6, $0x11;
	v15 =	vmul.f32 v6, v6  }
0x38b: {  	v6 =	vsub.f32 v7, v9;
	[tilespmem:v16+s31+$0x0] =	vst.idx.add.f32.msk $0xffff, v12;
	v5 =	vand.u32 $0x3FF0, v5  }
0x38c: {  	[tilespmem:v18+s30+$0x0] =	vst.idx.add.s32.msk $0xffff, v4;
	v7 =	vor.u32 v3, v5  }
0x38d: {  	v5 =	vshrl.u32 v6, $0x11;
	v6 =	vmul.f32 v6, v6;
	[tilespmem:v18+s31+$0x0] =	vst.idx.add.f32.msk $0xffff, v8  }
0x38e: {  	v5 =	vand.u32 $0x3FF0, v5;
	[tilespmem:v10+s30+$0x0] =	vst.idx.add.s32.msk $0xffff, v4  }
0x38f: {  	v5 =	vor.u32 v3, v5;
	[tilespmem:v10+s31+$0x0] =	vst.idx.add.f32.msk $0xffff, v11  }
.Ltmp11:
0x390: {  	[tilespmem:v14+s30+$0x0] =	vst.idx.add.s32.msk $0xffff, v4;
	(pc) =	sbr.rel @p1 .LBB2_24-.Ltmp11, $4  }
0x391: {  	[tilespmem:v14+s31+$0x0] =	vst.idx.add.f32.msk $0xffff, v13  }
0x392: {  	[tilespmem:v7+s30+$0x0] =	vst.idx.add.s32.msk $0xffff, v4  }
0x393: {  	[tilespmem:v7+s31+$0x0] =	vst.idx.add.f32.msk $0xffff, v15  }
0x394: {  	s9 =	sadd.s32 $0x80, s9;
	[tilespmem:v5+s30+$0x0] =	vst.idx.add.s32.msk $0xffff, v4  }
0x395: {  	_ =	sdelay $0x3  }
0x396: {  	[tilespmem:v5+s31+$0x0] =	vst.idx.add.f32.msk $0xffff, v6  }
0x397: {  	s7 =	rddreg [dreg:$0x1f]  }
0x398: {  	s10 =	sld [smem:$0x7ED]  }
0x399: {  	[tilespmem:s2], [sflag:$0x1] =	stream.strided.gather [hbm4b:s7+s22], $0x2000, s23, s22, $0x38;
	[tilespmem:$0x18040] =	vst v63  }
0x39a: {  	_ = 	snop  }
0x39b: {  	[tilespmem:s24], [sflag:$0x2] =	stream.strided.gather [hbm4b:s10+s22], $0x2000, s23, s22, $0x38;
	[tilespmem:$0x18040] =	vst v63  }
0x39c: {  	_ =	swait.ge [sflag:s0], $0x2000  }
0x39d: {  	[sflag:s0] =	ssyncset.done $0x0  }
0x39e: {  	[sflag:s0] =	ssyncadd.s32 $0xFFFFE000  }
0x39f: {  	_ =	swait.ge [sflag:s1], $0x2000  }
0x3a0: {  	[sflag:s1] =	ssyncset.done $0x0  }
0x3a1: {  	s8 =	simm.s32 $0x2070;
	[sflag:s1] =	ssyncadd.s32 $0xFFFFE000  }
0x3a2: {  	s7 =	simm.s32 $0x6070;
	v5 =	vld [tilespmem:s8+$0x0]  }
0x3a3: {  	v6 =	vld [tilespmem:s7+$0x0]  }
0x3a4: {  	v8 =	vld [tilespmem:s8+$0xFFFFFFA0]  }
0x3a5: {  	v9 =	vld [tilespmem:s7+$0xFFFFFFA0]  }
0x3a6: {  	v10 =	vld [tilespmem:s8+$0xFFFFFFB0]  }
0x3a7: {  	v11 =	vld [tilespmem:s7+$0xFFFFFFB0]  }
0x3a8: {  	v12 =	vld [tilespmem:s7+$0xFFFFFFC0]  }
0x3a9: {  	v54 =	vld [tilespmem:s8+$0xFFFFFFD0]  }
0x3aa: {  	v14 =	vld [tilespmem:s7+$0xFFFFFFD0];
	v5 =	vsub.f32 v5, v6  }
0x3ab: {  	v55 =	vld [tilespmem:s8+$0xFFFFFFE0];
	v8 =	vsub.f32 v8, v9  }
0x3ac: {  	v6 =	vld [tilespmem:s8+$0xFFFFFFC0];
	v10 =	vsub.f32 v10, v11;
	v13 =	vshrl.u32 v5, $0x11  }
0x3ad: {  	v56 =	vld [tilespmem:s8+$0xFFFFFFF0];
	v15 =	vshrl.u32 v8, $0x11;
	v13 =	vand.u32 $0x3FF0, v13  }
0x3ae: {  	v18 =	vld [tilespmem:s7+$0xFFFFFFF0];
	v17 =	vshrl.u32 v10, $0x11;
	v15 =	vand.u32 $0x3FF0, v15;
	v13 =	vor.u32 v3, v13  }
0x3af: {  	v16 =	vld [tilespmem:s7+$0xFFFFFFE0];
	v17 =	vand.u32 $0x3FF0, v17;
	v15 =	vor.u32 v3, v15  }
0x3b0: {  	v57 =	vor.u32 v3, v17  }
0x3b1: {  	v7 =	vld [tilespmem:s7+$0xFFFFFF90];
	v6 =	vsub.f32 v6, v12  }
0x3b2: {  	v59 =	vld [tilespmem:s8+$0xFFFFFF90]  }
0x3b3: {  	v9 =	vsub.f32 v54, v14;
	v12 =	vsub.f32 v56, v18;
	v19 =	vshrl.u32 v6, $0x11;
	[tilespmem:v13+s30+$0x0] =	vst.idx.add.s32.msk $0xffff, v4  }
0x3b4: {  	v11 =	vsub.f32 v55, v16;
	v5 =	vmul.f32 v5, v5;
	v58 =	vand.u32 $0x3FF0, v19;
	[tilespmem:v15+s30+$0x0] =	vst.idx.add.s32.msk $0xffff, v4  }
0x3b5: {  	v10 =	vmul.f32 v10, v10;
	v61 =	vshrl.u32 v12, $0x11;
	v60 =	vor.u32 v3, v58;
	[tilespmem:v57+s30+$0x0] =	vst.idx.add.s32.msk $0xffff, v4  }
0x3b6: {  	v8 =	vmul.f32 v8, v8;
	v62 =	vand.u32 $0x3FF0, v61;
	[tilespmem:v13+s31+$0x0] =	vst.idx.add.f32.msk $0xffff, v5;
	v5 =	vshrl.u32 v9, $0x11  }
0x3b7: {  	[tilespmem:v57+s31+$0x0] =	vst.idx.add.f32.msk $0xffff, v10;
	v10 =	vor.u32 v3, v62;
	v5 =	vand.u32 $0x3FF0, v5  }
0x3b8: {  	v16 =	vshrl.u32 v11, $0x11;
	[tilespmem:v15+s31+$0x0] =	vst.idx.add.f32.msk $0xffff, v8;
	v8 =	vor.u32 v3, v5  }
0x3b9: {  	v7 =	vsub.f32 v59, v7;
	v5 =	vmul.f32 v6, v6;
	v6 =	vand.u32 $0x3FF0, v16  }
0x3ba: {  	v6 =	vor.u32 v3, v6;
	[tilespmem:v60+s30+$0x0] =	vst.idx.add.s32.msk $0xffff, v4  }
0x3bb: {  	v63 =	vshrl.u32 v7, $0x11;
	[tilespmem:v60+s31+$0x0] =	vst.idx.add.f32.msk $0xffff, v5  }
0x3bc: {  	v9 =	vmul.f32 v9, v9;
	v5 =	vand.u32 $0x3FF0, v63;
	[tilespmem:v10+s30+$0x0] =	vst.idx.add.s32.msk $0xffff, v4  }
0x3bd: {  	v5 =	vor.u32 v3, v5;
	[tilespmem:v8+s30+$0x0] =	vst.idx.add.s32.msk $0xffff, v4  }
0x3be: {  	v11 =	vmul.f32 v11, v11;
	[tilespmem:v8+s31+$0x0] =	vst.idx.add.f32.msk $0xffff, v9  }
0x3bf: {  	[tilespmem:v6+s30+$0x0] =	vst.idx.add.s32.msk $0xffff, v4;
	v8 =	vmul.f32 v12, v12  }
0x3c0: {  	[tilespmem:v6+s31+$0x0] =	vst.idx.add.f32.msk $0xffff, v11  }
0x3c1: {  	[tilespmem:v10+s31+$0x0] =	vst.idx.add.f32.msk $0xffff, v8  }
0x3c2: {  	s9 =	simm.s32 $0x20F0;
	s8 =	simm.s32 $0x0;
	v6 =	vmul.f32 v7, v7;
	[tilespmem:v5+s30+$0x0] =	vst.idx.add.s32.msk $0xffff, v4  }
.LBB2_26:
0x3c3: {  	v7 =	vld [tilespmem:s9+$0x0];
	s7 =	sadd.s32 $0x80, s7  }
0x3c4: {  	v8 =	vld [tilespmem:s7+$0x0]  }
0x3c5: {  	s8 =	sadd.s32 $0x8, s8;
	v9 =	vld [tilespmem:s7+$0xFFFFFF90]  }
0x3c6: {  	p1 =	slt.u32 s8, $0x1F8;
	v10 =	vld [tilespmem:s9+$0xFFFFFFA0]  }
0x3c7: {  	v11 =	vld [tilespmem:s7+$0xFFFFFFA0]  }
0x3c8: {  	v12 =	vld [tilespmem:s9+$0xFFFFFFB0]  }
0x3c9: {  	v13 =	vld [tilespmem:s7+$0xFFFFFFB0];
	v7 =	vsub.f32 v7, v8  }
0x3ca: {  	v8 =	vld [tilespmem:s9+$0xFFFFFFC0]  }
0x3cb: {  	v14 =	vld [tilespmem:s7+$0xFFFFFFC0];
	v15 =	vshrl.u32 v7, $0x11  }
0x3cc: {  	v10 =	vsub.f32 v10, v11;
	v11 =	vld [tilespmem:s9+$0xFFFFFFD0];
	v15 =	vand.u32 $0x3FF0, v15  }
0x3cd: {  	v16 =	vld [tilespmem:s7+$0xFFFFFFD0];
	v15 =	vor.u32 v3, v15  }
0x3ce: {  	v17 =	vshrl.u32 v10, $0x11;
	v10 =	vmul.f32 v10, v10;
	v12 =	vsub.f32 v12, v13;
	v13 =	vld [tilespmem:s9+$0xFFFFFFE0]  }
0x3cf: {  	v17 =	vand.u32 $0x3FF0, v17;
	v18 =	vld [tilespmem:s7+$0xFFFFFFE0]  }
0x3d0: {  	v19 =	vshrl.u32 v12, $0x11;
	v12 =	vmul.f32 v12, v12;
	v8 =	vsub.f32 v8, v14;
	v14 =	vld [tilespmem:s9+$0xFFFFFFF0]  }
0x3d1: {  	v7 =	vmul.f32 v7, v7;
	v17 =	vor.u32 v3, v17;
	v19 =	vand.u32 $0x3FF0, v19;
	v20 =	vld [tilespmem:s7+$0xFFFFFFF0]  }
0x3d2: {  	v21 =	vshrl.u32 v8, $0x11;
	v8 =	vmul.f32 v8, v8;
	v11 =	vsub.f32 v11, v16;
	[tilespmem:v15+s30+$0x0] =	vst.idx.add.s32.msk $0xffff, v4  }
0x3d3: {  	v16 =	vor.u32 v3, v19;
	v19 =	vand.u32 $0x3FF0, v21;
	[tilespmem:v15+s31+$0x0] =	vst.idx.add.f32.msk $0xffff, v7  }
0x3d4: {  	v7 =	vld [tilespmem:s9+$0xFFFFFF90];
	v15 =	vshrl.u32 v11, $0x11;
	v11 =	vmul.f32 v11, v11;
	v13 =	vsub.f32 v13, v18  }
0x3d5: {  	v18 =	vor.u32 v3, v19;
	v15 =	vand.u32 $0x3FF0, v15;
	[tilespmem:v5+s31+$0x0] =	vst.idx.add.f32.msk $0xffff, v6  }
0x3d6: {  	[tilespmem:v17+s30+$0x0] =	vst.idx.add.s32.msk $0xffff, v4;
	v5 =	vshrl.u32 v13, $0x11;
	v13 =	vmul.f32 v13, v13;
	v6 =	vsub.f32 v14, v20  }
0x3d7: {  	[tilespmem:v17+s31+$0x0] =	vst.idx.add.f32.msk $0xffff, v10;
	v10 =	vor.u32 v3, v15;
	v5 =	vand.u32 $0x3FF0, v5  }
0x3d8: {  	[tilespmem:v16+s30+$0x0] =	vst.idx.add.s32.msk $0xffff, v4;
	v14 =	vor.u32 v3, v5;
	v5 =	vshrl.u32 v6, $0x11;
	v15 =	vmul.f32 v6, v6  }
0x3d9: {  	v6 =	vsub.f32 v7, v9;
	[tilespmem:v16+s31+$0x0] =	vst.idx.add.f32.msk $0xffff, v12;
	v5 =	vand.u32 $0x3FF0, v5  }
0x3da: {  	[tilespmem:v18+s30+$0x0] =	vst.idx.add.s32.msk $0xffff, v4;
	v7 =	vor.u32 v3, v5  }
0x3db: {  	v5 =	vshrl.u32 v6, $0x11;
	v6 =	vmul.f32 v6, v6;
	[tilespmem:v18+s31+$0x0] =	vst.idx.add.f32.msk $0xffff, v8  }
0x3dc: {  	v5 =	vand.u32 $0x3FF0, v5;
	[tilespmem:v10+s30+$0x0] =	vst.idx.add.s32.msk $0xffff, v4  }
0x3dd: {  	v5 =	vor.u32 v3, v5;
	[tilespmem:v10+s31+$0x0] =	vst.idx.add.f32.msk $0xffff, v11  }
.Ltmp12:
0x3de: {  	[tilespmem:v14+s30+$0x0] =	vst.idx.add.s32.msk $0xffff, v4;
	(pc) =	sbr.rel @p1 .LBB2_26-.Ltmp12, $4  }
0x3df: {  	[tilespmem:v14+s31+$0x0] =	vst.idx.add.f32.msk $0xffff, v13  }
0x3e0: {  	[tilespmem:v7+s30+$0x0] =	vst.idx.add.s32.msk $0xffff, v4  }
0x3e1: {  	[tilespmem:v7+s31+$0x0] =	vst.idx.add.f32.msk $0xffff, v15  }
0x3e2: {  	s9 =	sadd.s32 $0x80, s9;
	[tilespmem:v5+s30+$0x0] =	vst.idx.add.s32.msk $0xffff, v4  }
0x3e3: {  	_ =	sdelay $0x3  }
0x3e4: {  	[tilespmem:v5+s31+$0x0] =	vst.idx.add.f32.msk $0xffff, v6  }
0x3e5: {  	s7 =	sld [smem:$0x7EE];
	_ =	sdelay $0x1  }
0x3e6: {  	s10 =	sld [smem:$0x7EF]  }
0x3e7: {  	[tilespmem:s25], [sflag:$0x3] =	stream.strided.gather [hbm4b:s7+s22], $0x2000, s23, s22, $0x38;
	[tilespmem:$0x18040] =	vst v63  }
0x3e8: {  	_ = 	snop  }
0x3e9: {  	[tilespmem:s26], [sflag:$0x4] =	stream.strided.gather [hbm4b:s10+s22], $0x2000, s23, s22, $0x38;
	[tilespmem:$0x18040] =	vst v63  }
0x3ea: {  	_ =	swait.ge [sflag:s28], $0x2000  }
0x3eb: {  	[sflag:s28] =	ssyncset.done $0x0  }
0x3ec: {  	[sflag:s28] =	ssyncadd.s32 $0xFFFFE000  }
0x3ed: {  	_ =	swait.ge [sflag:s29], $0x2000  }
0x3ee: {  	[sflag:s29] =	ssyncset.done $0x0  }
0x3ef: {  	s8 =	simm.s32 $0x40;
	[sflag:s29] =	ssyncadd.s32 $0xFFFFE000  }
0x3f0: {  	s7 =	simm.s32 $0x4040;
	v5 =	vld [tilespmem:s8+$0x30]  }
0x3f1: {  	v6 =	vld [tilespmem:s7+$0x30]  }
0x3f2: {  	v8 =	vld [tilespmem:s8+$0xFFFFFFD0]  }
0x3f3: {  	v9 =	vld [tilespmem:s7+$0xFFFFFFD0]  }
0x3f4: {  	v10 =	vld [tilespmem:s8+$0xFFFFFFE0]  }
0x3f5: {  	v11 =	vld [tilespmem:s7+$0xFFFFFFE0]  }
0x3f6: {  	v12 =	vld [tilespmem:s7+$0xFFFFFFF0]  }
0x3f7: {  	v54 =	vld [tilespmem:s8+$0x0]  }
0x3f8: {  	v14 =	vld [tilespmem:s7+$0x0];
	v5 =	vsub.f32 v5, v6  }
0x3f9: {  	v55 =	vld [tilespmem:s8+$0x10];
	v8 =	vsub.f32 v8, v9  }
0x3fa: {  	v6 =	vld [tilespmem:s8+$0xFFFFFFF0];
	v10 =	vsub.f32 v10, v11;
	v13 =	vshrl.u32 v5, $0x11  }
0x3fb: {  	v56 =	vld [tilespmem:s8+$0x20];
	v15 =	vshrl.u32 v8, $0x11;
	v13 =	vand.u32 $0x3FF0, v13  }
0x3fc: {  	v18 =	vld [tilespmem:s7+$0x20];
	v17 =	vshrl.u32 v10, $0x11;
	v15 =	vand.u32 $0x3FF0, v15;
	v13 =	vor.u32 v3, v13  }
0x3fd: {  	v16 =	vld [tilespmem:s7+$0x10];
	v17 =	vand.u32 $0x3FF0, v17;
	v15 =	vor.u32 v3, v15  }
0x3fe: {  	v57 =	vor.u32 v3, v17  }
0x3ff: {  	v7 =	vld [tilespmem:s7+$0xFFFFFFC0];
	v6 =	vsub.f32 v6, v12  }
0x400: {  	v59 =	vld [tilespmem:s8+$0xFFFFFFC0]  }
0x401: {  	v9 =	vsub.f32 v54, v14;
	v12 =	vsub.f32 v56, v18;
	v19 =	vshrl.u32 v6, $0x11;
	[tilespmem:v13+s30+$0x0] =	vst.idx.add.s32.msk $0xffff, v4  }
0x402: {  	v11 =	vsub.f32 v55, v16;
	v5 =	vmul.f32 v5, v5;
	v58 =	vand.u32 $0x3FF0, v19;
	[tilespmem:v15+s30+$0x0] =	vst.idx.add.s32.msk $0xffff, v4  }
0x403: {  	v10 =	vmul.f32 v10, v10;
	v61 =	vshrl.u32 v12, $0x11;
	v60 =	vor.u32 v3, v58;
	[tilespmem:v57+s30+$0x0] =	vst.idx.add.s32.msk $0xffff, v4  }
0x404: {  	v8 =	vmul.f32 v8, v8;
	v62 =	vand.u32 $0x3FF0, v61;
	[tilespmem:v13+s31+$0x0] =	vst.idx.add.f32.msk $0xffff, v5;
	v5 =	vshrl.u32 v9, $0x11  }
0x405: {  	[tilespmem:v57+s31+$0x0] =	vst.idx.add.f32.msk $0xffff, v10;
	v10 =	vor.u32 v3, v62;
	v5 =	vand.u32 $0x3FF0, v5  }
0x406: {  	v16 =	vshrl.u32 v11, $0x11;
	[tilespmem:v15+s31+$0x0] =	vst.idx.add.f32.msk $0xffff, v8;
	v8 =	vor.u32 v3, v5  }
0x407: {  	v7 =	vsub.f32 v59, v7;
	v5 =	vmul.f32 v6, v6;
	v6 =	vand.u32 $0x3FF0, v16  }
0x408: {  	v6 =	vor.u32 v3, v6;
	[tilespmem:v60+s30+$0x0] =	vst.idx.add.s32.msk $0xffff, v4  }
0x409: {  	v63 =	vshrl.u32 v7, $0x11;
	[tilespmem:v60+s31+$0x0] =	vst.idx.add.f32.msk $0xffff, v5  }
0x40a: {  	v9 =	vmul.f32 v9, v9;
	v5 =	vand.u32 $0x3FF0, v63;
	[tilespmem:v10+s30+$0x0] =	vst.idx.add.s32.msk $0xffff, v4  }
0x40b: {  	v5 =	vor.u32 v3, v5;
	[tilespmem:v8+s30+$0x0] =	vst.idx.add.s32.msk $0xffff, v4  }
0x40c: {  	v11 =	vmul.f32 v11, v11;
	[tilespmem:v8+s31+$0x0] =	vst.idx.add.f32.msk $0xffff, v9  }
0x40d: {  	[tilespmem:v6+s30+$0x0] =	vst.idx.add.s32.msk $0xffff, v4;
	v8 =	vmul.f32 v12, v12  }
0x40e: {  	[tilespmem:v6+s31+$0x0] =	vst.idx.add.f32.msk $0xffff, v11  }
0x40f: {  	[tilespmem:v10+s31+$0x0] =	vst.idx.add.f32.msk $0xffff, v8  }
0x410: {  	s9 =	simm.s32 $0xC0;
	s8 =	simm.s32 $0x0;
	v6 =	vmul.f32 v7, v7;
	[tilespmem:v5+s30+$0x0] =	vst.idx.add.s32.msk $0xffff, v4  }
.LBB2_28:
0x411: {  	v7 =	vld [tilespmem:s9+$0x30];
	s7 =	sadd.s32 $0x80, s7  }
0x412: {  	v8 =	vld [tilespmem:s7+$0x30]  }
0x413: {  	s8 =	sadd.s32 $0x8, s8;
	v9 =	vld [tilespmem:s7+$0xFFFFFFC0]  }
0x414: {  	p1 =	slt.u32 s8, $0x1F8;
	v10 =	vld [tilespmem:s9+$0xFFFFFFD0]  }
0x415: {  	v11 =	vld [tilespmem:s7+$0xFFFFFFD0]  }
0x416: {  	v12 =	vld [tilespmem:s9+$0xFFFFFFE0]  }
0x417: {  	v13 =	vld [tilespmem:s7+$0xFFFFFFE0];
	v7 =	vsub.f32 v7, v8  }
0x418: {  	v8 =	vld [tilespmem:s9+$0xFFFFFFF0]  }
0x419: {  	v14 =	vld [tilespmem:s7+$0xFFFFFFF0];
	v15 =	vshrl.u32 v7, $0x11  }
0x41a: {  	v10 =	vsub.f32 v10, v11;
	v11 =	vld [tilespmem:s9+$0x0];
	v15 =	vand.u32 $0x3FF0, v15  }
0x41b: {  	v16 =	vld [tilespmem:s7+$0x0];
	v15 =	vor.u32 v3, v15  }
0x41c: {  	v17 =	vshrl.u32 v10, $0x11;
	v10 =	vmul.f32 v10, v10;
	v12 =	vsub.f32 v12, v13;
	v13 =	vld [tilespmem:s9+$0x10]  }
0x41d: {  	v17 =	vand.u32 $0x3FF0, v17;
	v18 =	vld [tilespmem:s7+$0x10]  }
0x41e: {  	v19 =	vshrl.u32 v12, $0x11;
	v12 =	vmul.f32 v12, v12;
	v8 =	vsub.f32 v8, v14;
	v14 =	vld [tilespmem:s9+$0x20]  }
0x41f: {  	v7 =	vmul.f32 v7, v7;
	v17 =	vor.u32 v3, v17;
	v19 =	vand.u32 $0x3FF0, v19;
	v20 =	vld [tilespmem:s7+$0x20]  }
0x420: {  	v21 =	vshrl.u32 v8, $0x11;
	v8 =	vmul.f32 v8, v8;
	v11 =	vsub.f32 v11, v16;
	[tilespmem:v15+s30+$0x0] =	vst.idx.add.s32.msk $0xffff, v4  }
0x421: {  	v16 =	vor.u32 v3, v19;
	v19 =	vand.u32 $0x3FF0, v21;
	[tilespmem:v15+s31+$0x0] =	vst.idx.add.f32.msk $0xffff, v7  }
0x422: {  	v7 =	vld [tilespmem:s9+$0xFFFFFFC0];
	v15 =	vshrl.u32 v11, $0x11;
	v11 =	vmul.f32 v11, v11;
	v13 =	vsub.f32 v13, v18  }
0x423: {  	v18 =	vor.u32 v3, v19;
	v15 =	vand.u32 $0x3FF0, v15;
	[tilespmem:v5+s31+$0x0] =	vst.idx.add.f32.msk $0xffff, v6  }
0x424: {  	[tilespmem:v17+s30+$0x0] =	vst.idx.add.s32.msk $0xffff, v4;
	v5 =	vshrl.u32 v13, $0x11;
	v13 =	vmul.f32 v13, v13;
	v6 =	vsub.f32 v14, v20  }
0x425: {  	[tilespmem:v17+s31+$0x0] =	vst.idx.add.f32.msk $0xffff, v10;
	v10 =	vor.u32 v3, v15;
	v5 =	vand.u32 $0x3FF0, v5  }
0x426: {  	[tilespmem:v16+s30+$0x0] =	vst.idx.add.s32.msk $0xffff, v4;
	v14 =	vor.u32 v3, v5;
	v5 =	vshrl.u32 v6, $0x11;
	v15 =	vmul.f32 v6, v6  }
0x427: {  	v6 =	vsub.f32 v7, v9;
	[tilespmem:v16+s31+$0x0] =	vst.idx.add.f32.msk $0xffff, v12;
	v5 =	vand.u32 $0x3FF0, v5  }
0x428: {  	[tilespmem:v18+s30+$0x0] =	vst.idx.add.s32.msk $0xffff, v4;
	v7 =	vor.u32 v3, v5  }
0x429: {  	v5 =	vshrl.u32 v6, $0x11;
	v6 =	vmul.f32 v6, v6;
	[tilespmem:v18+s31+$0x0] =	vst.idx.add.f32.msk $0xffff, v8  }
0x42a: {  	v5 =	vand.u32 $0x3FF0, v5;
	[tilespmem:v10+s30+$0x0] =	vst.idx.add.s32.msk $0xffff, v4  }
0x42b: {  	v5 =	vor.u32 v3, v5;
	[tilespmem:v10+s31+$0x0] =	vst.idx.add.f32.msk $0xffff, v11  }
.Ltmp13:
0x42c: {  	[tilespmem:v14+s30+$0x0] =	vst.idx.add.s32.msk $0xffff, v4;
	(pc) =	sbr.rel @p1 .LBB2_28-.Ltmp13, $4  }
0x42d: {  	[tilespmem:v14+s31+$0x0] =	vst.idx.add.f32.msk $0xffff, v13  }
0x42e: {  	[tilespmem:v7+s30+$0x0] =	vst.idx.add.s32.msk $0xffff, v4  }
0x42f: {  	[tilespmem:v7+s31+$0x0] =	vst.idx.add.f32.msk $0xffff, v15  }
0x430: {  	s9 =	sadd.s32 $0x80, s9;
	[tilespmem:v5+s30+$0x0] =	vst.idx.add.s32.msk $0xffff, v4  }
0x431: {  	_ =	sdelay $0x3  }
0x432: {  	[tilespmem:v5+s31+$0x0] =	vst.idx.add.f32.msk $0xffff, v6  }
0x433: {  	s7 =	sld [smem:$0x7F0];
	_ =	sdelay $0x1  }
0x434: {  	s10 =	sld [smem:$0x7F1]  }
0x435: {  	[tilespmem:s2], [sflag:$0x1] =	stream.strided.gather [hbm4b:s7+s22], $0x2000, s23, s22, $0x38;
	[tilespmem:$0x18040] =	vst v63  }
0x436: {  	_ = 	snop  }
0x437: {  	[tilespmem:s24], [sflag:$0x2] =	stream.strided.gather [hbm4b:s10+s22], $0x2000, s23, s22, $0x38;
	[tilespmem:$0x18040] =	vst v63  }
0x438: {  	_ =	swait.ge [sflag:s0], $0x2000  }
0x439: {  	[sflag:s0] =	ssyncset.done $0x0  }
0x43a: {  	[sflag:s0] =	ssyncadd.s32 $0xFFFFE000  }
0x43b: {  	_ =	swait.ge [sflag:s1], $0x2000  }
0x43c: {  	[sflag:s1] =	ssyncset.done $0x0  }
0x43d: {  	s8 =	simm.s32 $0x2070;
	[sflag:s1] =	ssyncadd.s32 $0xFFFFE000  }
0x43e: {  	s7 =	simm.s32 $0x6070;
	v5 =	vld [tilespmem:s8+$0x0]  }
0x43f: {  	v6 =	vld [tilespmem:s7+$0x0]  }
0x440: {  	v8 =	vld [tilespmem:s8+$0xFFFFFFA0]  }
0x441: {  	v9 =	vld [tilespmem:s7+$0xFFFFFFA0]  }
0x442: {  	v10 =	vld [tilespmem:s8+$0xFFFFFFB0]  }
0x443: {  	v11 =	vld [tilespmem:s7+$0xFFFFFFB0]  }
0x444: {  	v12 =	vld [tilespmem:s7+$0xFFFFFFC0]  }
0x445: {  	v54 =	vld [tilespmem:s8+$0xFFFFFFD0]  }
0x446: {  	v14 =	vld [tilespmem:s7+$0xFFFFFFD0];
	v5 =	vsub.f32 v5, v6  }
0x447: {  	v55 =	vld [tilespmem:s8+$0xFFFFFFE0];
	v8 =	vsub.f32 v8, v9  }
0x448: {  	v6 =	vld [tilespmem:s8+$0xFFFFFFC0];
	v10 =	vsub.f32 v10, v11;
	v13 =	vshrl.u32 v5, $0x11  }
0x449: {  	v56 =	vld [tilespmem:s8+$0xFFFFFFF0];
	v15 =	vshrl.u32 v8, $0x11;
	v13 =	vand.u32 $0x3FF0, v13  }
0x44a: {  	v18 =	vld [tilespmem:s7+$0xFFFFFFF0];
	v17 =	vshrl.u32 v10, $0x11;
	v15 =	vand.u32 $0x3FF0, v15;
	v13 =	vor.u32 v3, v13  }
0x44b: {  	v16 =	vld [tilespmem:s7+$0xFFFFFFE0];
	v17 =	vand.u32 $0x3FF0, v17;
	v15 =	vor.u32 v3, v15  }
0x44c: {  	v57 =	vor.u32 v3, v17  }
0x44d: {  	v7 =	vld [tilespmem:s7+$0xFFFFFF90];
	v6 =	vsub.f32 v6, v12  }
0x44e: {  	v59 =	vld [tilespmem:s8+$0xFFFFFF90]  }
0x44f: {  	v9 =	vsub.f32 v54, v14;
	v12 =	vsub.f32 v56, v18;
	v19 =	vshrl.u32 v6, $0x11;
	[tilespmem:v13+s30+$0x0] =	vst.idx.add.s32.msk $0xffff, v4  }
0x450: {  	v11 =	vsub.f32 v55, v16;
	v5 =	vmul.f32 v5, v5;
	v58 =	vand.u32 $0x3FF0, v19;
	[tilespmem:v15+s30+$0x0] =	vst.idx.add.s32.msk $0xffff, v4  }
0x451: {  	v10 =	vmul.f32 v10, v10;
	v61 =	vshrl.u32 v12, $0x11;
	v60 =	vor.u32 v3, v58;
	[tilespmem:v57+s30+$0x0] =	vst.idx.add.s32.msk $0xffff, v4  }
0x452: {  	v8 =	vmul.f32 v8, v8;
	v62 =	vand.u32 $0x3FF0, v61;
	[tilespmem:v13+s31+$0x0] =	vst.idx.add.f32.msk $0xffff, v5;
	v5 =	vshrl.u32 v9, $0x11  }
0x453: {  	[tilespmem:v57+s31+$0x0] =	vst.idx.add.f32.msk $0xffff, v10;
	v10 =	vor.u32 v3, v62;
	v5 =	vand.u32 $0x3FF0, v5  }
0x454: {  	v16 =	vshrl.u32 v11, $0x11;
	[tilespmem:v15+s31+$0x0] =	vst.idx.add.f32.msk $0xffff, v8;
	v8 =	vor.u32 v3, v5  }
0x455: {  	v7 =	vsub.f32 v59, v7;
	v5 =	vmul.f32 v6, v6;
	v6 =	vand.u32 $0x3FF0, v16  }
0x456: {  	v6 =	vor.u32 v3, v6;
	[tilespmem:v60+s30+$0x0] =	vst.idx.add.s32.msk $0xffff, v4  }
0x457: {  	v63 =	vshrl.u32 v7, $0x11;
	[tilespmem:v60+s31+$0x0] =	vst.idx.add.f32.msk $0xffff, v5  }
0x458: {  	v9 =	vmul.f32 v9, v9;
	v5 =	vand.u32 $0x3FF0, v63;
	[tilespmem:v10+s30+$0x0] =	vst.idx.add.s32.msk $0xffff, v4  }
0x459: {  	v5 =	vor.u32 v3, v5;
	[tilespmem:v8+s30+$0x0] =	vst.idx.add.s32.msk $0xffff, v4  }
0x45a: {  	v11 =	vmul.f32 v11, v11;
	[tilespmem:v8+s31+$0x0] =	vst.idx.add.f32.msk $0xffff, v9  }
0x45b: {  	[tilespmem:v6+s30+$0x0] =	vst.idx.add.s32.msk $0xffff, v4;
	v8 =	vmul.f32 v12, v12  }
0x45c: {  	[tilespmem:v6+s31+$0x0] =	vst.idx.add.f32.msk $0xffff, v11  }
0x45d: {  	[tilespmem:v10+s31+$0x0] =	vst.idx.add.f32.msk $0xffff, v8  }
0x45e: {  	s9 =	simm.s32 $0x20F0;
	s8 =	simm.s32 $0x0;
	v6 =	vmul.f32 v7, v7;
	[tilespmem:v5+s30+$0x0] =	vst.idx.add.s32.msk $0xffff, v4  }
.LBB2_30:
0x45f: {  	v7 =	vld [tilespmem:s9+$0x0];
	s7 =	sadd.s32 $0x80, s7  }
0x460: {  	v8 =	vld [tilespmem:s7+$0x0]  }
0x461: {  	s8 =	sadd.s32 $0x8, s8;
	v9 =	vld [tilespmem:s7+$0xFFFFFF90]  }
0x462: {  	p1 =	slt.u32 s8, $0x1F8;
	v10 =	vld [tilespmem:s9+$0xFFFFFFA0]  }
0x463: {  	v11 =	vld [tilespmem:s7+$0xFFFFFFA0]  }
0x464: {  	v12 =	vld [tilespmem:s9+$0xFFFFFFB0]  }
0x465: {  	v13 =	vld [tilespmem:s7+$0xFFFFFFB0];
	v7 =	vsub.f32 v7, v8  }
0x466: {  	v8 =	vld [tilespmem:s9+$0xFFFFFFC0]  }
0x467: {  	v14 =	vld [tilespmem:s7+$0xFFFFFFC0];
	v15 =	vshrl.u32 v7, $0x11  }
0x468: {  	v10 =	vsub.f32 v10, v11;
	v11 =	vld [tilespmem:s9+$0xFFFFFFD0];
	v15 =	vand.u32 $0x3FF0, v15  }
0x469: {  	v16 =	vld [tilespmem:s7+$0xFFFFFFD0];
	v15 =	vor.u32 v3, v15  }
0x46a: {  	v17 =	vshrl.u32 v10, $0x11;
	v10 =	vmul.f32 v10, v10;
	v12 =	vsub.f32 v12, v13;
	v13 =	vld [tilespmem:s9+$0xFFFFFFE0]  }
0x46b: {  	v17 =	vand.u32 $0x3FF0, v17;
	v18 =	vld [tilespmem:s7+$0xFFFFFFE0]  }
0x46c: {  	v19 =	vshrl.u32 v12, $0x11;
	v12 =	vmul.f32 v12, v12;
	v8 =	vsub.f32 v8, v14;
	v14 =	vld [tilespmem:s9+$0xFFFFFFF0]  }
0x46d: {  	v7 =	vmul.f32 v7, v7;
	v17 =	vor.u32 v3, v17;
	v19 =	vand.u32 $0x3FF0, v19;
	v20 =	vld [tilespmem:s7+$0xFFFFFFF0]  }
0x46e: {  	v21 =	vshrl.u32 v8, $0x11;
	v8 =	vmul.f32 v8, v8;
	v11 =	vsub.f32 v11, v16;
	[tilespmem:v15+s30+$0x0] =	vst.idx.add.s32.msk $0xffff, v4  }
0x46f: {  	v16 =	vor.u32 v3, v19;
	v19 =	vand.u32 $0x3FF0, v21;
	[tilespmem:v15+s31+$0x0] =	vst.idx.add.f32.msk $0xffff, v7  }
0x470: {  	v7 =	vld [tilespmem:s9+$0xFFFFFF90];
	v15 =	vshrl.u32 v11, $0x11;
	v11 =	vmul.f32 v11, v11;
	v13 =	vsub.f32 v13, v18  }
0x471: {  	v18 =	vor.u32 v3, v19;
	v15 =	vand.u32 $0x3FF0, v15;
	[tilespmem:v5+s31+$0x0] =	vst.idx.add.f32.msk $0xffff, v6  }
0x472: {  	[tilespmem:v17+s30+$0x0] =	vst.idx.add.s32.msk $0xffff, v4;
	v5 =	vshrl.u32 v13, $0x11;
	v13 =	vmul.f32 v13, v13;
	v6 =	vsub.f32 v14, v20  }
0x473: {  	[tilespmem:v17+s31+$0x0] =	vst.idx.add.f32.msk $0xffff, v10;
	v10 =	vor.u32 v3, v15;
	v5 =	vand.u32 $0x3FF0, v5  }
0x474: {  	[tilespmem:v16+s30+$0x0] =	vst.idx.add.s32.msk $0xffff, v4;
	v14 =	vor.u32 v3, v5;
	v5 =	vshrl.u32 v6, $0x11;
	v15 =	vmul.f32 v6, v6  }
0x475: {  	v6 =	vsub.f32 v7, v9;
	[tilespmem:v16+s31+$0x0] =	vst.idx.add.f32.msk $0xffff, v12;
	v5 =	vand.u32 $0x3FF0, v5  }
0x476: {  	[tilespmem:v18+s30+$0x0] =	vst.idx.add.s32.msk $0xffff, v4;
	v7 =	vor.u32 v3, v5  }
0x477: {  	v5 =	vshrl.u32 v6, $0x11;
	v6 =	vmul.f32 v6, v6;
	[tilespmem:v18+s31+$0x0] =	vst.idx.add.f32.msk $0xffff, v8  }
0x478: {  	v5 =	vand.u32 $0x3FF0, v5;
	[tilespmem:v10+s30+$0x0] =	vst.idx.add.s32.msk $0xffff, v4  }
0x479: {  	v5 =	vor.u32 v3, v5;
	[tilespmem:v10+s31+$0x0] =	vst.idx.add.f32.msk $0xffff, v11  }
.Ltmp14:
0x47a: {  	[tilespmem:v14+s30+$0x0] =	vst.idx.add.s32.msk $0xffff, v4;
	(pc) =	sbr.rel @p1 .LBB2_30-.Ltmp14, $4  }
0x47b: {  	[tilespmem:v14+s31+$0x0] =	vst.idx.add.f32.msk $0xffff, v13  }
0x47c: {  	[tilespmem:v7+s30+$0x0] =	vst.idx.add.s32.msk $0xffff, v4  }
0x47d: {  	[tilespmem:v7+s31+$0x0] =	vst.idx.add.f32.msk $0xffff, v15  }
0x47e: {  	s9 =	sadd.s32 $0x80, s9;
	[tilespmem:v5+s30+$0x0] =	vst.idx.add.s32.msk $0xffff, v4  }
0x47f: {  	_ =	sdelay $0x3  }
0x480: {  	[tilespmem:v5+s31+$0x0] =	vst.idx.add.f32.msk $0xffff, v6  }
0x481: {  	s7 =	sld [smem:$0x7F4];
	_ =	sdelay $0x1  }
0x482: {  	s10 =	sld [smem:$0x7F5]  }
0x483: {  	[tilespmem:s25], [sflag:$0x3] =	stream.strided.gather [hbm4b:s7+s22], $0x2000, s23, s22, $0x38;
	[tilespmem:$0x18040] =	vst v63  }
0x484: {  	_ = 	snop  }
0x485: {  	[tilespmem:s26], [sflag:$0x4] =	stream.strided.gather [hbm4b:s10+s22], $0x2000, s23, s22, $0x38;
	[tilespmem:$0x18040] =	vst v63  }
0x486: {  	_ =	swait.ge [sflag:s28], $0x2000  }
0x487: {  	[sflag:s28] =	ssyncset.done $0x0  }
0x488: {  	[sflag:s28] =	ssyncadd.s32 $0xFFFFE000  }
0x489: {  	_ =	swait.ge [sflag:s29], $0x2000  }
0x48a: {  	[sflag:s29] =	ssyncset.done $0x0  }
0x48b: {  	s8 =	simm.s32 $0x40;
	[sflag:s29] =	ssyncadd.s32 $0xFFFFE000  }
0x48c: {  	s7 =	simm.s32 $0x4040;
	v5 =	vld [tilespmem:s8+$0x30]  }
0x48d: {  	v6 =	vld [tilespmem:s7+$0x30]  }
0x48e: {  	v8 =	vld [tilespmem:s8+$0xFFFFFFD0]  }
0x48f: {  	v9 =	vld [tilespmem:s7+$0xFFFFFFD0]  }
0x490: {  	v10 =	vld [tilespmem:s8+$0xFFFFFFE0]  }
0x491: {  	v11 =	vld [tilespmem:s7+$0xFFFFFFE0]  }
0x492: {  	v12 =	vld [tilespmem:s7+$0xFFFFFFF0]  }
0x493: {  	v54 =	vld [tilespmem:s8+$0x0]  }
0x494: {  	v14 =	vld [tilespmem:s7+$0x0];
	v5 =	vsub.f32 v5, v6  }
0x495: {  	v55 =	vld [tilespmem:s8+$0x10];
	v8 =	vsub.f32 v8, v9  }
0x496: {  	v6 =	vld [tilespmem:s8+$0xFFFFFFF0];
	v10 =	vsub.f32 v10, v11;
	v13 =	vshrl.u32 v5, $0x11  }
0x497: {  	v56 =	vld [tilespmem:s8+$0x20];
	v15 =	vshrl.u32 v8, $0x11;
	v13 =	vand.u32 $0x3FF0, v13  }
0x498: {  	v18 =	vld [tilespmem:s7+$0x20];
	v17 =	vshrl.u32 v10, $0x11;
	v15 =	vand.u32 $0x3FF0, v15;
	v13 =	vor.u32 v3, v13  }
0x499: {  	v16 =	vld [tilespmem:s7+$0x10];
	v17 =	vand.u32 $0x3FF0, v17;
	v15 =	vor.u32 v3, v15  }
0x49a: {  	v57 =	vor.u32 v3, v17  }
0x49b: {  	v7 =	vld [tilespmem:s7+$0xFFFFFFC0];
	v6 =	vsub.f32 v6, v12  }
0x49c: {  	v59 =	vld [tilespmem:s8+$0xFFFFFFC0]  }
0x49d: {  	v9 =	vsub.f32 v54, v14;
	v12 =	vsub.f32 v56, v18;
	v19 =	vshrl.u32 v6, $0x11;
	[tilespmem:v13+s30+$0x0] =	vst.idx.add.s32.msk $0xffff, v4  }
0x49e: {  	v11 =	vsub.f32 v55, v16;
	v5 =	vmul.f32 v5, v5;
	v58 =	vand.u32 $0x3FF0, v19;
	[tilespmem:v15+s30+$0x0] =	vst.idx.add.s32.msk $0xffff, v4  }
0x49f: {  	v10 =	vmul.f32 v10, v10;
	v61 =	vshrl.u32 v12, $0x11;
	v60 =	vor.u32 v3, v58;
	[tilespmem:v57+s30+$0x0] =	vst.idx.add.s32.msk $0xffff, v4  }
0x4a0: {  	v8 =	vmul.f32 v8, v8;
	v62 =	vand.u32 $0x3FF0, v61;
	[tilespmem:v13+s31+$0x0] =	vst.idx.add.f32.msk $0xffff, v5;
	v5 =	vshrl.u32 v9, $0x11  }
0x4a1: {  	[tilespmem:v57+s31+$0x0] =	vst.idx.add.f32.msk $0xffff, v10;
	v10 =	vor.u32 v3, v62;
	v5 =	vand.u32 $0x3FF0, v5  }
0x4a2: {  	v16 =	vshrl.u32 v11, $0x11;
	[tilespmem:v15+s31+$0x0] =	vst.idx.add.f32.msk $0xffff, v8;
	v8 =	vor.u32 v3, v5  }
0x4a3: {  	v7 =	vsub.f32 v59, v7;
	v5 =	vmul.f32 v6, v6;
	v6 =	vand.u32 $0x3FF0, v16  }
0x4a4: {  	v6 =	vor.u32 v3, v6;
	[tilespmem:v60+s30+$0x0] =	vst.idx.add.s32.msk $0xffff, v4  }
0x4a5: {  	v63 =	vshrl.u32 v7, $0x11;
	[tilespmem:v60+s31+$0x0] =	vst.idx.add.f32.msk $0xffff, v5  }
0x4a6: {  	v9 =	vmul.f32 v9, v9;
	v5 =	vand.u32 $0x3FF0, v63;
	[tilespmem:v10+s30+$0x0] =	vst.idx.add.s32.msk $0xffff, v4  }
0x4a7: {  	v5 =	vor.u32 v3, v5;
	[tilespmem:v8+s30+$0x0] =	vst.idx.add.s32.msk $0xffff, v4  }
0x4a8: {  	v11 =	vmul.f32 v11, v11;
	[tilespmem:v8+s31+$0x0] =	vst.idx.add.f32.msk $0xffff, v9  }
0x4a9: {  	[tilespmem:v6+s30+$0x0] =	vst.idx.add.s32.msk $0xffff, v4;
	v8 =	vmul.f32 v12, v12  }
0x4aa: {  	[tilespmem:v6+s31+$0x0] =	vst.idx.add.f32.msk $0xffff, v11  }
0x4ab: {  	[tilespmem:v10+s31+$0x0] =	vst.idx.add.f32.msk $0xffff, v8  }
0x4ac: {  	s9 =	simm.s32 $0xC0;
	s8 =	simm.s32 $0x0;
	v6 =	vmul.f32 v7, v7;
	[tilespmem:v5+s30+$0x0] =	vst.idx.add.s32.msk $0xffff, v4  }
.LBB2_32:
0x4ad: {  	v7 =	vld [tilespmem:s9+$0x30];
	s7 =	sadd.s32 $0x80, s7  }
0x4ae: {  	v8 =	vld [tilespmem:s7+$0x30]  }
0x4af: {  	s8 =	sadd.s32 $0x8, s8;
	v9 =	vld [tilespmem:s7+$0xFFFFFFC0]  }
0x4b0: {  	p1 =	slt.u32 s8, $0x1F8;
	v10 =	vld [tilespmem:s9+$0xFFFFFFD0]  }
0x4b1: {  	v11 =	vld [tilespmem:s7+$0xFFFFFFD0]  }
0x4b2: {  	v12 =	vld [tilespmem:s9+$0xFFFFFFE0]  }
0x4b3: {  	v13 =	vld [tilespmem:s7+$0xFFFFFFE0];
	v7 =	vsub.f32 v7, v8  }
0x4b4: {  	v8 =	vld [tilespmem:s9+$0xFFFFFFF0]  }
0x4b5: {  	v14 =	vld [tilespmem:s7+$0xFFFFFFF0];
	v15 =	vshrl.u32 v7, $0x11  }
0x4b6: {  	v10 =	vsub.f32 v10, v11;
	v11 =	vld [tilespmem:s9+$0x0];
	v15 =	vand.u32 $0x3FF0, v15  }
0x4b7: {  	v16 =	vld [tilespmem:s7+$0x0];
	v15 =	vor.u32 v3, v15  }
0x4b8: {  	v17 =	vshrl.u32 v10, $0x11;
	v10 =	vmul.f32 v10, v10;
	v12 =	vsub.f32 v12, v13;
	v13 =	vld [tilespmem:s9+$0x10]  }
0x4b9: {  	v17 =	vand.u32 $0x3FF0, v17;
	v18 =	vld [tilespmem:s7+$0x10]  }
0x4ba: {  	v19 =	vshrl.u32 v12, $0x11;
	v12 =	vmul.f32 v12, v12;
	v8 =	vsub.f32 v8, v14;
	v14 =	vld [tilespmem:s9+$0x20]  }
0x4bb: {  	v7 =	vmul.f32 v7, v7;
	v17 =	vor.u32 v3, v17;
	v19 =	vand.u32 $0x3FF0, v19;
	v20 =	vld [tilespmem:s7+$0x20]  }
0x4bc: {  	v21 =	vshrl.u32 v8, $0x11;
	v8 =	vmul.f32 v8, v8;
	v11 =	vsub.f32 v11, v16;
	[tilespmem:v15+s30+$0x0] =	vst.idx.add.s32.msk $0xffff, v4  }
0x4bd: {  	v16 =	vor.u32 v3, v19;
	v19 =	vand.u32 $0x3FF0, v21;
	[tilespmem:v15+s31+$0x0] =	vst.idx.add.f32.msk $0xffff, v7  }
0x4be: {  	v7 =	vld [tilespmem:s9+$0xFFFFFFC0];
	v15 =	vshrl.u32 v11, $0x11;
	v11 =	vmul.f32 v11, v11;
	v13 =	vsub.f32 v13, v18  }
0x4bf: {  	v18 =	vor.u32 v3, v19;
	v15 =	vand.u32 $0x3FF0, v15;
	[tilespmem:v5+s31+$0x0] =	vst.idx.add.f32.msk $0xffff, v6  }
0x4c0: {  	[tilespmem:v17+s30+$0x0] =	vst.idx.add.s32.msk $0xffff, v4;
	v5 =	vshrl.u32 v13, $0x11;
	v13 =	vmul.f32 v13, v13;
	v6 =	vsub.f32 v14, v20  }
0x4c1: {  	[tilespmem:v17+s31+$0x0] =	vst.idx.add.f32.msk $0xffff, v10;
	v10 =	vor.u32 v3, v15;
	v5 =	vand.u32 $0x3FF0, v5  }
0x4c2: {  	[tilespmem:v16+s30+$0x0] =	vst.idx.add.s32.msk $0xffff, v4;
	v14 =	vor.u32 v3, v5;
	v5 =	vshrl.u32 v6, $0x11;
	v15 =	vmul.f32 v6, v6  }
0x4c3: {  	v6 =	vsub.f32 v7, v9;
	[tilespmem:v16+s31+$0x0] =	vst.idx.add.f32.msk $0xffff, v12;
	v5 =	vand.u32 $0x3FF0, v5  }
0x4c4: {  	[tilespmem:v18+s30+$0x0] =	vst.idx.add.s32.msk $0xffff, v4;
	v7 =	vor.u32 v3, v5  }
0x4c5: {  	v5 =	vshrl.u32 v6, $0x11;
	v6 =	vmul.f32 v6, v6;
	[tilespmem:v18+s31+$0x0] =	vst.idx.add.f32.msk $0xffff, v8  }
0x4c6: {  	v5 =	vand.u32 $0x3FF0, v5;
	[tilespmem:v10+s30+$0x0] =	vst.idx.add.s32.msk $0xffff, v4  }
0x4c7: {  	v5 =	vor.u32 v3, v5;
	[tilespmem:v10+s31+$0x0] =	vst.idx.add.f32.msk $0xffff, v11  }
.Ltmp15:
0x4c8: {  	[tilespmem:v14+s30+$0x0] =	vst.idx.add.s32.msk $0xffff, v4;
	(pc) =	sbr.rel @p1 .LBB2_32-.Ltmp15, $4  }
0x4c9: {  	[tilespmem:v14+s31+$0x0] =	vst.idx.add.f32.msk $0xffff, v13  }
0x4ca: {  	[tilespmem:v7+s30+$0x0] =	vst.idx.add.s32.msk $0xffff, v4  }
0x4cb: {  	[tilespmem:v7+s31+$0x0] =	vst.idx.add.f32.msk $0xffff, v15  }
0x4cc: {  	s9 =	sadd.s32 $0x80, s9;
	[tilespmem:v5+s30+$0x0] =	vst.idx.add.s32.msk $0xffff, v4  }
0x4cd: {  	_ =	sdelay $0x3  }
0x4ce: {  	[tilespmem:v5+s31+$0x0] =	vst.idx.add.f32.msk $0xffff, v6  }
0x4cf: {  	_ =	swait.ge [sflag:s0], $0x2000  }
0x4d0: {  	[sflag:s0] =	ssyncset.done $0x0  }
0x4d1: {  	[sflag:s0] =	ssyncadd.s32 $0xFFFFE000  }
0x4d2: {  	_ =	swait.ge [sflag:s1], $0x2000  }
0x4d3: {  	[sflag:s1] =	ssyncset.done $0x0  }
0x4d4: {  	s8 =	simm.s32 $0x2070;
	[sflag:s1] =	ssyncadd.s32 $0xFFFFE000  }
0x4d5: {  	s7 =	simm.s32 $0x6070;
	v5 =	vld [tilespmem:s8+$0x0]  }
0x4d6: {  	v6 =	vld [tilespmem:s7+$0x0]  }
0x4d7: {  	v8 =	vld [tilespmem:s8+$0xFFFFFFA0]  }
0x4d8: {  	v9 =	vld [tilespmem:s7+$0xFFFFFFA0]  }
0x4d9: {  	v10 =	vld [tilespmem:s8+$0xFFFFFFB0]  }
0x4da: {  	v11 =	vld [tilespmem:s7+$0xFFFFFFB0]  }
0x4db: {  	v12 =	vld [tilespmem:s7+$0xFFFFFFC0]  }
0x4dc: {  	v54 =	vld [tilespmem:s8+$0xFFFFFFD0]  }
0x4dd: {  	v14 =	vld [tilespmem:s7+$0xFFFFFFD0];
	v5 =	vsub.f32 v5, v6  }
0x4de: {  	v55 =	vld [tilespmem:s8+$0xFFFFFFE0];
	v8 =	vsub.f32 v8, v9  }
0x4df: {  	v6 =	vld [tilespmem:s8+$0xFFFFFFC0];
	v10 =	vsub.f32 v10, v11;
	v13 =	vshrl.u32 v5, $0x11  }
0x4e0: {  	v56 =	vld [tilespmem:s8+$0xFFFFFFF0];
	v15 =	vshrl.u32 v8, $0x11;
	v13 =	vand.u32 $0x3FF0, v13  }
0x4e1: {  	v18 =	vld [tilespmem:s7+$0xFFFFFFF0];
	v17 =	vshrl.u32 v10, $0x11;
	v15 =	vand.u32 $0x3FF0, v15;
	v13 =	vor.u32 v3, v13  }
0x4e2: {  	v16 =	vld [tilespmem:s7+$0xFFFFFFE0];
	v17 =	vand.u32 $0x3FF0, v17;
	v15 =	vor.u32 v3, v15  }
0x4e3: {  	v57 =	vor.u32 v3, v17  }
0x4e4: {  	v7 =	vld [tilespmem:s7+$0xFFFFFF90];
	v6 =	vsub.f32 v6, v12  }
0x4e5: {  	v59 =	vld [tilespmem:s8+$0xFFFFFF90]  }
0x4e6: {  	v9 =	vsub.f32 v54, v14;
	v12 =	vsub.f32 v56, v18;
	v19 =	vshrl.u32 v6, $0x11;
	[tilespmem:v13+s30+$0x0] =	vst.idx.add.s32.msk $0xffff, v4  }
0x4e7: {  	v11 =	vsub.f32 v55, v16;
	v5 =	vmul.f32 v5, v5;
	v58 =	vand.u32 $0x3FF0, v19;
	[tilespmem:v15+s30+$0x0] =	vst.idx.add.s32.msk $0xffff, v4  }
0x4e8: {  	v10 =	vmul.f32 v10, v10;
	v61 =	vshrl.u32 v12, $0x11;
	v60 =	vor.u32 v3, v58;
	[tilespmem:v57+s30+$0x0] =	vst.idx.add.s32.msk $0xffff, v4  }
0x4e9: {  	v8 =	vmul.f32 v8, v8;
	v62 =	vand.u32 $0x3FF0, v61;
	[tilespmem:v13+s31+$0x0] =	vst.idx.add.f32.msk $0xffff, v5;
	v5 =	vshrl.u32 v9, $0x11  }
0x4ea: {  	[tilespmem:v57+s31+$0x0] =	vst.idx.add.f32.msk $0xffff, v10;
	v10 =	vor.u32 v3, v62;
	v5 =	vand.u32 $0x3FF0, v5  }
0x4eb: {  	v16 =	vshrl.u32 v11, $0x11;
	[tilespmem:v15+s31+$0x0] =	vst.idx.add.f32.msk $0xffff, v8;
	v8 =	vor.u32 v3, v5  }
0x4ec: {  	v7 =	vsub.f32 v59, v7;
	v5 =	vmul.f32 v6, v6;
	v6 =	vand.u32 $0x3FF0, v16  }
0x4ed: {  	v6 =	vor.u32 v3, v6;
	[tilespmem:v60+s30+$0x0] =	vst.idx.add.s32.msk $0xffff, v4  }
0x4ee: {  	v63 =	vshrl.u32 v7, $0x11;
	[tilespmem:v60+s31+$0x0] =	vst.idx.add.f32.msk $0xffff, v5  }
0x4ef: {  	v9 =	vmul.f32 v9, v9;
	v5 =	vand.u32 $0x3FF0, v63;
	[tilespmem:v10+s30+$0x0] =	vst.idx.add.s32.msk $0xffff, v4  }
0x4f0: {  	v5 =	vor.u32 v3, v5;
	[tilespmem:v8+s30+$0x0] =	vst.idx.add.s32.msk $0xffff, v4  }
0x4f1: {  	v11 =	vmul.f32 v11, v11;
	[tilespmem:v8+s31+$0x0] =	vst.idx.add.f32.msk $0xffff, v9  }
0x4f2: {  	[tilespmem:v6+s30+$0x0] =	vst.idx.add.s32.msk $0xffff, v4;
	v8 =	vmul.f32 v12, v12  }
0x4f3: {  	[tilespmem:v6+s31+$0x0] =	vst.idx.add.f32.msk $0xffff, v11  }
0x4f4: {  	[tilespmem:v10+s31+$0x0] =	vst.idx.add.f32.msk $0xffff, v8  }
0x4f5: {  	s9 =	simm.s32 $0x20F0;
	s8 =	simm.s32 $0x0;
	v6 =	vmul.f32 v7, v7;
	[tilespmem:v5+s30+$0x0] =	vst.idx.add.s32.msk $0xffff, v4  }
.LBB2_34:
0x4f6: {  	v7 =	vld [tilespmem:s9+$0x0];
	s7 =	sadd.s32 $0x80, s7  }
0x4f7: {  	v8 =	vld [tilespmem:s7+$0x0]  }
0x4f8: {  	s8 =	sadd.s32 $0x8, s8;
	v9 =	vld [tilespmem:s7+$0xFFFFFF90]  }
0x4f9: {  	p1 =	slt.u32 s8, $0x1F8;
	v10 =	vld [tilespmem:s9+$0xFFFFFFA0]  }
0x4fa: {  	v11 =	vld [tilespmem:s7+$0xFFFFFFA0]  }
0x4fb: {  	v12 =	vld [tilespmem:s9+$0xFFFFFFB0]  }
0x4fc: {  	v13 =	vld [tilespmem:s7+$0xFFFFFFB0];
	v7 =	vsub.f32 v7, v8  }
0x4fd: {  	v8 =	vld [tilespmem:s9+$0xFFFFFFC0]  }
0x4fe: {  	v14 =	vld [tilespmem:s7+$0xFFFFFFC0];
	v15 =	vshrl.u32 v7, $0x11  }
0x4ff: {  	v10 =	vsub.f32 v10, v11;
	v11 =	vld [tilespmem:s9+$0xFFFFFFD0];
	v15 =	vand.u32 $0x3FF0, v15  }
0x500: {  	v16 =	vld [tilespmem:s7+$0xFFFFFFD0];
	v15 =	vor.u32 v3, v15  }
0x501: {  	v17 =	vshrl.u32 v10, $0x11;
	v10 =	vmul.f32 v10, v10;
	v12 =	vsub.f32 v12, v13;
	v13 =	vld [tilespmem:s9+$0xFFFFFFE0]  }
0x502: {  	v17 =	vand.u32 $0x3FF0, v17;
	v18 =	vld [tilespmem:s7+$0xFFFFFFE0]  }
0x503: {  	v19 =	vshrl.u32 v12, $0x11;
	v12 =	vmul.f32 v12, v12;
	v8 =	vsub.f32 v8, v14;
	v14 =	vld [tilespmem:s9+$0xFFFFFFF0]  }
0x504: {  	v7 =	vmul.f32 v7, v7;
	v17 =	vor.u32 v3, v17;
	v19 =	vand.u32 $0x3FF0, v19;
	v20 =	vld [tilespmem:s7+$0xFFFFFFF0]  }
0x505: {  	v21 =	vshrl.u32 v8, $0x11;
	v8 =	vmul.f32 v8, v8;
	v11 =	vsub.f32 v11, v16;
	[tilespmem:v15+s30+$0x0] =	vst.idx.add.s32.msk $0xffff, v4  }
0x506: {  	v16 =	vor.u32 v3, v19;
	v19 =	vand.u32 $0x3FF0, v21;
	[tilespmem:v15+s31+$0x0] =	vst.idx.add.f32.msk $0xffff, v7  }
0x507: {  	v7 =	vld [tilespmem:s9+$0xFFFFFF90];
	v15 =	vshrl.u32 v11, $0x11;
	v11 =	vmul.f32 v11, v11;
	v13 =	vsub.f32 v13, v18  }
0x508: {  	v18 =	vor.u32 v3, v19;
	v15 =	vand.u32 $0x3FF0, v15;
	[tilespmem:v5+s31+$0x0] =	vst.idx.add.f32.msk $0xffff, v6  }
0x509: {  	[tilespmem:v17+s30+$0x0] =	vst.idx.add.s32.msk $0xffff, v4;
	v5 =	vshrl.u32 v13, $0x11;
	v13 =	vmul.f32 v13, v13;
	v6 =	vsub.f32 v14, v20  }
0x50a: {  	[tilespmem:v17+s31+$0x0] =	vst.idx.add.f32.msk $0xffff, v10;
	v10 =	vor.u32 v3, v15;
	v5 =	vand.u32 $0x3FF0, v5  }
0x50b: {  	[tilespmem:v16+s30+$0x0] =	vst.idx.add.s32.msk $0xffff, v4;
	v14 =	vor.u32 v3, v5;
	v5 =	vshrl.u32 v6, $0x11;
	v15 =	vmul.f32 v6, v6  }
0x50c: {  	v6 =	vsub.f32 v7, v9;
	[tilespmem:v16+s31+$0x0] =	vst.idx.add.f32.msk $0xffff, v12;
	v5 =	vand.u32 $0x3FF0, v5  }
0x50d: {  	[tilespmem:v18+s30+$0x0] =	vst.idx.add.s32.msk $0xffff, v4;
	v7 =	vor.u32 v3, v5  }
0x50e: {  	v5 =	vshrl.u32 v6, $0x11;
	v6 =	vmul.f32 v6, v6;
	[tilespmem:v18+s31+$0x0] =	vst.idx.add.f32.msk $0xffff, v8  }
0x50f: {  	v5 =	vand.u32 $0x3FF0, v5;
	[tilespmem:v10+s30+$0x0] =	vst.idx.add.s32.msk $0xffff, v4  }
0x510: {  	v5 =	vor.u32 v3, v5;
	[tilespmem:v10+s31+$0x0] =	vst.idx.add.f32.msk $0xffff, v11  }
.Ltmp16:
0x511: {  	[tilespmem:v14+s30+$0x0] =	vst.idx.add.s32.msk $0xffff, v4;
	(pc) =	sbr.rel @p1 .LBB2_34-.Ltmp16, $4  }
0x512: {  	[tilespmem:v14+s31+$0x0] =	vst.idx.add.f32.msk $0xffff, v13  }
0x513: {  	[tilespmem:v7+s30+$0x0] =	vst.idx.add.s32.msk $0xffff, v4  }
0x514: {  	[tilespmem:v7+s31+$0x0] =	vst.idx.add.f32.msk $0xffff, v15  }
0x515: {  	s9 =	sadd.s32 $0x80, s9;
	[tilespmem:v5+s30+$0x0] =	vst.idx.add.s32.msk $0xffff, v4  }
0x516: {  	_ =	sdelay $0x3  }
0x517: {  	[tilespmem:v5+s31+$0x0] =	vst.idx.add.f32.msk $0xffff, v6  }
0x518: {  	s7 =	sld [smem:$0x7F6];
	_ =	sdelay $0x2  }
0x519: {  	[spmem:s7] =	stream.linear.scatter [tilespmem:s30], [sflag:$0x5], $0x4000, $0x38;
	[tilespmem:$0x18040] =	vst v63  }
0x51a: {  	_ =	swait.ge [sflag:s3], $0x4000  }
0x51b: {  	s9 =	sld [smem:$0x7F7]  }
0x51c: {  	[sflag:s3] =	ssyncset.done $0x0  }
0x51d: {  	[sflag:s3] =	ssyncadd.s32 $0xFFFFC000  }
0x51e: {  	[spmem:s9] =	stream.linear.scatter [tilespmem:s31], [sflag:$0x5], $0x4000, $0x38;
	[tilespmem:$0x18040] =	vst v63  }
0x51f: {  	_ =	swait.ge [sflag:s3], $0x4000  }
0x520: {  	[sflag:s3] =	ssyncset.done $0x0  }
0x521: {  	[sflag:s3] =	ssyncadd.s32 $0xFFFFC000  }
0x522: {  	[bflag:$0x0] =	sbarrier.arrive $0xFFFF  }
0x523: {  	s10 =	sld [smem:$0x7FC];
	_ =	sdelay $0x2  }
0x524: {  	[tilespmem:s30], [sflag:$0x5] =	stream.linear.gather [spmem:s10], $0x1000, $0x38;
	[tilespmem:$0x18040] =	vst v63  }
0x525: {  	_ =	swait.ge [sflag:s3], $0x1000  }
0x526: {  	s8 =	sld [smem:$0x7FD]  }
0x527: {  	[sflag:s3] =	ssyncset.done $0x0  }
0x528: {  	[sflag:s3] =	ssyncadd.s32 $0xFFFFF000  }
0x529: {  	[tilespmem:s31], [sflag:$0x5] =	stream.linear.gather [spmem:s8], $0x1000, $0x38;
	[tilespmem:$0x18040] =	vst v63  }
0x52a: {  	_ =	swait.ge [sflag:s3], $0x1000  }
0x52b: {  	s9 =	sld [smem:$0x7F8]  }
0x52c: {  	[sflag:s3] =	ssyncset.done $0x0  }
0x52d: {  	[sflag:s3] =	ssyncadd.s32 $0xFFFFF000  }
0x52e: {  	[tilespmem:s4], [sflag:$0x5] =	stream.linear.gather [spmem:s9], $0x1000, $0x38;
	[tilespmem:$0x18040] =	vst v63  }
0x52f: {  	_ =	swait.ge [sflag:s3], $0x1000  }
0x530: {  	s10 =	sld [smem:$0x7F9]  }
0x531: {  	[sflag:s3] =	ssyncset.done $0x0  }
0x532: {  	[sflag:s3] =	ssyncadd.s32 $0xFFFFF000  }
0x533: {  	[tilespmem:s5], [sflag:$0x5] =	stream.linear.gather [spmem:s10], $0x1000, $0x38;
	[tilespmem:$0x18040] =	vst v63  }
0x534: {  	_ =	swait.ge [sflag:s3], $0x1000  }
0x535: {  	[sflag:s3] =	ssyncset.done $0x0  }
0x536: {  	s7 =	simm.s32 $0x0;
	[sflag:s3] =	ssyncadd.s32 $0xFFFFF000  }
0x537: {  	v5 =	vld [tilespmem:s7+$0x9000]  }
0x538: {  	v6 =	vld [tilespmem:s7+$0xD000]  }
0x539: {  	s8 =	simm.s32 $0x40;
	v7 =	vld [tilespmem:s7+$0x8000]  }
.LBB2_36:
0x53a: {  	p1 =	sne.s32 s8, $0x3FC0;
	v8 =	vld [tilespmem:s7+$0xC000];
	_ =	sdelay $0x2  }
.Ltmp17:
0x53b: {  	(pc) =	sbr.rel @p1 .LBB2_36-.Ltmp17, $4  }
0x53c: {  	s9 =	sshra.s32 s8, $0x2  }
0x53d: {  	v7 =	vadd.s32 v7, v5;
	v5 =	vld [tilespmem:s9+$0x9000];
	v8 =	vadd.f32 v6, v8  }
0x53e: {  	v6 =	vld [tilespmem:s9+$0xD000];
	[tilespmem:s7+$0x8000] =	vst v7  }
0x53f: {  	s8 =	sadd.s32 $0x40, s8;
	v7 =	vld [tilespmem:s9+$0x8000];
	[tilespmem:s7+$0xC000] =	vst v8;
	s7 =	smov.u32 s9  }
0x540: {  	v8 =	vld [tilespmem:s7+$0xC000];
	_ =	sdelay $0x4  }
0x541: {  	s9 =	sld [smem:$0x7FA];
	v5 =	vadd.s32 v7, v5;
	v6 =	vadd.f32 v6, v8  }
0x542: {  	[tilespmem:s7+$0x8000] =	vst v5  }
0x543: {  	[tilespmem:s7+$0xC000] =	vst v6  }
0x544: {  	[tilespmem:s4], [sflag:$0x5] =	stream.linear.gather [spmem:s9], $0x1000, $0x38;
	[tilespmem:$0x18040] =	vst v63  }
0x545: {  	_ =	swait.ge [sflag:s3], $0x1000  }
0x546: {  	s10 =	sld [smem:$0x7FB]  }
0x547: {  	[sflag:s3] =	ssyncset.done $0x0  }
0x548: {  	[sflag:s3] =	ssyncadd.s32 $0xFFFFF000  }
0x549: {  	[tilespmem:s5], [sflag:$0x5] =	stream.linear.gather [spmem:s10], $0x1000, $0x38;
	[tilespmem:$0x18040] =	vst v63  }
0x54a: {  	_ =	swait.ge [sflag:s3], $0x1000  }
0x54b: {  	[sflag:s3] =	ssyncset.done $0x0  }
0x54c: {  	s7 =	simm.s32 $0x0;
	[sflag:s3] =	ssyncadd.s32 $0xFFFFF000  }
0x54d: {  	v5 =	vld [tilespmem:s7+$0x9000]  }
0x54e: {  	v6 =	vld [tilespmem:s7+$0xD000]  }
0x54f: {  	s8 =	simm.s32 $0x40;
	v7 =	vld [tilespmem:s7+$0x8000]  }
.LBB2_38:
0x550: {  	p1 =	sne.s32 s8, $0x3FC0;
	v8 =	vld [tilespmem:s7+$0xC000];
	_ =	sdelay $0x2  }
.Ltmp18:
0x551: {  	(pc) =	sbr.rel @p1 .LBB2_38-.Ltmp18, $4  }
0x552: {  	s9 =	sshra.s32 s8, $0x2  }
0x553: {  	v7 =	vadd.s32 v7, v5;
	v5 =	vld [tilespmem:s9+$0x9000];
	v8 =	vadd.f32 v6, v8  }
0x554: {  	v6 =	vld [tilespmem:s9+$0xD000];
	[tilespmem:s7+$0x8000] =	vst v7  }
0x555: {  	s8 =	sadd.s32 $0x40, s8;
	v7 =	vld [tilespmem:s9+$0x8000];
	[tilespmem:s7+$0xC000] =	vst v8;
	s7 =	smov.u32 s9  }
0x556: {  	v8 =	vld [tilespmem:s7+$0xC000];
	_ =	sdelay $0x4  }
0x557: {  	v5 =	vadd.s32 v7, v5;
	v6 =	vadd.f32 v6, v8  }
0x558: {  	[tilespmem:s7+$0x8000] =	vst v5  }
0x559: {  	[tilespmem:s7+$0xC000] =	vst v6  }
0x55a: {  	[tilespmem:s4], [sflag:$0x5] =	stream.linear.gather [spmem:s11], $0x1000, $0x38;
	[tilespmem:$0x18040] =	vst v63  }
0x55b: {  	_ =	swait.ge [sflag:s3], $0x1000  }
0x55c: {  	[sflag:s3] =	ssyncset.done $0x0  }
0x55d: {  	[sflag:s3] =	ssyncadd.s32 $0xFFFFF000  }
0x55e: {  	[tilespmem:s5], [sflag:$0x5] =	stream.linear.gather [spmem:s12], $0x1000, $0x38;
	[tilespmem:$0x18040] =	vst v63  }
0x55f: {  	_ =	swait.ge [sflag:s3], $0x1000  }
0x560: {  	[sflag:s3] =	ssyncset.done $0x0  }
0x561: {  	s7 =	simm.s32 $0x0;
	[sflag:s3] =	ssyncadd.s32 $0xFFFFF000  }
0x562: {  	v7 =	vld [tilespmem:s7+$0x9000]  }
0x563: {  	v8 =	vld [tilespmem:s7+$0xD000]  }
0x564: {  	s8 =	simm.s32 $0x40;
	v5 =	vimm.s32 $0x0;
	v6 =	vimm.f32 $0.0e+00;
	v9 =	vld [tilespmem:s7+$0x8000]  }
.LBB2_40:
0x565: {  	p1 =	sne.s32 s8, $0x3FC0;
	v10 =	vld [tilespmem:s7+$0xC000];
	_ =	sdelay $0x2  }
.Ltmp19:
0x566: {  	(pc) =	sbr.rel @p1 .LBB2_40-.Ltmp19, $4  }
0x567: {  	s9 =	sshra.s32 s8, $0x2  }
0x568: {  	v9 =	vadd.s32 v9, v7;
	v7 =	vld [tilespmem:s9+$0x9000];
	v10 =	vadd.f32 v8, v10  }
0x569: {  	v5 =	vadd.s32 v5, v9;
	v8 =	vld [tilespmem:s9+$0xD000];
	[tilespmem:s7+$0x8000] =	vst v9  }
0x56a: {  	s8 =	sadd.s32 $0x40, s8;
	v9 =	vld [tilespmem:s9+$0x8000];
	[tilespmem:s7+$0xC000] =	vst v10;
	v6 =	vadd.f32 v10, v6;
	s7 =	smov.u32 s9  }
0x56b: {  	v10 =	vld [tilespmem:s7+$0xC000];
	_ =	sdelay $0x4  }
0x56c: {  	v7 =	vadd.s32 v9, v7;
	v8 =	vadd.f32 v8, v10  }
0x56d: {  	[tilespmem:s7+$0x8000] =	vst v7  }
0x56e: {  	v5 =	vadd.s32 v5, v7;
	[tilespmem:s7+$0xC000] =	vst v8;
	v6 =	vadd.f32 v8, v6  }
0x56f: {  	[tilespmem:$0xB000] =	vst v5  }
0x570: {  	s10 =	simm.s32 $0xB000;
	[tilespmem:$0xF000] =	vst v6  }
0x571: {  	[spmem:s13] =	stream.linear.scatter [tilespmem:s10], [sflag:$0x5], $0x10, $0x38;
	[tilespmem:$0x18040] =	vst v63  }
0x572: {  	_ =	swait.ge [sflag:s3], $0x10  }
0x573: {  	[sflag:s3] =	ssyncset.done $0x0  }
0x574: {  	s8 =	simm.s32 $0xF000;
	[sflag:s3] =	ssyncadd.s32 $0xFFFFFFF0  }
0x575: {  	[spmem:s15] =	stream.linear.scatter [tilespmem:s8], [sflag:$0x5], $0x10, $0x38;
	[tilespmem:$0x18040] =	vst v63  }
0x576: {  	_ =	swait.ge [sflag:s3], $0x10  }
0x577: {  	[sflag:s3] =	ssyncset.done $0x0  }
0x578: {  	[sflag:s3] =	ssyncadd.s32 $0xFFFFFFF0  }
0x579: {  	s9 =	simm.s32 $0xA000;
	[bflag:$0x0] =	sbarrier.arrive $0xFFFF  }
0x57a: {  	[tilespmem:s9], [sflag:$0x5] =	stream.linear.gather [spmem:s14], $0x40, $0x38;
	[tilespmem:$0x18040] =	vst v63  }
0x57b: {  	_ =	swait.ge [sflag:s3], $0x40  }
0x57c: {  	[sflag:s3] =	ssyncset.done $0x0  }
0x57d: {  	s10 =	simm.s32 $0xE000;
	[sflag:s3] =	ssyncadd.s32 $0xFFFFFFC0  }
0x57e: {  	[tilespmem:s10], [sflag:$0x5] =	stream.linear.gather [spmem:s16], $0x40, $0x38;
	[tilespmem:$0x18040] =	vst v63  }
0x57f: {  	_ =	swait.ge [sflag:s3], $0x40  }
0x580: {  	[sflag:s3] =	ssyncset.done $0x0  }
0x581: {  	[sflag:s3] =	ssyncadd.s32 $0xFFFFFFC0  }
0x582: {  	v6 =	vld [tilespmem:$0xA000]  }
0x583: {  	v7 =	vld [tilespmem:$0xE000]  }
0x584: {  	v8 =	vld [tilespmem:$0xA010]  }
0x585: {  	v9 =	vld [tilespmem:$0xA020]  }
0x586: {  	s8 =	simm.s32 $0x0;
	v10 =	vld [tilespmem:$0xE010]  }
0x587: {  	v13 =	vld [tilespmem:s8+$0x8000]  }
0x588: {  	vm0 =	veq.s32 v0, $0x3;
	vm1 =	vgt.u32 v0, $0x1;
	vm2 =	veq.s32 v0, $0x0;
	v11 =	vld [tilespmem:$0xE020]  }
0x589: {  	v6 =	vsel vm2, $0x0, v6;
	v7 =	vadd.f32 $0.0e+00, v7;
	v8 =	vnsel vm1, $0x0, v8  }
0x58a: {  	v14 =	vimm.s32 $0x0;
	v6 =	vadd.s32 v6, v8;
	v8 =	vnsel vm0, $0x0, v9  }
0x58b: {  	v9 =	vnsel vm1, $0x0, v10;
	v7 =	vsel vm2, $0x0, v7;
	v6 =	vadd.s32 v8, v6  }
0x58c: {  	s7 =	simm.s32 $0x10;
	v7 =	vadd.f32 v9, v7;
	vm1 =	vgt.s32 v6, $0x3FFF;
	v12 =	vadd.s32 v6, v13  }
0x58d: {  	v15 =	vld [tilespmem:s7+$0x8000];
	v8 =	vnsel vm0, $0x0, v11;
	vm0 =	vmneg vm1;
	vm2 =	vgt.s32 v12, $0x3FFF  }
0x58e: {  	v9 =	vld [tilespmem:s8+$0xC000];
	v7 =	vadd.f32 v8, v7;
	vm0 =	vmand vm2, vm0  }
0x58f: {  	v10 =	vimm.f32 $0.0e+00;
	v11 =	vsel vm0, s21, v14  }
0x590: {  	s9 =	simm.s32 $0x80;
	s8 =	smov.u32 s21;
	v16 =	vsel vm0, v13, v14;
	v13 =	vsel vm0, v6, v14;
	v14 =	vmovc v12;
	v8 =	vsel vm0, v7, v10  }
.LBB2_42:
0x591: {  	p1 =	sne.s32 s9, $0x3FC0  }
.Ltmp20:
0x592: {  	s10 =	sshra.s32 s9, $0x2;
	s9 =	sadd.s32 $0x40, s9;
	vm1 =	vmor vm1, vm2;
	v12 =	vadd.s32 v12, v15;
	v17 =	vmov v15;
	(pc) =	sbr.rel @p1 .LBB2_42-.Ltmp20, $4  }
0x593: {  	vm3 =	vmneg vm1;
	v15 =	vld [tilespmem:s10+$0x8000];
	vm2 =	vgt.s32 v12, $0x3FFF;
	v7 =	vadd.f32 v9, v7  }
0x594: {  	s8 =	sadd.s32 $0x1, s8;
	v10 =	vsel vm0, v9, v10;
	vm0 =	vmand vm2, vm3;
	v9 =	vld [tilespmem:s7+$0xC000];
	s7 =	smov.u32 s10  }
0x595: {  	v11 =	vsel vm0, s8, v11;
	v16 =	vsel vm0, v17, v16;
	v8 =	vsel vm0, v7, v8  }
0x596: {  	v13 =	vsel vm0, v14, v13;
	v14 =	vmov v12  }
0x597: {  	_ = 	snop  }
0x598: {  	vm1 =	vmor vm1, vm2;
	v12 =	vadd.s32 v12, v15  }
0x599: {  	vm1 =	vmneg vm1;
	vm12 =	vgt.s32 v12, $0x3FFF  }
0x59a: {  	vm1 =	vmand vm12, vm1  }
0x59b: {  	v59 =	vsel vm1, v15, v16  }
0x59c: {  	vm13 =	vgt.s32 v59, $0x1  }
0x59d: {  	v12 =	vnsel vm13, $0x1, v59  }
0x59e: {  	v12 =	vcvt.s32.f32 v12;
	_ =	sdelay $0x1  }
0x59f: {  	(erf) = vrcp.f32 v12;
	_ =	sdelay $0x3  }
0x5a0: {  	v60 =	vld [tilespmem:s7+$0xC000];
	_ =	sdelay $0x1  }
0x5a1: {  	s9 =	sadd.s32 $0x1, s8;
	v13 =	vsel vm1, v14, v13  }
0x5a2: {  	v11 =	vsel vm1, s9, v11;
	v13 =	vsub.s32 $0x4000, v13  }
0x5a3: {  	v10 =	vsel vm0, v9, v10;
	v11 =	vshll.u32 v11, $0x15;
	v13 =	vcvt.s32.f32 v13  }
0x5a4: {  	v10 =	vsel vm1, v60, v10;
	v11 =	vmul.f32 v11, v11;
	v61 =	vpop (erf)  }
0x5a5: {  	v62 =	vmul.f32 v13, v13;
	v10 =	vmul.f32 v61, v10;
	_ =	sdelay $0x1  }
0x5a6: {  	v12 =	vmul.f32 v62, v61;
	v10 =	vsub.f32 v10, v11;
	_ =	sdelay $0x1  }
0x5a7: {  	v11 =	vmul.f32 v13, v11;
	v10 =	vmul.f32 v12, v10  }
0x5a8: {  	v7 =	vadd.f32 v9, v7  }
0x5a9: {  	v63 =	vadd.f32 v10, v11  }
0x5aa: {  	v5 =	vadd.s32 v5, v6;
	v7 =	vsel vm1, v7, v8  }
0x5ab: {  	vm14 =	vlt.s32 v6, $0x4000;
	vm15 =	vgt.s32 v5, $0x3FFF;
	v5 =	vadd.f32 v63, v7  }
0x5ac: {  	vm0 =	vmand vm14, vm15  }
0x5ad: {  	v5 =	vnsel vm0, $0x0, v5  }
0x5ae: {  	s10 =	simm.s32 $0x10000;
	[tilespmem:$0x10000] =	vst v5  }
0x5af: {  	[spmem:s17] =	stream.linear.scatter [tilespmem:s10], [sflag:$0x5], $0x10, $0x38;
	[tilespmem:$0x18040] =	vst v63  }
0x5b0: {  	_ =	swait.ge [sflag:s3], $0x10  }
0x5b1: {  	[sflag:s3] =	ssyncset.done $0x0  }
0x5b2: {  	[sflag:s3] =	ssyncadd.s32 $0xFFFFFFF0  }
0x5b3: {  	s7 =	simm.s32 @!p0 $0xC000;
	[bflag:$0x0] =	sbarrier.arrive $0xFFFF  }
0x5b4: {  	[tilespmem:s7], [sflag:$0x5] =	stream.linear.gather @!p0 [spmem:s18], $0x40, $0x38;
	[tilespmem:$0x18040] =	vst v63  }
0x5b5: {  	s7 =	simm.s32 @!p0 $0x5  }
0x5b6: {  	_ =	swait.ge @!p0 [sflag:s7], $0x40  }
0x5b7: {  	[sflag:s7] =	ssyncset.done @!p0 $0x0  }
0x5b8: {  	[sflag:s7] =	ssyncadd.s32 @!p0 $0xFFFFFFC0  }
0x5b9: {  	v5 =	vld @!p0 [tilespmem:$0xC000];
	_ =	sdelay $0x1  }
0x5ba: {  	v6 =	vld @!p0 [tilespmem:$0xC010];
	_ =	sdelay $0x1  }
0x5bb: {  	v7 =	vld @!p0 [tilespmem:$0xC020]  }
0x5bc: {  	v5 =	vadd.f32 @!p0 $0.0e+00, v5  }
0x5bd: {  	v8 =	vld @!p0 [tilespmem:$0xC030]  }
0x5be: {  	v5 =	vadd.f32 @!p0 v6, v5;
	_ =	sdelay $0x1  }
0x5bf: {  	v5 =	vadd.f32 @!p0 v7, v5;
	_ =	sdelay $0x1  }
0x5c0: {  	s6 =	sadd.s32 $0x1, s6;
	v5 =	vadd.f32 @!p0 v8, v5  }
0x5c1: {  	p1 =	sne.s32 s6, s20  }
.Ltmp21:
0x5c2: {  	s8 =	simm.s32 @!p0 $0x0;
	s9 =	simm.s32 @!p0 $0x10000;
	[tilespmem:$0x10000] =	vst @!p0 v5;
	(pc) =	sbr.rel @p1 .LBB2_1-.Ltmp21, $4  }
0x5c3: {  	[hbm4b:s19+s8] =	stream.linear.scatter @!p0 [tilespmem:s9], [sflag:$0x5], $0x10, $0x38;
	[tilespmem:$0x18040] =	vst v63  }
0x5c4: {  	_ =	swait.ge @!p0 [sflag:s7], $0x10  }
0x5c5: {  	[sflag:s7] =	ssyncset.done @!p0 $0x0  }
0x5c6: {  	[sflag:s7] =	ssyncadd.s32 @!p0 $0xFFFFFFF0  }
0x5c7: {  	_ =	sfence.sel $0x180000  }
0x5c8: {  	[bflag:$0x0] =	sbarrier.arrive $0xFFFF  }
0x5c9: {  	_ =	strace $0x90000047  }
0x5ca: {  	s0 =	stileid.u32;
	[bflag:$0x2] =	sbarrier.arrive $0xFFFF  }
0x5cb: {  	p0 =	sne.s32 s0, $0x0;
	s0 =	rddreg [dreg:$0x8]  }
0x5cc: {  	s0 =	sadd.s32 @!p0 $0x100000, s0  }
0x5cd: {  	[sflag:s0] =	ssyncadd.tile.s32 @!p0 $0x1;
	_ =	shalt  }
.Lfunc_end2:
_tile_overlayer_lowered:
.L_overlay_start_2:
0x5ce: {  	(tag) =	ssettag $0x2  }
0x5cf: {  	s0 =	rddreg [dreg:$0x0];
	s2 =	stileid.u32  }
0x5d0: {  	s1 =	rddreg [dreg:$0x1];
	p0 =	sne.s32 s2, $0x0  }
0x5d1: {  	s3 =	rddreg [dreg:$0x2];
	[bflag:$0x3] =	sbarrier.arrive $0xFFFF;
	s2 =	simm.s32 @!p0 $0x1C05  }
0x5d2: {  	[timem:s3], [sflag:s2] =	dma.local @!p0 [hbm:s0], s1  }
0x5d3: {  	s0 =	simm.s32 @!p0 $0x5  }
0x5d4: {  	_ =	swait.ge @!p0 [sflag:s0], s1  }
0x5d5: {  	s1 =	ssub.s32 @!p0 $0x0, s1;
	[sflag:s0] =	ssyncset.done @!p0 $0x0  }
0x5d6: {  	[sflag:s0] =	ssyncadd.s32 @!p0 s1  }
0x5d7: {  	[bflag:$0x3] =	sbarrier.arrive $0xFFFF  }
0x5d8: {  	_ =	shalt  }

</sc_bundles>
